<compile_context>
chip_gen: v7x
topology: tpu7x:2x2x1
jax: 0.10.2.dev20260603
libtpu: 0.0.44.dev20260713+nightly
codegen_flags: <defaults>
</compile_context>

<pallas_src>
import functools

import jax
import jax.numpy as jnp
from jax import lax
from jax.experimental import pallas as pl
from jax.experimental.pallas import tpu as pltpu
from jax.experimental.pallas import tpu_sc as plsc

_NC = 2
_NS = 16
_NW = _NC * _NS
_L = 16
_G = 4


def _bcast(x):
    return jnp.broadcast_to(x, (_L,))


def _bf16_round(v):
    y = plsc.bitcast(v, jnp.int32)
    y = (y + 0x7FFF + ((y >> 16) & 1)) & ~0xFFFF
    return plsc.bitcast(y, jnp.float32)


@functools.lru_cache(maxsize=None)
def _make_router_kernel(batch: int, row: int, chunk: int, hidden: int,
                        nprim: int):
    assert batch % _NW == 0
    rpw = batch // _NW
    assert row % chunk == 0
    cpr = row // chunk
    nch = rpw * cpr
    assert chunk % (_L * _G) == 0
    assert hidden % _L == 0 and nprim == _L

    mesh = plsc.VectorSubcoreMesh(core_axis_name="c", subcore_axis_name="s")

    wlen = 4 * hidden + hidden + hidden * nprim + nprim
    w1t_off = 0
    b1_off = 4 * hidden
    w2t_off = b1_off + hidden
    b2_off = w2t_off + hidden * nprim

    @functools.partial(
        pl.kernel,
        out_type=jax.ShapeDtypeStruct((batch * nprim,), jnp.float32),
        mesh=mesh,
        scratch_types=[
            pltpu.VMEM((chunk,), jnp.float32),
            pltpu.VMEM((chunk,), jnp.float32),
            pltpu.VMEM((wlen,), jnp.float32),
            pltpu.VMEM((rpw * nprim,), jnp.float32),
            pltpu.SemaphoreType.DMA,
            pltpu.SemaphoreType.DMA,
        ],
        compiler_params=pltpu.CompilerParams(needs_layout_passes=False),
    )
    def router_kernel(u_hbm, wcat_hbm, out_hbm, buf0, buf1, w_v, o_v,
                      sem0, sem1):
        cid = lax.axis_index("c")
        sid = lax.axis_index("s")
        wid = sid * _NC + cid
        base = wid * (rpw * row)
        bufs = (buf0, buf1)
        sems = (sem0, sem1)

        def make_copy(g):
            return pltpu.make_async_copy(
                u_hbm.at[pl.ds(base + g * chunk, chunk)], bufs[g % 2],
                sems[g % 2])

        copies = [make_copy(g) for g in range(nch)]
        copies[0].start()

        pltpu.sync_copy(wcat_hbm, w_v)
        for jj in range(4 * hidden // _L):
            w_v[pl.ds(w1t_off + jj * _L, _L)] = _bf16_round(
                w_v[pl.ds(w1t_off + jj * _L, _L)])
        for jj in range(hidden * nprim // _L):
            w_v[pl.ds(w2t_off + jj * _L, _L)] = _bf16_round(
                w_v[pl.ds(w2t_off + jj * _L, _L)])

        iota = lax.iota(jnp.int32, _L)
        inv_n = 1.0 / float(row)
        inv_nm1 = 1.0 / float(row - 1)

        for r in range(rpw):
            zero = jnp.zeros((_L,), jnp.float32)
            ss = [zero] * _G
            qq = [zero] * _G
            mn = [jnp.full((_L,), jnp.inf, jnp.float32)] * _G
            mx = [jnp.full((_L,), -jnp.inf, jnp.float32)] * _G

            for ci in range(cpr):
                g = r * cpr + ci
                if g + 1 < nch:
                    copies[g + 1].start()
                copies[g].wait()
                buf = bufs[g % 2]

                @plsc.parallel_loop(0, chunk, step=_L * _G, unroll=4,
                                    carry=(tuple(ss), tuple(qq),
                                           tuple(mn), tuple(mx)))
                def body(off, carry, buf=buf):
                    s_c, q_c, mn_c, mx_c = carry
                    s_n, q_n, mn_n, mx_n = [], [], [], []
                    for k in range(_G):
                        v = buf[pl.ds(off + k * _L, _L)]
                        s_n.append(s_c[k] + v)
                        q_n.append(q_c[k] + v * v)
                        mn_n.append(jnp.minimum(mn_c[k], v))
                        mx_n.append(jnp.maximum(mx_c[k], v))
                    return (tuple(s_n), tuple(q_n), tuple(mn_n), tuple(mx_n))

                ss, qq, mn, mx = [list(t) for t in body]

            s_vec = (ss[0] + ss[1]) + (ss[2] + ss[3])
            q_vec = (qq[0] + qq[1]) + (qq[2] + qq[3])
            mn_vec = jnp.minimum(jnp.minimum(mn[0], mn[1]),
                                 jnp.minimum(mn[2], mn[3]))
            mx_vec = jnp.maximum(jnp.maximum(mx[0], mx[1]),
                                 jnp.maximum(mx[2], mx[3]))

            s_b = _bcast(jnp.sum(s_vec))
            q_b = _bcast(jnp.sum(q_vec))
            meanv = s_b * inv_n
            var_v = (q_b - s_b * s_b * inv_n) * inv_nm1

            vv = jnp.maximum(var_v, 1e-38)
            y = plsc.bitcast(vv, jnp.int32)
            rr = plsc.bitcast(jnp.int32(0x5F3759DF) - (y >> 1), jnp.float32)
            for _ in range(5):
                rr = rr * (1.5 - 0.5 * vv * rr * rr)
            stdv = _bf16_round(vv * rr)
            meanv = _bf16_round(meanv)
            mnv = _bf16_round(_bcast(jnp.min(mn_vec)))
            mxv = _bf16_round(_bcast(jnp.max(mx_vec)))

            hs = []
            for jj in range(hidden // _L):
                acc = w_v[pl.ds(b1_off + jj * _L, _L)]
                acc = acc + meanv * w_v[pl.ds(w1t_off + jj * _L, _L)]
                acc = acc + stdv * w_v[pl.ds(w1t_off + hidden + jj * _L, _L)]
                acc = acc + mnv * w_v[
                    pl.ds(w1t_off + 2 * hidden + jj * _L, _L)]
                acc = acc + mxv * w_v[
                    pl.ds(w1t_off + 3 * hidden + jj * _L, _L)]
                hs.append(_bf16_round(jnp.maximum(acc, 0.0)))

            lg = w_v[pl.ds(b2_off, _L)]
            for j in range(hidden):
                lg = lg + hs[j // _L][j % _L] * w_v[
                    pl.ds(w2t_off + j * _L, _L)]

            m1v = _bcast(jnp.max(lg))
            i1 = jnp.min(jnp.where(lg == m1v, iota, _L))
            l2 = jnp.where(iota == i1, jnp.float32(-3.0e38), lg)
            m2v = _bcast(jnp.max(l2))
            i2 = jnp.min(jnp.where(l2 == m2v, iota, _L))
            e2 = jnp.exp(m2v - m1v)
            p1 = 1.0 / (1.0 + e2)
            p2 = e2 * p1
            o_v[pl.ds(r * _L, _L)] = jnp.where(
                iota == i1, p1, jnp.where(iota == i2, p2, jnp.float32(0.0)))

        pltpu.sync_copy(
            o_v, out_hbm.at[pl.ds(wid * (rpw * nprim), rpw * nprim)])

    return router_kernel


def _tc_rows_kernel(n_elems, nrows, u_ref, w1t_ref, b1_ref, w2_ref, b2_ref,
                    o_ref):
    x = u_ref[...].reshape(nrows, -1)
    n = jnp.float32(n_elems)
    s = jnp.sum(x, axis=1, keepdims=True)
    q = jnp.sum(x * x, axis=1, keepdims=True)
    amin = jnp.min(x, axis=1, keepdims=True)
    amax = jnp.max(x, axis=1, keepdims=True)
    mean = s / n
    var = (q - s * s / n) / (n - 1.0)
    std = jnp.sqrt(jnp.maximum(var, 0.0))

    def bf(x):
        return x.astype(jnp.bfloat16).astype(jnp.float32)

    w1t = bf(w1t_ref[...])
    h = (bf(mean) * w1t[0:1, :] + bf(std) * w1t[1:2, :]
         + bf(amin) * w1t[2:3, :] + bf(amax) * w1t[3:4, :] + b1_ref[...])
    h = jnp.maximum(h, 0.0)
    logits = lax.dot_general(
        h.astype(jnp.bfloat16), w2_ref[...].astype(jnp.bfloat16),
        (((1,), (1,)), ((), ())),
        preferred_element_type=jnp.float32) + b2_ref[...]

    k = logits.shape[-1]
    col = lax.broadcasted_iota(jnp.int32, (nrows, k), 1)
    m1 = jnp.max(logits, axis=1, keepdims=True)
    i1 = jnp.min(jnp.where(logits == m1, col, k), axis=1, keepdims=True)
    l2 = jnp.where(col == i1, -jnp.inf, logits)
    m2 = jnp.max(l2, axis=1, keepdims=True)
    i2 = jnp.min(jnp.where(l2 == m2, col, k), axis=1, keepdims=True)
    e2 = jnp.exp(m2 - m1)
    p1 = 1.0 / (1.0 + e2)
    p2 = e2 * p1
    o_ref[...] = jnp.where(col == i1, p1,
                           jnp.where(col == i2, p2, jnp.float32(0.0)))


def kernel(u_state, W1, b1, W2, b2):
    batch = u_state.shape[0]
    seq = u_state.shape[1]
    nch = u_state.shape[2]
    row = seq * nch
    chunk = 32768
    if seq % 128 == 0:
        u_flat = (u_state.reshape(batch, seq // 128, 128, nch)
                  .transpose(0, 1, 3, 2).reshape(-1))
    else:
        u_flat = u_state.reshape(-1)

    hidden = W1.shape[0]
    nprim = W2.shape[0]
    wcat = jnp.concatenate(
        [W1.T.reshape(-1), b1, W2.T.reshape(-1), b2])

    tc_rows = batch // 2
    sc_rows = batch - tc_rows

    sc_out = _make_router_kernel(sc_rows, row, chunk, hidden, nprim)(
        u_flat, wcat)

    rows_per_step = 8
    steps = tc_rows // rows_per_step
    sc_blocks = sc_rows // rows_per_step
    tc_out = pl.pallas_call(
        functools.partial(_tc_rows_kernel, row, rows_per_step),
        grid=(steps,),
        in_specs=[
            pl.BlockSpec((rows_per_step * row,),
                         lambda i: (sc_blocks + i,)),
            pl.BlockSpec((4, hidden), lambda i: (0, 0)),
            pl.BlockSpec((1, hidden), lambda i: (0, 0)),
            pl.BlockSpec((nprim, hidden), lambda i: (0, 0)),
            pl.BlockSpec((1, nprim), lambda i: (0, 0)),
        ],
        out_specs=pl.BlockSpec((rows_per_step, nprim), lambda i: (i, 0)),
        out_shape=jax.ShapeDtypeStruct((tc_rows, nprim), jnp.float32),
    )(u_flat, W1.T, b1.reshape(1, -1), W2, b2.reshape(1, -1))

    return jnp.concatenate([sc_out.reshape(sc_rows, nprim), tc_out], axis=0)

# --- scband reference (transcript-rebuilt; emitter-appended) ---
"""Pipeline reference for scband-router-71743133713007 (READ-ONLY COPY).

The authoritative reference and input builder live on the scoring server;
editing this copy changes nothing except your own understanding.
"""

import jax, jax.numpy as jnp
import numpy as np


def setup_inputs(seed: int = 0) -> dict:
    key = jax.random.key(seed)
    k1, k2, k3 = jax.random.split(key, 3)
    u_state = jax.random.normal(k1, (128, 32768, 4), dtype=jnp.float32)
    # MLP params: Linear(4 -> 64), ReLU, Linear(64 -> 16)
    W1 = jax.random.normal(k2, (64, 4), dtype=jnp.float32) * 0.1
    b1 = jnp.zeros((64,), dtype=jnp.float32)
    W2 = jax.random.normal(k3, (16, 64), dtype=jnp.float32) * 0.1
    b2 = jnp.zeros((16,), dtype=jnp.float32)
    return {"u_state": u_state, "W1": W1, "b1": b1, "W2": W2, "b2": b2}


def reference(u_state, W1, b1, W2, b2):
    # stats = ('mean', 'std', 'min', 'max') over dims (1, 2)
    mean = u_state.mean(axis=(1, 2))
    std = jnp.std(u_state, axis=(1, 2), ddof=1)  # torch .std() is unbiased
    amin = u_state.min(axis=(1, 2))
    amax = u_state.max(axis=(1, 2))
    stats_vec = jnp.stack([mean, std, amin, amax], axis=-1)  # [B, 4]
    # mlp: Linear -> ReLU -> Linear
    h = jax.nn.relu(stats_vec @ W1.T + b1)
    logits = h @ W2.T + b2  # [B, num_primitives=16]
    top_k = 2
    topk_vals, topk_idx = jax.lax.top_k(logits, top_k)
    masked = jnp.full(logits.shape, -1000000000.0, dtype=logits.dtype)
    rows = jnp.arange(logits.shape[0])[:, None]
    masked = masked.at[rows, topk_idx].set(topk_vals)  # scatter overwrite
    weights = jax.nn.softmax(masked, axis=-1)
    return weights

if __name__ == "__main__":
    import jax
    _d = setup_inputs()
    print(jax.jit(kernel)(*tuple(_d.values())))

</pallas_src>

<mosaic_0001>
#map = affine_map<(d0, d1) -> (0)>
module attributes {stable_mosaic.version = 14 : i64} {
  func.func @router_kernel(%arg0: i32, %arg1: i32, %arg2: memref<16777216xf32, #tpu.memory_space<hbm>>, %arg3: memref<1360xf32, #tpu.memory_space<hbm>>, %arg4: memref<1024xf32, #tpu.memory_space<hbm>>, %arg5: memref<32768xf32, #tpu.memory_space<vmem>>, %arg6: memref<32768xf32, #tpu.memory_space<vmem>>, %arg7: memref<1360xf32, #tpu.memory_space<vmem>>, %arg8: memref<32xf32, #tpu.memory_space<vmem>>, %arg9: memref<!tpu.dma_semaphore, #tpu.memory_space<semaphore_mem>>, %arg10: memref<!tpu.dma_semaphore, #tpu.memory_space<semaphore_mem>>) attributes {dimension_semantics = [#tpu.dimension_semantics<core_parallel>, #tpu.dimension_semantics<subcore_parallel>], iteration_bounds = array<i64: 2, 16>, scalar_prefetch = 0 : i64, scratch_operands = 6 : i64, tpu.core_type = #tpu.core_type<sc_vector_subcore>, window_params = [{transform_indices = #map}, {transform_indices = #map}, {transform_indices = #map}]} {
    %mul3A = arith.constant 2 : i32
    %mul3A_0 = arith.muli %arg1, %mul3A : i32
    %add3A = arith.addi %mul3A_0, %arg0 : i32
    %mul3A_1 = arith.constant 262144 : i32
    %mul3A_2 = arith.muli %add3A, %mul3A_1 : i32
    %add3A_3 = arith.constant 0 : i32
    %add3A_4 = arith.addi %mul3A_2, %add3A_3 : i32
    %add3A_5 = arith.constant 32768 : i32
    %add3A_6 = arith.addi %mul3A_2, %add3A_5 : i32
    %add3A_7 = arith.constant 65536 : i32
    %add3A_8 = arith.addi %mul3A_2, %add3A_7 : i32
    %add3A_9 = arith.constant 98304 : i32
    %add3A_10 = arith.addi %mul3A_2, %add3A_9 : i32
    %add3A_11 = arith.constant 131072 : i32
    %add3A_12 = arith.addi %mul3A_2, %add3A_11 : i32
    %add3A_13 = arith.constant 163840 : i32
    %add3A_14 = arith.addi %mul3A_2, %add3A_13 : i32
    %add3A_15 = arith.constant 196608 : i32
    %add3A_16 = arith.addi %mul3A_2, %add3A_15 : i32
    %add3A_17 = arith.constant 229376 : i32
    %add3A_18 = arith.addi %mul3A_2, %add3A_17 : i32
    %dma_start3A = tpu.memref_slice %arg2[%add3A_4] : memref<16777216xf32, #tpu.memory_space<hbm>> -> memref<32768xf32, #tpu.memory_space<hbm>>
    %dma_start3A_19 = tpu.memref_slice %arg2[%add3A_4] : memref<16777216xf32, #tpu.memory_space<hbm>> -> memref<32768xf32, #tpu.memory_space<hbm>>
    tpu.enqueue_dma source(%dma_start3A_19 : memref<32768xf32, #tpu.memory_space<hbm>>) target(%arg5 : memref<32768xf32, #tpu.memory_space<vmem>>) target_semaphore(%arg9 : memref<!tpu.dma_semaphore, #tpu.memory_space<semaphore_mem>>)
    "tpu.region"() ({
      %run_scoped3A = tpu.sem_alloc : memref<!tpu.dma_semaphore, #tpu.memory_space<semaphore_mem>>
      tpu.enqueue_dma source(%arg3 : memref<1360xf32, #tpu.memory_space<hbm>>) target(%arg7 : memref<1360xf32, #tpu.memory_space<vmem>>) target_semaphore(%run_scoped3A : memref<!tpu.dma_semaphore, #tpu.memory_space<semaphore_mem>>)
      tpu.wait_dma2 semaphore(%run_scoped3A : memref<!tpu.dma_semaphore, #tpu.memory_space<semaphore_mem>>) src(%arg3 : memref<1360xf32, #tpu.memory_space<hbm>>) dst(%arg7 : memref<1360xf32, #tpu.memory_space<vmem>>)
      tpu.yield
    }) : () -> ()
    %get3A = arith.constant 0 : index
    %get3A_20 = tpu.vector_load %arg7[%get3A] {strides = array<i32>} : memref<1360xf32, #tpu.memory_space<vmem>>, vector<16xf32>,
    %bitcast3A = vector.bitcast %get3A_20 : vector<16xf32> to vector<16xi32>
    %add3A_21 = arith.constant 32767 : i32
    %add3A_22 = vector.broadcast %add3A_21 : i32 to vector<16xi32>
    %add3A_23 = arith.addi %bitcast3A, %add3A_22 : vector<16xi32>
    %shift_right_arithmetic3A = arith.constant 16 : i32
    %shift_right_arithmetic3A_24 = vector.broadcast %shift_right_arithmetic3A : i32 to vector<16xi32>
    %shift_right_arithmetic3A_25 = arith.shrsi %bitcast3A, %shift_right_arithmetic3A_24 : vector<16xi32>
    %and3A = arith.constant 1 : i32
    %and3A_26 = vector.broadcast %and3A : i32 to vector<16xi32>
    %and3A_27 = arith.andi %shift_right_arithmetic3A_25, %and3A_26 : vector<16xi32>
    %add3A_28 = arith.addi %add3A_23, %and3A_27 : vector<16xi32>
    %and3A_29 = arith.constant -65536 : i32
    %and3A_30 = vector.broadcast %and3A_29 : i32 to vector<16xi32>
    %and3A_31 = arith.andi %add3A_28, %and3A_30 : vector<16xi32>
    %bitcast3A_32 = vector.bitcast %and3A_31 : vector<16xi32> to vector<16xf32>
    %swap3A = arith.constant 0 : index
    %swap3A_33 = tpu.vector_load %arg7[%swap3A] {strides = array<i32>} : memref<1360xf32, #tpu.memory_space<vmem>>, vector<16xf32>,
    tpu.vector_store %arg7[%swap3A], %bitcast3A_32 {strides = array<i32>} : memref<1360xf32, #tpu.memory_space<vmem>>, vector<16xf32>,
    %get3A_34 = arith.constant 16 : index
    %get3A_35 = tpu.vector_load %arg7[%get3A_34] {strides = array<i32>} : memref<1360xf32, #tpu.memory_space<vmem>>, vector<16xf32>,
    %bitcast3A_36 = vector.bitcast %get3A_35 : vector<16xf32> to vector<16xi32>
    %add3A_37 = arith.constant 32767 : i32
    %add3A_38 = vector.broadcast %add3A_37 : i32 to vector<16xi32>
    %add3A_39 = arith.addi %bitcast3A_36, %add3A_38 : vector<16xi32>
    %shift_right_arithmetic3A_40 = arith.constant 16 : i32
    %shift_right_arithmetic3A_41 = vector.broadcast %shift_right_arithmetic3A_40 : i32 to vector<16xi32>
    %shift_right_arithmetic3A_42 = arith.shrsi %bitcast3A_36, %shift_right_arithmetic3A_41 : vector<16xi32>
    %and3A_43 = arith.constant 1 : i32
    %and3A_44 = vector.broadcast %and3A_43 : i32 to vector<16xi32>
    %and3A_45 = arith.andi %shift_right_arithmetic3A_42, %and3A_44 : vector<16xi32>
    %add3A_46 = arith.addi %add3A_39, %and3A_45 : vector<16xi32>
    %and3A_47 = arith.constant -65536 : i32
    %and3A_48 = vector.broadcast %and3A_47 : i32 to vector<16xi32>
    %and3A_49 = arith.andi %add3A_46, %and3A_48 : vector<16xi32>
    %bitcast3A_50 = vector.bitcast %and3A_49 : vector<16xi32> to vector<16xf32>
    %swap3A_51 = arith.constant 16 : index
    %swap3A_52 = tpu.vector_load %arg7[%swap3A_51] {strides = array<i32>} : memref<1360xf32, #tpu.memory_space<vmem>>, vector<16xf32>,
    tpu.vector_store %arg7[%swap3A_51], %bitcast3A_50 {strides = array<i32>} : memref<1360xf32, #tpu.memory_space<vmem>>, vector<16xf32>,
    %get3A_53 = arith.constant 32 : index
    %get3A_54 = tpu.vector_load %arg7[%get3A_53] {strides = array<i32>} : memref<1360xf32, #tpu.memory_space<vmem>>, vector<16xf32>,
    %bitcast3A_55 = vector.bitcast %get3A_54 : vector<16xf32> to vector<16xi32>
    %add3A_56 = arith.constant 32767 : i32
    %add3A_57 = vector.broadcast %add3A_56 : i32 to vector<16xi32>
    %add3A_58 = arith.addi %bitcast3A_55, %add3A_57 : vector<16xi32>
    %shift_right_arithmetic3A_59 = arith.constant 16 : i32
    %shift_right_arithmetic3A_60 = vector.broadcast %shift_right_arithmetic3A_59 : i32 to vector<16xi32>
    %shift_right_arithmetic3A_61 = arith.shrsi %bitcast3A_55, %shift_right_arithmetic3A_60 : vector<16xi32>
    %and3A_62 = arith.constant 1 : i32
    %and3A_63 = vector.broadcast %and3A_62 : i32 to vector<16xi32>
    %and3A_64 = arith.andi %shift_right_arithmetic3A_61, %and3A_63 : vector<16xi32>
    %add3A_65 = arith.addi %add3A_58, %and3A_64 : vector<16xi32>
    %and3A_66 = arith.constant -65536 : i32
    %and3A_67 = vector.broadcast %and3A_66 : i32 to vector<16xi32>
    %and3A_68 = arith.andi %add3A_65, %and3A_67 : vector<16xi32>
    %bitcast3A_69 = vector.bitcast %and3A_68 : vector<16xi32> to vector<16xf32>
    %swap3A_70 = arith.constant 32 : index
    %swap3A_71 = tpu.vector_load %arg7[%swap3A_70] {strides = array<i32>} : memref<1360xf32, #tpu.memory_space<vmem>>, vector<16xf32>,
    tpu.vector_store %arg7[%swap3A_70], %bitcast3A_69 {strides = array<i32>} : memref<1360xf32, #tpu.memory_space<vmem>>, vector<16xf32>,
    %get3A_72 = arith.constant 48 : index
    %get3A_73 = tpu.vector_load %arg7[%get3A_72] {strides = array<i32>} : memref<1360xf32, #tpu.memory_space<vmem>>, vector<16xf32>,
    %bitcast3A_74 = vector.bitcast %get3A_73 : vector<16xf32> to vector<16xi32>
    %add3A_75 = arith.constant 32767 : i32
    %add3A_76 = vector.broadcast %add3A_75 : i32 to vector<16xi32>
    %add3A_77 = arith.addi %bitcast3A_74, %add3A_76 : vector<16xi32>
    %shift_right_arithmetic3A_78 = arith.constant 16 : i32
    %shift_right_arithmetic3A_79 = vector.broadcast %shift_right_arithmetic3A_78 : i32 to vector<16xi32>
    %shift_right_arithmetic3A_80 = arith.shrsi %bitcast3A_74, %shift_right_arithmetic3A_79 : vector<16xi32>
    %and3A_81 = arith.constant 1 : i32
    %and3A_82 = vector.broadcast %and3A_81 : i32 to vector<16xi32>
    %and3A_83 = arith.andi %shift_right_arithmetic3A_80, %and3A_82 : vector<16xi32>
    %add3A_84 = arith.addi %add3A_77, %and3A_83 : vector<16xi32>
    %and3A_85 = arith.constant -65536 : i32
    %and3A_86 = vector.broadcast %and3A_85 : i32 to vector<16xi32>
    %and3A_87 = arith.andi %add3A_84, %and3A_86 : vector<16xi32>
    %bitcast3A_88 = vector.bitcast %and3A_87 : vector<16xi32> to vector<16xf32>
    %swap3A_89 = arith.constant 48 : index
    %swap3A_90 = tpu.vector_load %arg7[%swap3A_89] {strides = array<i32>} : memref<1360xf32, #tpu.memory_space<vmem>>, vector<16xf32>,
    tpu.vector_store %arg7[%swap3A_89], %bitcast3A_88 {strides = array<i32>} : memref<1360xf32, #tpu.memory_space<vmem>>, vector<16xf32>,
    %get3A_91 = arith.constant 64 : index
    %get3A_92 = tpu.vector_load %arg7[%get3A_91] {strides = array<i32>} : memref<1360xf32, #tpu.memory_space<vmem>>, vector<16xf32>,
    %bitcast3A_93 = vector.bitcast %get3A_92 : vector<16xf32> to vector<16xi32>
    %add3A_94 = arith.constant 32767 : i32
    %add3A_95 = vector.broadcast %add3A_94 : i32 to vector<16xi32>
    %add3A_96 = arith.addi %bitcast3A_93, %add3A_95 : vector<16xi32>
    %shift_right_arithmetic3A_97 = arith.constant 16 : i32
    %shift_right_arithmetic3A_98 = vector.broadcast %shift_right_arithmetic3A_97 : i32 to vector<16xi32>
    %shift_right_arithmetic3A_99 = arith.shrsi %bitcast3A_93, %shift_right_arithmetic3A_98 : vector<16xi32>
    %and3A_100 = arith.constant 1 : i32
    %and3A_101 = vector.broadcast %and3A_100 : i32 to vector<16xi32>
    %and3A_102 = arith.andi %shift_right_arithmetic3A_99, %and3A_101 : vector<16xi32>
    %add3A_103 = arith.addi %add3A_96, %and3A_102 : vector<16xi32>
    %and3A_104 = arith.constant -65536 : i32
    %and3A_105 = vector.broadcast %and3A_104 : i32 to vector<16xi32>
    %and3A_106 = arith.andi %add3A_103, %and3A_105 : vector<16xi32>
    %bitcast3A_107 = vector.bitcast %and3A_106 : vector<16xi32> to vector<16xf32>
    %swap3A_108 = arith.constant 64 : index
    %swap3A_109 = tpu.vector_load %arg7[%swap3A_108] {strides = array<i32>} : memref<1360xf32, #tpu.memory_space<vmem>>, vector<16xf32>,
    tpu.vector_store %arg7[%swap3A_108], %bitcast3A_107 {strides = array<i32>} : memref<1360xf32, #tpu.memory_space<vmem>>, vector<16xf32>,
    %get3A_110 = arith.constant 80 : index
    %get3A_111 = tpu.vector_load %arg7[%get3A_110] {strides = array<i32>} : memref<1360xf32, #tpu.memory_space<vmem>>, vector<16xf32>,
    %bitcast3A_112 = vector.bitcast %get3A_111 : vector<16xf32> to vector<16xi32>
    %add3A_113 = arith.constant 32767 : i32
    %add3A_114 = vector.broadcast %add3A_113 : i32 to vector<16xi32>
    %add3A_115 = arith.addi %bitcast3A_112, %add3A_114 : vector<16xi32>
    %shift_right_arithmetic3A_116 = arith.constant 16 : i32
    %shift_right_arithmetic3A_117 = vector.broadcast %shift_right_arithmetic3A_116 : i32 to vector<16xi32>
    %shift_right_arithmetic3A_118 = arith.shrsi %bitcast3A_112, %shift_right_arithmetic3A_117 : vector<16xi32>
    %and3A_119 = arith.constant 1 : i32
    %and3A_120 = vector.broadcast %and3A_119 : i32 to vector<16xi32>
    %and3A_121 = arith.andi %shift_right_arithmetic3A_118, %and3A_120 : vector<16xi32>
    %add3A_122 = arith.addi %add3A_115, %and3A_121 : vector<16xi32>
    %and3A_123 = arith.constant -65536 : i32
    %and3A_124 = vector.broadcast %and3A_123 : i32 to vector<16xi32>
    %and3A_125 = arith.andi %add3A_122, %and3A_124 : vector<16xi32>
    %bitcast3A_126 = vector.bitcast %and3A_125 : vector<16xi32> to vector<16xf32>
    %swap3A_127 = arith.constant 80 : index
    %swap3A_128 = tpu.vector_load %arg7[%swap3A_127] {strides = array<i32>} : memref<1360xf32, #tpu.memory_space<vmem>>, vector<16xf32>,
    tpu.vector_store %arg7[%swap3A_127], %bitcast3A_126 {strides = array<i32>} : memref<1360xf32, #tpu.memory_space<vmem>>, vector<16xf32>,
    %get3A_129 = arith.constant 96 : index
    %get3A_130 = tpu.vector_load %arg7[%get3A_129] {strides = array<i32>} : memref<1360xf32, #tpu.memory_space<vmem>>, vector<16xf32>,
    %bitcast3A_131 = vector.bitcast %get3A_130 : vector<16xf32> to vector<16xi32>
    %add3A_132 = arith.constant 32767 : i32
    %add3A_133 = vector.broadcast %add3A_132 : i32 to vector<16xi32>
    %add3A_134 = arith.addi %bitcast3A_131, %add3A_133 : vector<16xi32>
    %shift_right_arithmetic3A_135 = arith.constant 16 : i32
    %shift_right_arithmetic3A_136 = vector.broadcast %shift_right_arithmetic3A_135 : i32 to vector<16xi32>
    %shift_right_arithmetic3A_137 = arith.shrsi %bitcast3A_131, %shift_right_arithmetic3A_136 : vector<16xi32>
    %and3A_138 = arith.constant 1 : i32
    %and3A_139 = vector.broadcast %and3A_138 : i32 to vector<16xi32>
    %and3A_140 = arith.andi %shift_right_arithmetic3A_137, %and3A_139 : vector<16xi32>
    %add3A_141 = arith.addi %add3A_134, %and3A_140 : vector<16xi32>
    %and3A_142 = arith.constant -65536 : i32
    %and3A_143 = vector.broadcast %and3A_142 : i32 to vector<16xi32>
    %and3A_144 = arith.andi %add3A_141, %and3A_143 : vector<16xi32>
    %bitcast3A_145 = vector.bitcast %and3A_144 : vector<16xi32> to vector<16xf32>
    %swap3A_146 = arith.constant 96 : index
    %swap3A_147 = tpu.vector_load %arg7[%swap3A_146] {strides = array<i32>} : memref<1360xf32, #tpu.memory_space<vmem>>, vector<16xf32>,
    tpu.vector_store %arg7[%swap3A_146], %bitcast3A_145 {strides = array<i32>} : memref<1360xf32, #tpu.memory_space<vmem>>, vector<16xf32>,
    %get3A_148 = arith.constant 112 : index
    %get3A_149 = tpu.vector_load %arg7[%get3A_148] {strides = array<i32>} : memref<1360xf32, #tpu.memory_space<vmem>>, vector<16xf32>,
    %bitcast3A_150 = vector.bitcast %get3A_149 : vector<16xf32> to vector<16xi32>
    %add3A_151 = arith.constant 32767 : i32
    %add3A_152 = vector.broadcast %add3A_151 : i32 to vector<16xi32>
    %add3A_153 = arith.addi %bitcast3A_150, %add3A_152 : vector<16xi32>
    %shift_right_arithmetic3A_154 = arith.constant 16 : i32
    %shift_right_arithmetic3A_155 = vector.broadcast %shift_right_arithmetic3A_154 : i32 to vector<16xi32>
    %shift_right_arithmetic3A_156 = arith.shrsi %bitcast3A_150, %shift_right_arithmetic3A_155 : vector<16xi32>
    %and3A_157 = arith.constant 1 : i32
    %and3A_158 = vector.broadcast %and3A_157 : i32 to vector<16xi32>
    %and3A_159 = arith.andi %shift_right_arithmetic3A_156, %and3A_158 : vector<16xi32>
    %add3A_160 = arith.addi %add3A_153, %and3A_159 : vector<16xi32>
    %and3A_161 = arith.constant -65536 : i32
    %and3A_162 = vector.broadcast %and3A_161 : i32 to vector<16xi32>
    %and3A_163 = arith.andi %add3A_160, %and3A_162 : vector<16xi32>
    %bitcast3A_164 = vector.bitcast %and3A_163 : vector<16xi32> to vector<16xf32>
    %swap3A_165 = arith.constant 112 : index
    %swap3A_166 = tpu.vector_load %arg7[%swap3A_165] {strides = array<i32>} : memref<1360xf32, #tpu.memory_space<vmem>>, vector<16xf32>,
    tpu.vector_store %arg7[%swap3A_165], %bitcast3A_164 {strides = array<i32>} : memref<1360xf32, #tpu.memory_space<vmem>>, vector<16xf32>,
    %get3A_167 = arith.constant 128 : index
    %get3A_168 = tpu.vector_load %arg7[%get3A_167] {strides = array<i32>} : memref<1360xf32, #tpu.memory_space<vmem>>, vector<16xf32>,
    %bitcast3A_169 = vector.bitcast %get3A_168 : vector<16xf32> to vector<16xi32>
    %add3A_170 = arith.constant 32767 : i32
    %add3A_171 = vector.broadcast %add3A_170 : i32 to vector<16xi32>
    %add3A_172 = arith.addi %bitcast3A_169, %add3A_171 : vector<16xi32>
    %shift_right_arithmetic3A_173 = arith.constant 16 : i32
    %shift_right_arithmetic3A_174 = vector.broadcast %shift_right_arithmetic3A_173 : i32 to vector<16xi32>
    %shift_right_arithmetic3A_175 = arith.shrsi %bitcast3A_169, %shift_right_arithmetic3A_174 : vector<16xi32>
    %and3A_176 = arith.constant 1 : i32
    %and3A_177 = vector.broadcast %and3A_176 : i32 to vector<16xi32>
    %and3A_178 = arith.andi %shift_right_arithmetic3A_175, %and3A_177 : vector<16xi32>
    %add3A_179 = arith.addi %add3A_172, %and3A_178 : vector<16xi32>
    %and3A_180 = arith.constant -65536 : i32
    %and3A_181 = vector.broadcast %and3A_180 : i32 to vector<16xi32>
    %and3A_182 = arith.andi %add3A_179, %and3A_181 : vector<16xi32>
    %bitcast3A_183 = vector.bitcast %and3A_182 : vector<16xi32> to vector<16xf32>
    %swap3A_184 = arith.constant 128 : index
    %swap3A_185 = tpu.vector_load %arg7[%swap3A_184] {strides = array<i32>} : memref<1360xf32, #tpu.memory_space<vmem>>, vector<16xf32>,
    tpu.vector_store %arg7[%swap3A_184], %bitcast3A_183 {strides = array<i32>} : memref<1360xf32, #tpu.memory_space<vmem>>, vector<16xf32>,
    %get3A_186 = arith.constant 144 : index
    %get3A_187 = tpu.vector_load %arg7[%get3A_186] {strides = array<i32>} : memref<1360xf32, #tpu.memory_space<vmem>>, vector<16xf32>,
    %bitcast3A_188 = vector.bitcast %get3A_187 : vector<16xf32> to vector<16xi32>
    %add3A_189 = arith.constant 32767 : i32
    %add3A_190 = vector.broadcast %add3A_189 : i32 to vector<16xi32>
    %add3A_191 = arith.addi %bitcast3A_188, %add3A_190 : vector<16xi32>
    %shift_right_arithmetic3A_192 = arith.constant 16 : i32
    %shift_right_arithmetic3A_193 = vector.broadcast %shift_right_arithmetic3A_192 : i32 to vector<16xi32>
    %shift_right_arithmetic3A_194 = arith.shrsi %bitcast3A_188, %shift_right_arithmetic3A_193 : vector<16xi32>
    %and3A_195 = arith.constant 1 : i32
    %and3A_196 = vector.broadcast %and3A_195 : i32 to vector<16xi32>
    %and3A_197 = arith.andi %shift_right_arithmetic3A_194, %and3A_196 : vector<16xi32>
    %add3A_198 = arith.addi %add3A_191, %and3A_197 : vector<16xi32>
    %and3A_199 = arith.constant -65536 : i32
    %and3A_200 = vector.broadcast %and3A_199 : i32 to vector<16xi32>
    %and3A_201 = arith.andi %add3A_198, %and3A_200 : vector<16xi32>
    %bitcast3A_202 = vector.bitcast %and3A_201 : vector<16xi32> to vector<16xf32>
    %swap3A_203 = arith.constant 144 : index
    %swap3A_204 = tpu.vector_load %arg7[%swap3A_203] {strides = array<i32>} : memref<1360xf32, #tpu.memory_space<vmem>>, vector<16xf32>,
    tpu.vector_store %arg7[%swap3A_203], %bitcast3A_202 {strides = array<i32>} : memref<1360xf32, #tpu.memory_space<vmem>>, vector<16xf32>,
    %get3A_205 = arith.constant 160 : index
    %get3A_206 = tpu.vector_load %arg7[%get3A_205] {strides = array<i32>} : memref<1360xf32, #tpu.memory_space<vmem>>, vector<16xf32>,
    %bitcast3A_207 = vector.bitcast %get3A_206 : vector<16xf32> to vector<16xi32>
    %add3A_208 = arith.constant 32767 : i32
    %add3A_209 = vector.broadcast %add3A_208 : i32 to vector<16xi32>
    %add3A_210 = arith.addi %bitcast3A_207, %add3A_209 : vector<16xi32>
    %shift_right_arithmetic3A_211 = arith.constant 16 : i32
    %shift_right_arithmetic3A_212 = vector.broadcast %shift_right_arithmetic3A_211 : i32 to vector<16xi32>
    %shift_right_arithmetic3A_213 = arith.shrsi %bitcast3A_207, %shift_right_arithmetic3A_212 : vector<16xi32>
    %and3A_214 = arith.constant 1 : i32
    %and3A_215 = vector.broadcast %and3A_214 : i32 to vector<16xi32>
    %and3A_216 = arith.andi %shift_right_arithmetic3A_213, %and3A_215 : vector<16xi32>
    %add3A_217 = arith.addi %add3A_210, %and3A_216 : vector<16xi32>
    %and3A_218 = arith.constant -65536 : i32
    %and3A_219 = vector.broadcast %and3A_218 : i32 to vector<16xi32>
    %and3A_220 = arith.andi %add3A_217, %and3A_219 : vector<16xi32>
    %bitcast3A_221 = vector.bitcast %and3A_220 : vector<16xi32> to vector<16xf32>
    %swap3A_222 = arith.constant 160 : index
    %swap3A_223 = tpu.vector_load %arg7[%swap3A_222] {strides = array<i32>} : memref<1360xf32, #tpu.memory_space<vmem>>, vector<16xf32>,
    tpu.vector_store %arg7[%swap3A_222], %bitcast3A_221 {strides = array<i32>} : memref<1360xf32, #tpu.memory_space<vmem>>, vector<16xf32>,
    %get3A_224 = arith.constant 176 : index
    %get3A_225 = tpu.vector_load %arg7[%get3A_224] {strides = array<i32>} : memref<1360xf32, #tpu.memory_space<vmem>>, vector<16xf32>,
    %bitcast3A_226 = vector.bitcast %get3A_225 : vector<16xf32> to vector<16xi32>
    %add3A_227 = arith.constant 32767 : i32
    %add3A_228 = vector.broadcast %add3A_227 : i32 to vector<16xi32>
    %add3A_229 = arith.addi %bitcast3A_226, %add3A_228 : vector<16xi32>
    %shift_right_arithmetic3A_230 = arith.constant 16 : i32
    %shift_right_arithmetic3A_231 = vector.broadcast %shift_right_arithmetic3A_230 : i32 to vector<16xi32>
    %shift_right_arithmetic3A_232 = arith.shrsi %bitcast3A_226, %shift_right_arithmetic3A_231 : vector<16xi32>
    %and3A_233 = arith.constant 1 : i32
    %and3A_234 = vector.broadcast %and3A_233 : i32 to vector<16xi32>
    %and3A_235 = arith.andi %shift_right_arithmetic3A_232, %and3A_234 : vector<16xi32>
    %add3A_236 = arith.addi %add3A_229, %and3A_235 : vector<16xi32>
    %and3A_237 = arith.constant -65536 : i32
    %and3A_238 = vector.broadcast %and3A_237 : i32 to vector<16xi32>
    %and3A_239 = arith.andi %add3A_236, %and3A_238 : vector<16xi32>
    %bitcast3A_240 = vector.bitcast %and3A_239 : vector<16xi32> to vector<16xf32>
    %swap3A_241 = arith.constant 176 : index
    %swap3A_242 = tpu.vector_load %arg7[%swap3A_241] {strides = array<i32>} : memref<1360xf32, #tpu.memory_space<vmem>>, vector<16xf32>,
    tpu.vector_store %arg7[%swap3A_241], %bitcast3A_240 {strides = array<i32>} : memref<1360xf32, #tpu.memory_space<vmem>>, vector<16xf32>,
    %get3A_243 = arith.constant 192 : index
    %get3A_244 = tpu.vector_load %arg7[%get3A_243] {strides = array<i32>} : memref<1360xf32, #tpu.memory_space<vmem>>, vector<16xf32>,
    %bitcast3A_245 = vector.bitcast %get3A_244 : vector<16xf32> to vector<16xi32>
    %add3A_246 = arith.constant 32767 : i32
    %add3A_247 = vector.broadcast %add3A_246 : i32 to vector<16xi32>
    %add3A_248 = arith.addi %bitcast3A_245, %add3A_247 : vector<16xi32>
    %shift_right_arithmetic3A_249 = arith.constant 16 : i32
    %shift_right_arithmetic3A_250 = vector.broadcast %shift_right_arithmetic3A_249 : i32 to vector<16xi32>
    %shift_right_arithmetic3A_251 = arith.shrsi %bitcast3A_245, %shift_right_arithmetic3A_250 : vector<16xi32>
    %and3A_252 = arith.constant 1 : i32
    %and3A_253 = vector.broadcast %and3A_252 : i32 to vector<16xi32>
    %and3A_254 = arith.andi %shift_right_arithmetic3A_251, %and3A_253 : vector<16xi32>
    %add3A_255 = arith.addi %add3A_248, %and3A_254 : vector<16xi32>
    %and3A_256 = arith.constant -65536 : i32
    %and3A_257 = vector.broadcast %and3A_256 : i32 to vector<16xi32>
    %and3A_258 = arith.andi %add3A_255, %and3A_257 : vector<16xi32>
    %bitcast3A_259 = vector.bitcast %and3A_258 : vector<16xi32> to vector<16xf32>
    %swap3A_260 = arith.constant 192 : index
    %swap3A_261 = tpu.vector_load %arg7[%swap3A_260] {strides = array<i32>} : memref<1360xf32, #tpu.memory_space<vmem>>, vector<16xf32>,
    tpu.vector_store %arg7[%swap3A_260], %bitcast3A_259 {strides = array<i32>} : memref<1360xf32, #tpu.memory_space<vmem>>, vector<16xf32>,
    %get3A_262 = arith.constant 208 : index
    %get3A_263 = tpu.vector_load %arg7[%get3A_262] {strides = array<i32>} : memref<1360xf32, #tpu.memory_space<vmem>>, vector<16xf32>,
    %bitcast3A_264 = vector.bitcast %get3A_263 : vector<16xf32> to vector<16xi32>
    %add3A_265 = arith.constant 32767 : i32
    %add3A_266 = vector.broadcast %add3A_265 : i32 to vector<16xi32>
    %add3A_267 = arith.addi %bitcast3A_264, %add3A_266 : vector<16xi32>
    %shift_right_arithmetic3A_268 = arith.constant 16 : i32
    %shift_right_arithmetic3A_269 = vector.broadcast %shift_right_arithmetic3A_268 : i32 to vector<16xi32>
    %shift_right_arithmetic3A_270 = arith.shrsi %bitcast3A_264, %shift_right_arithmetic3A_269 : vector<16xi32>
    %and3A_271 = arith.constant 1 : i32
    %and3A_272 = vector.broadcast %and3A_271 : i32 to vector<16xi32>
    %and3A_273 = arith.andi %shift_right_arithmetic3A_270, %and3A_272 : vector<16xi32>
    %add3A_274 = arith.addi %add3A_267, %and3A_273 : vector<16xi32>
    %and3A_275 = arith.constant -65536 : i32
    %and3A_276 = vector.broadcast %and3A_275 : i32 to vector<16xi32>
    %and3A_277 = arith.andi %add3A_274, %and3A_276 : vector<16xi32>
    %bitcast3A_278 = vector.bitcast %and3A_277 : vector<16xi32> to vector<16xf32>
    %swap3A_279 = arith.constant 208 : index
    %swap3A_280 = tpu.vector_load %arg7[%swap3A_279] {strides = array<i32>} : memref<1360xf32, #tpu.memory_space<vmem>>, vector<16xf32>,
    tpu.vector_store %arg7[%swap3A_279], %bitcast3A_278 {strides = array<i32>} : memref<1360xf32, #tpu.memory_space<vmem>>, vector<16xf32>,
    %get3A_281 = arith.constant 224 : index
    %get3A_282 = tpu.vector_load %arg7[%get3A_281] {strides = array<i32>} : memref<1360xf32, #tpu.memory_space<vmem>>, vector<16xf32>,
    %bitcast3A_283 = vector.bitcast %get3A_282 : vector<16xf32> to vector<16xi32>
    %add3A_284 = arith.constant 32767 : i32
    %add3A_285 = vector.broadcast %add3A_284 : i32 to vector<16xi32>
    %add3A_286 = arith.addi %bitcast3A_283, %add3A_285 : vector<16xi32>
    %shift_right_arithmetic3A_287 = arith.constant 16 : i32
    %shift_right_arithmetic3A_288 = vector.broadcast %shift_right_arithmetic3A_287 : i32 to vector<16xi32>
    %shift_right_arithmetic3A_289 = arith.shrsi %bitcast3A_283, %shift_right_arithmetic3A_288 : vector<16xi32>
    %and3A_290 = arith.constant 1 : i32
    %and3A_291 = vector.broadcast %and3A_290 : i32 to vector<16xi32>
    %and3A_292 = arith.andi %shift_right_arithmetic3A_289, %and3A_291 : vector<16xi32>
    %add3A_293 = arith.addi %add3A_286, %and3A_292 : vector<16xi32>
    %and3A_294 = arith.constant -65536 : i32
    %and3A_295 = vector.broadcast %and3A_294 : i32 to vector<16xi32>
    %and3A_296 = arith.andi %add3A_293, %and3A_295 : vector<16xi32>
    %bitcast3A_297 = vector.bitcast %and3A_296 : vector<16xi32> to vector<16xf32>
    %swap3A_298 = arith.constant 224 : index
    %swap3A_299 = tpu.vector_load %arg7[%swap3A_298] {strides = array<i32>} : memref<1360xf32, #tpu.memory_space<vmem>>, vector<16xf32>,
    tpu.vector_store %arg7[%swap3A_298], %bitcast3A_297 {strides = array<i32>} : memref<1360xf32, #tpu.memory_space<vmem>>, vector<16xf32>,
    %get3A_300 = arith.constant 240 : index
    %get3A_301 = tpu.vector_load %arg7[%get3A_300] {strides = array<i32>} : memref<1360xf32, #tpu.memory_space<vmem>>, vector<16xf32>,
    %bitcast3A_302 = vector.bitcast %get3A_301 : vector<16xf32> to vector<16xi32>
    %add3A_303 = arith.constant 32767 : i32
    %add3A_304 = vector.broadcast %add3A_303 : i32 to vector<16xi32>
    %add3A_305 = arith.addi %bitcast3A_302, %add3A_304 : vector<16xi32>
    %shift_right_arithmetic3A_306 = arith.constant 16 : i32
    %shift_right_arithmetic3A_307 = vector.broadcast %shift_right_arithmetic3A_306 : i32 to vector<16xi32>
    %shift_right_arithmetic3A_308 = arith.shrsi %bitcast3A_302, %shift_right_arithmetic3A_307 : vector<16xi32>
    %and3A_309 = arith.constant 1 : i32
    %and3A_310 = vector.broadcast %and3A_309 : i32 to vector<16xi32>
    %and3A_311 = arith.andi %shift_right_arithmetic3A_308, %and3A_310 : vector<16xi32>
    %add3A_312 = arith.addi %add3A_305, %and3A_311 : vector<16xi32>
    %and3A_313 = arith.constant -65536 : i32
    %and3A_314 = vector.broadcast %and3A_313 : i32 to vector<16xi32>
    %and3A_315 = arith.andi %add3A_312, %and3A_314 : vector<16xi32>
    %bitcast3A_316 = vector.bitcast %and3A_315 : vector<16xi32> to vector<16xf32>
    %swap3A_317 = arith.constant 240 : index
    %swap3A_318 = tpu.vector_load %arg7[%swap3A_317] {strides = array<i32>} : memref<1360xf32, #tpu.memory_space<vmem>>, vector<16xf32>,
    tpu.vector_store %arg7[%swap3A_317], %bitcast3A_316 {strides = array<i32>} : memref<1360xf32, #tpu.memory_space<vmem>>, vector<16xf32>,
    %get3A_319 = arith.constant 320 : index
    %get3A_320 = tpu.vector_load %arg7[%get3A_319] {strides = array<i32>} : memref<1360xf32, #tpu.memory_space<vmem>>, vector<16xf32>,
    %bitcast3A_321 = vector.bitcast %get3A_320 : vector<16xf32> to vector<16xi32>
    %add3A_322 = arith.constant 32767 : i32
    %add3A_323 = vector.broadcast %add3A_322 : i32 to vector<16xi32>
    %add3A_324 = arith.addi %bitcast3A_321, %add3A_323 : vector<16xi32>
    %shift_right_arithmetic3A_325 = arith.constant 16 : i32
    %shift_right_arithmetic3A_326 = vector.broadcast %shift_right_arithmetic3A_325 : i32 to vector<16xi32>
    %shift_right_arithmetic3A_327 = arith.shrsi %bitcast3A_321, %shift_right_arithmetic3A_326 : vector<16xi32>
    %and3A_328 = arith.constant 1 : i32
    %and3A_329 = vector.broadcast %and3A_328 : i32 to vector<16xi32>
    %and3A_330 = arith.andi %shift_right_arithmetic3A_327, %and3A_329 : vector<16xi32>
    %add3A_331 = arith.addi %add3A_324, %and3A_330 : vector<16xi32>
    %and3A_332 = arith.constant -65536 : i32
    %and3A_333 = vector.broadcast %and3A_332 : i32 to vector<16xi32>
    %and3A_334 = arith.andi %add3A_331, %and3A_333 : vector<16xi32>
    %bitcast3A_335 = vector.bitcast %and3A_334 : vector<16xi32> to vector<16xf32>
    %swap3A_336 = arith.constant 320 : index
    %swap3A_337 = tpu.vector_load %arg7[%swap3A_336] {strides = array<i32>} : memref<1360xf32, #tpu.memory_space<vmem>>, vector<16xf32>,
    tpu.vector_store %arg7[%swap3A_336], %bitcast3A_335 {strides = array<i32>} : memref<1360xf32, #tpu.memory_space<vmem>>, vector<16xf32>,
    %get3A_338 = arith.constant 336 : index
    %get3A_339 = tpu.vector_load %arg7[%get3A_338] {strides = array<i32>} : memref<1360xf32, #tpu.memory_space<vmem>>, vector<16xf32>,
    %bitcast3A_340 = vector.bitcast %get3A_339 : vector<16xf32> to vector<16xi32>
    %add3A_341 = arith.constant 32767 : i32
    %add3A_342 = vector.broadcast %add3A_341 : i32 to vector<16xi32>
    %add3A_343 = arith.addi %bitcast3A_340, %add3A_342 : vector<16xi32>
    %shift_right_arithmetic3A_344 = arith.constant 16 : i32
    %shift_right_arithmetic3A_345 = vector.broadcast %shift_right_arithmetic3A_344 : i32 to vector<16xi32>
    %shift_right_arithmetic3A_346 = arith.shrsi %bitcast3A_340, %shift_right_arithmetic3A_345 : vector<16xi32>
    %and3A_347 = arith.constant 1 : i32
    %and3A_348 = vector.broadcast %and3A_347 : i32 to vector<16xi32>
    %and3A_349 = arith.andi %shift_right_arithmetic3A_346, %and3A_348 : vector<16xi32>
    %add3A_350 = arith.addi %add3A_343, %and3A_349 : vector<16xi32>
    %and3A_351 = arith.constant -65536 : i32
    %and3A_352 = vector.broadcast %and3A_351 : i32 to vector<16xi32>
    %and3A_353 = arith.andi %add3A_350, %and3A_352 : vector<16xi32>
    %bitcast3A_354 = vector.bitcast %and3A_353 : vector<16xi32> to vector<16xf32>
    %swap3A_355 = arith.constant 336 : index
    %swap3A_356 = tpu.vector_load %arg7[%swap3A_355] {strides = array<i32>} : memref<1360xf32, #tpu.memory_space<vmem>>, vector<16xf32>,
    tpu.vector_store %arg7[%swap3A_355], %bitcast3A_354 {strides = array<i32>} : memref<1360xf32, #tpu.memory_space<vmem>>, vector<16xf32>,
    %get3A_357 = arith.constant 352 : index
    %get3A_358 = tpu.vector_load %arg7[%get3A_357] {strides = array<i32>} : memref<1360xf32, #tpu.memory_space<vmem>>, vector<16xf32>,
    %bitcast3A_359 = vector.bitcast %get3A_358 : vector<16xf32> to vector<16xi32>
    %add3A_360 = arith.constant 32767 : i32
    %add3A_361 = vector.broadcast %add3A_360 : i32 to vector<16xi32>
    %add3A_362 = arith.addi %bitcast3A_359, %add3A_361 : vector<16xi32>
    %shift_right_arithmetic3A_363 = arith.constant 16 : i32
    %shift_right_arithmetic3A_364 = vector.broadcast %shift_right_arithmetic3A_363 : i32 to vector<16xi32>
    %shift_right_arithmetic3A_365 = arith.shrsi %bitcast3A_359, %shift_right_arithmetic3A_364 : vector<16xi32>
    %and3A_366 = arith.constant 1 : i32
    %and3A_367 = vector.broadcast %and3A_366 : i32 to vector<16xi32>
    %and3A_368 = arith.andi %shift_right_arithmetic3A_365, %and3A_367 : vector<16xi32>
    %add3A_369 = arith.addi %add3A_362, %and3A_368 : vector<16xi32>
    %and3A_370 = arith.constant -65536 : i32
    %and3A_371 = vector.broadcast %and3A_370 : i32 to vector<16xi32>
    %and3A_372 = arith.andi %add3A_369, %and3A_371 : vector<16xi32>
    %bitcast3A_373 = vector.bitcast %and3A_372 : vector<16xi32> to vector<16xf32>
    %swap3A_374 = arith.constant 352 : index
    %swap3A_375 = tpu.vector_load %arg7[%swap3A_374] {strides = array<i32>} : memref<1360xf32, #tpu.memory_space<vmem>>, vector<16xf32>,
    tpu.vector_store %arg7[%swap3A_374], %bitcast3A_373 {strides = array<i32>} : memref<1360xf32, #tpu.memory_space<vmem>>, vector<16xf32>,
    %get3A_376 = arith.constant 368 : index
    %get3A_377 = tpu.vector_load %arg7[%get3A_376] {strides = array<i32>} : memref<1360xf32, #tpu.memory_space<vmem>>, vector<16xf32>,
    %bitcast3A_378 = vector.bitcast %get3A_377 : vector<16xf32> to vector<16xi32>
    %add3A_379 = arith.constant 32767 : i32
    %add3A_380 = vector.broadcast %add3A_379 : i32 to vector<16xi32>
    %add3A_381 = arith.addi %bitcast3A_378, %add3A_380 : vector<16xi32>
    %shift_right_arithmetic3A_382 = arith.constant 16 : i32
    %shift_right_arithmetic3A_383 = vector.broadcast %shift_right_arithmetic3A_382 : i32 to vector<16xi32>
    %shift_right_arithmetic3A_384 = arith.shrsi %bitcast3A_378, %shift_right_arithmetic3A_383 : vector<16xi32>
    %and3A_385 = arith.constant 1 : i32
    %and3A_386 = vector.broadcast %and3A_385 : i32 to vector<16xi32>
    %and3A_387 = arith.andi %shift_right_arithmetic3A_384, %and3A_386 : vector<16xi32>
    %add3A_388 = arith.addi %add3A_381, %and3A_387 : vector<16xi32>
    %and3A_389 = arith.constant -65536 : i32
    %and3A_390 = vector.broadcast %and3A_389 : i32 to vector<16xi32>
    %and3A_391 = arith.andi %add3A_388, %and3A_390 : vector<16xi32>
    %bitcast3A_392 = vector.bitcast %and3A_391 : vector<16xi32> to vector<16xf32>
    %swap3A_393 = arith.constant 368 : index
    %swap3A_394 = tpu.vector_load %arg7[%swap3A_393] {strides = array<i32>} : memref<1360xf32, #tpu.memory_space<vmem>>, vector<16xf32>,
    tpu.vector_store %arg7[%swap3A_393], %bitcast3A_392 {strides = array<i32>} : memref<1360xf32, #tpu.memory_space<vmem>>, vector<16xf32>,
    %get3A_395 = arith.constant 384 : index
    %get3A_396 = tpu.vector_load %arg7[%get3A_395] {strides = array<i32>} : memref<1360xf32, #tpu.memory_space<vmem>>, vector<16xf32>,
    %bitcast3A_397 = vector.bitcast %get3A_396 : vector<16xf32> to vector<16xi32>
    %add3A_398 = arith.constant 32767 : i32
    %add3A_399 = vector.broadcast %add3A_398 : i32 to vector<16xi32>
    %add3A_400 = arith.addi %bitcast3A_397, %add3A_399 : vector<16xi32>
    %shift_right_arithmetic3A_401 = arith.constant 16 : i32
    %shift_right_arithmetic3A_402 = vector.broadcast %shift_right_arithmetic3A_401 : i32 to vector<16xi32>
    %shift_right_arithmetic3A_403 = arith.shrsi %bitcast3A_397, %shift_right_arithmetic3A_402 : vector<16xi32>
    %and3A_404 = arith.constant 1 : i32
    %and3A_405 = vector.broadcast %and3A_404 : i32 to vector<16xi32>
    %and3A_406 = arith.andi %shift_right_arithmetic3A_403, %and3A_405 : vector<16xi32>
    %add3A_407 = arith.addi %add3A_400, %and3A_406 : vector<16xi32>
    %and3A_408 = arith.constant -65536 : i32
    %and3A_409 = vector.broadcast %and3A_408 : i32 to vector<16xi32>
    %and3A_410 = arith.andi %add3A_407, %and3A_409 : vector<16xi32>
    %bitcast3A_411 = vector.bitcast %and3A_410 : vector<16xi32> to vector<16xf32>
    %swap3A_412 = arith.constant 384 : index
    %swap3A_413 = tpu.vector_load %arg7[%swap3A_412] {strides = array<i32>} : memref<1360xf32, #tpu.memory_space<vmem>>, vector<16xf32>,
    tpu.vector_store %arg7[%swap3A_412], %bitcast3A_411 {strides = array<i32>} : memref<1360xf32, #tpu.memory_space<vmem>>, vector<16xf32>,
    %get3A_414 = arith.constant 400 : index
    %get3A_415 = tpu.vector_load %arg7[%get3A_414] {strides = array<i32>} : memref<1360xf32, #tpu.memory_space<vmem>>, vector<16xf32>,
    %bitcast3A_416 = vector.bitcast %get3A_415 : vector<16xf32> to vector<16xi32>
    %add3A_417 = arith.constant 32767 : i32
    %add3A_418 = vector.broadcast %add3A_417 : i32 to vector<16xi32>
    %add3A_419 = arith.addi %bitcast3A_416, %add3A_418 : vector<16xi32>
    %shift_right_arithmetic3A_420 = arith.constant 16 : i32
    %shift_right_arithmetic3A_421 = vector.broadcast %shift_right_arithmetic3A_420 : i32 to vector<16xi32>
    %shift_right_arithmetic3A_422 = arith.shrsi %bitcast3A_416, %shift_right_arithmetic3A_421 : vector<16xi32>
    %and3A_423 = arith.constant 1 : i32
    %and3A_424 = vector.broadcast %and3A_423 : i32 to vector<16xi32>
    %and3A_425 = arith.andi %shift_right_arithmetic3A_422, %and3A_424 : vector<16xi32>
    %add3A_426 = arith.addi %add3A_419, %and3A_425 : vector<16xi32>
    %and3A_427 = arith.constant -65536 : i32
    %and3A_428 = vector.broadcast %and3A_427 : i32 to vector<16xi32>
    %and3A_429 = arith.andi %add3A_426, %and3A_428 : vector<16xi32>
    %bitcast3A_430 = vector.bitcast %and3A_429 : vector<16xi32> to vector<16xf32>
    %swap3A_431 = arith.constant 400 : index
    %swap3A_432 = tpu.vector_load %arg7[%swap3A_431] {strides = array<i32>} : memref<1360xf32, #tpu.memory_space<vmem>>, vector<16xf32>,
    tpu.vector_store %arg7[%swap3A_431], %bitcast3A_430 {strides = array<i32>} : memref<1360xf32, #tpu.memory_space<vmem>>, vector<16xf32>,
    %get3A_433 = arith.constant 416 : index
    %get3A_434 = tpu.vector_load %arg7[%get3A_433] {strides = array<i32>} : memref<1360xf32, #tpu.memory_space<vmem>>, vector<16xf32>,
    %bitcast3A_435 = vector.bitcast %get3A_434 : vector<16xf32> to vector<16xi32>
    %add3A_436 = arith.constant 32767 : i32
    %add3A_437 = vector.broadcast %add3A_436 : i32 to vector<16xi32>
    %add3A_438 = arith.addi %bitcast3A_435, %add3A_437 : vector<16xi32>
    %shift_right_arithmetic3A_439 = arith.constant 16 : i32
    %shift_right_arithmetic3A_440 = vector.broadcast %shift_right_arithmetic3A_439 : i32 to vector<16xi32>
    %shift_right_arithmetic3A_441 = arith.shrsi %bitcast3A_435, %shift_right_arithmetic3A_440 : vector<16xi32>
    %and3A_442 = arith.constant 1 : i32
    %and3A_443 = vector.broadcast %and3A_442 : i32 to vector<16xi32>
    %and3A_444 = arith.andi %shift_right_arithmetic3A_441, %and3A_443 : vector<16xi32>
    %add3A_445 = arith.addi %add3A_438, %and3A_444 : vector<16xi32>
    %and3A_446 = arith.constant -65536 : i32
    %and3A_447 = vector.broadcast %and3A_446 : i32 to vector<16xi32>
    %and3A_448 = arith.andi %add3A_445, %and3A_447 : vector<16xi32>
    %bitcast3A_449 = vector.bitcast %and3A_448 : vector<16xi32> to vector<16xf32>
    %swap3A_450 = arith.constant 416 : index
    %swap3A_451 = tpu.vector_load %arg7[%swap3A_450] {strides = array<i32>} : memref<1360xf32, #tpu.memory_space<vmem>>, vector<16xf32>,
    tpu.vector_store %arg7[%swap3A_450], %bitcast3A_449 {strides = array<i32>} : memref<1360xf32, #tpu.memory_space<vmem>>, vector<16xf32>,
    %get3A_452 = arith.constant 432 : index
    %get3A_453 = tpu.vector_load %arg7[%get3A_452] {strides = array<i32>} : memref<1360xf32, #tpu.memory_space<vmem>>, vector<16xf32>,
    %bitcast3A_454 = vector.bitcast %get3A_453 : vector<16xf32> to vector<16xi32>
    %add3A_455 = arith.constant 32767 : i32
    %add3A_456 = vector.broadcast %add3A_455 : i32 to vector<16xi32>
    %add3A_457 = arith.addi %bitcast3A_454, %add3A_456 : vector<16xi32>
    %shift_right_arithmetic3A_458 = arith.constant 16 : i32
    %shift_right_arithmetic3A_459 = vector.broadcast %shift_right_arithmetic3A_458 : i32 to vector<16xi32>
    %shift_right_arithmetic3A_460 = arith.shrsi %bitcast3A_454, %shift_right_arithmetic3A_459 : vector<16xi32>
    %and3A_461 = arith.constant 1 : i32
    %and3A_462 = vector.broadcast %and3A_461 : i32 to vector<16xi32>
    %and3A_463 = arith.andi %shift_right_arithmetic3A_460, %and3A_462 : vector<16xi32>
    %add3A_464 = arith.addi %add3A_457, %and3A_463 : vector<16xi32>
    %and3A_465 = arith.constant -65536 : i32
    %and3A_466 = vector.broadcast %and3A_465 : i32 to vector<16xi32>
    %and3A_467 = arith.andi %add3A_464, %and3A_466 : vector<16xi32>
    %bitcast3A_468 = vector.bitcast %and3A_467 : vector<16xi32> to vector<16xf32>
    %swap3A_469 = arith.constant 432 : index
    %swap3A_470 = tpu.vector_load %arg7[%swap3A_469] {strides = array<i32>} : memref<1360xf32, #tpu.memory_space<vmem>>, vector<16xf32>,
    tpu.vector_store %arg7[%swap3A_469], %bitcast3A_468 {strides = array<i32>} : memref<1360xf32, #tpu.memory_space<vmem>>, vector<16xf32>,
    %get3A_471 = arith.constant 448 : index
    %get3A_472 = tpu.vector_load %arg7[%get3A_471] {strides = array<i32>} : memref<1360xf32, #tpu.memory_space<vmem>>, vector<16xf32>,
    %bitcast3A_473 = vector.bitcast %get3A_472 : vector<16xf32> to vector<16xi32>
    %add3A_474 = arith.constant 32767 : i32
    %add3A_475 = vector.broadcast %add3A_474 : i32 to vector<16xi32>
    %add3A_476 = arith.addi %bitcast3A_473, %add3A_475 : vector<16xi32>
    %shift_right_arithmetic3A_477 = arith.constant 16 : i32
    %shift_right_arithmetic3A_478 = vector.broadcast %shift_right_arithmetic3A_477 : i32 to vector<16xi32>
    %shift_right_arithmetic3A_479 = arith.shrsi %bitcast3A_473, %shift_right_arithmetic3A_478 : vector<16xi32>
    %and3A_480 = arith.constant 1 : i32
    %and3A_481 = vector.broadcast %and3A_480 : i32 to vector<16xi32>
    %and3A_482 = arith.andi %shift_right_arithmetic3A_479, %and3A_481 : vector<16xi32>
    %add3A_483 = arith.addi %add3A_476, %and3A_482 : vector<16xi32>
    %and3A_484 = arith.constant -65536 : i32
    %and3A_485 = vector.broadcast %and3A_484 : i32 to vector<16xi32>
    %and3A_486 = arith.andi %add3A_483, %and3A_485 : vector<16xi32>
    %bitcast3A_487 = vector.bitcast %and3A_486 : vector<16xi32> to vector<16xf32>
    %swap3A_488 = arith.constant 448 : index
    %swap3A_489 = tpu.vector_load %arg7[%swap3A_488] {strides = array<i32>} : memref<1360xf32, #tpu.memory_space<vmem>>, vector<16xf32>,
    tpu.vector_store %arg7[%swap3A_488], %bitcast3A_487 {strides = array<i32>} : memref<1360xf32, #tpu.memory_space<vmem>>, vector<16xf32>,
    %get3A_490 = arith.constant 464 : index
    %get3A_491 = tpu.vector_load %arg7[%get3A_490] {strides = array<i32>} : memref<1360xf32, #tpu.memory_space<vmem>>, vector<16xf32>,
    %bitcast3A_492 = vector.bitcast %get3A_491 : vector<16xf32> to vector<16xi32>
    %add3A_493 = arith.constant 32767 : i32
    %add3A_494 = vector.broadcast %add3A_493 : i32 to vector<16xi32>
    %add3A_495 = arith.addi %bitcast3A_492, %add3A_494 : vector<16xi32>
    %shift_right_arithmetic3A_496 = arith.constant 16 : i32
    %shift_right_arithmetic3A_497 = vector.broadcast %shift_right_arithmetic3A_496 : i32 to vector<16xi32>
    %shift_right_arithmetic3A_498 = arith.shrsi %bitcast3A_492, %shift_right_arithmetic3A_497 : vector<16xi32>
    %and3A_499 = arith.constant 1 : i32
    %and3A_500 = vector.broadcast %and3A_499 : i32 to vector<16xi32>
    %and3A_501 = arith.andi %shift_right_arithmetic3A_498, %and3A_500 : vector<16xi32>
    %add3A_502 = arith.addi %add3A_495, %and3A_501 : vector<16xi32>
    %and3A_503 = arith.constant -65536 : i32
    %and3A_504 = vector.broadcast %and3A_503 : i32 to vector<16xi32>
    %and3A_505 = arith.andi %add3A_502, %and3A_504 : vector<16xi32>
    %bitcast3A_506 = vector.bitcast %and3A_505 : vector<16xi32> to vector<16xf32>
    %swap3A_507 = arith.constant 464 : index
    %swap3A_508 = tpu.vector_load %arg7[%swap3A_507] {strides = array<i32>} : memref<1360xf32, #tpu.memory_space<vmem>>, vector<16xf32>,
    tpu.vector_store %arg7[%swap3A_507], %bitcast3A_506 {strides = array<i32>} : memref<1360xf32, #tpu.memory_space<vmem>>, vector<16xf32>,
    %get3A_509 = arith.constant 480 : index
    %get3A_510 = tpu.vector_load %arg7[%get3A_509] {strides = array<i32>} : memref<1360xf32, #tpu.memory_space<vmem>>, vector<16xf32>,
    %bitcast3A_511 = vector.bitcast %get3A_510 : vector<16xf32> to vector<16xi32>
    %add3A_512 = arith.constant 32767 : i32
    %add3A_513 = vector.broadcast %add3A_512 : i32 to vector<16xi32>
    %add3A_514 = arith.addi %bitcast3A_511, %add3A_513 : vector<16xi32>
    %shift_right_arithmetic3A_515 = arith.constant 16 : i32
    %shift_right_arithmetic3A_516 = vector.broadcast %shift_right_arithmetic3A_515 : i32 to vector<16xi32>
    %shift_right_arithmetic3A_517 = arith.shrsi %bitcast3A_511, %shift_right_arithmetic3A_516 : vector<16xi32>
    %and3A_518 = arith.constant 1 : i32
    %and3A_519 = vector.broadcast %and3A_518 : i32 to vector<16xi32>
    %and3A_520 = arith.andi %shift_right_arithmetic3A_517, %and3A_519 : vector<16xi32>
    %add3A_521 = arith.addi %add3A_514, %and3A_520 : vector<16xi32>
    %and3A_522 = arith.constant -65536 : i32
    %and3A_523 = vector.broadcast %and3A_522 : i32 to vector<16xi32>
    %and3A_524 = arith.andi %add3A_521, %and3A_523 : vector<16xi32>
    %bitcast3A_525 = vector.bitcast %and3A_524 : vector<16xi32> to vector<16xf32>
    %swap3A_526 = arith.constant 480 : index
    %swap3A_527 = tpu.vector_load %arg7[%swap3A_526] {strides = array<i32>} : memref<1360xf32, #tpu.memory_space<vmem>>, vector<16xf32>,
    tpu.vector_store %arg7[%swap3A_526], %bitcast3A_525 {strides = array<i32>} : memref<1360xf32, #tpu.memory_space<vmem>>, vector<16xf32>,
    %get3A_528 = arith.constant 496 : index
    %get3A_529 = tpu.vector_load %arg7[%get3A_528] {strides = array<i32>} : memref<1360xf32, #tpu.memory_space<vmem>>, vector<16xf32>,
    %bitcast3A_530 = vector.bitcast %get3A_529 : vector<16xf32> to vector<16xi32>
    %add3A_531 = arith.constant 32767 : i32
    %add3A_532 = vector.broadcast %add3A_531 : i32 to vector<16xi32>
    %add3A_533 = arith.addi %bitcast3A_530, %add3A_532 : vector<16xi32>
    %shift_right_arithmetic3A_534 = arith.constant 16 : i32
    %shift_right_arithmetic3A_535 = vector.broadcast %shift_right_arithmetic3A_534 : i32 to vector<16xi32>
    %shift_right_arithmetic3A_536 = arith.shrsi %bitcast3A_530, %shift_right_arithmetic3A_535 : vector<16xi32>
    %and3A_537 = arith.constant 1 : i32
    %and3A_538 = vector.broadcast %and3A_537 : i32 to vector<16xi32>
    %and3A_539 = arith.andi %shift_right_arithmetic3A_536, %and3A_538 : vector<16xi32>
    %add3A_540 = arith.addi %add3A_533, %and3A_539 : vector<16xi32>
    %and3A_541 = arith.constant -65536 : i32
    %and3A_542 = vector.broadcast %and3A_541 : i32 to vector<16xi32>
    %and3A_543 = arith.andi %add3A_540, %and3A_542 : vector<16xi32>
    %bitcast3A_544 = vector.bitcast %and3A_543 : vector<16xi32> to vector<16xf32>
    %swap3A_545 = arith.constant 496 : index
    %swap3A_546 = tpu.vector_load %arg7[%swap3A_545] {strides = array<i32>} : memref<1360xf32, #tpu.memory_space<vmem>>, vector<16xf32>,
    tpu.vector_store %arg7[%swap3A_545], %bitcast3A_544 {strides = array<i32>} : memref<1360xf32, #tpu.memory_space<vmem>>, vector<16xf32>,
    %get3A_547 = arith.constant 512 : index
    %get3A_548 = tpu.vector_load %arg7[%get3A_547] {strides = array<i32>} : memref<1360xf32, #tpu.memory_space<vmem>>, vector<16xf32>,
    %bitcast3A_549 = vector.bitcast %get3A_548 : vector<16xf32> to vector<16xi32>
    %add3A_550 = arith.constant 32767 : i32
    %add3A_551 = vector.broadcast %add3A_550 : i32 to vector<16xi32>
    %add3A_552 = arith.addi %bitcast3A_549, %add3A_551 : vector<16xi32>
    %shift_right_arithmetic3A_553 = arith.constant 16 : i32
    %shift_right_arithmetic3A_554 = vector.broadcast %shift_right_arithmetic3A_553 : i32 to vector<16xi32>
    %shift_right_arithmetic3A_555 = arith.shrsi %bitcast3A_549, %shift_right_arithmetic3A_554 : vector<16xi32>
    %and3A_556 = arith.constant 1 : i32
    %and3A_557 = vector.broadcast %and3A_556 : i32 to vector<16xi32>
    %and3A_558 = arith.andi %shift_right_arithmetic3A_555, %and3A_557 : vector<16xi32>
    %add3A_559 = arith.addi %add3A_552, %and3A_558 : vector<16xi32>
    %and3A_560 = arith.constant -65536 : i32
    %and3A_561 = vector.broadcast %and3A_560 : i32 to vector<16xi32>
    %and3A_562 = arith.andi %add3A_559, %and3A_561 : vector<16xi32>
    %bitcast3A_563 = vector.bitcast %and3A_562 : vector<16xi32> to vector<16xf32>
    %swap3A_564 = arith.constant 512 : index
    %swap3A_565 = tpu.vector_load %arg7[%swap3A_564] {strides = array<i32>} : memref<1360xf32, #tpu.memory_space<vmem>>, vector<16xf32>,
    tpu.vector_store %arg7[%swap3A_564], %bitcast3A_563 {strides = array<i32>} : memref<1360xf32, #tpu.memory_space<vmem>>, vector<16xf32>,
    %get3A_566 = arith.constant 528 : index
    %get3A_567 = tpu.vector_load %arg7[%get3A_566] {strides = array<i32>} : memref<1360xf32, #tpu.memory_space<vmem>>, vector<16xf32>,
    %bitcast3A_568 = vector.bitcast %get3A_567 : vector<16xf32> to vector<16xi32>
    %add3A_569 = arith.constant 32767 : i32
    %add3A_570 = vector.broadcast %add3A_569 : i32 to vector<16xi32>
    %add3A_571 = arith.addi %bitcast3A_568, %add3A_570 : vector<16xi32>
    %shift_right_arithmetic3A_572 = arith.constant 16 : i32
    %shift_right_arithmetic3A_573 = vector.broadcast %shift_right_arithmetic3A_572 : i32 to vector<16xi32>
    %shift_right_arithmetic3A_574 = arith.shrsi %bitcast3A_568, %shift_right_arithmetic3A_573 : vector<16xi32>
    %and3A_575 = arith.constant 1 : i32
    %and3A_576 = vector.broadcast %and3A_575 : i32 to vector<16xi32>
    %and3A_577 = arith.andi %shift_right_arithmetic3A_574, %and3A_576 : vector<16xi32>
    %add3A_578 = arith.addi %add3A_571, %and3A_577 : vector<16xi32>
    %and3A_579 = arith.constant -65536 : i32
    %and3A_580 = vector.broadcast %and3A_579 : i32 to vector<16xi32>
    %and3A_581 = arith.andi %add3A_578, %and3A_580 : vector<16xi32>
    %bitcast3A_582 = vector.bitcast %and3A_581 : vector<16xi32> to vector<16xf32>
    %swap3A_583 = arith.constant 528 : index
    %swap3A_584 = tpu.vector_load %arg7[%swap3A_583] {strides = array<i32>} : memref<1360xf32, #tpu.memory_space<vmem>>, vector<16xf32>,
    tpu.vector_store %arg7[%swap3A_583], %bitcast3A_582 {strides = array<i32>} : memref<1360xf32, #tpu.memory_space<vmem>>, vector<16xf32>,
    %get3A_585 = arith.constant 544 : index
    %get3A_586 = tpu.vector_load %arg7[%get3A_585] {strides = array<i32>} : memref<1360xf32, #tpu.memory_space<vmem>>, vector<16xf32>,
    %bitcast3A_587 = vector.bitcast %get3A_586 : vector<16xf32> to vector<16xi32>
    %add3A_588 = arith.constant 32767 : i32
    %add3A_589 = vector.broadcast %add3A_588 : i32 to vector<16xi32>
    %add3A_590 = arith.addi %bitcast3A_587, %add3A_589 : vector<16xi32>
    %shift_right_arithmetic3A_591 = arith.constant 16 : i32
    %shift_right_arithmetic3A_592 = vector.broadcast %shift_right_arithmetic3A_591 : i32 to vector<16xi32>
    %shift_right_arithmetic3A_593 = arith.shrsi %bitcast3A_587, %shift_right_arithmetic3A_592 : vector<16xi32>
    %and3A_594 = arith.constant 1 : i32
    %and3A_595 = vector.broadcast %and3A_594 : i32 to vector<16xi32>
    %and3A_596 = arith.andi %shift_right_arithmetic3A_593, %and3A_595 : vector<16xi32>
    %add3A_597 = arith.addi %add3A_590, %and3A_596 : vector<16xi32>
    %and3A_598 = arith.constant -65536 : i32
    %and3A_599 = vector.broadcast %and3A_598 : i32 to vector<16xi32>
    %and3A_600 = arith.andi %add3A_597, %and3A_599 : vector<16xi32>
    %bitcast3A_601 = vector.bitcast %and3A_600 : vector<16xi32> to vector<16xf32>
    %swap3A_602 = arith.constant 544 : index
    %swap3A_603 = tpu.vector_load %arg7[%swap3A_602] {strides = array<i32>} : memref<1360xf32, #tpu.memory_space<vmem>>, vector<16xf32>,
    tpu.vector_store %arg7[%swap3A_602], %bitcast3A_601 {strides = array<i32>} : memref<1360xf32, #tpu.memory_space<vmem>>, vector<16xf32>,
    %get3A_604 = arith.constant 560 : index
    %get3A_605 = tpu.vector_load %arg7[%get3A_604] {strides = array<i32>} : memref<1360xf32, #tpu.memory_space<vmem>>, vector<16xf32>,
    %bitcast3A_606 = vector.bitcast %get3A_605 : vector<16xf32> to vector<16xi32>
    %add3A_607 = arith.constant 32767 : i32
    %add3A_608 = vector.broadcast %add3A_607 : i32 to vector<16xi32>
    %add3A_609 = arith.addi %bitcast3A_606, %add3A_608 : vector<16xi32>
    %shift_right_arithmetic3A_610 = arith.constant 16 : i32
    %shift_right_arithmetic3A_611 = vector.broadcast %shift_right_arithmetic3A_610 : i32 to vector<16xi32>
    %shift_right_arithmetic3A_612 = arith.shrsi %bitcast3A_606, %shift_right_arithmetic3A_611 : vector<16xi32>
    %and3A_613 = arith.constant 1 : i32
    %and3A_614 = vector.broadcast %and3A_613 : i32 to vector<16xi32>
    %and3A_615 = arith.andi %shift_right_arithmetic3A_612, %and3A_614 : vector<16xi32>
    %add3A_616 = arith.addi %add3A_609, %and3A_615 : vector<16xi32>
    %and3A_617 = arith.constant -65536 : i32
    %and3A_618 = vector.broadcast %and3A_617 : i32 to vector<16xi32>
    %and3A_619 = arith.andi %add3A_616, %and3A_618 : vector<16xi32>
    %bitcast3A_620 = vector.bitcast %and3A_619 : vector<16xi32> to vector<16xf32>
    %swap3A_621 = arith.constant 560 : index
    %swap3A_622 = tpu.vector_load %arg7[%swap3A_621] {strides = array<i32>} : memref<1360xf32, #tpu.memory_space<vmem>>, vector<16xf32>,
    tpu.vector_store %arg7[%swap3A_621], %bitcast3A_620 {strides = array<i32>} : memref<1360xf32, #tpu.memory_space<vmem>>, vector<16xf32>,
    %get3A_623 = arith.constant 576 : index
    %get3A_624 = tpu.vector_load %arg7[%get3A_623] {strides = array<i32>} : memref<1360xf32, #tpu.memory_space<vmem>>, vector<16xf32>,
    %bitcast3A_625 = vector.bitcast %get3A_624 : vector<16xf32> to vector<16xi32>
    %add3A_626 = arith.constant 32767 : i32
    %add3A_627 = vector.broadcast %add3A_626 : i32 to vector<16xi32>
    %add3A_628 = arith.addi %bitcast3A_625, %add3A_627 : vector<16xi32>
    %shift_right_arithmetic3A_629 = arith.constant 16 : i32
    %shift_right_arithmetic3A_630 = vector.broadcast %shift_right_arithmetic3A_629 : i32 to vector<16xi32>
    %shift_right_arithmetic3A_631 = arith.shrsi %bitcast3A_625, %shift_right_arithmetic3A_630 : vector<16xi32>
    %and3A_632 = arith.constant 1 : i32
    %and3A_633 = vector.broadcast %and3A_632 : i32 to vector<16xi32>
    %and3A_634 = arith.andi %shift_right_arithmetic3A_631, %and3A_633 : vector<16xi32>
    %add3A_635 = arith.addi %add3A_628, %and3A_634 : vector<16xi32>
    %and3A_636 = arith.constant -65536 : i32
    %and3A_637 = vector.broadcast %and3A_636 : i32 to vector<16xi32>
    %and3A_638 = arith.andi %add3A_635, %and3A_637 : vector<16xi32>
    %bitcast3A_639 = vector.bitcast %and3A_638 : vector<16xi32> to vector<16xf32>
    %swap3A_640 = arith.constant 576 : index
    %swap3A_641 = tpu.vector_load %arg7[%swap3A_640] {strides = array<i32>} : memref<1360xf32, #tpu.memory_space<vmem>>, vector<16xf32>,
    tpu.vector_store %arg7[%swap3A_640], %bitcast3A_639 {strides = array<i32>} : memref<1360xf32, #tpu.memory_space<vmem>>, vector<16xf32>,
    %get3A_642 = arith.constant 592 : index
    %get3A_643 = tpu.vector_load %arg7[%get3A_642] {strides = array<i32>} : memref<1360xf32, #tpu.memory_space<vmem>>, vector<16xf32>,
    %bitcast3A_644 = vector.bitcast %get3A_643 : vector<16xf32> to vector<16xi32>
    %add3A_645 = arith.constant 32767 : i32
    %add3A_646 = vector.broadcast %add3A_645 : i32 to vector<16xi32>
    %add3A_647 = arith.addi %bitcast3A_644, %add3A_646 : vector<16xi32>
    %shift_right_arithmetic3A_648 = arith.constant 16 : i32
    %shift_right_arithmetic3A_649 = vector.broadcast %shift_right_arithmetic3A_648 : i32 to vector<16xi32>
    %shift_right_arithmetic3A_650 = arith.shrsi %bitcast3A_644, %shift_right_arithmetic3A_649 : vector<16xi32>
    %and3A_651 = arith.constant 1 : i32
    %and3A_652 = vector.broadcast %and3A_651 : i32 to vector<16xi32>
    %and3A_653 = arith.andi %shift_right_arithmetic3A_650, %and3A_652 : vector<16xi32>
    %add3A_654 = arith.addi %add3A_647, %and3A_653 : vector<16xi32>
    %and3A_655 = arith.constant -65536 : i32
    %and3A_656 = vector.broadcast %and3A_655 : i32 to vector<16xi32>
    %and3A_657 = arith.andi %add3A_654, %and3A_656 : vector<16xi32>
    %bitcast3A_658 = vector.bitcast %and3A_657 : vector<16xi32> to vector<16xf32>
    %swap3A_659 = arith.constant 592 : index
    %swap3A_660 = tpu.vector_load %arg7[%swap3A_659] {strides = array<i32>} : memref<1360xf32, #tpu.memory_space<vmem>>, vector<16xf32>,
    tpu.vector_store %arg7[%swap3A_659], %bitcast3A_658 {strides = array<i32>} : memref<1360xf32, #tpu.memory_space<vmem>>, vector<16xf32>,
    %get3A_661 = arith.constant 608 : index
    %get3A_662 = tpu.vector_load %arg7[%get3A_661] {strides = array<i32>} : memref<1360xf32, #tpu.memory_space<vmem>>, vector<16xf32>,
    %bitcast3A_663 = vector.bitcast %get3A_662 : vector<16xf32> to vector<16xi32>
    %add3A_664 = arith.constant 32767 : i32
    %add3A_665 = vector.broadcast %add3A_664 : i32 to vector<16xi32>
    %add3A_666 = arith.addi %bitcast3A_663, %add3A_665 : vector<16xi32>
    %shift_right_arithmetic3A_667 = arith.constant 16 : i32
    %shift_right_arithmetic3A_668 = vector.broadcast %shift_right_arithmetic3A_667 : i32 to vector<16xi32>
    %shift_right_arithmetic3A_669 = arith.shrsi %bitcast3A_663, %shift_right_arithmetic3A_668 : vector<16xi32>
    %and3A_670 = arith.constant 1 : i32
    %and3A_671 = vector.broadcast %and3A_670 : i32 to vector<16xi32>
    %and3A_672 = arith.andi %shift_right_arithmetic3A_669, %and3A_671 : vector<16xi32>
    %add3A_673 = arith.addi %add3A_666, %and3A_672 : vector<16xi32>
    %and3A_674 = arith.constant -65536 : i32
    %and3A_675 = vector.broadcast %and3A_674 : i32 to vector<16xi32>
    %and3A_676 = arith.andi %add3A_673, %and3A_675 : vector<16xi32>
    %bitcast3A_677 = vector.bitcast %and3A_676 : vector<16xi32> to vector<16xf32>
    %swap3A_678 = arith.constant 608 : index
    %swap3A_679 = tpu.vector_load %arg7[%swap3A_678] {strides = array<i32>} : memref<1360xf32, #tpu.memory_space<vmem>>, vector<16xf32>,
    tpu.vector_store %arg7[%swap3A_678], %bitcast3A_677 {strides = array<i32>} : memref<1360xf32, #tpu.memory_space<vmem>>, vector<16xf32>,
    %get3A_680 = arith.constant 624 : index
    %get3A_681 = tpu.vector_load %arg7[%get3A_680] {strides = array<i32>} : memref<1360xf32, #tpu.memory_space<vmem>>, vector<16xf32>,
    %bitcast3A_682 = vector.bitcast %get3A_681 : vector<16xf32> to vector<16xi32>
    %add3A_683 = arith.constant 32767 : i32
    %add3A_684 = vector.broadcast %add3A_683 : i32 to vector<16xi32>
    %add3A_685 = arith.addi %bitcast3A_682, %add3A_684 : vector<16xi32>
    %shift_right_arithmetic3A_686 = arith.constant 16 : i32
    %shift_right_arithmetic3A_687 = vector.broadcast %shift_right_arithmetic3A_686 : i32 to vector<16xi32>
    %shift_right_arithmetic3A_688 = arith.shrsi %bitcast3A_682, %shift_right_arithmetic3A_687 : vector<16xi32>
    %and3A_689 = arith.constant 1 : i32
    %and3A_690 = vector.broadcast %and3A_689 : i32 to vector<16xi32>
    %and3A_691 = arith.andi %shift_right_arithmetic3A_688, %and3A_690 : vector<16xi32>
    %add3A_692 = arith.addi %add3A_685, %and3A_691 : vector<16xi32>
    %and3A_693 = arith.constant -65536 : i32
    %and3A_694 = vector.broadcast %and3A_693 : i32 to vector<16xi32>
    %and3A_695 = arith.andi %add3A_692, %and3A_694 : vector<16xi32>
    %bitcast3A_696 = vector.bitcast %and3A_695 : vector<16xi32> to vector<16xf32>
    %swap3A_697 = arith.constant 624 : index
    %swap3A_698 = tpu.vector_load %arg7[%swap3A_697] {strides = array<i32>} : memref<1360xf32, #tpu.memory_space<vmem>>, vector<16xf32>,
    tpu.vector_store %arg7[%swap3A_697], %bitcast3A_696 {strides = array<i32>} : memref<1360xf32, #tpu.memory_space<vmem>>, vector<16xf32>,
    %get3A_699 = arith.constant 640 : index
    %get3A_700 = tpu.vector_load %arg7[%get3A_699] {strides = array<i32>} : memref<1360xf32, #tpu.memory_space<vmem>>, vector<16xf32>,
    %bitcast3A_701 = vector.bitcast %get3A_700 : vector<16xf32> to vector<16xi32>
    %add3A_702 = arith.constant 32767 : i32
    %add3A_703 = vector.broadcast %add3A_702 : i32 to vector<16xi32>
    %add3A_704 = arith.addi %bitcast3A_701, %add3A_703 : vector<16xi32>
    %shift_right_arithmetic3A_705 = arith.constant 16 : i32
    %shift_right_arithmetic3A_706 = vector.broadcast %shift_right_arithmetic3A_705 : i32 to vector<16xi32>
    %shift_right_arithmetic3A_707 = arith.shrsi %bitcast3A_701, %shift_right_arithmetic3A_706 : vector<16xi32>
    %and3A_708 = arith.constant 1 : i32
    %and3A_709 = vector.broadcast %and3A_708 : i32 to vector<16xi32>
    %and3A_710 = arith.andi %shift_right_arithmetic3A_707, %and3A_709 : vector<16xi32>
    %add3A_711 = arith.addi %add3A_704, %and3A_710 : vector<16xi32>
    %and3A_712 = arith.constant -65536 : i32
    %and3A_713 = vector.broadcast %and3A_712 : i32 to vector<16xi32>
    %and3A_714 = arith.andi %add3A_711, %and3A_713 : vector<16xi32>
    %bitcast3A_715 = vector.bitcast %and3A_714 : vector<16xi32> to vector<16xf32>
    %swap3A_716 = arith.constant 640 : index
    %swap3A_717 = tpu.vector_load %arg7[%swap3A_716] {strides = array<i32>} : memref<1360xf32, #tpu.memory_space<vmem>>, vector<16xf32>,
    tpu.vector_store %arg7[%swap3A_716], %bitcast3A_715 {strides = array<i32>} : memref<1360xf32, #tpu.memory_space<vmem>>, vector<16xf32>,
    %get3A_718 = arith.constant 656 : index
    %get3A_719 = tpu.vector_load %arg7[%get3A_718] {strides = array<i32>} : memref<1360xf32, #tpu.memory_space<vmem>>, vector<16xf32>,
    %bitcast3A_720 = vector.bitcast %get3A_719 : vector<16xf32> to vector<16xi32>
    %add3A_721 = arith.constant 32767 : i32
    %add3A_722 = vector.broadcast %add3A_721 : i32 to vector<16xi32>
    %add3A_723 = arith.addi %bitcast3A_720, %add3A_722 : vector<16xi32>
    %shift_right_arithmetic3A_724 = arith.constant 16 : i32
    %shift_right_arithmetic3A_725 = vector.broadcast %shift_right_arithmetic3A_724 : i32 to vector<16xi32>
    %shift_right_arithmetic3A_726 = arith.shrsi %bitcast3A_720, %shift_right_arithmetic3A_725 : vector<16xi32>
    %and3A_727 = arith.constant 1 : i32
    %and3A_728 = vector.broadcast %and3A_727 : i32 to vector<16xi32>
    %and3A_729 = arith.andi %shift_right_arithmetic3A_726, %and3A_728 : vector<16xi32>
    %add3A_730 = arith.addi %add3A_723, %and3A_729 : vector<16xi32>
    %and3A_731 = arith.constant -65536 : i32
    %and3A_732 = vector.broadcast %and3A_731 : i32 to vector<16xi32>
    %and3A_733 = arith.andi %add3A_730, %and3A_732 : vector<16xi32>
    %bitcast3A_734 = vector.bitcast %and3A_733 : vector<16xi32> to vector<16xf32>
    %swap3A_735 = arith.constant 656 : index
    %swap3A_736 = tpu.vector_load %arg7[%swap3A_735] {strides = array<i32>} : memref<1360xf32, #tpu.memory_space<vmem>>, vector<16xf32>,
    tpu.vector_store %arg7[%swap3A_735], %bitcast3A_734 {strides = array<i32>} : memref<1360xf32, #tpu.memory_space<vmem>>, vector<16xf32>,
    %get3A_737 = arith.constant 672 : index
    %get3A_738 = tpu.vector_load %arg7[%get3A_737] {strides = array<i32>} : memref<1360xf32, #tpu.memory_space<vmem>>, vector<16xf32>,
    %bitcast3A_739 = vector.bitcast %get3A_738 : vector<16xf32> to vector<16xi32>
    %add3A_740 = arith.constant 32767 : i32
    %add3A_741 = vector.broadcast %add3A_740 : i32 to vector<16xi32>
    %add3A_742 = arith.addi %bitcast3A_739, %add3A_741 : vector<16xi32>
    %shift_right_arithmetic3A_743 = arith.constant 16 : i32
    %shift_right_arithmetic3A_744 = vector.broadcast %shift_right_arithmetic3A_743 : i32 to vector<16xi32>
    %shift_right_arithmetic3A_745 = arith.shrsi %bitcast3A_739, %shift_right_arithmetic3A_744 : vector<16xi32>
    %and3A_746 = arith.constant 1 : i32
    %and3A_747 = vector.broadcast %and3A_746 : i32 to vector<16xi32>
    %and3A_748 = arith.andi %shift_right_arithmetic3A_745, %and3A_747 : vector<16xi32>
    %add3A_749 = arith.addi %add3A_742, %and3A_748 : vector<16xi32>
    %and3A_750 = arith.constant -65536 : i32
    %and3A_751 = vector.broadcast %and3A_750 : i32 to vector<16xi32>
    %and3A_752 = arith.andi %add3A_749, %and3A_751 : vector<16xi32>
    %bitcast3A_753 = vector.bitcast %and3A_752 : vector<16xi32> to vector<16xf32>
    %swap3A_754 = arith.constant 672 : index
    %swap3A_755 = tpu.vector_load %arg7[%swap3A_754] {strides = array<i32>} : memref<1360xf32, #tpu.memory_space<vmem>>, vector<16xf32>,
    tpu.vector_store %arg7[%swap3A_754], %bitcast3A_753 {strides = array<i32>} : memref<1360xf32, #tpu.memory_space<vmem>>, vector<16xf32>,
    %get3A_756 = arith.constant 688 : index
    %get3A_757 = tpu.vector_load %arg7[%get3A_756] {strides = array<i32>} : memref<1360xf32, #tpu.memory_space<vmem>>, vector<16xf32>,
    %bitcast3A_758 = vector.bitcast %get3A_757 : vector<16xf32> to vector<16xi32>
    %add3A_759 = arith.constant 32767 : i32
    %add3A_760 = vector.broadcast %add3A_759 : i32 to vector<16xi32>
    %add3A_761 = arith.addi %bitcast3A_758, %add3A_760 : vector<16xi32>
    %shift_right_arithmetic3A_762 = arith.constant 16 : i32
    %shift_right_arithmetic3A_763 = vector.broadcast %shift_right_arithmetic3A_762 : i32 to vector<16xi32>
    %shift_right_arithmetic3A_764 = arith.shrsi %bitcast3A_758, %shift_right_arithmetic3A_763 : vector<16xi32>
    %and3A_765 = arith.constant 1 : i32
    %and3A_766 = vector.broadcast %and3A_765 : i32 to vector<16xi32>
    %and3A_767 = arith.andi %shift_right_arithmetic3A_764, %and3A_766 : vector<16xi32>
    %add3A_768 = arith.addi %add3A_761, %and3A_767 : vector<16xi32>
    %and3A_769 = arith.constant -65536 : i32
    %and3A_770 = vector.broadcast %and3A_769 : i32 to vector<16xi32>
    %and3A_771 = arith.andi %add3A_768, %and3A_770 : vector<16xi32>
    %bitcast3A_772 = vector.bitcast %and3A_771 : vector<16xi32> to vector<16xf32>
    %swap3A_773 = arith.constant 688 : index
    %swap3A_774 = tpu.vector_load %arg7[%swap3A_773] {strides = array<i32>} : memref<1360xf32, #tpu.memory_space<vmem>>, vector<16xf32>,
    tpu.vector_store %arg7[%swap3A_773], %bitcast3A_772 {strides = array<i32>} : memref<1360xf32, #tpu.memory_space<vmem>>, vector<16xf32>,
    %get3A_775 = arith.constant 704 : index
    %get3A_776 = tpu.vector_load %arg7[%get3A_775] {strides = array<i32>} : memref<1360xf32, #tpu.memory_space<vmem>>, vector<16xf32>,
    %bitcast3A_777 = vector.bitcast %get3A_776 : vector<16xf32> to vector<16xi32>
    %add3A_778 = arith.constant 32767 : i32
    %add3A_779 = vector.broadcast %add3A_778 : i32 to vector<16xi32>
    %add3A_780 = arith.addi %bitcast3A_777, %add3A_779 : vector<16xi32>
    %shift_right_arithmetic3A_781 = arith.constant 16 : i32
    %shift_right_arithmetic3A_782 = vector.broadcast %shift_right_arithmetic3A_781 : i32 to vector<16xi32>
    %shift_right_arithmetic3A_783 = arith.shrsi %bitcast3A_777, %shift_right_arithmetic3A_782 : vector<16xi32>
    %and3A_784 = arith.constant 1 : i32
    %and3A_785 = vector.broadcast %and3A_784 : i32 to vector<16xi32>
    %and3A_786 = arith.andi %shift_right_arithmetic3A_783, %and3A_785 : vector<16xi32>
    %add3A_787 = arith.addi %add3A_780, %and3A_786 : vector<16xi32>
    %and3A_788 = arith.constant -65536 : i32
    %and3A_789 = vector.broadcast %and3A_788 : i32 to vector<16xi32>
    %and3A_790 = arith.andi %add3A_787, %and3A_789 : vector<16xi32>
    %bitcast3A_791 = vector.bitcast %and3A_790 : vector<16xi32> to vector<16xf32>
    %swap3A_792 = arith.constant 704 : index
    %swap3A_793 = tpu.vector_load %arg7[%swap3A_792] {strides = array<i32>} : memref<1360xf32, #tpu.memory_space<vmem>>, vector<16xf32>,
    tpu.vector_store %arg7[%swap3A_792], %bitcast3A_791 {strides = array<i32>} : memref<1360xf32, #tpu.memory_space<vmem>>, vector<16xf32>,
    %get3A_794 = arith.constant 720 : index
    %get3A_795 = tpu.vector_load %arg7[%get3A_794] {strides = array<i32>} : memref<1360xf32, #tpu.memory_space<vmem>>, vector<16xf32>,
    %bitcast3A_796 = vector.bitcast %get3A_795 : vector<16xf32> to vector<16xi32>
    %add3A_797 = arith.constant 32767 : i32
    %add3A_798 = vector.broadcast %add3A_797 : i32 to vector<16xi32>
    %add3A_799 = arith.addi %bitcast3A_796, %add3A_798 : vector<16xi32>
    %shift_right_arithmetic3A_800 = arith.constant 16 : i32
    %shift_right_arithmetic3A_801 = vector.broadcast %shift_right_arithmetic3A_800 : i32 to vector<16xi32>
    %shift_right_arithmetic3A_802 = arith.shrsi %bitcast3A_796, %shift_right_arithmetic3A_801 : vector<16xi32>
    %and3A_803 = arith.constant 1 : i32
    %and3A_804 = vector.broadcast %and3A_803 : i32 to vector<16xi32>
    %and3A_805 = arith.andi %shift_right_arithmetic3A_802, %and3A_804 : vector<16xi32>
    %add3A_806 = arith.addi %add3A_799, %and3A_805 : vector<16xi32>
    %and3A_807 = arith.constant -65536 : i32
    %and3A_808 = vector.broadcast %and3A_807 : i32 to vector<16xi32>
    %and3A_809 = arith.andi %add3A_806, %and3A_808 : vector<16xi32>
    %bitcast3A_810 = vector.bitcast %and3A_809 : vector<16xi32> to vector<16xf32>
    %swap3A_811 = arith.constant 720 : index
    %swap3A_812 = tpu.vector_load %arg7[%swap3A_811] {strides = array<i32>} : memref<1360xf32, #tpu.memory_space<vmem>>, vector<16xf32>,
    tpu.vector_store %arg7[%swap3A_811], %bitcast3A_810 {strides = array<i32>} : memref<1360xf32, #tpu.memory_space<vmem>>, vector<16xf32>,
    %get3A_813 = arith.constant 736 : index
    %get3A_814 = tpu.vector_load %arg7[%get3A_813] {strides = array<i32>} : memref<1360xf32, #tpu.memory_space<vmem>>, vector<16xf32>,
    %bitcast3A_815 = vector.bitcast %get3A_814 : vector<16xf32> to vector<16xi32>
    %add3A_816 = arith.constant 32767 : i32
    %add3A_817 = vector.broadcast %add3A_816 : i32 to vector<16xi32>
    %add3A_818 = arith.addi %bitcast3A_815, %add3A_817 : vector<16xi32>
    %shift_right_arithmetic3A_819 = arith.constant 16 : i32
    %shift_right_arithmetic3A_820 = vector.broadcast %shift_right_arithmetic3A_819 : i32 to vector<16xi32>
    %shift_right_arithmetic3A_821 = arith.shrsi %bitcast3A_815, %shift_right_arithmetic3A_820 : vector<16xi32>
    %and3A_822 = arith.constant 1 : i32
    %and3A_823 = vector.broadcast %and3A_822 : i32 to vector<16xi32>
    %and3A_824 = arith.andi %shift_right_arithmetic3A_821, %and3A_823 : vector<16xi32>
    %add3A_825 = arith.addi %add3A_818, %and3A_824 : vector<16xi32>
    %and3A_826 = arith.constant -65536 : i32
    %and3A_827 = vector.broadcast %and3A_826 : i32 to vector<16xi32>
    %and3A_828 = arith.andi %add3A_825, %and3A_827 : vector<16xi32>
    %bitcast3A_829 = vector.bitcast %and3A_828 : vector<16xi32> to vector<16xf32>
    %swap3A_830 = arith.constant 736 : index
    %swap3A_831 = tpu.vector_load %arg7[%swap3A_830] {strides = array<i32>} : memref<1360xf32, #tpu.memory_space<vmem>>, vector<16xf32>,
    tpu.vector_store %arg7[%swap3A_830], %bitcast3A_829 {strides = array<i32>} : memref<1360xf32, #tpu.memory_space<vmem>>, vector<16xf32>,
    %get3A_832 = arith.constant 752 : index
    %get3A_833 = tpu.vector_load %arg7[%get3A_832] {strides = array<i32>} : memref<1360xf32, #tpu.memory_space<vmem>>, vector<16xf32>,
    %bitcast3A_834 = vector.bitcast %get3A_833 : vector<16xf32> to vector<16xi32>
    %add3A_835 = arith.constant 32767 : i32
    %add3A_836 = vector.broadcast %add3A_835 : i32 to vector<16xi32>
    %add3A_837 = arith.addi %bitcast3A_834, %add3A_836 : vector<16xi32>
    %shift_right_arithmetic3A_838 = arith.constant 16 : i32
    %shift_right_arithmetic3A_839 = vector.broadcast %shift_right_arithmetic3A_838 : i32 to vector<16xi32>
    %shift_right_arithmetic3A_840 = arith.shrsi %bitcast3A_834, %shift_right_arithmetic3A_839 : vector<16xi32>
    %and3A_841 = arith.constant 1 : i32
    %and3A_842 = vector.broadcast %and3A_841 : i32 to vector<16xi32>
    %and3A_843 = arith.andi %shift_right_arithmetic3A_840, %and3A_842 : vector<16xi32>
    %add3A_844 = arith.addi %add3A_837, %and3A_843 : vector<16xi32>
    %and3A_845 = arith.constant -65536 : i32
    %and3A_846 = vector.broadcast %and3A_845 : i32 to vector<16xi32>
    %and3A_847 = arith.andi %add3A_844, %and3A_846 : vector<16xi32>
    %bitcast3A_848 = vector.bitcast %and3A_847 : vector<16xi32> to vector<16xf32>
    %swap3A_849 = arith.constant 752 : index
    %swap3A_850 = tpu.vector_load %arg7[%swap3A_849] {strides = array<i32>} : memref<1360xf32, #tpu.memory_space<vmem>>, vector<16xf32>,
    tpu.vector_store %arg7[%swap3A_849], %bitcast3A_848 {strides = array<i32>} : memref<1360xf32, #tpu.memory_space<vmem>>, vector<16xf32>,
    %get3A_851 = arith.constant 768 : index
    %get3A_852 = tpu.vector_load %arg7[%get3A_851] {strides = array<i32>} : memref<1360xf32, #tpu.memory_space<vmem>>, vector<16xf32>,
    %bitcast3A_853 = vector.bitcast %get3A_852 : vector<16xf32> to vector<16xi32>
    %add3A_854 = arith.constant 32767 : i32
    %add3A_855 = vector.broadcast %add3A_854 : i32 to vector<16xi32>
    %add3A_856 = arith.addi %bitcast3A_853, %add3A_855 : vector<16xi32>
    %shift_right_arithmetic3A_857 = arith.constant 16 : i32
    %shift_right_arithmetic3A_858 = vector.broadcast %shift_right_arithmetic3A_857 : i32 to vector<16xi32>
    %shift_right_arithmetic3A_859 = arith.shrsi %bitcast3A_853, %shift_right_arithmetic3A_858 : vector<16xi32>
    %and3A_860 = arith.constant 1 : i32
    %and3A_861 = vector.broadcast %and3A_860 : i32 to vector<16xi32>
    %and3A_862 = arith.andi %shift_right_arithmetic3A_859, %and3A_861 : vector<16xi32>
    %add3A_863 = arith.addi %add3A_856, %and3A_862 : vector<16xi32>
    %and3A_864 = arith.constant -65536 : i32
    %and3A_865 = vector.broadcast %and3A_864 : i32 to vector<16xi32>
    %and3A_866 = arith.andi %add3A_863, %and3A_865 : vector<16xi32>
    %bitcast3A_867 = vector.bitcast %and3A_866 : vector<16xi32> to vector<16xf32>
    %swap3A_868 = arith.constant 768 : index
    %swap3A_869 = tpu.vector_load %arg7[%swap3A_868] {strides = array<i32>} : memref<1360xf32, #tpu.memory_space<vmem>>, vector<16xf32>,
    tpu.vector_store %arg7[%swap3A_868], %bitcast3A_867 {strides = array<i32>} : memref<1360xf32, #tpu.memory_space<vmem>>, vector<16xf32>,
    %get3A_870 = arith.constant 784 : index
    %get3A_871 = tpu.vector_load %arg7[%get3A_870] {strides = array<i32>} : memref<1360xf32, #tpu.memory_space<vmem>>, vector<16xf32>,
    %bitcast3A_872 = vector.bitcast %get3A_871 : vector<16xf32> to vector<16xi32>
    %add3A_873 = arith.constant 32767 : i32
    %add3A_874 = vector.broadcast %add3A_873 : i32 to vector<16xi32>
    %add3A_875 = arith.addi %bitcast3A_872, %add3A_874 : vector<16xi32>
    %shift_right_arithmetic3A_876 = arith.constant 16 : i32
    %shift_right_arithmetic3A_877 = vector.broadcast %shift_right_arithmetic3A_876 : i32 to vector<16xi32>
    %shift_right_arithmetic3A_878 = arith.shrsi %bitcast3A_872, %shift_right_arithmetic3A_877 : vector<16xi32>
    %and3A_879 = arith.constant 1 : i32
    %and3A_880 = vector.broadcast %and3A_879 : i32 to vector<16xi32>
    %and3A_881 = arith.andi %shift_right_arithmetic3A_878, %and3A_880 : vector<16xi32>
    %add3A_882 = arith.addi %add3A_875, %and3A_881 : vector<16xi32>
    %and3A_883 = arith.constant -65536 : i32
    %and3A_884 = vector.broadcast %and3A_883 : i32 to vector<16xi32>
    %and3A_885 = arith.andi %add3A_882, %and3A_884 : vector<16xi32>
    %bitcast3A_886 = vector.bitcast %and3A_885 : vector<16xi32> to vector<16xf32>
    %swap3A_887 = arith.constant 784 : index
    %swap3A_888 = tpu.vector_load %arg7[%swap3A_887] {strides = array<i32>} : memref<1360xf32, #tpu.memory_space<vmem>>, vector<16xf32>,
    tpu.vector_store %arg7[%swap3A_887], %bitcast3A_886 {strides = array<i32>} : memref<1360xf32, #tpu.memory_space<vmem>>, vector<16xf32>,
    %get3A_889 = arith.constant 800 : index
    %get3A_890 = tpu.vector_load %arg7[%get3A_889] {strides = array<i32>} : memref<1360xf32, #tpu.memory_space<vmem>>, vector<16xf32>,
    %bitcast3A_891 = vector.bitcast %get3A_890 : vector<16xf32> to vector<16xi32>
    %add3A_892 = arith.constant 32767 : i32
    %add3A_893 = vector.broadcast %add3A_892 : i32 to vector<16xi32>
    %add3A_894 = arith.addi %bitcast3A_891, %add3A_893 : vector<16xi32>
    %shift_right_arithmetic3A_895 = arith.constant 16 : i32
    %shift_right_arithmetic3A_896 = vector.broadcast %shift_right_arithmetic3A_895 : i32 to vector<16xi32>
    %shift_right_arithmetic3A_897 = arith.shrsi %bitcast3A_891, %shift_right_arithmetic3A_896 : vector<16xi32>
    %and3A_898 = arith.constant 1 : i32
    %and3A_899 = vector.broadcast %and3A_898 : i32 to vector<16xi32>
    %and3A_900 = arith.andi %shift_right_arithmetic3A_897, %and3A_899 : vector<16xi32>
    %add3A_901 = arith.addi %add3A_894, %and3A_900 : vector<16xi32>
    %and3A_902 = arith.constant -65536 : i32
    %and3A_903 = vector.broadcast %and3A_902 : i32 to vector<16xi32>
    %and3A_904 = arith.andi %add3A_901, %and3A_903 : vector<16xi32>
    %bitcast3A_905 = vector.bitcast %and3A_904 : vector<16xi32> to vector<16xf32>
    %swap3A_906 = arith.constant 800 : index
    %swap3A_907 = tpu.vector_load %arg7[%swap3A_906] {strides = array<i32>} : memref<1360xf32, #tpu.memory_space<vmem>>, vector<16xf32>,
    tpu.vector_store %arg7[%swap3A_906], %bitcast3A_905 {strides = array<i32>} : memref<1360xf32, #tpu.memory_space<vmem>>, vector<16xf32>,
    %get3A_908 = arith.constant 816 : index
    %get3A_909 = tpu.vector_load %arg7[%get3A_908] {strides = array<i32>} : memref<1360xf32, #tpu.memory_space<vmem>>, vector<16xf32>,
    %bitcast3A_910 = vector.bitcast %get3A_909 : vector<16xf32> to vector<16xi32>
    %add3A_911 = arith.constant 32767 : i32
    %add3A_912 = vector.broadcast %add3A_911 : i32 to vector<16xi32>
    %add3A_913 = arith.addi %bitcast3A_910, %add3A_912 : vector<16xi32>
    %shift_right_arithmetic3A_914 = arith.constant 16 : i32
    %shift_right_arithmetic3A_915 = vector.broadcast %shift_right_arithmetic3A_914 : i32 to vector<16xi32>
    %shift_right_arithmetic3A_916 = arith.shrsi %bitcast3A_910, %shift_right_arithmetic3A_915 : vector<16xi32>
    %and3A_917 = arith.constant 1 : i32
    %and3A_918 = vector.broadcast %and3A_917 : i32 to vector<16xi32>
    %and3A_919 = arith.andi %shift_right_arithmetic3A_916, %and3A_918 : vector<16xi32>
    %add3A_920 = arith.addi %add3A_913, %and3A_919 : vector<16xi32>
    %and3A_921 = arith.constant -65536 : i32
    %and3A_922 = vector.broadcast %and3A_921 : i32 to vector<16xi32>
    %and3A_923 = arith.andi %add3A_920, %and3A_922 : vector<16xi32>
    %bitcast3A_924 = vector.bitcast %and3A_923 : vector<16xi32> to vector<16xf32>
    %swap3A_925 = arith.constant 816 : index
    %swap3A_926 = tpu.vector_load %arg7[%swap3A_925] {strides = array<i32>} : memref<1360xf32, #tpu.memory_space<vmem>>, vector<16xf32>,
    tpu.vector_store %arg7[%swap3A_925], %bitcast3A_924 {strides = array<i32>} : memref<1360xf32, #tpu.memory_space<vmem>>, vector<16xf32>,
    %get3A_927 = arith.constant 832 : index
    %get3A_928 = tpu.vector_load %arg7[%get3A_927] {strides = array<i32>} : memref<1360xf32, #tpu.memory_space<vmem>>, vector<16xf32>,
    %bitcast3A_929 = vector.bitcast %get3A_928 : vector<16xf32> to vector<16xi32>
    %add3A_930 = arith.constant 32767 : i32
    %add3A_931 = vector.broadcast %add3A_930 : i32 to vector<16xi32>
    %add3A_932 = arith.addi %bitcast3A_929, %add3A_931 : vector<16xi32>
    %shift_right_arithmetic3A_933 = arith.constant 16 : i32
    %shift_right_arithmetic3A_934 = vector.broadcast %shift_right_arithmetic3A_933 : i32 to vector<16xi32>
    %shift_right_arithmetic3A_935 = arith.shrsi %bitcast3A_929, %shift_right_arithmetic3A_934 : vector<16xi32>
    %and3A_936 = arith.constant 1 : i32
    %and3A_937 = vector.broadcast %and3A_936 : i32 to vector<16xi32>
    %and3A_938 = arith.andi %shift_right_arithmetic3A_935, %and3A_937 : vector<16xi32>
    %add3A_939 = arith.addi %add3A_932, %and3A_938 : vector<16xi32>
    %and3A_940 = arith.constant -65536 : i32
    %and3A_941 = vector.broadcast %and3A_940 : i32 to vector<16xi32>
    %and3A_942 = arith.andi %add3A_939, %and3A_941 : vector<16xi32>
    %bitcast3A_943 = vector.bitcast %and3A_942 : vector<16xi32> to vector<16xf32>
    %swap3A_944 = arith.constant 832 : index
    %swap3A_945 = tpu.vector_load %arg7[%swap3A_944] {strides = array<i32>} : memref<1360xf32, #tpu.memory_space<vmem>>, vector<16xf32>,
    tpu.vector_store %arg7[%swap3A_944], %bitcast3A_943 {strides = array<i32>} : memref<1360xf32, #tpu.memory_space<vmem>>, vector<16xf32>,
    %get3A_946 = arith.constant 848 : index
    %get3A_947 = tpu.vector_load %arg7[%get3A_946] {strides = array<i32>} : memref<1360xf32, #tpu.memory_space<vmem>>, vector<16xf32>,
    %bitcast3A_948 = vector.bitcast %get3A_947 : vector<16xf32> to vector<16xi32>
    %add3A_949 = arith.constant 32767 : i32
    %add3A_950 = vector.broadcast %add3A_949 : i32 to vector<16xi32>
    %add3A_951 = arith.addi %bitcast3A_948, %add3A_950 : vector<16xi32>
    %shift_right_arithmetic3A_952 = arith.constant 16 : i32
    %shift_right_arithmetic3A_953 = vector.broadcast %shift_right_arithmetic3A_952 : i32 to vector<16xi32>
    %shift_right_arithmetic3A_954 = arith.shrsi %bitcast3A_948, %shift_right_arithmetic3A_953 : vector<16xi32>
    %and3A_955 = arith.constant 1 : i32
    %and3A_956 = vector.broadcast %and3A_955 : i32 to vector<16xi32>
    %and3A_957 = arith.andi %shift_right_arithmetic3A_954, %and3A_956 : vector<16xi32>
    %add3A_958 = arith.addi %add3A_951, %and3A_957 : vector<16xi32>
    %and3A_959 = arith.constant -65536 : i32
    %and3A_960 = vector.broadcast %and3A_959 : i32 to vector<16xi32>
    %and3A_961 = arith.andi %add3A_958, %and3A_960 : vector<16xi32>
    %bitcast3A_962 = vector.bitcast %and3A_961 : vector<16xi32> to vector<16xf32>
    %swap3A_963 = arith.constant 848 : index
    %swap3A_964 = tpu.vector_load %arg7[%swap3A_963] {strides = array<i32>} : memref<1360xf32, #tpu.memory_space<vmem>>, vector<16xf32>,
    tpu.vector_store %arg7[%swap3A_963], %bitcast3A_962 {strides = array<i32>} : memref<1360xf32, #tpu.memory_space<vmem>>, vector<16xf32>,
    %get3A_965 = arith.constant 864 : index
    %get3A_966 = tpu.vector_load %arg7[%get3A_965] {strides = array<i32>} : memref<1360xf32, #tpu.memory_space<vmem>>, vector<16xf32>,
    %bitcast3A_967 = vector.bitcast %get3A_966 : vector<16xf32> to vector<16xi32>
    %add3A_968 = arith.constant 32767 : i32
    %add3A_969 = vector.broadcast %add3A_968 : i32 to vector<16xi32>
    %add3A_970 = arith.addi %bitcast3A_967, %add3A_969 : vector<16xi32>
    %shift_right_arithmetic3A_971 = arith.constant 16 : i32
    %shift_right_arithmetic3A_972 = vector.broadcast %shift_right_arithmetic3A_971 : i32 to vector<16xi32>
    %shift_right_arithmetic3A_973 = arith.shrsi %bitcast3A_967, %shift_right_arithmetic3A_972 : vector<16xi32>
    %and3A_974 = arith.constant 1 : i32
    %and3A_975 = vector.broadcast %and3A_974 : i32 to vector<16xi32>
    %and3A_976 = arith.andi %shift_right_arithmetic3A_973, %and3A_975 : vector<16xi32>
    %add3A_977 = arith.addi %add3A_970, %and3A_976 : vector<16xi32>
    %and3A_978 = arith.constant -65536 : i32
    %and3A_979 = vector.broadcast %and3A_978 : i32 to vector<16xi32>
    %and3A_980 = arith.andi %add3A_977, %and3A_979 : vector<16xi32>
    %bitcast3A_981 = vector.bitcast %and3A_980 : vector<16xi32> to vector<16xf32>
    %swap3A_982 = arith.constant 864 : index
    %swap3A_983 = tpu.vector_load %arg7[%swap3A_982] {strides = array<i32>} : memref<1360xf32, #tpu.memory_space<vmem>>, vector<16xf32>,
    tpu.vector_store %arg7[%swap3A_982], %bitcast3A_981 {strides = array<i32>} : memref<1360xf32, #tpu.memory_space<vmem>>, vector<16xf32>,
    %get3A_984 = arith.constant 880 : index
    %get3A_985 = tpu.vector_load %arg7[%get3A_984] {strides = array<i32>} : memref<1360xf32, #tpu.memory_space<vmem>>, vector<16xf32>,
    %bitcast3A_986 = vector.bitcast %get3A_985 : vector<16xf32> to vector<16xi32>
    %add3A_987 = arith.constant 32767 : i32
    %add3A_988 = vector.broadcast %add3A_987 : i32 to vector<16xi32>
    %add3A_989 = arith.addi %bitcast3A_986, %add3A_988 : vector<16xi32>
    %shift_right_arithmetic3A_990 = arith.constant 16 : i32
    %shift_right_arithmetic3A_991 = vector.broadcast %shift_right_arithmetic3A_990 : i32 to vector<16xi32>
    %shift_right_arithmetic3A_992 = arith.shrsi %bitcast3A_986, %shift_right_arithmetic3A_991 : vector<16xi32>
    %and3A_993 = arith.constant 1 : i32
    %and3A_994 = vector.broadcast %and3A_993 : i32 to vector<16xi32>
    %and3A_995 = arith.andi %shift_right_arithmetic3A_992, %and3A_994 : vector<16xi32>
    %add3A_996 = arith.addi %add3A_989, %and3A_995 : vector<16xi32>
    %and3A_997 = arith.constant -65536 : i32
    %and3A_998 = vector.broadcast %and3A_997 : i32 to vector<16xi32>
    %and3A_999 = arith.andi %add3A_996, %and3A_998 : vector<16xi32>
    %bitcast3A_1000 = vector.bitcast %and3A_999 : vector<16xi32> to vector<16xf32>
    %swap3A_1001 = arith.constant 880 : index
    %swap3A_1002 = tpu.vector_load %arg7[%swap3A_1001] {strides = array<i32>} : memref<1360xf32, #tpu.memory_space<vmem>>, vector<16xf32>,
    tpu.vector_store %arg7[%swap3A_1001], %bitcast3A_1000 {strides = array<i32>} : memref<1360xf32, #tpu.memory_space<vmem>>, vector<16xf32>,
    %get3A_1003 = arith.constant 896 : index
    %get3A_1004 = tpu.vector_load %arg7[%get3A_1003] {strides = array<i32>} : memref<1360xf32, #tpu.memory_space<vmem>>, vector<16xf32>,
    %bitcast3A_1005 = vector.bitcast %get3A_1004 : vector<16xf32> to vector<16xi32>
    %add3A_1006 = arith.constant 32767 : i32
    %add3A_1007 = vector.broadcast %add3A_1006 : i32 to vector<16xi32>
    %add3A_1008 = arith.addi %bitcast3A_1005, %add3A_1007 : vector<16xi32>
    %shift_right_arithmetic3A_1009 = arith.constant 16 : i32
    %shift_right_arithmetic3A_1010 = vector.broadcast %shift_right_arithmetic3A_1009 : i32 to vector<16xi32>
    %shift_right_arithmetic3A_1011 = arith.shrsi %bitcast3A_1005, %shift_right_arithmetic3A_1010 : vector<16xi32>
    %and3A_1012 = arith.constant 1 : i32
    %and3A_1013 = vector.broadcast %and3A_1012 : i32 to vector<16xi32>
    %and3A_1014 = arith.andi %shift_right_arithmetic3A_1011, %and3A_1013 : vector<16xi32>
    %add3A_1015 = arith.addi %add3A_1008, %and3A_1014 : vector<16xi32>
    %and3A_1016 = arith.constant -65536 : i32
    %and3A_1017 = vector.broadcast %and3A_1016 : i32 to vector<16xi32>
    %and3A_1018 = arith.andi %add3A_1015, %and3A_1017 : vector<16xi32>
    %bitcast3A_1019 = vector.bitcast %and3A_1018 : vector<16xi32> to vector<16xf32>
    %swap3A_1020 = arith.constant 896 : index
    %swap3A_1021 = tpu.vector_load %arg7[%swap3A_1020] {strides = array<i32>} : memref<1360xf32, #tpu.memory_space<vmem>>, vector<16xf32>,
    tpu.vector_store %arg7[%swap3A_1020], %bitcast3A_1019 {strides = array<i32>} : memref<1360xf32, #tpu.memory_space<vmem>>, vector<16xf32>,
    %get3A_1022 = arith.constant 912 : index
    %get3A_1023 = tpu.vector_load %arg7[%get3A_1022] {strides = array<i32>} : memref<1360xf32, #tpu.memory_space<vmem>>, vector<16xf32>,
    %bitcast3A_1024 = vector.bitcast %get3A_1023 : vector<16xf32> to vector<16xi32>
    %add3A_1025 = arith.constant 32767 : i32
    %add3A_1026 = vector.broadcast %add3A_1025 : i32 to vector<16xi32>
    %add3A_1027 = arith.addi %bitcast3A_1024, %add3A_1026 : vector<16xi32>
    %shift_right_arithmetic3A_1028 = arith.constant 16 : i32
    %shift_right_arithmetic3A_1029 = vector.broadcast %shift_right_arithmetic3A_1028 : i32 to vector<16xi32>
    %shift_right_arithmetic3A_1030 = arith.shrsi %bitcast3A_1024, %shift_right_arithmetic3A_1029 : vector<16xi32>
    %and3A_1031 = arith.constant 1 : i32
    %and3A_1032 = vector.broadcast %and3A_1031 : i32 to vector<16xi32>
    %and3A_1033 = arith.andi %shift_right_arithmetic3A_1030, %and3A_1032 : vector<16xi32>
    %add3A_1034 = arith.addi %add3A_1027, %and3A_1033 : vector<16xi32>
    %and3A_1035 = arith.constant -65536 : i32
    %and3A_1036 = vector.broadcast %and3A_1035 : i32 to vector<16xi32>
    %and3A_1037 = arith.andi %add3A_1034, %and3A_1036 : vector<16xi32>
    %bitcast3A_1038 = vector.bitcast %and3A_1037 : vector<16xi32> to vector<16xf32>
    %swap3A_1039 = arith.constant 912 : index
    %swap3A_1040 = tpu.vector_load %arg7[%swap3A_1039] {strides = array<i32>} : memref<1360xf32, #tpu.memory_space<vmem>>, vector<16xf32>,
    tpu.vector_store %arg7[%swap3A_1039], %bitcast3A_1038 {strides = array<i32>} : memref<1360xf32, #tpu.memory_space<vmem>>, vector<16xf32>,
    %get3A_1041 = arith.constant 928 : index
    %get3A_1042 = tpu.vector_load %arg7[%get3A_1041] {strides = array<i32>} : memref<1360xf32, #tpu.memory_space<vmem>>, vector<16xf32>,
    %bitcast3A_1043 = vector.bitcast %get3A_1042 : vector<16xf32> to vector<16xi32>
    %add3A_1044 = arith.constant 32767 : i32
    %add3A_1045 = vector.broadcast %add3A_1044 : i32 to vector<16xi32>
    %add3A_1046 = arith.addi %bitcast3A_1043, %add3A_1045 : vector<16xi32>
    %shift_right_arithmetic3A_1047 = arith.constant 16 : i32
    %shift_right_arithmetic3A_1048 = vector.broadcast %shift_right_arithmetic3A_1047 : i32 to vector<16xi32>
    %shift_right_arithmetic3A_1049 = arith.shrsi %bitcast3A_1043, %shift_right_arithmetic3A_1048 : vector<16xi32>
    %and3A_1050 = arith.constant 1 : i32
    %and3A_1051 = vector.broadcast %and3A_1050 : i32 to vector<16xi32>
    %and3A_1052 = arith.andi %shift_right_arithmetic3A_1049, %and3A_1051 : vector<16xi32>
    %add3A_1053 = arith.addi %add3A_1046, %and3A_1052 : vector<16xi32>
    %and3A_1054 = arith.constant -65536 : i32
    %and3A_1055 = vector.broadcast %and3A_1054 : i32 to vector<16xi32>
    %and3A_1056 = arith.andi %add3A_1053, %and3A_1055 : vector<16xi32>
    %bitcast3A_1057 = vector.bitcast %and3A_1056 : vector<16xi32> to vector<16xf32>
    %swap3A_1058 = arith.constant 928 : index
    %swap3A_1059 = tpu.vector_load %arg7[%swap3A_1058] {strides = array<i32>} : memref<1360xf32, #tpu.memory_space<vmem>>, vector<16xf32>,
    tpu.vector_store %arg7[%swap3A_1058], %bitcast3A_1057 {strides = array<i32>} : memref<1360xf32, #tpu.memory_space<vmem>>, vector<16xf32>,
    %get3A_1060 = arith.constant 944 : index
    %get3A_1061 = tpu.vector_load %arg7[%get3A_1060] {strides = array<i32>} : memref<1360xf32, #tpu.memory_space<vmem>>, vector<16xf32>,
    %bitcast3A_1062 = vector.bitcast %get3A_1061 : vector<16xf32> to vector<16xi32>
    %add3A_1063 = arith.constant 32767 : i32
    %add3A_1064 = vector.broadcast %add3A_1063 : i32 to vector<16xi32>
    %add3A_1065 = arith.addi %bitcast3A_1062, %add3A_1064 : vector<16xi32>
    %shift_right_arithmetic3A_1066 = arith.constant 16 : i32
    %shift_right_arithmetic3A_1067 = vector.broadcast %shift_right_arithmetic3A_1066 : i32 to vector<16xi32>
    %shift_right_arithmetic3A_1068 = arith.shrsi %bitcast3A_1062, %shift_right_arithmetic3A_1067 : vector<16xi32>
    %and3A_1069 = arith.constant 1 : i32
    %and3A_1070 = vector.broadcast %and3A_1069 : i32 to vector<16xi32>
    %and3A_1071 = arith.andi %shift_right_arithmetic3A_1068, %and3A_1070 : vector<16xi32>
    %add3A_1072 = arith.addi %add3A_1065, %and3A_1071 : vector<16xi32>
    %and3A_1073 = arith.constant -65536 : i32
    %and3A_1074 = vector.broadcast %and3A_1073 : i32 to vector<16xi32>
    %and3A_1075 = arith.andi %add3A_1072, %and3A_1074 : vector<16xi32>
    %bitcast3A_1076 = vector.bitcast %and3A_1075 : vector<16xi32> to vector<16xf32>
    %swap3A_1077 = arith.constant 944 : index
    %swap3A_1078 = tpu.vector_load %arg7[%swap3A_1077] {strides = array<i32>} : memref<1360xf32, #tpu.memory_space<vmem>>, vector<16xf32>,
    tpu.vector_store %arg7[%swap3A_1077], %bitcast3A_1076 {strides = array<i32>} : memref<1360xf32, #tpu.memory_space<vmem>>, vector<16xf32>,
    %get3A_1079 = arith.constant 960 : index
    %get3A_1080 = tpu.vector_load %arg7[%get3A_1079] {strides = array<i32>} : memref<1360xf32, #tpu.memory_space<vmem>>, vector<16xf32>,
    %bitcast3A_1081 = vector.bitcast %get3A_1080 : vector<16xf32> to vector<16xi32>
    %add3A_1082 = arith.constant 32767 : i32
    %add3A_1083 = vector.broadcast %add3A_1082 : i32 to vector<16xi32>
    %add3A_1084 = arith.addi %bitcast3A_1081, %add3A_1083 : vector<16xi32>
    %shift_right_arithmetic3A_1085 = arith.constant 16 : i32
    %shift_right_arithmetic3A_1086 = vector.broadcast %shift_right_arithmetic3A_1085 : i32 to vector<16xi32>
    %shift_right_arithmetic3A_1087 = arith.shrsi %bitcast3A_1081, %shift_right_arithmetic3A_1086 : vector<16xi32>
    %and3A_1088 = arith.constant 1 : i32
    %and3A_1089 = vector.broadcast %and3A_1088 : i32 to vector<16xi32>
    %and3A_1090 = arith.andi %shift_right_arithmetic3A_1087, %and3A_1089 : vector<16xi32>
    %add3A_1091 = arith.addi %add3A_1084, %and3A_1090 : vector<16xi32>
    %and3A_1092 = arith.constant -65536 : i32
    %and3A_1093 = vector.broadcast %and3A_1092 : i32 to vector<16xi32>
    %and3A_1094 = arith.andi %add3A_1091, %and3A_1093 : vector<16xi32>
    %bitcast3A_1095 = vector.bitcast %and3A_1094 : vector<16xi32> to vector<16xf32>
    %swap3A_1096 = arith.constant 960 : index
    %swap3A_1097 = tpu.vector_load %arg7[%swap3A_1096] {strides = array<i32>} : memref<1360xf32, #tpu.memory_space<vmem>>, vector<16xf32>,
    tpu.vector_store %arg7[%swap3A_1096], %bitcast3A_1095 {strides = array<i32>} : memref<1360xf32, #tpu.memory_space<vmem>>, vector<16xf32>,
    %get3A_1098 = arith.constant 976 : index
    %get3A_1099 = tpu.vector_load %arg7[%get3A_1098] {strides = array<i32>} : memref<1360xf32, #tpu.memory_space<vmem>>, vector<16xf32>,
    %bitcast3A_1100 = vector.bitcast %get3A_1099 : vector<16xf32> to vector<16xi32>
    %add3A_1101 = arith.constant 32767 : i32
    %add3A_1102 = vector.broadcast %add3A_1101 : i32 to vector<16xi32>
    %add3A_1103 = arith.addi %bitcast3A_1100, %add3A_1102 : vector<16xi32>
    %shift_right_arithmetic3A_1104 = arith.constant 16 : i32
    %shift_right_arithmetic3A_1105 = vector.broadcast %shift_right_arithmetic3A_1104 : i32 to vector<16xi32>
    %shift_right_arithmetic3A_1106 = arith.shrsi %bitcast3A_1100, %shift_right_arithmetic3A_1105 : vector<16xi32>
    %and3A_1107 = arith.constant 1 : i32
    %and3A_1108 = vector.broadcast %and3A_1107 : i32 to vector<16xi32>
    %and3A_1109 = arith.andi %shift_right_arithmetic3A_1106, %and3A_1108 : vector<16xi32>
    %add3A_1110 = arith.addi %add3A_1103, %and3A_1109 : vector<16xi32>
    %and3A_1111 = arith.constant -65536 : i32
    %and3A_1112 = vector.broadcast %and3A_1111 : i32 to vector<16xi32>
    %and3A_1113 = arith.andi %add3A_1110, %and3A_1112 : vector<16xi32>
    %bitcast3A_1114 = vector.bitcast %and3A_1113 : vector<16xi32> to vector<16xf32>
    %swap3A_1115 = arith.constant 976 : index
    %swap3A_1116 = tpu.vector_load %arg7[%swap3A_1115] {strides = array<i32>} : memref<1360xf32, #tpu.memory_space<vmem>>, vector<16xf32>,
    tpu.vector_store %arg7[%swap3A_1115], %bitcast3A_1114 {strides = array<i32>} : memref<1360xf32, #tpu.memory_space<vmem>>, vector<16xf32>,
    %get3A_1117 = arith.constant 992 : index
    %get3A_1118 = tpu.vector_load %arg7[%get3A_1117] {strides = array<i32>} : memref<1360xf32, #tpu.memory_space<vmem>>, vector<16xf32>,
    %bitcast3A_1119 = vector.bitcast %get3A_1118 : vector<16xf32> to vector<16xi32>
    %add3A_1120 = arith.constant 32767 : i32
    %add3A_1121 = vector.broadcast %add3A_1120 : i32 to vector<16xi32>
    %add3A_1122 = arith.addi %bitcast3A_1119, %add3A_1121 : vector<16xi32>
    %shift_right_arithmetic3A_1123 = arith.constant 16 : i32
    %shift_right_arithmetic3A_1124 = vector.broadcast %shift_right_arithmetic3A_1123 : i32 to vector<16xi32>
    %shift_right_arithmetic3A_1125 = arith.shrsi %bitcast3A_1119, %shift_right_arithmetic3A_1124 : vector<16xi32>
    %and3A_1126 = arith.constant 1 : i32
    %and3A_1127 = vector.broadcast %and3A_1126 : i32 to vector<16xi32>
    %and3A_1128 = arith.andi %shift_right_arithmetic3A_1125, %and3A_1127 : vector<16xi32>
    %add3A_1129 = arith.addi %add3A_1122, %and3A_1128 : vector<16xi32>
    %and3A_1130 = arith.constant -65536 : i32
    %and3A_1131 = vector.broadcast %and3A_1130 : i32 to vector<16xi32>
    %and3A_1132 = arith.andi %add3A_1129, %and3A_1131 : vector<16xi32>
    %bitcast3A_1133 = vector.bitcast %and3A_1132 : vector<16xi32> to vector<16xf32>
    %swap3A_1134 = arith.constant 992 : index
    %swap3A_1135 = tpu.vector_load %arg7[%swap3A_1134] {strides = array<i32>} : memref<1360xf32, #tpu.memory_space<vmem>>, vector<16xf32>,
    tpu.vector_store %arg7[%swap3A_1134], %bitcast3A_1133 {strides = array<i32>} : memref<1360xf32, #tpu.memory_space<vmem>>, vector<16xf32>,
    %get3A_1136 = arith.constant 1008 : index
    %get3A_1137 = tpu.vector_load %arg7[%get3A_1136] {strides = array<i32>} : memref<1360xf32, #tpu.memory_space<vmem>>, vector<16xf32>,
    %bitcast3A_1138 = vector.bitcast %get3A_1137 : vector<16xf32> to vector<16xi32>
    %add3A_1139 = arith.constant 32767 : i32
    %add3A_1140 = vector.broadcast %add3A_1139 : i32 to vector<16xi32>
    %add3A_1141 = arith.addi %bitcast3A_1138, %add3A_1140 : vector<16xi32>
    %shift_right_arithmetic3A_1142 = arith.constant 16 : i32
    %shift_right_arithmetic3A_1143 = vector.broadcast %shift_right_arithmetic3A_1142 : i32 to vector<16xi32>
    %shift_right_arithmetic3A_1144 = arith.shrsi %bitcast3A_1138, %shift_right_arithmetic3A_1143 : vector<16xi32>
    %and3A_1145 = arith.constant 1 : i32
    %and3A_1146 = vector.broadcast %and3A_1145 : i32 to vector<16xi32>
    %and3A_1147 = arith.andi %shift_right_arithmetic3A_1144, %and3A_1146 : vector<16xi32>
    %add3A_1148 = arith.addi %add3A_1141, %and3A_1147 : vector<16xi32>
    %and3A_1149 = arith.constant -65536 : i32
    %and3A_1150 = vector.broadcast %and3A_1149 : i32 to vector<16xi32>
    %and3A_1151 = arith.andi %add3A_1148, %and3A_1150 : vector<16xi32>
    %bitcast3A_1152 = vector.bitcast %and3A_1151 : vector<16xi32> to vector<16xf32>
    %swap3A_1153 = arith.constant 1008 : index
    %swap3A_1154 = tpu.vector_load %arg7[%swap3A_1153] {strides = array<i32>} : memref<1360xf32, #tpu.memory_space<vmem>>, vector<16xf32>,
    tpu.vector_store %arg7[%swap3A_1153], %bitcast3A_1152 {strides = array<i32>} : memref<1360xf32, #tpu.memory_space<vmem>>, vector<16xf32>,
    %get3A_1155 = arith.constant 1024 : index
    %get3A_1156 = tpu.vector_load %arg7[%get3A_1155] {strides = array<i32>} : memref<1360xf32, #tpu.memory_space<vmem>>, vector<16xf32>,
    %bitcast3A_1157 = vector.bitcast %get3A_1156 : vector<16xf32> to vector<16xi32>
    %add3A_1158 = arith.constant 32767 : i32
    %add3A_1159 = vector.broadcast %add3A_1158 : i32 to vector<16xi32>
    %add3A_1160 = arith.addi %bitcast3A_1157, %add3A_1159 : vector<16xi32>
    %shift_right_arithmetic3A_1161 = arith.constant 16 : i32
    %shift_right_arithmetic3A_1162 = vector.broadcast %shift_right_arithmetic3A_1161 : i32 to vector<16xi32>
    %shift_right_arithmetic3A_1163 = arith.shrsi %bitcast3A_1157, %shift_right_arithmetic3A_1162 : vector<16xi32>
    %and3A_1164 = arith.constant 1 : i32
    %and3A_1165 = vector.broadcast %and3A_1164 : i32 to vector<16xi32>
    %and3A_1166 = arith.andi %shift_right_arithmetic3A_1163, %and3A_1165 : vector<16xi32>
    %add3A_1167 = arith.addi %add3A_1160, %and3A_1166 : vector<16xi32>
    %and3A_1168 = arith.constant -65536 : i32
    %and3A_1169 = vector.broadcast %and3A_1168 : i32 to vector<16xi32>
    %and3A_1170 = arith.andi %add3A_1167, %and3A_1169 : vector<16xi32>
    %bitcast3A_1171 = vector.bitcast %and3A_1170 : vector<16xi32> to vector<16xf32>
    %swap3A_1172 = arith.constant 1024 : index
    %swap3A_1173 = tpu.vector_load %arg7[%swap3A_1172] {strides = array<i32>} : memref<1360xf32, #tpu.memory_space<vmem>>, vector<16xf32>,
    tpu.vector_store %arg7[%swap3A_1172], %bitcast3A_1171 {strides = array<i32>} : memref<1360xf32, #tpu.memory_space<vmem>>, vector<16xf32>,
    %get3A_1174 = arith.constant 1040 : index
    %get3A_1175 = tpu.vector_load %arg7[%get3A_1174] {strides = array<i32>} : memref<1360xf32, #tpu.memory_space<vmem>>, vector<16xf32>,
    %bitcast3A_1176 = vector.bitcast %get3A_1175 : vector<16xf32> to vector<16xi32>
    %add3A_1177 = arith.constant 32767 : i32
    %add3A_1178 = vector.broadcast %add3A_1177 : i32 to vector<16xi32>
    %add3A_1179 = arith.addi %bitcast3A_1176, %add3A_1178 : vector<16xi32>
    %shift_right_arithmetic3A_1180 = arith.constant 16 : i32
    %shift_right_arithmetic3A_1181 = vector.broadcast %shift_right_arithmetic3A_1180 : i32 to vector<16xi32>
    %shift_right_arithmetic3A_1182 = arith.shrsi %bitcast3A_1176, %shift_right_arithmetic3A_1181 : vector<16xi32>
    %and3A_1183 = arith.constant 1 : i32
    %and3A_1184 = vector.broadcast %and3A_1183 : i32 to vector<16xi32>
    %and3A_1185 = arith.andi %shift_right_arithmetic3A_1182, %and3A_1184 : vector<16xi32>
    %add3A_1186 = arith.addi %add3A_1179, %and3A_1185 : vector<16xi32>
    %and3A_1187 = arith.constant -65536 : i32
    %and3A_1188 = vector.broadcast %and3A_1187 : i32 to vector<16xi32>
    %and3A_1189 = arith.andi %add3A_1186, %and3A_1188 : vector<16xi32>
    %bitcast3A_1190 = vector.bitcast %and3A_1189 : vector<16xi32> to vector<16xf32>
    %swap3A_1191 = arith.constant 1040 : index
    %swap3A_1192 = tpu.vector_load %arg7[%swap3A_1191] {strides = array<i32>} : memref<1360xf32, #tpu.memory_space<vmem>>, vector<16xf32>,
    tpu.vector_store %arg7[%swap3A_1191], %bitcast3A_1190 {strides = array<i32>} : memref<1360xf32, #tpu.memory_space<vmem>>, vector<16xf32>,
    %get3A_1193 = arith.constant 1056 : index
    %get3A_1194 = tpu.vector_load %arg7[%get3A_1193] {strides = array<i32>} : memref<1360xf32, #tpu.memory_space<vmem>>, vector<16xf32>,
    %bitcast3A_1195 = vector.bitcast %get3A_1194 : vector<16xf32> to vector<16xi32>
    %add3A_1196 = arith.constant 32767 : i32
    %add3A_1197 = vector.broadcast %add3A_1196 : i32 to vector<16xi32>
    %add3A_1198 = arith.addi %bitcast3A_1195, %add3A_1197 : vector<16xi32>
    %shift_right_arithmetic3A_1199 = arith.constant 16 : i32
    %shift_right_arithmetic3A_1200 = vector.broadcast %shift_right_arithmetic3A_1199 : i32 to vector<16xi32>
    %shift_right_arithmetic3A_1201 = arith.shrsi %bitcast3A_1195, %shift_right_arithmetic3A_1200 : vector<16xi32>
    %and3A_1202 = arith.constant 1 : i32
    %and3A_1203 = vector.broadcast %and3A_1202 : i32 to vector<16xi32>
    %and3A_1204 = arith.andi %shift_right_arithmetic3A_1201, %and3A_1203 : vector<16xi32>
    %add3A_1205 = arith.addi %add3A_1198, %and3A_1204 : vector<16xi32>
    %and3A_1206 = arith.constant -65536 : i32
    %and3A_1207 = vector.broadcast %and3A_1206 : i32 to vector<16xi32>
    %and3A_1208 = arith.andi %add3A_1205, %and3A_1207 : vector<16xi32>
    %bitcast3A_1209 = vector.bitcast %and3A_1208 : vector<16xi32> to vector<16xf32>
    %swap3A_1210 = arith.constant 1056 : index
    %swap3A_1211 = tpu.vector_load %arg7[%swap3A_1210] {strides = array<i32>} : memref<1360xf32, #tpu.memory_space<vmem>>, vector<16xf32>,
    tpu.vector_store %arg7[%swap3A_1210], %bitcast3A_1209 {strides = array<i32>} : memref<1360xf32, #tpu.memory_space<vmem>>, vector<16xf32>,
    %get3A_1212 = arith.constant 1072 : index
    %get3A_1213 = tpu.vector_load %arg7[%get3A_1212] {strides = array<i32>} : memref<1360xf32, #tpu.memory_space<vmem>>, vector<16xf32>,
    %bitcast3A_1214 = vector.bitcast %get3A_1213 : vector<16xf32> to vector<16xi32>
    %add3A_1215 = arith.constant 32767 : i32
    %add3A_1216 = vector.broadcast %add3A_1215 : i32 to vector<16xi32>
    %add3A_1217 = arith.addi %bitcast3A_1214, %add3A_1216 : vector<16xi32>
    %shift_right_arithmetic3A_1218 = arith.constant 16 : i32
    %shift_right_arithmetic3A_1219 = vector.broadcast %shift_right_arithmetic3A_1218 : i32 to vector<16xi32>
    %shift_right_arithmetic3A_1220 = arith.shrsi %bitcast3A_1214, %shift_right_arithmetic3A_1219 : vector<16xi32>
    %and3A_1221 = arith.constant 1 : i32
    %and3A_1222 = vector.broadcast %and3A_1221 : i32 to vector<16xi32>
    %and3A_1223 = arith.andi %shift_right_arithmetic3A_1220, %and3A_1222 : vector<16xi32>
    %add3A_1224 = arith.addi %add3A_1217, %and3A_1223 : vector<16xi32>
    %and3A_1225 = arith.constant -65536 : i32
    %and3A_1226 = vector.broadcast %and3A_1225 : i32 to vector<16xi32>
    %and3A_1227 = arith.andi %add3A_1224, %and3A_1226 : vector<16xi32>
    %bitcast3A_1228 = vector.bitcast %and3A_1227 : vector<16xi32> to vector<16xf32>
    %swap3A_1229 = arith.constant 1072 : index
    %swap3A_1230 = tpu.vector_load %arg7[%swap3A_1229] {strides = array<i32>} : memref<1360xf32, #tpu.memory_space<vmem>>, vector<16xf32>,
    tpu.vector_store %arg7[%swap3A_1229], %bitcast3A_1228 {strides = array<i32>} : memref<1360xf32, #tpu.memory_space<vmem>>, vector<16xf32>,
    %get3A_1231 = arith.constant 1088 : index
    %get3A_1232 = tpu.vector_load %arg7[%get3A_1231] {strides = array<i32>} : memref<1360xf32, #tpu.memory_space<vmem>>, vector<16xf32>,
    %bitcast3A_1233 = vector.bitcast %get3A_1232 : vector<16xf32> to vector<16xi32>
    %add3A_1234 = arith.constant 32767 : i32
    %add3A_1235 = vector.broadcast %add3A_1234 : i32 to vector<16xi32>
    %add3A_1236 = arith.addi %bitcast3A_1233, %add3A_1235 : vector<16xi32>
    %shift_right_arithmetic3A_1237 = arith.constant 16 : i32
    %shift_right_arithmetic3A_1238 = vector.broadcast %shift_right_arithmetic3A_1237 : i32 to vector<16xi32>
    %shift_right_arithmetic3A_1239 = arith.shrsi %bitcast3A_1233, %shift_right_arithmetic3A_1238 : vector<16xi32>
    %and3A_1240 = arith.constant 1 : i32
    %and3A_1241 = vector.broadcast %and3A_1240 : i32 to vector<16xi32>
    %and3A_1242 = arith.andi %shift_right_arithmetic3A_1239, %and3A_1241 : vector<16xi32>
    %add3A_1243 = arith.addi %add3A_1236, %and3A_1242 : vector<16xi32>
    %and3A_1244 = arith.constant -65536 : i32
    %and3A_1245 = vector.broadcast %and3A_1244 : i32 to vector<16xi32>
    %and3A_1246 = arith.andi %add3A_1243, %and3A_1245 : vector<16xi32>
    %bitcast3A_1247 = vector.bitcast %and3A_1246 : vector<16xi32> to vector<16xf32>
    %swap3A_1248 = arith.constant 1088 : index
    %swap3A_1249 = tpu.vector_load %arg7[%swap3A_1248] {strides = array<i32>} : memref<1360xf32, #tpu.memory_space<vmem>>, vector<16xf32>,
    tpu.vector_store %arg7[%swap3A_1248], %bitcast3A_1247 {strides = array<i32>} : memref<1360xf32, #tpu.memory_space<vmem>>, vector<16xf32>,
    %get3A_1250 = arith.constant 1104 : index
    %get3A_1251 = tpu.vector_load %arg7[%get3A_1250] {strides = array<i32>} : memref<1360xf32, #tpu.memory_space<vmem>>, vector<16xf32>,
    %bitcast3A_1252 = vector.bitcast %get3A_1251 : vector<16xf32> to vector<16xi32>
    %add3A_1253 = arith.constant 32767 : i32
    %add3A_1254 = vector.broadcast %add3A_1253 : i32 to vector<16xi32>
    %add3A_1255 = arith.addi %bitcast3A_1252, %add3A_1254 : vector<16xi32>
    %shift_right_arithmetic3A_1256 = arith.constant 16 : i32
    %shift_right_arithmetic3A_1257 = vector.broadcast %shift_right_arithmetic3A_1256 : i32 to vector<16xi32>
    %shift_right_arithmetic3A_1258 = arith.shrsi %bitcast3A_1252, %shift_right_arithmetic3A_1257 : vector<16xi32>
    %and3A_1259 = arith.constant 1 : i32
    %and3A_1260 = vector.broadcast %and3A_1259 : i32 to vector<16xi32>
    %and3A_1261 = arith.andi %shift_right_arithmetic3A_1258, %and3A_1260 : vector<16xi32>
    %add3A_1262 = arith.addi %add3A_1255, %and3A_1261 : vector<16xi32>
    %and3A_1263 = arith.constant -65536 : i32
    %and3A_1264 = vector.broadcast %and3A_1263 : i32 to vector<16xi32>
    %and3A_1265 = arith.andi %add3A_1262, %and3A_1264 : vector<16xi32>
    %bitcast3A_1266 = vector.bitcast %and3A_1265 : vector<16xi32> to vector<16xf32>
    %swap3A_1267 = arith.constant 1104 : index
    %swap3A_1268 = tpu.vector_load %arg7[%swap3A_1267] {strides = array<i32>} : memref<1360xf32, #tpu.memory_space<vmem>>, vector<16xf32>,
    tpu.vector_store %arg7[%swap3A_1267], %bitcast3A_1266 {strides = array<i32>} : memref<1360xf32, #tpu.memory_space<vmem>>, vector<16xf32>,
    %get3A_1269 = arith.constant 1120 : index
    %get3A_1270 = tpu.vector_load %arg7[%get3A_1269] {strides = array<i32>} : memref<1360xf32, #tpu.memory_space<vmem>>, vector<16xf32>,
    %bitcast3A_1271 = vector.bitcast %get3A_1270 : vector<16xf32> to vector<16xi32>
    %add3A_1272 = arith.constant 32767 : i32
    %add3A_1273 = vector.broadcast %add3A_1272 : i32 to vector<16xi32>
    %add3A_1274 = arith.addi %bitcast3A_1271, %add3A_1273 : vector<16xi32>
    %shift_right_arithmetic3A_1275 = arith.constant 16 : i32
    %shift_right_arithmetic3A_1276 = vector.broadcast %shift_right_arithmetic3A_1275 : i32 to vector<16xi32>
    %shift_right_arithmetic3A_1277 = arith.shrsi %bitcast3A_1271, %shift_right_arithmetic3A_1276 : vector<16xi32>
    %and3A_1278 = arith.constant 1 : i32
    %and3A_1279 = vector.broadcast %and3A_1278 : i32 to vector<16xi32>
    %and3A_1280 = arith.andi %shift_right_arithmetic3A_1277, %and3A_1279 : vector<16xi32>
    %add3A_1281 = arith.addi %add3A_1274, %and3A_1280 : vector<16xi32>
    %and3A_1282 = arith.constant -65536 : i32
    %and3A_1283 = vector.broadcast %and3A_1282 : i32 to vector<16xi32>
    %and3A_1284 = arith.andi %add3A_1281, %and3A_1283 : vector<16xi32>
    %bitcast3A_1285 = vector.bitcast %and3A_1284 : vector<16xi32> to vector<16xf32>
    %swap3A_1286 = arith.constant 1120 : index
    %swap3A_1287 = tpu.vector_load %arg7[%swap3A_1286] {strides = array<i32>} : memref<1360xf32, #tpu.memory_space<vmem>>, vector<16xf32>,
    tpu.vector_store %arg7[%swap3A_1286], %bitcast3A_1285 {strides = array<i32>} : memref<1360xf32, #tpu.memory_space<vmem>>, vector<16xf32>,
    %get3A_1288 = arith.constant 1136 : index
    %get3A_1289 = tpu.vector_load %arg7[%get3A_1288] {strides = array<i32>} : memref<1360xf32, #tpu.memory_space<vmem>>, vector<16xf32>,
    %bitcast3A_1290 = vector.bitcast %get3A_1289 : vector<16xf32> to vector<16xi32>
    %add3A_1291 = arith.constant 32767 : i32
    %add3A_1292 = vector.broadcast %add3A_1291 : i32 to vector<16xi32>
    %add3A_1293 = arith.addi %bitcast3A_1290, %add3A_1292 : vector<16xi32>
    %shift_right_arithmetic3A_1294 = arith.constant 16 : i32
    %shift_right_arithmetic3A_1295 = vector.broadcast %shift_right_arithmetic3A_1294 : i32 to vector<16xi32>
    %shift_right_arithmetic3A_1296 = arith.shrsi %bitcast3A_1290, %shift_right_arithmetic3A_1295 : vector<16xi32>
    %and3A_1297 = arith.constant 1 : i32
    %and3A_1298 = vector.broadcast %and3A_1297 : i32 to vector<16xi32>
    %and3A_1299 = arith.andi %shift_right_arithmetic3A_1296, %and3A_1298 : vector<16xi32>
    %add3A_1300 = arith.addi %add3A_1293, %and3A_1299 : vector<16xi32>
    %and3A_1301 = arith.constant -65536 : i32
    %and3A_1302 = vector.broadcast %and3A_1301 : i32 to vector<16xi32>
    %and3A_1303 = arith.andi %add3A_1300, %and3A_1302 : vector<16xi32>
    %bitcast3A_1304 = vector.bitcast %and3A_1303 : vector<16xi32> to vector<16xf32>
    %swap3A_1305 = arith.constant 1136 : index
    %swap3A_1306 = tpu.vector_load %arg7[%swap3A_1305] {strides = array<i32>} : memref<1360xf32, #tpu.memory_space<vmem>>, vector<16xf32>,
    tpu.vector_store %arg7[%swap3A_1305], %bitcast3A_1304 {strides = array<i32>} : memref<1360xf32, #tpu.memory_space<vmem>>, vector<16xf32>,
    %get3A_1307 = arith.constant 1152 : index
    %get3A_1308 = tpu.vector_load %arg7[%get3A_1307] {strides = array<i32>} : memref<1360xf32, #tpu.memory_space<vmem>>, vector<16xf32>,
    %bitcast3A_1309 = vector.bitcast %get3A_1308 : vector<16xf32> to vector<16xi32>
    %add3A_1310 = arith.constant 32767 : i32
    %add3A_1311 = vector.broadcast %add3A_1310 : i32 to vector<16xi32>
    %add3A_1312 = arith.addi %bitcast3A_1309, %add3A_1311 : vector<16xi32>
    %shift_right_arithmetic3A_1313 = arith.constant 16 : i32
    %shift_right_arithmetic3A_1314 = vector.broadcast %shift_right_arithmetic3A_1313 : i32 to vector<16xi32>
    %shift_right_arithmetic3A_1315 = arith.shrsi %bitcast3A_1309, %shift_right_arithmetic3A_1314 : vector<16xi32>
    %and3A_1316 = arith.constant 1 : i32
    %and3A_1317 = vector.broadcast %and3A_1316 : i32 to vector<16xi32>
    %and3A_1318 = arith.andi %shift_right_arithmetic3A_1315, %and3A_1317 : vector<16xi32>
    %add3A_1319 = arith.addi %add3A_1312, %and3A_1318 : vector<16xi32>
    %and3A_1320 = arith.constant -65536 : i32
    %and3A_1321 = vector.broadcast %and3A_1320 : i32 to vector<16xi32>
    %and3A_1322 = arith.andi %add3A_1319, %and3A_1321 : vector<16xi32>
    %bitcast3A_1323 = vector.bitcast %and3A_1322 : vector<16xi32> to vector<16xf32>
    %swap3A_1324 = arith.constant 1152 : index
    %swap3A_1325 = tpu.vector_load %arg7[%swap3A_1324] {strides = array<i32>} : memref<1360xf32, #tpu.memory_space<vmem>>, vector<16xf32>,
    tpu.vector_store %arg7[%swap3A_1324], %bitcast3A_1323 {strides = array<i32>} : memref<1360xf32, #tpu.memory_space<vmem>>, vector<16xf32>,
    %get3A_1326 = arith.constant 1168 : index
    %get3A_1327 = tpu.vector_load %arg7[%get3A_1326] {strides = array<i32>} : memref<1360xf32, #tpu.memory_space<vmem>>, vector<16xf32>,
    %bitcast3A_1328 = vector.bitcast %get3A_1327 : vector<16xf32> to vector<16xi32>
    %add3A_1329 = arith.constant 32767 : i32
    %add3A_1330 = vector.broadcast %add3A_1329 : i32 to vector<16xi32>
    %add3A_1331 = arith.addi %bitcast3A_1328, %add3A_1330 : vector<16xi32>
    %shift_right_arithmetic3A_1332 = arith.constant 16 : i32
    %shift_right_arithmetic3A_1333 = vector.broadcast %shift_right_arithmetic3A_1332 : i32 to vector<16xi32>
    %shift_right_arithmetic3A_1334 = arith.shrsi %bitcast3A_1328, %shift_right_arithmetic3A_1333 : vector<16xi32>
    %and3A_1335 = arith.constant 1 : i32
    %and3A_1336 = vector.broadcast %and3A_1335 : i32 to vector<16xi32>
    %and3A_1337 = arith.andi %shift_right_arithmetic3A_1334, %and3A_1336 : vector<16xi32>
    %add3A_1338 = arith.addi %add3A_1331, %and3A_1337 : vector<16xi32>
    %and3A_1339 = arith.constant -65536 : i32
    %and3A_1340 = vector.broadcast %and3A_1339 : i32 to vector<16xi32>
    %and3A_1341 = arith.andi %add3A_1338, %and3A_1340 : vector<16xi32>
    %bitcast3A_1342 = vector.bitcast %and3A_1341 : vector<16xi32> to vector<16xf32>
    %swap3A_1343 = arith.constant 1168 : index
    %swap3A_1344 = tpu.vector_load %arg7[%swap3A_1343] {strides = array<i32>} : memref<1360xf32, #tpu.memory_space<vmem>>, vector<16xf32>,
    tpu.vector_store %arg7[%swap3A_1343], %bitcast3A_1342 {strides = array<i32>} : memref<1360xf32, #tpu.memory_space<vmem>>, vector<16xf32>,
    %get3A_1345 = arith.constant 1184 : index
    %get3A_1346 = tpu.vector_load %arg7[%get3A_1345] {strides = array<i32>} : memref<1360xf32, #tpu.memory_space<vmem>>, vector<16xf32>,
    %bitcast3A_1347 = vector.bitcast %get3A_1346 : vector<16xf32> to vector<16xi32>
    %add3A_1348 = arith.constant 32767 : i32
    %add3A_1349 = vector.broadcast %add3A_1348 : i32 to vector<16xi32>
    %add3A_1350 = arith.addi %bitcast3A_1347, %add3A_1349 : vector<16xi32>
    %shift_right_arithmetic3A_1351 = arith.constant 16 : i32
    %shift_right_arithmetic3A_1352 = vector.broadcast %shift_right_arithmetic3A_1351 : i32 to vector<16xi32>
    %shift_right_arithmetic3A_1353 = arith.shrsi %bitcast3A_1347, %shift_right_arithmetic3A_1352 : vector<16xi32>
    %and3A_1354 = arith.constant 1 : i32
    %and3A_1355 = vector.broadcast %and3A_1354 : i32 to vector<16xi32>
    %and3A_1356 = arith.andi %shift_right_arithmetic3A_1353, %and3A_1355 : vector<16xi32>
    %add3A_1357 = arith.addi %add3A_1350, %and3A_1356 : vector<16xi32>
    %and3A_1358 = arith.constant -65536 : i32
    %and3A_1359 = vector.broadcast %and3A_1358 : i32 to vector<16xi32>
    %and3A_1360 = arith.andi %add3A_1357, %and3A_1359 : vector<16xi32>
    %bitcast3A_1361 = vector.bitcast %and3A_1360 : vector<16xi32> to vector<16xf32>
    %swap3A_1362 = arith.constant 1184 : index
    %swap3A_1363 = tpu.vector_load %arg7[%swap3A_1362] {strides = array<i32>} : memref<1360xf32, #tpu.memory_space<vmem>>, vector<16xf32>,
    tpu.vector_store %arg7[%swap3A_1362], %bitcast3A_1361 {strides = array<i32>} : memref<1360xf32, #tpu.memory_space<vmem>>, vector<16xf32>,
    %get3A_1364 = arith.constant 1200 : index
    %get3A_1365 = tpu.vector_load %arg7[%get3A_1364] {strides = array<i32>} : memref<1360xf32, #tpu.memory_space<vmem>>, vector<16xf32>,
    %bitcast3A_1366 = vector.bitcast %get3A_1365 : vector<16xf32> to vector<16xi32>
    %add3A_1367 = arith.constant 32767 : i32
    %add3A_1368 = vector.broadcast %add3A_1367 : i32 to vector<16xi32>
    %add3A_1369 = arith.addi %bitcast3A_1366, %add3A_1368 : vector<16xi32>
    %shift_right_arithmetic3A_1370 = arith.constant 16 : i32
    %shift_right_arithmetic3A_1371 = vector.broadcast %shift_right_arithmetic3A_1370 : i32 to vector<16xi32>
    %shift_right_arithmetic3A_1372 = arith.shrsi %bitcast3A_1366, %shift_right_arithmetic3A_1371 : vector<16xi32>
    %and3A_1373 = arith.constant 1 : i32
    %and3A_1374 = vector.broadcast %and3A_1373 : i32 to vector<16xi32>
    %and3A_1375 = arith.andi %shift_right_arithmetic3A_1372, %and3A_1374 : vector<16xi32>
    %add3A_1376 = arith.addi %add3A_1369, %and3A_1375 : vector<16xi32>
    %and3A_1377 = arith.constant -65536 : i32
    %and3A_1378 = vector.broadcast %and3A_1377 : i32 to vector<16xi32>
    %and3A_1379 = arith.andi %add3A_1376, %and3A_1378 : vector<16xi32>
    %bitcast3A_1380 = vector.bitcast %and3A_1379 : vector<16xi32> to vector<16xf32>
    %swap3A_1381 = arith.constant 1200 : index
    %swap3A_1382 = tpu.vector_load %arg7[%swap3A_1381] {strides = array<i32>} : memref<1360xf32, #tpu.memory_space<vmem>>, vector<16xf32>,
    tpu.vector_store %arg7[%swap3A_1381], %bitcast3A_1380 {strides = array<i32>} : memref<1360xf32, #tpu.memory_space<vmem>>, vector<16xf32>,
    %get3A_1383 = arith.constant 1216 : index
    %get3A_1384 = tpu.vector_load %arg7[%get3A_1383] {strides = array<i32>} : memref<1360xf32, #tpu.memory_space<vmem>>, vector<16xf32>,
    %bitcast3A_1385 = vector.bitcast %get3A_1384 : vector<16xf32> to vector<16xi32>
    %add3A_1386 = arith.constant 32767 : i32
    %add3A_1387 = vector.broadcast %add3A_1386 : i32 to vector<16xi32>
    %add3A_1388 = arith.addi %bitcast3A_1385, %add3A_1387 : vector<16xi32>
    %shift_right_arithmetic3A_1389 = arith.constant 16 : i32
    %shift_right_arithmetic3A_1390 = vector.broadcast %shift_right_arithmetic3A_1389 : i32 to vector<16xi32>
    %shift_right_arithmetic3A_1391 = arith.shrsi %bitcast3A_1385, %shift_right_arithmetic3A_1390 : vector<16xi32>
    %and3A_1392 = arith.constant 1 : i32
    %and3A_1393 = vector.broadcast %and3A_1392 : i32 to vector<16xi32>
    %and3A_1394 = arith.andi %shift_right_arithmetic3A_1391, %and3A_1393 : vector<16xi32>
    %add3A_1395 = arith.addi %add3A_1388, %and3A_1394 : vector<16xi32>
    %and3A_1396 = arith.constant -65536 : i32
    %and3A_1397 = vector.broadcast %and3A_1396 : i32 to vector<16xi32>
    %and3A_1398 = arith.andi %add3A_1395, %and3A_1397 : vector<16xi32>
    %bitcast3A_1399 = vector.bitcast %and3A_1398 : vector<16xi32> to vector<16xf32>
    %swap3A_1400 = arith.constant 1216 : index
    %swap3A_1401 = tpu.vector_load %arg7[%swap3A_1400] {strides = array<i32>} : memref<1360xf32, #tpu.memory_space<vmem>>, vector<16xf32>,
    tpu.vector_store %arg7[%swap3A_1400], %bitcast3A_1399 {strides = array<i32>} : memref<1360xf32, #tpu.memory_space<vmem>>, vector<16xf32>,
    %get3A_1402 = arith.constant 1232 : index
    %get3A_1403 = tpu.vector_load %arg7[%get3A_1402] {strides = array<i32>} : memref<1360xf32, #tpu.memory_space<vmem>>, vector<16xf32>,
    %bitcast3A_1404 = vector.bitcast %get3A_1403 : vector<16xf32> to vector<16xi32>
    %add3A_1405 = arith.constant 32767 : i32
    %add3A_1406 = vector.broadcast %add3A_1405 : i32 to vector<16xi32>
    %add3A_1407 = arith.addi %bitcast3A_1404, %add3A_1406 : vector<16xi32>
    %shift_right_arithmetic3A_1408 = arith.constant 16 : i32
    %shift_right_arithmetic3A_1409 = vector.broadcast %shift_right_arithmetic3A_1408 : i32 to vector<16xi32>
    %shift_right_arithmetic3A_1410 = arith.shrsi %bitcast3A_1404, %shift_right_arithmetic3A_1409 : vector<16xi32>
    %and3A_1411 = arith.constant 1 : i32
    %and3A_1412 = vector.broadcast %and3A_1411 : i32 to vector<16xi32>
    %and3A_1413 = arith.andi %shift_right_arithmetic3A_1410, %and3A_1412 : vector<16xi32>
    %add3A_1414 = arith.addi %add3A_1407, %and3A_1413 : vector<16xi32>
    %and3A_1415 = arith.constant -65536 : i32
    %and3A_1416 = vector.broadcast %and3A_1415 : i32 to vector<16xi32>
    %and3A_1417 = arith.andi %add3A_1414, %and3A_1416 : vector<16xi32>
    %bitcast3A_1418 = vector.bitcast %and3A_1417 : vector<16xi32> to vector<16xf32>
    %swap3A_1419 = arith.constant 1232 : index
    %swap3A_1420 = tpu.vector_load %arg7[%swap3A_1419] {strides = array<i32>} : memref<1360xf32, #tpu.memory_space<vmem>>, vector<16xf32>,
    tpu.vector_store %arg7[%swap3A_1419], %bitcast3A_1418 {strides = array<i32>} : memref<1360xf32, #tpu.memory_space<vmem>>, vector<16xf32>,
    %get3A_1421 = arith.constant 1248 : index
    %get3A_1422 = tpu.vector_load %arg7[%get3A_1421] {strides = array<i32>} : memref<1360xf32, #tpu.memory_space<vmem>>, vector<16xf32>,
    %bitcast3A_1423 = vector.bitcast %get3A_1422 : vector<16xf32> to vector<16xi32>
    %add3A_1424 = arith.constant 32767 : i32
    %add3A_1425 = vector.broadcast %add3A_1424 : i32 to vector<16xi32>
    %add3A_1426 = arith.addi %bitcast3A_1423, %add3A_1425 : vector<16xi32>
    %shift_right_arithmetic3A_1427 = arith.constant 16 : i32
    %shift_right_arithmetic3A_1428 = vector.broadcast %shift_right_arithmetic3A_1427 : i32 to vector<16xi32>
    %shift_right_arithmetic3A_1429 = arith.shrsi %bitcast3A_1423, %shift_right_arithmetic3A_1428 : vector<16xi32>
    %and3A_1430 = arith.constant 1 : i32
    %and3A_1431 = vector.broadcast %and3A_1430 : i32 to vector<16xi32>
    %and3A_1432 = arith.andi %shift_right_arithmetic3A_1429, %and3A_1431 : vector<16xi32>
    %add3A_1433 = arith.addi %add3A_1426, %and3A_1432 : vector<16xi32>
    %and3A_1434 = arith.constant -65536 : i32
    %and3A_1435 = vector.broadcast %and3A_1434 : i32 to vector<16xi32>
    %and3A_1436 = arith.andi %add3A_1433, %and3A_1435 : vector<16xi32>
    %bitcast3A_1437 = vector.bitcast %and3A_1436 : vector<16xi32> to vector<16xf32>
    %swap3A_1438 = arith.constant 1248 : index
    %swap3A_1439 = tpu.vector_load %arg7[%swap3A_1438] {strides = array<i32>} : memref<1360xf32, #tpu.memory_space<vmem>>, vector<16xf32>,
    tpu.vector_store %arg7[%swap3A_1438], %bitcast3A_1437 {strides = array<i32>} : memref<1360xf32, #tpu.memory_space<vmem>>, vector<16xf32>,
    %get3A_1440 = arith.constant 1264 : index
    %get3A_1441 = tpu.vector_load %arg7[%get3A_1440] {strides = array<i32>} : memref<1360xf32, #tpu.memory_space<vmem>>, vector<16xf32>,
    %bitcast3A_1442 = vector.bitcast %get3A_1441 : vector<16xf32> to vector<16xi32>
    %add3A_1443 = arith.constant 32767 : i32
    %add3A_1444 = vector.broadcast %add3A_1443 : i32 to vector<16xi32>
    %add3A_1445 = arith.addi %bitcast3A_1442, %add3A_1444 : vector<16xi32>
    %shift_right_arithmetic3A_1446 = arith.constant 16 : i32
    %shift_right_arithmetic3A_1447 = vector.broadcast %shift_right_arithmetic3A_1446 : i32 to vector<16xi32>
    %shift_right_arithmetic3A_1448 = arith.shrsi %bitcast3A_1442, %shift_right_arithmetic3A_1447 : vector<16xi32>
    %and3A_1449 = arith.constant 1 : i32
    %and3A_1450 = vector.broadcast %and3A_1449 : i32 to vector<16xi32>
    %and3A_1451 = arith.andi %shift_right_arithmetic3A_1448, %and3A_1450 : vector<16xi32>
    %add3A_1452 = arith.addi %add3A_1445, %and3A_1451 : vector<16xi32>
    %and3A_1453 = arith.constant -65536 : i32
    %and3A_1454 = vector.broadcast %and3A_1453 : i32 to vector<16xi32>
    %and3A_1455 = arith.andi %add3A_1452, %and3A_1454 : vector<16xi32>
    %bitcast3A_1456 = vector.bitcast %and3A_1455 : vector<16xi32> to vector<16xf32>
    %swap3A_1457 = arith.constant 1264 : index
    %swap3A_1458 = tpu.vector_load %arg7[%swap3A_1457] {strides = array<i32>} : memref<1360xf32, #tpu.memory_space<vmem>>, vector<16xf32>,
    tpu.vector_store %arg7[%swap3A_1457], %bitcast3A_1456 {strides = array<i32>} : memref<1360xf32, #tpu.memory_space<vmem>>, vector<16xf32>,
    %get3A_1459 = arith.constant 1280 : index
    %get3A_1460 = tpu.vector_load %arg7[%get3A_1459] {strides = array<i32>} : memref<1360xf32, #tpu.memory_space<vmem>>, vector<16xf32>,
    %bitcast3A_1461 = vector.bitcast %get3A_1460 : vector<16xf32> to vector<16xi32>
    %add3A_1462 = arith.constant 32767 : i32
    %add3A_1463 = vector.broadcast %add3A_1462 : i32 to vector<16xi32>
    %add3A_1464 = arith.addi %bitcast3A_1461, %add3A_1463 : vector<16xi32>
    %shift_right_arithmetic3A_1465 = arith.constant 16 : i32
    %shift_right_arithmetic3A_1466 = vector.broadcast %shift_right_arithmetic3A_1465 : i32 to vector<16xi32>
    %shift_right_arithmetic3A_1467 = arith.shrsi %bitcast3A_1461, %shift_right_arithmetic3A_1466 : vector<16xi32>
    %and3A_1468 = arith.constant 1 : i32
    %and3A_1469 = vector.broadcast %and3A_1468 : i32 to vector<16xi32>
    %and3A_1470 = arith.andi %shift_right_arithmetic3A_1467, %and3A_1469 : vector<16xi32>
    %add3A_1471 = arith.addi %add3A_1464, %and3A_1470 : vector<16xi32>
    %and3A_1472 = arith.constant -65536 : i32
    %and3A_1473 = vector.broadcast %and3A_1472 : i32 to vector<16xi32>
    %and3A_1474 = arith.andi %add3A_1471, %and3A_1473 : vector<16xi32>
    %bitcast3A_1475 = vector.bitcast %and3A_1474 : vector<16xi32> to vector<16xf32>
    %swap3A_1476 = arith.constant 1280 : index
    %swap3A_1477 = tpu.vector_load %arg7[%swap3A_1476] {strides = array<i32>} : memref<1360xf32, #tpu.memory_space<vmem>>, vector<16xf32>,
    tpu.vector_store %arg7[%swap3A_1476], %bitcast3A_1475 {strides = array<i32>} : memref<1360xf32, #tpu.memory_space<vmem>>, vector<16xf32>,
    %get3A_1478 = arith.constant 1296 : index
    %get3A_1479 = tpu.vector_load %arg7[%get3A_1478] {strides = array<i32>} : memref<1360xf32, #tpu.memory_space<vmem>>, vector<16xf32>,
    %bitcast3A_1480 = vector.bitcast %get3A_1479 : vector<16xf32> to vector<16xi32>
    %add3A_1481 = arith.constant 32767 : i32
    %add3A_1482 = vector.broadcast %add3A_1481 : i32 to vector<16xi32>
    %add3A_1483 = arith.addi %bitcast3A_1480, %add3A_1482 : vector<16xi32>
    %shift_right_arithmetic3A_1484 = arith.constant 16 : i32
    %shift_right_arithmetic3A_1485 = vector.broadcast %shift_right_arithmetic3A_1484 : i32 to vector<16xi32>
    %shift_right_arithmetic3A_1486 = arith.shrsi %bitcast3A_1480, %shift_right_arithmetic3A_1485 : vector<16xi32>
    %and3A_1487 = arith.constant 1 : i32
    %and3A_1488 = vector.broadcast %and3A_1487 : i32 to vector<16xi32>
    %and3A_1489 = arith.andi %shift_right_arithmetic3A_1486, %and3A_1488 : vector<16xi32>
    %add3A_1490 = arith.addi %add3A_1483, %and3A_1489 : vector<16xi32>
    %and3A_1491 = arith.constant -65536 : i32
    %and3A_1492 = vector.broadcast %and3A_1491 : i32 to vector<16xi32>
    %and3A_1493 = arith.andi %add3A_1490, %and3A_1492 : vector<16xi32>
    %bitcast3A_1494 = vector.bitcast %and3A_1493 : vector<16xi32> to vector<16xf32>
    %swap3A_1495 = arith.constant 1296 : index
    %swap3A_1496 = tpu.vector_load %arg7[%swap3A_1495] {strides = array<i32>} : memref<1360xf32, #tpu.memory_space<vmem>>, vector<16xf32>,
    tpu.vector_store %arg7[%swap3A_1495], %bitcast3A_1494 {strides = array<i32>} : memref<1360xf32, #tpu.memory_space<vmem>>, vector<16xf32>,
    %get3A_1497 = arith.constant 1312 : index
    %get3A_1498 = tpu.vector_load %arg7[%get3A_1497] {strides = array<i32>} : memref<1360xf32, #tpu.memory_space<vmem>>, vector<16xf32>,
    %bitcast3A_1499 = vector.bitcast %get3A_1498 : vector<16xf32> to vector<16xi32>
    %add3A_1500 = arith.constant 32767 : i32
    %add3A_1501 = vector.broadcast %add3A_1500 : i32 to vector<16xi32>
    %add3A_1502 = arith.addi %bitcast3A_1499, %add3A_1501 : vector<16xi32>
    %shift_right_arithmetic3A_1503 = arith.constant 16 : i32
    %shift_right_arithmetic3A_1504 = vector.broadcast %shift_right_arithmetic3A_1503 : i32 to vector<16xi32>
    %shift_right_arithmetic3A_1505 = arith.shrsi %bitcast3A_1499, %shift_right_arithmetic3A_1504 : vector<16xi32>
    %and3A_1506 = arith.constant 1 : i32
    %and3A_1507 = vector.broadcast %and3A_1506 : i32 to vector<16xi32>
    %and3A_1508 = arith.andi %shift_right_arithmetic3A_1505, %and3A_1507 : vector<16xi32>
    %add3A_1509 = arith.addi %add3A_1502, %and3A_1508 : vector<16xi32>
    %and3A_1510 = arith.constant -65536 : i32
    %and3A_1511 = vector.broadcast %and3A_1510 : i32 to vector<16xi32>
    %and3A_1512 = arith.andi %add3A_1509, %and3A_1511 : vector<16xi32>
    %bitcast3A_1513 = vector.bitcast %and3A_1512 : vector<16xi32> to vector<16xf32>
    %swap3A_1514 = arith.constant 1312 : index
    %swap3A_1515 = tpu.vector_load %arg7[%swap3A_1514] {strides = array<i32>} : memref<1360xf32, #tpu.memory_space<vmem>>, vector<16xf32>,
    tpu.vector_store %arg7[%swap3A_1514], %bitcast3A_1513 {strides = array<i32>} : memref<1360xf32, #tpu.memory_space<vmem>>, vector<16xf32>,
    %get3A_1516 = arith.constant 1328 : index
    %get3A_1517 = tpu.vector_load %arg7[%get3A_1516] {strides = array<i32>} : memref<1360xf32, #tpu.memory_space<vmem>>, vector<16xf32>,
    %bitcast3A_1518 = vector.bitcast %get3A_1517 : vector<16xf32> to vector<16xi32>
    %add3A_1519 = arith.constant 32767 : i32
    %add3A_1520 = vector.broadcast %add3A_1519 : i32 to vector<16xi32>
    %add3A_1521 = arith.addi %bitcast3A_1518, %add3A_1520 : vector<16xi32>
    %shift_right_arithmetic3A_1522 = arith.constant 16 : i32
    %shift_right_arithmetic3A_1523 = vector.broadcast %shift_right_arithmetic3A_1522 : i32 to vector<16xi32>
    %shift_right_arithmetic3A_1524 = arith.shrsi %bitcast3A_1518, %shift_right_arithmetic3A_1523 : vector<16xi32>
    %and3A_1525 = arith.constant 1 : i32
    %and3A_1526 = vector.broadcast %and3A_1525 : i32 to vector<16xi32>
    %and3A_1527 = arith.andi %shift_right_arithmetic3A_1524, %and3A_1526 : vector<16xi32>
    %add3A_1528 = arith.addi %add3A_1521, %and3A_1527 : vector<16xi32>
    %and3A_1529 = arith.constant -65536 : i32
    %and3A_1530 = vector.broadcast %and3A_1529 : i32 to vector<16xi32>
    %and3A_1531 = arith.andi %add3A_1528, %and3A_1530 : vector<16xi32>
    %bitcast3A_1532 = vector.bitcast %and3A_1531 : vector<16xi32> to vector<16xf32>
    %swap3A_1533 = arith.constant 1328 : index
    %swap3A_1534 = tpu.vector_load %arg7[%swap3A_1533] {strides = array<i32>} : memref<1360xf32, #tpu.memory_space<vmem>>, vector<16xf32>,
    tpu.vector_store %arg7[%swap3A_1533], %bitcast3A_1532 {strides = array<i32>} : memref<1360xf32, #tpu.memory_space<vmem>>, vector<16xf32>,
    %iota3A = tpu.iota {dimensions = array<i32: 0>} : vector<16xi32>
    %broadcast_in_dim3A = arith.constant 0.000000e+00 : f32
    %broadcast_in_dim3A_1535 = vector.broadcast %broadcast_in_dim3A : f32 to vector<16xf32>
    %broadcast_in_dim3A_1536 = arith.constant 0x7F800000 : f32
    %broadcast_in_dim3A_1537 = vector.broadcast %broadcast_in_dim3A_1536 : f32 to vector<16xf32>
    %broadcast_in_dim3A_1538 = arith.constant 0xFF800000 : f32
    %broadcast_in_dim3A_1539 = vector.broadcast %broadcast_in_dim3A_1538 : f32 to vector<16xf32>
    %dma_start3A_1540 = tpu.memref_slice %arg2[%add3A_6] : memref<16777216xf32, #tpu.memory_space<hbm>> -> memref<32768xf32, #tpu.memory_space<hbm>>
    %dma_start3A_1541 = tpu.memref_slice %arg2[%add3A_6] : memref<16777216xf32, #tpu.memory_space<hbm>> -> memref<32768xf32, #tpu.memory_space<hbm>>
    tpu.enqueue_dma source(%dma_start3A_1541 : memref<32768xf32, #tpu.memory_space<hbm>>) target(%arg6 : memref<32768xf32, #tpu.memory_space<vmem>>) target_semaphore(%arg10 : memref<!tpu.dma_semaphore, #tpu.memory_space<semaphore_mem>>)
    %dma_wait3A = tpu.memref_slice %arg2[%add3A_4] : memref<16777216xf32, #tpu.memory_space<hbm>> -> memref<32768xf32, #tpu.memory_space<hbm>>
    %dma_wait3A_1542 = tpu.memref_slice %arg2[%add3A_4] : memref<16777216xf32, #tpu.memory_space<hbm>> -> memref<32768xf32, #tpu.memory_space<hbm>>
    tpu.wait_dma2 semaphore(%arg9 : memref<!tpu.dma_semaphore, #tpu.memory_space<semaphore_mem>>) src(%dma_wait3A_1542 : memref<32768xf32, #tpu.memory_space<hbm>>) dst(%arg5 : memref<32768xf32, #tpu.memory_space<vmem>>)
    %parallel_loop3A = arith.constant 0 : i32
    %parallel_loop3A_1543 = arith.constant 32768 : i32
    %parallel_loop3A_1544 = arith.constant 64 : i32
    %parallel_loop3A_1545:16 = scf.for %parallel_loop3A_3219 = %parallel_loop3A to %parallel_loop3A_1543 step %parallel_loop3A_1544 iter_args(%parallel_loop3A_3220 = %broadcast_in_dim3A_1535, %parallel_loop3A_3221 = %broadcast_in_dim3A_1535, %parallel_loop3A_3222 = %broadcast_in_dim3A_1535, %parallel_loop3A_3223 = %broadcast_in_dim3A_1535, %parallel_loop3A_3224 = %broadcast_in_dim3A_1535, %parallel_loop3A_3225 = %broadcast_in_dim3A_1535, %parallel_loop3A_3226 = %broadcast_in_dim3A_1535, %parallel_loop3A_3227 = %broadcast_in_dim3A_1535, %parallel_loop3A_3228 = %broadcast_in_dim3A_1537, %parallel_loop3A_3229 = %broadcast_in_dim3A_1537, %parallel_loop3A_3230 = %broadcast_in_dim3A_1537, %parallel_loop3A_3231 = %broadcast_in_dim3A_1537, %parallel_loop3A_3232 = %broadcast_in_dim3A_1539, %parallel_loop3A_3233 = %broadcast_in_dim3A_1539, %parallel_loop3A_3234 = %broadcast_in_dim3A_1539, %parallel_loop3A_3235 = %broadcast_in_dim3A_1539) -> (vector<16xf32>, vector<16xf32>, vector<16xf32>, vector<16xf32>, vector<16xf32>, vector<16xf32>, vector<16xf32>, vector<16xf32>, vector<16xf32>, vector<16xf32>, vector<16xf32>, vector<16xf32>, vector<16xf32>, vector<16xf32>, vector<16xf32>, vector<16xf32>)  : i32 {
      %parallel_loop3A_3236 = arith.constant 0 : i32
      %parallel_loop3A_3237 = arith.addi %parallel_loop3A_3219, %parallel_loop3A_3236 : i32
      %parallel_loop3A_3238 = arith.index_cast %parallel_loop3A_3237 : i32 to index
      %parallel_loop3A_3239 = tpu.vector_load %arg5[%parallel_loop3A_3238] {strides = array<i32>} : memref<32768xf32, #tpu.memory_space<vmem>>, vector<16xf32>,
      %parallel_loop3A_3240 = arith.addf %parallel_loop3A_3220, %parallel_loop3A_3239 : vector<16xf32>
      %parallel_loop3A_3241 = arith.mulf %parallel_loop3A_3239, %parallel_loop3A_3239 : vector<16xf32>
      %parallel_loop3A_3242 = arith.addf %parallel_loop3A_3224, %parallel_loop3A_3241 : vector<16xf32>
      %parallel_loop3A_3243 = arith.minimumf %parallel_loop3A_3228, %parallel_loop3A_3239 : vector<16xf32>
      %parallel_loop3A_3244 = arith.maximumf %parallel_loop3A_3232, %parallel_loop3A_3239 : vector<16xf32>
      %parallel_loop3A_3245 = arith.constant 16 : i32
      %parallel_loop3A_3246 = arith.addi %parallel_loop3A_3219, %parallel_loop3A_3245 : i32
      %parallel_loop3A_3247 = arith.index_cast %parallel_loop3A_3246 : i32 to index
      %parallel_loop3A_3248 = tpu.vector_load %arg5[%parallel_loop3A_3247] {strides = array<i32>} : memref<32768xf32, #tpu.memory_space<vmem>>, vector<16xf32>,
      %parallel_loop3A_3249 = arith.addf %parallel_loop3A_3221, %parallel_loop3A_3248 : vector<16xf32>
      %parallel_loop3A_3250 = arith.mulf %parallel_loop3A_3248, %parallel_loop3A_3248 : vector<16xf32>
      %parallel_loop3A_3251 = arith.addf %parallel_loop3A_3225, %parallel_loop3A_3250 : vector<16xf32>
      %parallel_loop3A_3252 = arith.minimumf %parallel_loop3A_3229, %parallel_loop3A_3248 : vector<16xf32>
      %parallel_loop3A_3253 = arith.maximumf %parallel_loop3A_3233, %parallel_loop3A_3248 : vector<16xf32>
      %parallel_loop3A_3254 = arith.constant 32 : i32
      %parallel_loop3A_3255 = arith.addi %parallel_loop3A_3219, %parallel_loop3A_3254 : i32
      %parallel_loop3A_3256 = arith.index_cast %parallel_loop3A_3255 : i32 to index
      %parallel_loop3A_3257 = tpu.vector_load %arg5[%parallel_loop3A_3256] {strides = array<i32>} : memref<32768xf32, #tpu.memory_space<vmem>>, vector<16xf32>,
      %parallel_loop3A_3258 = arith.addf %parallel_loop3A_3222, %parallel_loop3A_3257 : vector<16xf32>
      %parallel_loop3A_3259 = arith.mulf %parallel_loop3A_3257, %parallel_loop3A_3257 : vector<16xf32>
      %parallel_loop3A_3260 = arith.addf %parallel_loop3A_3226, %parallel_loop3A_3259 : vector<16xf32>
      %parallel_loop3A_3261 = arith.minimumf %parallel_loop3A_3230, %parallel_loop3A_3257 : vector<16xf32>
      %parallel_loop3A_3262 = arith.maximumf %parallel_loop3A_3234, %parallel_loop3A_3257 : vector<16xf32>
      %parallel_loop3A_3263 = arith.constant 48 : i32
      %parallel_loop3A_3264 = arith.addi %parallel_loop3A_3219, %parallel_loop3A_3263 : i32
      %parallel_loop3A_3265 = arith.index_cast %parallel_loop3A_3264 : i32 to index
      %parallel_loop3A_3266 = tpu.vector_load %arg5[%parallel_loop3A_3265] {strides = array<i32>} : memref<32768xf32, #tpu.memory_space<vmem>>, vector<16xf32>,
      %parallel_loop3A_3267 = arith.addf %parallel_loop3A_3223, %parallel_loop3A_3266 : vector<16xf32>
      %parallel_loop3A_3268 = arith.mulf %parallel_loop3A_3266, %parallel_loop3A_3266 : vector<16xf32>
      %parallel_loop3A_3269 = arith.addf %parallel_loop3A_3227, %parallel_loop3A_3268 : vector<16xf32>
      %parallel_loop3A_3270 = arith.minimumf %parallel_loop3A_3231, %parallel_loop3A_3266 : vector<16xf32>
      %parallel_loop3A_3271 = arith.maximumf %parallel_loop3A_3235, %parallel_loop3A_3266 : vector<16xf32>
      scf.yield %parallel_loop3A_3240, %parallel_loop3A_3249, %parallel_loop3A_3258, %parallel_loop3A_3267, %parallel_loop3A_3242, %parallel_loop3A_3251, %parallel_loop3A_3260, %parallel_loop3A_3269, %parallel_loop3A_3243, %parallel_loop3A_3252, %parallel_loop3A_3261, %parallel_loop3A_3270, %parallel_loop3A_3244, %parallel_loop3A_3253, %parallel_loop3A_3262, %parallel_loop3A_3271 : vector<16xf32>, vector<16xf32>, vector<16xf32>, vector<16xf32>, vector<16xf32>, vector<16xf32>, vector<16xf32>, vector<16xf32>, vector<16xf32>, vector<16xf32>, vector<16xf32>, vector<16xf32>, vector<16xf32>, vector<16xf32>, vector<16xf32>, vector<16xf32>
    } {sc.loop_unroll_factor = 4 : i64, sc.parallel_access}
    %dma_start3A_1546 = tpu.memref_slice %arg2[%add3A_8] : memref<16777216xf32, #tpu.memory_space<hbm>> -> memref<32768xf32, #tpu.memory_space<hbm>>
    %dma_start3A_1547 = tpu.memref_slice %arg2[%add3A_8] : memref<16777216xf32, #tpu.memory_space<hbm>> -> memref<32768xf32, #tpu.memory_space<hbm>>
    tpu.enqueue_dma source(%dma_start3A_1547 : memref<32768xf32, #tpu.memory_space<hbm>>) target(%arg5 : memref<32768xf32, #tpu.memory_space<vmem>>) target_semaphore(%arg9 : memref<!tpu.dma_semaphore, #tpu.memory_space<semaphore_mem>>)
    %dma_wait3A_1548 = tpu.memref_slice %arg2[%add3A_6] : memref<16777216xf32, #tpu.memory_space<hbm>> -> memref<32768xf32, #tpu.memory_space<hbm>>
    %dma_wait3A_1549 = tpu.memref_slice %arg2[%add3A_6] : memref<16777216xf32, #tpu.memory_space<hbm>> -> memref<32768xf32, #tpu.memory_space<hbm>>
    tpu.wait_dma2 semaphore(%arg10 : memref<!tpu.dma_semaphore, #tpu.memory_space<semaphore_mem>>) src(%dma_wait3A_1549 : memref<32768xf32, #tpu.memory_space<hbm>>) dst(%arg6 : memref<32768xf32, #tpu.memory_space<vmem>>)
    %parallel_loop3A_1550 = arith.constant 0 : i32
    %parallel_loop3A_1551 = arith.constant 32768 : i32
    %parallel_loop3A_1552 = arith.constant 64 : i32
    %parallel_loop3A_1553:16 = scf.for %parallel_loop3A_3219 = %parallel_loop3A_1550 to %parallel_loop3A_1551 step %parallel_loop3A_1552 iter_args(%parallel_loop3A_3220 = %parallel_loop3A_1545#0, %parallel_loop3A_3221 = %parallel_loop3A_1545#1, %parallel_loop3A_3222 = %parallel_loop3A_1545#2, %parallel_loop3A_3223 = %parallel_loop3A_1545#3, %parallel_loop3A_3224 = %parallel_loop3A_1545#4, %parallel_loop3A_3225 = %parallel_loop3A_1545#5, %parallel_loop3A_3226 = %parallel_loop3A_1545#6, %parallel_loop3A_3227 = %parallel_loop3A_1545#7, %parallel_loop3A_3228 = %parallel_loop3A_1545#8, %parallel_loop3A_3229 = %parallel_loop3A_1545#9, %parallel_loop3A_3230 = %parallel_loop3A_1545#10, %parallel_loop3A_3231 = %parallel_loop3A_1545#11, %parallel_loop3A_3232 = %parallel_loop3A_1545#12, %parallel_loop3A_3233 = %parallel_loop3A_1545#13, %parallel_loop3A_3234 = %parallel_loop3A_1545#14, %parallel_loop3A_3235 = %parallel_loop3A_1545#15) -> (vector<16xf32>, vector<16xf32>, vector<16xf32>, vector<16xf32>, vector<16xf32>, vector<16xf32>, vector<16xf32>, vector<16xf32>, vector<16xf32>, vector<16xf32>, vector<16xf32>, vector<16xf32>, vector<16xf32>, vector<16xf32>, vector<16xf32>, vector<16xf32>)  : i32 {
      %parallel_loop3A_3236 = arith.constant 0 : i32
      %parallel_loop3A_3237 = arith.addi %parallel_loop3A_3219, %parallel_loop3A_3236 : i32
      %parallel_loop3A_3238 = arith.index_cast %parallel_loop3A_3237 : i32 to index
      %parallel_loop3A_3239 = tpu.vector_load %arg6[%parallel_loop3A_3238] {strides = array<i32>} : memref<32768xf32, #tpu.memory_space<vmem>>, vector<16xf32>,
      %parallel_loop3A_3240 = arith.addf %parallel_loop3A_3220, %parallel_loop3A_3239 : vector<16xf32>
      %parallel_loop3A_3241 = arith.mulf %parallel_loop3A_3239, %parallel_loop3A_3239 : vector<16xf32>
      %parallel_loop3A_3242 = arith.addf %parallel_loop3A_3224, %parallel_loop3A_3241 : vector<16xf32>
      %parallel_loop3A_3243 = arith.minimumf %parallel_loop3A_3228, %parallel_loop3A_3239 : vector<16xf32>
      %parallel_loop3A_3244 = arith.maximumf %parallel_loop3A_3232, %parallel_loop3A_3239 : vector<16xf32>
      %parallel_loop3A_3245 = arith.constant 16 : i32
      %parallel_loop3A_3246 = arith.addi %parallel_loop3A_3219, %parallel_loop3A_3245 : i32
      %parallel_loop3A_3247 = arith.index_cast %parallel_loop3A_3246 : i32 to index
      %parallel_loop3A_3248 = tpu.vector_load %arg6[%parallel_loop3A_3247] {strides = array<i32>} : memref<32768xf32, #tpu.memory_space<vmem>>, vector<16xf32>,
      %parallel_loop3A_3249 = arith.addf %parallel_loop3A_3221, %parallel_loop3A_3248 : vector<16xf32>
      %parallel_loop3A_3250 = arith.mulf %parallel_loop3A_3248, %parallel_loop3A_3248 : vector<16xf32>
      %parallel_loop3A_3251 = arith.addf %parallel_loop3A_3225, %parallel_loop3A_3250 : vector<16xf32>
      %parallel_loop3A_3252 = arith.minimumf %parallel_loop3A_3229, %parallel_loop3A_3248 : vector<16xf32>
      %parallel_loop3A_3253 = arith.maximumf %parallel_loop3A_3233, %parallel_loop3A_3248 : vector<16xf32>
      %parallel_loop3A_3254 = arith.constant 32 : i32
      %parallel_loop3A_3255 = arith.addi %parallel_loop3A_3219, %parallel_loop3A_3254 : i32
      %parallel_loop3A_3256 = arith.index_cast %parallel_loop3A_3255 : i32 to index
      %parallel_loop3A_3257 = tpu.vector_load %arg6[%parallel_loop3A_3256] {strides = array<i32>} : memref<32768xf32, #tpu.memory_space<vmem>>, vector<16xf32>,
      %parallel_loop3A_3258 = arith.addf %parallel_loop3A_3222, %parallel_loop3A_3257 : vector<16xf32>
      %parallel_loop3A_3259 = arith.mulf %parallel_loop3A_3257, %parallel_loop3A_3257 : vector<16xf32>
      %parallel_loop3A_3260 = arith.addf %parallel_loop3A_3226, %parallel_loop3A_3259 : vector<16xf32>
      %parallel_loop3A_3261 = arith.minimumf %parallel_loop3A_3230, %parallel_loop3A_3257 : vector<16xf32>
      %parallel_loop3A_3262 = arith.maximumf %parallel_loop3A_3234, %parallel_loop3A_3257 : vector<16xf32>
      %parallel_loop3A_3263 = arith.constant 48 : i32
      %parallel_loop3A_3264 = arith.addi %parallel_loop3A_3219, %parallel_loop3A_3263 : i32
      %parallel_loop3A_3265 = arith.index_cast %parallel_loop3A_3264 : i32 to index
      %parallel_loop3A_3266 = tpu.vector_load %arg6[%parallel_loop3A_3265] {strides = array<i32>} : memref<32768xf32, #tpu.memory_space<vmem>>, vector<16xf32>,
      %parallel_loop3A_3267 = arith.addf %parallel_loop3A_3223, %parallel_loop3A_3266 : vector<16xf32>
      %parallel_loop3A_3268 = arith.mulf %parallel_loop3A_3266, %parallel_loop3A_3266 : vector<16xf32>
      %parallel_loop3A_3269 = arith.addf %parallel_loop3A_3227, %parallel_loop3A_3268 : vector<16xf32>
      %parallel_loop3A_3270 = arith.minimumf %parallel_loop3A_3231, %parallel_loop3A_3266 : vector<16xf32>
      %parallel_loop3A_3271 = arith.maximumf %parallel_loop3A_3235, %parallel_loop3A_3266 : vector<16xf32>
      scf.yield %parallel_loop3A_3240, %parallel_loop3A_3249, %parallel_loop3A_3258, %parallel_loop3A_3267, %parallel_loop3A_3242, %parallel_loop3A_3251, %parallel_loop3A_3260, %parallel_loop3A_3269, %parallel_loop3A_3243, %parallel_loop3A_3252, %parallel_loop3A_3261, %parallel_loop3A_3270, %parallel_loop3A_3244, %parallel_loop3A_3253, %parallel_loop3A_3262, %parallel_loop3A_3271 : vector<16xf32>, vector<16xf32>, vector<16xf32>, vector<16xf32>, vector<16xf32>, vector<16xf32>, vector<16xf32>, vector<16xf32>, vector<16xf32>, vector<16xf32>, vector<16xf32>, vector<16xf32>, vector<16xf32>, vector<16xf32>, vector<16xf32>, vector<16xf32>
    } {sc.loop_unroll_factor = 4 : i64, sc.parallel_access}
    %dma_start3A_1554 = tpu.memref_slice %arg2[%add3A_10] : memref<16777216xf32, #tpu.memory_space<hbm>> -> memref<32768xf32, #tpu.memory_space<hbm>>
    %dma_start3A_1555 = tpu.memref_slice %arg2[%add3A_10] : memref<16777216xf32, #tpu.memory_space<hbm>> -> memref<32768xf32, #tpu.memory_space<hbm>>
    tpu.enqueue_dma source(%dma_start3A_1555 : memref<32768xf32, #tpu.memory_space<hbm>>) target(%arg6 : memref<32768xf32, #tpu.memory_space<vmem>>) target_semaphore(%arg10 : memref<!tpu.dma_semaphore, #tpu.memory_space<semaphore_mem>>)
    %dma_wait3A_1556 = tpu.memref_slice %arg2[%add3A_8] : memref<16777216xf32, #tpu.memory_space<hbm>> -> memref<32768xf32, #tpu.memory_space<hbm>>
    %dma_wait3A_1557 = tpu.memref_slice %arg2[%add3A_8] : memref<16777216xf32, #tpu.memory_space<hbm>> -> memref<32768xf32, #tpu.memory_space<hbm>>
    tpu.wait_dma2 semaphore(%arg9 : memref<!tpu.dma_semaphore, #tpu.memory_space<semaphore_mem>>) src(%dma_wait3A_1557 : memref<32768xf32, #tpu.memory_space<hbm>>) dst(%arg5 : memref<32768xf32, #tpu.memory_space<vmem>>)
    %parallel_loop3A_1558 = arith.constant 0 : i32
    %parallel_loop3A_1559 = arith.constant 32768 : i32
    %parallel_loop3A_1560 = arith.constant 64 : i32
    %parallel_loop3A_1561:16 = scf.for %parallel_loop3A_3219 = %parallel_loop3A_1558 to %parallel_loop3A_1559 step %parallel_loop3A_1560 iter_args(%parallel_loop3A_3220 = %parallel_loop3A_1553#0, %parallel_loop3A_3221 = %parallel_loop3A_1553#1, %parallel_loop3A_3222 = %parallel_loop3A_1553#2, %parallel_loop3A_3223 = %parallel_loop3A_1553#3, %parallel_loop3A_3224 = %parallel_loop3A_1553#4, %parallel_loop3A_3225 = %parallel_loop3A_1553#5, %parallel_loop3A_3226 = %parallel_loop3A_1553#6, %parallel_loop3A_3227 = %parallel_loop3A_1553#7, %parallel_loop3A_3228 = %parallel_loop3A_1553#8, %parallel_loop3A_3229 = %parallel_loop3A_1553#9, %parallel_loop3A_3230 = %parallel_loop3A_1553#10, %parallel_loop3A_3231 = %parallel_loop3A_1553#11, %parallel_loop3A_3232 = %parallel_loop3A_1553#12, %parallel_loop3A_3233 = %parallel_loop3A_1553#13, %parallel_loop3A_3234 = %parallel_loop3A_1553#14, %parallel_loop3A_3235 = %parallel_loop3A_1553#15) -> (vector<16xf32>, vector<16xf32>, vector<16xf32>, vector<16xf32>, vector<16xf32>, vector<16xf32>, vector<16xf32>, vector<16xf32>, vector<16xf32>, vector<16xf32>, vector<16xf32>, vector<16xf32>, vector<16xf32>, vector<16xf32>, vector<16xf32>, vector<16xf32>)  : i32 {
      %parallel_loop3A_3236 = arith.constant 0 : i32
      %parallel_loop3A_3237 = arith.addi %parallel_loop3A_3219, %parallel_loop3A_3236 : i32
      %parallel_loop3A_3238 = arith.index_cast %parallel_loop3A_3237 : i32 to index
      %parallel_loop3A_3239 = tpu.vector_load %arg5[%parallel_loop3A_3238] {strides = array<i32>} : memref<32768xf32, #tpu.memory_space<vmem>>, vector<16xf32>,
      %parallel_loop3A_3240 = arith.addf %parallel_loop3A_3220, %parallel_loop3A_3239 : vector<16xf32>
      %parallel_loop3A_3241 = arith.mulf %parallel_loop3A_3239, %parallel_loop3A_3239 : vector<16xf32>
      %parallel_loop3A_3242 = arith.addf %parallel_loop3A_3224, %parallel_loop3A_3241 : vector<16xf32>
      %parallel_loop3A_3243 = arith.minimumf %parallel_loop3A_3228, %parallel_loop3A_3239 : vector<16xf32>
      %parallel_loop3A_3244 = arith.maximumf %parallel_loop3A_3232, %parallel_loop3A_3239 : vector<16xf32>
      %parallel_loop3A_3245 = arith.constant 16 : i32
      %parallel_loop3A_3246 = arith.addi %parallel_loop3A_3219, %parallel_loop3A_3245 : i32
      %parallel_loop3A_3247 = arith.index_cast %parallel_loop3A_3246 : i32 to index
      %parallel_loop3A_3248 = tpu.vector_load %arg5[%parallel_loop3A_3247] {strides = array<i32>} : memref<32768xf32, #tpu.memory_space<vmem>>, vector<16xf32>,
      %parallel_loop3A_3249 = arith.addf %parallel_loop3A_3221, %parallel_loop3A_3248 : vector<16xf32>
      %parallel_loop3A_3250 = arith.mulf %parallel_loop3A_3248, %parallel_loop3A_3248 : vector<16xf32>
      %parallel_loop3A_3251 = arith.addf %parallel_loop3A_3225, %parallel_loop3A_3250 : vector<16xf32>
      %parallel_loop3A_3252 = arith.minimumf %parallel_loop3A_3229, %parallel_loop3A_3248 : vector<16xf32>
      %parallel_loop3A_3253 = arith.maximumf %parallel_loop3A_3233, %parallel_loop3A_3248 : vector<16xf32>
      %parallel_loop3A_3254 = arith.constant 32 : i32
      %parallel_loop3A_3255 = arith.addi %parallel_loop3A_3219, %parallel_loop3A_3254 : i32
      %parallel_loop3A_3256 = arith.index_cast %parallel_loop3A_3255 : i32 to index
      %parallel_loop3A_3257 = tpu.vector_load %arg5[%parallel_loop3A_3256] {strides = array<i32>} : memref<32768xf32, #tpu.memory_space<vmem>>, vector<16xf32>,
      %parallel_loop3A_3258 = arith.addf %parallel_loop3A_3222, %parallel_loop3A_3257 : vector<16xf32>
      %parallel_loop3A_3259 = arith.mulf %parallel_loop3A_3257, %parallel_loop3A_3257 : vector<16xf32>
      %parallel_loop3A_3260 = arith.addf %parallel_loop3A_3226, %parallel_loop3A_3259 : vector<16xf32>
      %parallel_loop3A_3261 = arith.minimumf %parallel_loop3A_3230, %parallel_loop3A_3257 : vector<16xf32>
      %parallel_loop3A_3262 = arith.maximumf %parallel_loop3A_3234, %parallel_loop3A_3257 : vector<16xf32>
      %parallel_loop3A_3263 = arith.constant 48 : i32
      %parallel_loop3A_3264 = arith.addi %parallel_loop3A_3219, %parallel_loop3A_3263 : i32
      %parallel_loop3A_3265 = arith.index_cast %parallel_loop3A_3264 : i32 to index
      %parallel_loop3A_3266 = tpu.vector_load %arg5[%parallel_loop3A_3265] {strides = array<i32>} : memref<32768xf32, #tpu.memory_space<vmem>>, vector<16xf32>,
      %parallel_loop3A_3267 = arith.addf %parallel_loop3A_3223, %parallel_loop3A_3266 : vector<16xf32>
      %parallel_loop3A_3268 = arith.mulf %parallel_loop3A_3266, %parallel_loop3A_3266 : vector<16xf32>
      %parallel_loop3A_3269 = arith.addf %parallel_loop3A_3227, %parallel_loop3A_3268 : vector<16xf32>
      %parallel_loop3A_3270 = arith.minimumf %parallel_loop3A_3231, %parallel_loop3A_3266 : vector<16xf32>
      %parallel_loop3A_3271 = arith.maximumf %parallel_loop3A_3235, %parallel_loop3A_3266 : vector<16xf32>
      scf.yield %parallel_loop3A_3240, %parallel_loop3A_3249, %parallel_loop3A_3258, %parallel_loop3A_3267, %parallel_loop3A_3242, %parallel_loop3A_3251, %parallel_loop3A_3260, %parallel_loop3A_3269, %parallel_loop3A_3243, %parallel_loop3A_3252, %parallel_loop3A_3261, %parallel_loop3A_3270, %parallel_loop3A_3244, %parallel_loop3A_3253, %parallel_loop3A_3262, %parallel_loop3A_3271 : vector<16xf32>, vector<16xf32>, vector<16xf32>, vector<16xf32>, vector<16xf32>, vector<16xf32>, vector<16xf32>, vector<16xf32>, vector<16xf32>, vector<16xf32>, vector<16xf32>, vector<16xf32>, vector<16xf32>, vector<16xf32>, vector<16xf32>, vector<16xf32>
    } {sc.loop_unroll_factor = 4 : i64, sc.parallel_access}
    %dma_start3A_1562 = tpu.memref_slice %arg2[%add3A_12] : memref<16777216xf32, #tpu.memory_space<hbm>> -> memref<32768xf32, #tpu.memory_space<hbm>>
    %dma_start3A_1563 = tpu.memref_slice %arg2[%add3A_12] : memref<16777216xf32, #tpu.memory_space<hbm>> -> memref<32768xf32, #tpu.memory_space<hbm>>
    tpu.enqueue_dma source(%dma_start3A_1563 : memref<32768xf32, #tpu.memory_space<hbm>>) target(%arg5 : memref<32768xf32, #tpu.memory_space<vmem>>) target_semaphore(%arg9 : memref<!tpu.dma_semaphore, #tpu.memory_space<semaphore_mem>>)
    %dma_wait3A_1564 = tpu.memref_slice %arg2[%add3A_10] : memref<16777216xf32, #tpu.memory_space<hbm>> -> memref<32768xf32, #tpu.memory_space<hbm>>
    %dma_wait3A_1565 = tpu.memref_slice %arg2[%add3A_10] : memref<16777216xf32, #tpu.memory_space<hbm>> -> memref<32768xf32, #tpu.memory_space<hbm>>
    tpu.wait_dma2 semaphore(%arg10 : memref<!tpu.dma_semaphore, #tpu.memory_space<semaphore_mem>>) src(%dma_wait3A_1565 : memref<32768xf32, #tpu.memory_space<hbm>>) dst(%arg6 : memref<32768xf32, #tpu.memory_space<vmem>>)
    %parallel_loop3A_1566 = arith.constant 0 : i32
    %parallel_loop3A_1567 = arith.constant 32768 : i32
    %parallel_loop3A_1568 = arith.constant 64 : i32
    %parallel_loop3A_1569:16 = scf.for %parallel_loop3A_3219 = %parallel_loop3A_1566 to %parallel_loop3A_1567 step %parallel_loop3A_1568 iter_args(%parallel_loop3A_3220 = %parallel_loop3A_1561#0, %parallel_loop3A_3221 = %parallel_loop3A_1561#1, %parallel_loop3A_3222 = %parallel_loop3A_1561#2, %parallel_loop3A_3223 = %parallel_loop3A_1561#3, %parallel_loop3A_3224 = %parallel_loop3A_1561#4, %parallel_loop3A_3225 = %parallel_loop3A_1561#5, %parallel_loop3A_3226 = %parallel_loop3A_1561#6, %parallel_loop3A_3227 = %parallel_loop3A_1561#7, %parallel_loop3A_3228 = %parallel_loop3A_1561#8, %parallel_loop3A_3229 = %parallel_loop3A_1561#9, %parallel_loop3A_3230 = %parallel_loop3A_1561#10, %parallel_loop3A_3231 = %parallel_loop3A_1561#11, %parallel_loop3A_3232 = %parallel_loop3A_1561#12, %parallel_loop3A_3233 = %parallel_loop3A_1561#13, %parallel_loop3A_3234 = %parallel_loop3A_1561#14, %parallel_loop3A_3235 = %parallel_loop3A_1561#15) -> (vector<16xf32>, vector<16xf32>, vector<16xf32>, vector<16xf32>, vector<16xf32>, vector<16xf32>, vector<16xf32>, vector<16xf32>, vector<16xf32>, vector<16xf32>, vector<16xf32>, vector<16xf32>, vector<16xf32>, vector<16xf32>, vector<16xf32>, vector<16xf32>)  : i32 {
      %parallel_loop3A_3236 = arith.constant 0 : i32
      %parallel_loop3A_3237 = arith.addi %parallel_loop3A_3219, %parallel_loop3A_3236 : i32
      %parallel_loop3A_3238 = arith.index_cast %parallel_loop3A_3237 : i32 to index
      %parallel_loop3A_3239 = tpu.vector_load %arg6[%parallel_loop3A_3238] {strides = array<i32>} : memref<32768xf32, #tpu.memory_space<vmem>>, vector<16xf32>,
      %parallel_loop3A_3240 = arith.addf %parallel_loop3A_3220, %parallel_loop3A_3239 : vector<16xf32>
      %parallel_loop3A_3241 = arith.mulf %parallel_loop3A_3239, %parallel_loop3A_3239 : vector<16xf32>
      %parallel_loop3A_3242 = arith.addf %parallel_loop3A_3224, %parallel_loop3A_3241 : vector<16xf32>
      %parallel_loop3A_3243 = arith.minimumf %parallel_loop3A_3228, %parallel_loop3A_3239 : vector<16xf32>
      %parallel_loop3A_3244 = arith.maximumf %parallel_loop3A_3232, %parallel_loop3A_3239 : vector<16xf32>
      %parallel_loop3A_3245 = arith.constant 16 : i32
      %parallel_loop3A_3246 = arith.addi %parallel_loop3A_3219, %parallel_loop3A_3245 : i32
      %parallel_loop3A_3247 = arith.index_cast %parallel_loop3A_3246 : i32 to index
      %parallel_loop3A_3248 = tpu.vector_load %arg6[%parallel_loop3A_3247] {strides = array<i32>} : memref<32768xf32, #tpu.memory_space<vmem>>, vector<16xf32>,
      %parallel_loop3A_3249 = arith.addf %parallel_loop3A_3221, %parallel_loop3A_3248 : vector<16xf32>
      %parallel_loop3A_3250 = arith.mulf %parallel_loop3A_3248, %parallel_loop3A_3248 : vector<16xf32>
      %parallel_loop3A_3251 = arith.addf %parallel_loop3A_3225, %parallel_loop3A_3250 : vector<16xf32>
      %parallel_loop3A_3252 = arith.minimumf %parallel_loop3A_3229, %parallel_loop3A_3248 : vector<16xf32>
      %parallel_loop3A_3253 = arith.maximumf %parallel_loop3A_3233, %parallel_loop3A_3248 : vector<16xf32>
      %parallel_loop3A_3254 = arith.constant 32 : i32
      %parallel_loop3A_3255 = arith.addi %parallel_loop3A_3219, %parallel_loop3A_3254 : i32
      %parallel_loop3A_3256 = arith.index_cast %parallel_loop3A_3255 : i32 to index
      %parallel_loop3A_3257 = tpu.vector_load %arg6[%parallel_loop3A_3256] {strides = array<i32>} : memref<32768xf32, #tpu.memory_space<vmem>>, vector<16xf32>,
      %parallel_loop3A_3258 = arith.addf %parallel_loop3A_3222, %parallel_loop3A_3257 : vector<16xf32>
      %parallel_loop3A_3259 = arith.mulf %parallel_loop3A_3257, %parallel_loop3A_3257 : vector<16xf32>
      %parallel_loop3A_3260 = arith.addf %parallel_loop3A_3226, %parallel_loop3A_3259 : vector<16xf32>
      %parallel_loop3A_3261 = arith.minimumf %parallel_loop3A_3230, %parallel_loop3A_3257 : vector<16xf32>
      %parallel_loop3A_3262 = arith.maximumf %parallel_loop3A_3234, %parallel_loop3A_3257 : vector<16xf32>
      %parallel_loop3A_3263 = arith.constant 48 : i32
      %parallel_loop3A_3264 = arith.addi %parallel_loop3A_3219, %parallel_loop3A_3263 : i32
      %parallel_loop3A_3265 = arith.index_cast %parallel_loop3A_3264 : i32 to index
      %parallel_loop3A_3266 = tpu.vector_load %arg6[%parallel_loop3A_3265] {strides = array<i32>} : memref<32768xf32, #tpu.memory_space<vmem>>, vector<16xf32>,
      %parallel_loop3A_3267 = arith.addf %parallel_loop3A_3223, %parallel_loop3A_3266 : vector<16xf32>
      %parallel_loop3A_3268 = arith.mulf %parallel_loop3A_3266, %parallel_loop3A_3266 : vector<16xf32>
      %parallel_loop3A_3269 = arith.addf %parallel_loop3A_3227, %parallel_loop3A_3268 : vector<16xf32>
      %parallel_loop3A_3270 = arith.minimumf %parallel_loop3A_3231, %parallel_loop3A_3266 : vector<16xf32>
      %parallel_loop3A_3271 = arith.maximumf %parallel_loop3A_3235, %parallel_loop3A_3266 : vector<16xf32>
      scf.yield %parallel_loop3A_3240, %parallel_loop3A_3249, %parallel_loop3A_3258, %parallel_loop3A_3267, %parallel_loop3A_3242, %parallel_loop3A_3251, %parallel_loop3A_3260, %parallel_loop3A_3269, %parallel_loop3A_3243, %parallel_loop3A_3252, %parallel_loop3A_3261, %parallel_loop3A_3270, %parallel_loop3A_3244, %parallel_loop3A_3253, %parallel_loop3A_3262, %parallel_loop3A_3271 : vector<16xf32>, vector<16xf32>, vector<16xf32>, vector<16xf32>, vector<16xf32>, vector<16xf32>, vector<16xf32>, vector<16xf32>, vector<16xf32>, vector<16xf32>, vector<16xf32>, vector<16xf32>, vector<16xf32>, vector<16xf32>, vector<16xf32>, vector<16xf32>
    } {sc.loop_unroll_factor = 4 : i64, sc.parallel_access}
    %add3A_1570 = arith.addf %parallel_loop3A_1569#0, %parallel_loop3A_1569#1 : vector<16xf32>
    %add3A_1571 = arith.addf %parallel_loop3A_1569#2, %parallel_loop3A_1569#3 : vector<16xf32>
    %add3A_1572 = arith.addf %add3A_1570, %add3A_1571 : vector<16xf32>
    %add3A_1573 = arith.addf %parallel_loop3A_1569#4, %parallel_loop3A_1569#5 : vector<16xf32>
    %add3A_1574 = arith.addf %parallel_loop3A_1569#6, %parallel_loop3A_1569#7 : vector<16xf32>
    %add3A_1575 = arith.addf %add3A_1573, %add3A_1574 : vector<16xf32>
    %min3A = arith.minimumf %parallel_loop3A_1569#8, %parallel_loop3A_1569#9 : vector<16xf32>
    %min3A_1576 = arith.minimumf %parallel_loop3A_1569#10, %parallel_loop3A_1569#11 : vector<16xf32>
    %min3A_1577 = arith.minimumf %min3A, %min3A_1576 : vector<16xf32>
    %max3A = arith.maximumf %parallel_loop3A_1569#12, %parallel_loop3A_1569#13 : vector<16xf32>
    %max3A_1578 = arith.maximumf %parallel_loop3A_1569#14, %parallel_loop3A_1569#15 : vector<16xf32>
    %max3A_1579 = arith.maximumf %max3A, %max3A_1578 : vector<16xf32>
    %reduce_sum3A = arith.constant true
    %reduce_sum3A_1580 = vector.broadcast %reduce_sum3A : i1 to vector<16xi1>
    %reduce_sum3A_1581 = tpu.scan <sum>, %add3A_1572 masked %reduce_sum3A_1580 : vector<16xf32>, vector<16xi1> -> vector<16xf32>
    %reduce_sum3A_1582 = vector.extract %reduce_sum3A_1581[15] : f32 from vector<16xf32>
    %broadcast_in_dim3A_1583 = vector.broadcast %reduce_sum3A_1582 : f32 to vector<16xf32>
    %reduce_sum3A_1584 = arith.constant true
    %reduce_sum3A_1585 = vector.broadcast %reduce_sum3A_1584 : i1 to vector<16xi1>
    %reduce_sum3A_1586 = tpu.scan <sum>, %add3A_1575 masked %reduce_sum3A_1585 : vector<16xf32>, vector<16xi1> -> vector<16xf32>
    %reduce_sum3A_1587 = vector.extract %reduce_sum3A_1586[15] : f32 from vector<16xf32>
    %broadcast_in_dim3A_1588 = vector.broadcast %reduce_sum3A_1587 : f32 to vector<16xf32>
    %mul3A_1589 = arith.constant 7.62939453E-6 : f32
    %mul3A_1590 = vector.broadcast %mul3A_1589 : f32 to vector<16xf32>
    %mul3A_1591 = arith.mulf %broadcast_in_dim3A_1583, %mul3A_1590 : vector<16xf32>
    %mul3A_1592 = arith.mulf %broadcast_in_dim3A_1583, %broadcast_in_dim3A_1583 : vector<16xf32>
    %mul3A_1593 = arith.constant 7.62939453E-6 : f32
    %mul3A_1594 = vector.broadcast %mul3A_1593 : f32 to vector<16xf32>
    %mul3A_1595 = arith.mulf %mul3A_1592, %mul3A_1594 : vector<16xf32>
    %sub3A = arith.subf %broadcast_in_dim3A_1588, %mul3A_1595 : vector<16xf32>
    %mul3A_1596 = arith.constant 7.62945274E-6 : f32
    %mul3A_1597 = vector.broadcast %mul3A_1596 : f32 to vector<16xf32>
    %mul3A_1598 = arith.mulf %sub3A, %mul3A_1597 : vector<16xf32>
    %max3A_1599 = arith.constant 9.99999935E-39 : f32
    %max3A_1600 = vector.broadcast %max3A_1599 : f32 to vector<16xf32>
    %max3A_1601 = arith.maximumf %mul3A_1598, %max3A_1600 : vector<16xf32>
    %bitcast3A_1602 = vector.bitcast %max3A_1601 : vector<16xf32> to vector<16xi32>
    %shift_right_arithmetic3A_1603 = arith.constant 1 : i32
    %shift_right_arithmetic3A_1604 = vector.broadcast %shift_right_arithmetic3A_1603 : i32 to vector<16xi32>
    %shift_right_arithmetic3A_1605 = arith.shrsi %bitcast3A_1602, %shift_right_arithmetic3A_1604 : vector<16xi32>
    %sub3A_1606 = arith.constant 1597463007 : i32
    %sub3A_1607 = vector.broadcast %sub3A_1606 : i32 to vector<16xi32>
    %sub3A_1608 = arith.subi %sub3A_1607, %shift_right_arithmetic3A_1605 : vector<16xi32>
    %bitcast3A_1609 = vector.bitcast %sub3A_1608 : vector<16xi32> to vector<16xf32>
    %mul3A_1610 = arith.constant 5.000000e-01 : f32
    %mul3A_1611 = vector.broadcast %mul3A_1610 : f32 to vector<16xf32>
    %mul3A_1612 = arith.mulf %mul3A_1611, %max3A_1601 : vector<16xf32>
    %mul3A_1613 = arith.mulf %mul3A_1612, %bitcast3A_1609 : vector<16xf32>
    %mul3A_1614 = arith.mulf %mul3A_1613, %bitcast3A_1609 : vector<16xf32>
    %sub3A_1615 = arith.constant 1.500000e+00 : f32
    %sub3A_1616 = vector.broadcast %sub3A_1615 : f32 to vector<16xf32>
    %sub3A_1617 = arith.subf %sub3A_1616, %mul3A_1614 : vector<16xf32>
    %mul3A_1618 = arith.mulf %bitcast3A_1609, %sub3A_1617 : vector<16xf32>
    %mul3A_1619 = arith.constant 5.000000e-01 : f32
    %mul3A_1620 = vector.broadcast %mul3A_1619 : f32 to vector<16xf32>
    %mul3A_1621 = arith.mulf %mul3A_1620, %max3A_1601 : vector<16xf32>
    %mul3A_1622 = arith.mulf %mul3A_1621, %mul3A_1618 : vector<16xf32>
    %mul3A_1623 = arith.mulf %mul3A_1622, %mul3A_1618 : vector<16xf32>
    %sub3A_1624 = arith.constant 1.500000e+00 : f32
    %sub3A_1625 = vector.broadcast %sub3A_1624 : f32 to vector<16xf32>
    %sub3A_1626 = arith.subf %sub3A_1625, %mul3A_1623 : vector<16xf32>
    %mul3A_1627 = arith.mulf %mul3A_1618, %sub3A_1626 : vector<16xf32>
    %mul3A_1628 = arith.constant 5.000000e-01 : f32
    %mul3A_1629 = vector.broadcast %mul3A_1628 : f32 to vector<16xf32>
    %mul3A_1630 = arith.mulf %mul3A_1629, %max3A_1601 : vector<16xf32>
    %mul3A_1631 = arith.mulf %mul3A_1630, %mul3A_1627 : vector<16xf32>
    %mul3A_1632 = arith.mulf %mul3A_1631, %mul3A_1627 : vector<16xf32>
    %sub3A_1633 = arith.constant 1.500000e+00 : f32
    %sub3A_1634 = vector.broadcast %sub3A_1633 : f32 to vector<16xf32>
    %sub3A_1635 = arith.subf %sub3A_1634, %mul3A_1632 : vector<16xf32>
    %mul3A_1636 = arith.mulf %mul3A_1627, %sub3A_1635 : vector<16xf32>
    %mul3A_1637 = arith.constant 5.000000e-01 : f32
    %mul3A_1638 = vector.broadcast %mul3A_1637 : f32 to vector<16xf32>
    %mul3A_1639 = arith.mulf %mul3A_1638, %max3A_1601 : vector<16xf32>
    %mul3A_1640 = arith.mulf %mul3A_1639, %mul3A_1636 : vector<16xf32>
    %mul3A_1641 = arith.mulf %mul3A_1640, %mul3A_1636 : vector<16xf32>
    %sub3A_1642 = arith.constant 1.500000e+00 : f32
    %sub3A_1643 = vector.broadcast %sub3A_1642 : f32 to vector<16xf32>
    %sub3A_1644 = arith.subf %sub3A_1643, %mul3A_1641 : vector<16xf32>
    %mul3A_1645 = arith.mulf %mul3A_1636, %sub3A_1644 : vector<16xf32>
    %mul3A_1646 = arith.constant 5.000000e-01 : f32
    %mul3A_1647 = vector.broadcast %mul3A_1646 : f32 to vector<16xf32>
    %mul3A_1648 = arith.mulf %mul3A_1647, %max3A_1601 : vector<16xf32>
    %mul3A_1649 = arith.mulf %mul3A_1648, %mul3A_1645 : vector<16xf32>
    %mul3A_1650 = arith.mulf %mul3A_1649, %mul3A_1645 : vector<16xf32>
    %sub3A_1651 = arith.constant 1.500000e+00 : f32
    %sub3A_1652 = vector.broadcast %sub3A_1651 : f32 to vector<16xf32>
    %sub3A_1653 = arith.subf %sub3A_1652, %mul3A_1650 : vector<16xf32>
    %mul3A_1654 = arith.mulf %mul3A_1645, %sub3A_1653 : vector<16xf32>
    %mul3A_1655 = arith.mulf %max3A_1601, %mul3A_1654 : vector<16xf32>
    %bitcast3A_1656 = vector.bitcast %mul3A_1655 : vector<16xf32> to vector<16xi32>
    %add3A_1657 = arith.constant 32767 : i32
    %add3A_1658 = vector.broadcast %add3A_1657 : i32 to vector<16xi32>
    %add3A_1659 = arith.addi %bitcast3A_1656, %add3A_1658 : vector<16xi32>
    %shift_right_arithmetic3A_1660 = arith.constant 16 : i32
    %shift_right_arithmetic3A_1661 = vector.broadcast %shift_right_arithmetic3A_1660 : i32 to vector<16xi32>
    %shift_right_arithmetic3A_1662 = arith.shrsi %bitcast3A_1656, %shift_right_arithmetic3A_1661 : vector<16xi32>
    %and3A_1663 = arith.constant 1 : i32
    %and3A_1664 = vector.broadcast %and3A_1663 : i32 to vector<16xi32>
    %and3A_1665 = arith.andi %shift_right_arithmetic3A_1662, %and3A_1664 : vector<16xi32>
    %add3A_1666 = arith.addi %add3A_1659, %and3A_1665 : vector<16xi32>
    %and3A_1667 = arith.constant -65536 : i32
    %and3A_1668 = vector.broadcast %and3A_1667 : i32 to vector<16xi32>
    %and3A_1669 = arith.andi %add3A_1666, %and3A_1668 : vector<16xi32>
    %bitcast3A_1670 = vector.bitcast %and3A_1669 : vector<16xi32> to vector<16xf32>
    %bitcast3A_1671 = vector.bitcast %mul3A_1591 : vector<16xf32> to vector<16xi32>
    %add3A_1672 = arith.constant 32767 : i32
    %add3A_1673 = vector.broadcast %add3A_1672 : i32 to vector<16xi32>
    %add3A_1674 = arith.addi %bitcast3A_1671, %add3A_1673 : vector<16xi32>
    %shift_right_arithmetic3A_1675 = arith.constant 16 : i32
    %shift_right_arithmetic3A_1676 = vector.broadcast %shift_right_arithmetic3A_1675 : i32 to vector<16xi32>
    %shift_right_arithmetic3A_1677 = arith.shrsi %bitcast3A_1671, %shift_right_arithmetic3A_1676 : vector<16xi32>
    %and3A_1678 = arith.constant 1 : i32
    %and3A_1679 = vector.broadcast %and3A_1678 : i32 to vector<16xi32>
    %and3A_1680 = arith.andi %shift_right_arithmetic3A_1677, %and3A_1679 : vector<16xi32>
    %add3A_1681 = arith.addi %add3A_1674, %and3A_1680 : vector<16xi32>
    %and3A_1682 = arith.constant -65536 : i32
    %and3A_1683 = vector.broadcast %and3A_1682 : i32 to vector<16xi32>
    %and3A_1684 = arith.andi %add3A_1681, %and3A_1683 : vector<16xi32>
    %bitcast3A_1685 = vector.bitcast %and3A_1684 : vector<16xi32> to vector<16xf32>
    %reduce_min3A = arith.constant true
    %reduce_min3A_1686 = vector.broadcast %reduce_min3A : i1 to vector<16xi1>
    %reduce_min3A_1687 = tpu.scan <min>, %min3A_1577 masked %reduce_min3A_1686 : vector<16xf32>, vector<16xi1> -> vector<16xf32>
    %reduce_min3A_1688 = vector.extract %reduce_min3A_1687[15] : f32 from vector<16xf32>
    %broadcast_in_dim3A_1689 = vector.broadcast %reduce_min3A_1688 : f32 to vector<16xf32>
    %bitcast3A_1690 = vector.bitcast %broadcast_in_dim3A_1689 : vector<16xf32> to vector<16xi32>
    %add3A_1691 = arith.constant 32767 : i32
    %add3A_1692 = vector.broadcast %add3A_1691 : i32 to vector<16xi32>
    %add3A_1693 = arith.addi %bitcast3A_1690, %add3A_1692 : vector<16xi32>
    %shift_right_arithmetic3A_1694 = arith.constant 16 : i32
    %shift_right_arithmetic3A_1695 = vector.broadcast %shift_right_arithmetic3A_1694 : i32 to vector<16xi32>
    %shift_right_arithmetic3A_1696 = arith.shrsi %bitcast3A_1690, %shift_right_arithmetic3A_1695 : vector<16xi32>
    %and3A_1697 = arith.constant 1 : i32
    %and3A_1698 = vector.broadcast %and3A_1697 : i32 to vector<16xi32>
    %and3A_1699 = arith.andi %shift_right_arithmetic3A_1696, %and3A_1698 : vector<16xi32>
    %add3A_1700 = arith.addi %add3A_1693, %and3A_1699 : vector<16xi32>
    %and3A_1701 = arith.constant -65536 : i32
    %and3A_1702 = vector.broadcast %and3A_1701 : i32 to vector<16xi32>
    %and3A_1703 = arith.andi %add3A_1700, %and3A_1702 : vector<16xi32>
    %bitcast3A_1704 = vector.bitcast %and3A_1703 : vector<16xi32> to vector<16xf32>
    %reduce_max3A = arith.constant true
    %reduce_max3A_1705 = vector.broadcast %reduce_max3A : i1 to vector<16xi1>
    %reduce_max3A_1706 = tpu.scan <max>, %max3A_1579 masked %reduce_max3A_1705 : vector<16xf32>, vector<16xi1> -> vector<16xf32>
    %reduce_max3A_1707 = vector.extract %reduce_max3A_1706[15] : f32 from vector<16xf32>
    %broadcast_in_dim3A_1708 = vector.broadcast %reduce_max3A_1707 : f32 to vector<16xf32>
    %bitcast3A_1709 = vector.bitcast %broadcast_in_dim3A_1708 : vector<16xf32> to vector<16xi32>
    %add3A_1710 = arith.constant 32767 : i32
    %add3A_1711 = vector.broadcast %add3A_1710 : i32 to vector<16xi32>
    %add3A_1712 = arith.addi %bitcast3A_1709, %add3A_1711 : vector<16xi32>
    %shift_right_arithmetic3A_1713 = arith.constant 16 : i32
    %shift_right_arithmetic3A_1714 = vector.broadcast %shift_right_arithmetic3A_1713 : i32 to vector<16xi32>
    %shift_right_arithmetic3A_1715 = arith.shrsi %bitcast3A_1709, %shift_right_arithmetic3A_1714 : vector<16xi32>
    %and3A_1716 = arith.constant 1 : i32
    %and3A_1717 = vector.broadcast %and3A_1716 : i32 to vector<16xi32>
    %and3A_1718 = arith.andi %shift_right_arithmetic3A_1715, %and3A_1717 : vector<16xi32>
    %add3A_1719 = arith.addi %add3A_1712, %and3A_1718 : vector<16xi32>
    %and3A_1720 = arith.constant -65536 : i32
    %and3A_1721 = vector.broadcast %and3A_1720 : i32 to vector<16xi32>
    %and3A_1722 = arith.andi %add3A_1719, %and3A_1721 : vector<16xi32>
    %bitcast3A_1723 = vector.bitcast %and3A_1722 : vector<16xi32> to vector<16xf32>
    %get3A_1724 = arith.constant 256 : index
    %get3A_1725 = tpu.vector_load %arg7[%get3A_1724] {strides = array<i32>} : memref<1360xf32, #tpu.memory_space<vmem>>, vector<16xf32>,
    %get3A_1726 = arith.constant 0 : index
    %get3A_1727 = tpu.vector_load %arg7[%get3A_1726] {strides = array<i32>} : memref<1360xf32, #tpu.memory_space<vmem>>, vector<16xf32>,
    %mul3A_1728 = arith.mulf %bitcast3A_1685, %get3A_1727 : vector<16xf32>
    %add3A_1729 = arith.addf %get3A_1725, %mul3A_1728 : vector<16xf32>
    %get3A_1730 = arith.constant 64 : index
    %get3A_1731 = tpu.vector_load %arg7[%get3A_1730] {strides = array<i32>} : memref<1360xf32, #tpu.memory_space<vmem>>, vector<16xf32>,
    %mul3A_1732 = arith.mulf %bitcast3A_1670, %get3A_1731 : vector<16xf32>
    %add3A_1733 = arith.addf %add3A_1729, %mul3A_1732 : vector<16xf32>
    %get3A_1734 = arith.constant 128 : index
    %get3A_1735 = tpu.vector_load %arg7[%get3A_1734] {strides = array<i32>} : memref<1360xf32, #tpu.memory_space<vmem>>, vector<16xf32>,
    %mul3A_1736 = arith.mulf %bitcast3A_1704, %get3A_1735 : vector<16xf32>
    %add3A_1737 = arith.addf %add3A_1733, %mul3A_1736 : vector<16xf32>
    %get3A_1738 = arith.constant 192 : index
    %get3A_1739 = tpu.vector_load %arg7[%get3A_1738] {strides = array<i32>} : memref<1360xf32, #tpu.memory_space<vmem>>, vector<16xf32>,
    %mul3A_1740 = arith.mulf %bitcast3A_1723, %get3A_1739 : vector<16xf32>
    %add3A_1741 = arith.addf %add3A_1737, %mul3A_1740 : vector<16xf32>
    %max3A_1742 = arith.constant 0.000000e+00 : f32
    %max3A_1743 = vector.broadcast %max3A_1742 : f32 to vector<16xf32>
    %max3A_1744 = arith.maximumf %add3A_1741, %max3A_1743 : vector<16xf32>
    %bitcast3A_1745 = vector.bitcast %max3A_1744 : vector<16xf32> to vector<16xi32>
    %add3A_1746 = arith.constant 32767 : i32
    %add3A_1747 = vector.broadcast %add3A_1746 : i32 to vector<16xi32>
    %add3A_1748 = arith.addi %bitcast3A_1745, %add3A_1747 : vector<16xi32>
    %shift_right_arithmetic3A_1749 = arith.constant 16 : i32
    %shift_right_arithmetic3A_1750 = vector.broadcast %shift_right_arithmetic3A_1749 : i32 to vector<16xi32>
    %shift_right_arithmetic3A_1751 = arith.shrsi %bitcast3A_1745, %shift_right_arithmetic3A_1750 : vector<16xi32>
    %and3A_1752 = arith.constant 1 : i32
    %and3A_1753 = vector.broadcast %and3A_1752 : i32 to vector<16xi32>
    %and3A_1754 = arith.andi %shift_right_arithmetic3A_1751, %and3A_1753 : vector<16xi32>
    %add3A_1755 = arith.addi %add3A_1748, %and3A_1754 : vector<16xi32>
    %and3A_1756 = arith.constant -65536 : i32
    %and3A_1757 = vector.broadcast %and3A_1756 : i32 to vector<16xi32>
    %and3A_1758 = arith.andi %add3A_1755, %and3A_1757 : vector<16xi32>
    %bitcast3A_1759 = vector.bitcast %and3A_1758 : vector<16xi32> to vector<16xf32>
    %get3A_1760 = arith.constant 272 : index
    %get3A_1761 = tpu.vector_load %arg7[%get3A_1760] {strides = array<i32>} : memref<1360xf32, #tpu.memory_space<vmem>>, vector<16xf32>,
    %get3A_1762 = arith.constant 16 : index
    %get3A_1763 = tpu.vector_load %arg7[%get3A_1762] {strides = array<i32>} : memref<1360xf32, #tpu.memory_space<vmem>>, vector<16xf32>,
    %mul3A_1764 = arith.mulf %bitcast3A_1685, %get3A_1763 : vector<16xf32>
    %add3A_1765 = arith.addf %get3A_1761, %mul3A_1764 : vector<16xf32>
    %get3A_1766 = arith.constant 80 : index
    %get3A_1767 = tpu.vector_load %arg7[%get3A_1766] {strides = array<i32>} : memref<1360xf32, #tpu.memory_space<vmem>>, vector<16xf32>,
    %mul3A_1768 = arith.mulf %bitcast3A_1670, %get3A_1767 : vector<16xf32>
    %add3A_1769 = arith.addf %add3A_1765, %mul3A_1768 : vector<16xf32>
    %get3A_1770 = arith.constant 144 : index
    %get3A_1771 = tpu.vector_load %arg7[%get3A_1770] {strides = array<i32>} : memref<1360xf32, #tpu.memory_space<vmem>>, vector<16xf32>,
    %mul3A_1772 = arith.mulf %bitcast3A_1704, %get3A_1771 : vector<16xf32>
    %add3A_1773 = arith.addf %add3A_1769, %mul3A_1772 : vector<16xf32>
    %get3A_1774 = arith.constant 208 : index
    %get3A_1775 = tpu.vector_load %arg7[%get3A_1774] {strides = array<i32>} : memref<1360xf32, #tpu.memory_space<vmem>>, vector<16xf32>,
    %mul3A_1776 = arith.mulf %bitcast3A_1723, %get3A_1775 : vector<16xf32>
    %add3A_1777 = arith.addf %add3A_1773, %mul3A_1776 : vector<16xf32>
    %max3A_1778 = arith.constant 0.000000e+00 : f32
    %max3A_1779 = vector.broadcast %max3A_1778 : f32 to vector<16xf32>
    %max3A_1780 = arith.maximumf %add3A_1777, %max3A_1779 : vector<16xf32>
    %bitcast3A_1781 = vector.bitcast %max3A_1780 : vector<16xf32> to vector<16xi32>
    %add3A_1782 = arith.constant 32767 : i32
    %add3A_1783 = vector.broadcast %add3A_1782 : i32 to vector<16xi32>
    %add3A_1784 = arith.addi %bitcast3A_1781, %add3A_1783 : vector<16xi32>
    %shift_right_arithmetic3A_1785 = arith.constant 16 : i32
    %shift_right_arithmetic3A_1786 = vector.broadcast %shift_right_arithmetic3A_1785 : i32 to vector<16xi32>
    %shift_right_arithmetic3A_1787 = arith.shrsi %bitcast3A_1781, %shift_right_arithmetic3A_1786 : vector<16xi32>
    %and3A_1788 = arith.constant 1 : i32
    %and3A_1789 = vector.broadcast %and3A_1788 : i32 to vector<16xi32>
    %and3A_1790 = arith.andi %shift_right_arithmetic3A_1787, %and3A_1789 : vector<16xi32>
    %add3A_1791 = arith.addi %add3A_1784, %and3A_1790 : vector<16xi32>
    %and3A_1792 = arith.constant -65536 : i32
    %and3A_1793 = vector.broadcast %and3A_1792 : i32 to vector<16xi32>
    %and3A_1794 = arith.andi %add3A_1791, %and3A_1793 : vector<16xi32>
    %bitcast3A_1795 = vector.bitcast %and3A_1794 : vector<16xi32> to vector<16xf32>
    %get3A_1796 = arith.constant 288 : index
    %get3A_1797 = tpu.vector_load %arg7[%get3A_1796] {strides = array<i32>} : memref<1360xf32, #tpu.memory_space<vmem>>, vector<16xf32>,
    %get3A_1798 = arith.constant 32 : index
    %get3A_1799 = tpu.vector_load %arg7[%get3A_1798] {strides = array<i32>} : memref<1360xf32, #tpu.memory_space<vmem>>, vector<16xf32>,
    %mul3A_1800 = arith.mulf %bitcast3A_1685, %get3A_1799 : vector<16xf32>
    %add3A_1801 = arith.addf %get3A_1797, %mul3A_1800 : vector<16xf32>
    %get3A_1802 = arith.constant 96 : index
    %get3A_1803 = tpu.vector_load %arg7[%get3A_1802] {strides = array<i32>} : memref<1360xf32, #tpu.memory_space<vmem>>, vector<16xf32>,
    %mul3A_1804 = arith.mulf %bitcast3A_1670, %get3A_1803 : vector<16xf32>
    %add3A_1805 = arith.addf %add3A_1801, %mul3A_1804 : vector<16xf32>
    %get3A_1806 = arith.constant 160 : index
    %get3A_1807 = tpu.vector_load %arg7[%get3A_1806] {strides = array<i32>} : memref<1360xf32, #tpu.memory_space<vmem>>, vector<16xf32>,
    %mul3A_1808 = arith.mulf %bitcast3A_1704, %get3A_1807 : vector<16xf32>
    %add3A_1809 = arith.addf %add3A_1805, %mul3A_1808 : vector<16xf32>
    %get3A_1810 = arith.constant 224 : index
    %get3A_1811 = tpu.vector_load %arg7[%get3A_1810] {strides = array<i32>} : memref<1360xf32, #tpu.memory_space<vmem>>, vector<16xf32>,
    %mul3A_1812 = arith.mulf %bitcast3A_1723, %get3A_1811 : vector<16xf32>
    %add3A_1813 = arith.addf %add3A_1809, %mul3A_1812 : vector<16xf32>
    %max3A_1814 = arith.constant 0.000000e+00 : f32
    %max3A_1815 = vector.broadcast %max3A_1814 : f32 to vector<16xf32>
    %max3A_1816 = arith.maximumf %add3A_1813, %max3A_1815 : vector<16xf32>
    %bitcast3A_1817 = vector.bitcast %max3A_1816 : vector<16xf32> to vector<16xi32>
    %add3A_1818 = arith.constant 32767 : i32
    %add3A_1819 = vector.broadcast %add3A_1818 : i32 to vector<16xi32>
    %add3A_1820 = arith.addi %bitcast3A_1817, %add3A_1819 : vector<16xi32>
    %shift_right_arithmetic3A_1821 = arith.constant 16 : i32
    %shift_right_arithmetic3A_1822 = vector.broadcast %shift_right_arithmetic3A_1821 : i32 to vector<16xi32>
    %shift_right_arithmetic3A_1823 = arith.shrsi %bitcast3A_1817, %shift_right_arithmetic3A_1822 : vector<16xi32>
    %and3A_1824 = arith.constant 1 : i32
    %and3A_1825 = vector.broadcast %and3A_1824 : i32 to vector<16xi32>
    %and3A_1826 = arith.andi %shift_right_arithmetic3A_1823, %and3A_1825 : vector<16xi32>
    %add3A_1827 = arith.addi %add3A_1820, %and3A_1826 : vector<16xi32>
    %and3A_1828 = arith.constant -65536 : i32
    %and3A_1829 = vector.broadcast %and3A_1828 : i32 to vector<16xi32>
    %and3A_1830 = arith.andi %add3A_1827, %and3A_1829 : vector<16xi32>
    %bitcast3A_1831 = vector.bitcast %and3A_1830 : vector<16xi32> to vector<16xf32>
    %get3A_1832 = arith.constant 304 : index
    %get3A_1833 = tpu.vector_load %arg7[%get3A_1832] {strides = array<i32>} : memref<1360xf32, #tpu.memory_space<vmem>>, vector<16xf32>,
    %get3A_1834 = arith.constant 48 : index
    %get3A_1835 = tpu.vector_load %arg7[%get3A_1834] {strides = array<i32>} : memref<1360xf32, #tpu.memory_space<vmem>>, vector<16xf32>,
    %mul3A_1836 = arith.mulf %bitcast3A_1685, %get3A_1835 : vector<16xf32>
    %add3A_1837 = arith.addf %get3A_1833, %mul3A_1836 : vector<16xf32>
    %get3A_1838 = arith.constant 112 : index
    %get3A_1839 = tpu.vector_load %arg7[%get3A_1838] {strides = array<i32>} : memref<1360xf32, #tpu.memory_space<vmem>>, vector<16xf32>,
    %mul3A_1840 = arith.mulf %bitcast3A_1670, %get3A_1839 : vector<16xf32>
    %add3A_1841 = arith.addf %add3A_1837, %mul3A_1840 : vector<16xf32>
    %get3A_1842 = arith.constant 176 : index
    %get3A_1843 = tpu.vector_load %arg7[%get3A_1842] {strides = array<i32>} : memref<1360xf32, #tpu.memory_space<vmem>>, vector<16xf32>,
    %mul3A_1844 = arith.mulf %bitcast3A_1704, %get3A_1843 : vector<16xf32>
    %add3A_1845 = arith.addf %add3A_1841, %mul3A_1844 : vector<16xf32>
    %get3A_1846 = arith.constant 240 : index
    %get3A_1847 = tpu.vector_load %arg7[%get3A_1846] {strides = array<i32>} : memref<1360xf32, #tpu.memory_space<vmem>>, vector<16xf32>,
    %mul3A_1848 = arith.mulf %bitcast3A_1723, %get3A_1847 : vector<16xf32>
    %add3A_1849 = arith.addf %add3A_1845, %mul3A_1848 : vector<16xf32>
    %max3A_1850 = arith.constant 0.000000e+00 : f32
    %max3A_1851 = vector.broadcast %max3A_1850 : f32 to vector<16xf32>
    %max3A_1852 = arith.maximumf %add3A_1849, %max3A_1851 : vector<16xf32>
    %bitcast3A_1853 = vector.bitcast %max3A_1852 : vector<16xf32> to vector<16xi32>
    %add3A_1854 = arith.constant 32767 : i32
    %add3A_1855 = vector.broadcast %add3A_1854 : i32 to vector<16xi32>
    %add3A_1856 = arith.addi %bitcast3A_1853, %add3A_1855 : vector<16xi32>
    %shift_right_arithmetic3A_1857 = arith.constant 16 : i32
    %shift_right_arithmetic3A_1858 = vector.broadcast %shift_right_arithmetic3A_1857 : i32 to vector<16xi32>
    %shift_right_arithmetic3A_1859 = arith.shrsi %bitcast3A_1853, %shift_right_arithmetic3A_1858 : vector<16xi32>
    %and3A_1860 = arith.constant 1 : i32
    %and3A_1861 = vector.broadcast %and3A_1860 : i32 to vector<16xi32>
    %and3A_1862 = arith.andi %shift_right_arithmetic3A_1859, %and3A_1861 : vector<16xi32>
    %add3A_1863 = arith.addi %add3A_1856, %and3A_1862 : vector<16xi32>
    %and3A_1864 = arith.constant -65536 : i32
    %and3A_1865 = vector.broadcast %and3A_1864 : i32 to vector<16xi32>
    %and3A_1866 = arith.andi %add3A_1863, %and3A_1865 : vector<16xi32>
    %bitcast3A_1867 = vector.bitcast %and3A_1866 : vector<16xi32> to vector<16xf32>
    %get3A_1868 = arith.constant 1344 : index
    %get3A_1869 = tpu.vector_load %arg7[%get3A_1868] {strides = array<i32>} : memref<1360xf32, #tpu.memory_space<vmem>>, vector<16xf32>,
    %slice3A = vector.extract_strided_slice %bitcast3A_1759 {offsets = [0], sizes = [1], strides = [1]} : vector<16xf32> to vector<1xf32>
    %squeeze3A = vector.extract %slice3A[0] : f32 from vector<1xf32>
    %get3A_1870 = arith.constant 320 : index
    %get3A_1871 = tpu.vector_load %arg7[%get3A_1870] {strides = array<i32>} : memref<1360xf32, #tpu.memory_space<vmem>>, vector<16xf32>,
    %mul3A_1872 = vector.broadcast %squeeze3A : f32 to vector<16xf32>
    %mul3A_1873 = arith.mulf %mul3A_1872, %get3A_1871 : vector<16xf32>
    %add3A_1874 = arith.addf %get3A_1869, %mul3A_1873 : vector<16xf32>
    %slice3A_1875 = vector.extract_strided_slice %bitcast3A_1759 {offsets = [1], sizes = [1], strides = [1]} : vector<16xf32> to vector<1xf32>
    %squeeze3A_1876 = vector.extract %slice3A_1875[0] : f32 from vector<1xf32>
    %get3A_1877 = arith.constant 336 : index
    %get3A_1878 = tpu.vector_load %arg7[%get3A_1877] {strides = array<i32>} : memref<1360xf32, #tpu.memory_space<vmem>>, vector<16xf32>,
    %mul3A_1879 = vector.broadcast %squeeze3A_1876 : f32 to vector<16xf32>
    %mul3A_1880 = arith.mulf %mul3A_1879, %get3A_1878 : vector<16xf32>
    %add3A_1881 = arith.addf %add3A_1874, %mul3A_1880 : vector<16xf32>
    %slice3A_1882 = vector.extract_strided_slice %bitcast3A_1759 {offsets = [2], sizes = [1], strides = [1]} : vector<16xf32> to vector<1xf32>
    %squeeze3A_1883 = vector.extract %slice3A_1882[0] : f32 from vector<1xf32>
    %get3A_1884 = arith.constant 352 : index
    %get3A_1885 = tpu.vector_load %arg7[%get3A_1884] {strides = array<i32>} : memref<1360xf32, #tpu.memory_space<vmem>>, vector<16xf32>,
    %mul3A_1886 = vector.broadcast %squeeze3A_1883 : f32 to vector<16xf32>
    %mul3A_1887 = arith.mulf %mul3A_1886, %get3A_1885 : vector<16xf32>
    %add3A_1888 = arith.addf %add3A_1881, %mul3A_1887 : vector<16xf32>
    %slice3A_1889 = vector.extract_strided_slice %bitcast3A_1759 {offsets = [3], sizes = [1], strides = [1]} : vector<16xf32> to vector<1xf32>
    %squeeze3A_1890 = vector.extract %slice3A_1889[0] : f32 from vector<1xf32>
    %get3A_1891 = arith.constant 368 : index
    %get3A_1892 = tpu.vector_load %arg7[%get3A_1891] {strides = array<i32>} : memref<1360xf32, #tpu.memory_space<vmem>>, vector<16xf32>,
    %mul3A_1893 = vector.broadcast %squeeze3A_1890 : f32 to vector<16xf32>
    %mul3A_1894 = arith.mulf %mul3A_1893, %get3A_1892 : vector<16xf32>
    %add3A_1895 = arith.addf %add3A_1888, %mul3A_1894 : vector<16xf32>
    %slice3A_1896 = vector.extract_strided_slice %bitcast3A_1759 {offsets = [4], sizes = [1], strides = [1]} : vector<16xf32> to vector<1xf32>
    %squeeze3A_1897 = vector.extract %slice3A_1896[0] : f32 from vector<1xf32>
    %get3A_1898 = arith.constant 384 : index
    %get3A_1899 = tpu.vector_load %arg7[%get3A_1898] {strides = array<i32>} : memref<1360xf32, #tpu.memory_space<vmem>>, vector<16xf32>,
    %mul3A_1900 = vector.broadcast %squeeze3A_1897 : f32 to vector<16xf32>
    %mul3A_1901 = arith.mulf %mul3A_1900, %get3A_1899 : vector<16xf32>
    %add3A_1902 = arith.addf %add3A_1895, %mul3A_1901 : vector<16xf32>
    %slice3A_1903 = vector.extract_strided_slice %bitcast3A_1759 {offsets = [5], sizes = [1], strides = [1]} : vector<16xf32> to vector<1xf32>
    %squeeze3A_1904 = vector.extract %slice3A_1903[0] : f32 from vector<1xf32>
    %get3A_1905 = arith.constant 400 : index
    %get3A_1906 = tpu.vector_load %arg7[%get3A_1905] {strides = array<i32>} : memref<1360xf32, #tpu.memory_space<vmem>>, vector<16xf32>,
    %mul3A_1907 = vector.broadcast %squeeze3A_1904 : f32 to vector<16xf32>
    %mul3A_1908 = arith.mulf %mul3A_1907, %get3A_1906 : vector<16xf32>
    %add3A_1909 = arith.addf %add3A_1902, %mul3A_1908 : vector<16xf32>
    %slice3A_1910 = vector.extract_strided_slice %bitcast3A_1759 {offsets = [6], sizes = [1], strides = [1]} : vector<16xf32> to vector<1xf32>
    %squeeze3A_1911 = vector.extract %slice3A_1910[0] : f32 from vector<1xf32>
    %get3A_1912 = arith.constant 416 : index
    %get3A_1913 = tpu.vector_load %arg7[%get3A_1912] {strides = array<i32>} : memref<1360xf32, #tpu.memory_space<vmem>>, vector<16xf32>,
    %mul3A_1914 = vector.broadcast %squeeze3A_1911 : f32 to vector<16xf32>
    %mul3A_1915 = arith.mulf %mul3A_1914, %get3A_1913 : vector<16xf32>
    %add3A_1916 = arith.addf %add3A_1909, %mul3A_1915 : vector<16xf32>
    %slice3A_1917 = vector.extract_strided_slice %bitcast3A_1759 {offsets = [7], sizes = [1], strides = [1]} : vector<16xf32> to vector<1xf32>
    %squeeze3A_1918 = vector.extract %slice3A_1917[0] : f32 from vector<1xf32>
    %get3A_1919 = arith.constant 432 : index
    %get3A_1920 = tpu.vector_load %arg7[%get3A_1919] {strides = array<i32>} : memref<1360xf32, #tpu.memory_space<vmem>>, vector<16xf32>,
    %mul3A_1921 = vector.broadcast %squeeze3A_1918 : f32 to vector<16xf32>
    %mul3A_1922 = arith.mulf %mul3A_1921, %get3A_1920 : vector<16xf32>
    %add3A_1923 = arith.addf %add3A_1916, %mul3A_1922 : vector<16xf32>
    %slice3A_1924 = vector.extract_strided_slice %bitcast3A_1759 {offsets = [8], sizes = [1], strides = [1]} : vector<16xf32> to vector<1xf32>
    %squeeze3A_1925 = vector.extract %slice3A_1924[0] : f32 from vector<1xf32>
    %get3A_1926 = arith.constant 448 : index
    %get3A_1927 = tpu.vector_load %arg7[%get3A_1926] {strides = array<i32>} : memref<1360xf32, #tpu.memory_space<vmem>>, vector<16xf32>,
    %mul3A_1928 = vector.broadcast %squeeze3A_1925 : f32 to vector<16xf32>
    %mul3A_1929 = arith.mulf %mul3A_1928, %get3A_1927 : vector<16xf32>
    %add3A_1930 = arith.addf %add3A_1923, %mul3A_1929 : vector<16xf32>
    %slice3A_1931 = vector.extract_strided_slice %bitcast3A_1759 {offsets = [9], sizes = [1], strides = [1]} : vector<16xf32> to vector<1xf32>
    %squeeze3A_1932 = vector.extract %slice3A_1931[0] : f32 from vector<1xf32>
    %get3A_1933 = arith.constant 464 : index
    %get3A_1934 = tpu.vector_load %arg7[%get3A_1933] {strides = array<i32>} : memref<1360xf32, #tpu.memory_space<vmem>>, vector<16xf32>,
    %mul3A_1935 = vector.broadcast %squeeze3A_1932 : f32 to vector<16xf32>
    %mul3A_1936 = arith.mulf %mul3A_1935, %get3A_1934 : vector<16xf32>
    %add3A_1937 = arith.addf %add3A_1930, %mul3A_1936 : vector<16xf32>
    %slice3A_1938 = vector.extract_strided_slice %bitcast3A_1759 {offsets = [10], sizes = [1], strides = [1]} : vector<16xf32> to vector<1xf32>
    %squeeze3A_1939 = vector.extract %slice3A_1938[0] : f32 from vector<1xf32>
    %get3A_1940 = arith.constant 480 : index
    %get3A_1941 = tpu.vector_load %arg7[%get3A_1940] {strides = array<i32>} : memref<1360xf32, #tpu.memory_space<vmem>>, vector<16xf32>,
    %mul3A_1942 = vector.broadcast %squeeze3A_1939 : f32 to vector<16xf32>
    %mul3A_1943 = arith.mulf %mul3A_1942, %get3A_1941 : vector<16xf32>
    %add3A_1944 = arith.addf %add3A_1937, %mul3A_1943 : vector<16xf32>
    %slice3A_1945 = vector.extract_strided_slice %bitcast3A_1759 {offsets = [11], sizes = [1], strides = [1]} : vector<16xf32> to vector<1xf32>
    %squeeze3A_1946 = vector.extract %slice3A_1945[0] : f32 from vector<1xf32>
    %get3A_1947 = arith.constant 496 : index
    %get3A_1948 = tpu.vector_load %arg7[%get3A_1947] {strides = array<i32>} : memref<1360xf32, #tpu.memory_space<vmem>>, vector<16xf32>,
    %mul3A_1949 = vector.broadcast %squeeze3A_1946 : f32 to vector<16xf32>
    %mul3A_1950 = arith.mulf %mul3A_1949, %get3A_1948 : vector<16xf32>
    %add3A_1951 = arith.addf %add3A_1944, %mul3A_1950 : vector<16xf32>
    %slice3A_1952 = vector.extract_strided_slice %bitcast3A_1759 {offsets = [12], sizes = [1], strides = [1]} : vector<16xf32> to vector<1xf32>
    %squeeze3A_1953 = vector.extract %slice3A_1952[0] : f32 from vector<1xf32>
    %get3A_1954 = arith.constant 512 : index
    %get3A_1955 = tpu.vector_load %arg7[%get3A_1954] {strides = array<i32>} : memref<1360xf32, #tpu.memory_space<vmem>>, vector<16xf32>,
    %mul3A_1956 = vector.broadcast %squeeze3A_1953 : f32 to vector<16xf32>
    %mul3A_1957 = arith.mulf %mul3A_1956, %get3A_1955 : vector<16xf32>
    %add3A_1958 = arith.addf %add3A_1951, %mul3A_1957 : vector<16xf32>
    %slice3A_1959 = vector.extract_strided_slice %bitcast3A_1759 {offsets = [13], sizes = [1], strides = [1]} : vector<16xf32> to vector<1xf32>
    %squeeze3A_1960 = vector.extract %slice3A_1959[0] : f32 from vector<1xf32>
    %get3A_1961 = arith.constant 528 : index
    %get3A_1962 = tpu.vector_load %arg7[%get3A_1961] {strides = array<i32>} : memref<1360xf32, #tpu.memory_space<vmem>>, vector<16xf32>,
    %mul3A_1963 = vector.broadcast %squeeze3A_1960 : f32 to vector<16xf32>
    %mul3A_1964 = arith.mulf %mul3A_1963, %get3A_1962 : vector<16xf32>
    %add3A_1965 = arith.addf %add3A_1958, %mul3A_1964 : vector<16xf32>
    %slice3A_1966 = vector.extract_strided_slice %bitcast3A_1759 {offsets = [14], sizes = [1], strides = [1]} : vector<16xf32> to vector<1xf32>
    %squeeze3A_1967 = vector.extract %slice3A_1966[0] : f32 from vector<1xf32>
    %get3A_1968 = arith.constant 544 : index
    %get3A_1969 = tpu.vector_load %arg7[%get3A_1968] {strides = array<i32>} : memref<1360xf32, #tpu.memory_space<vmem>>, vector<16xf32>,
    %mul3A_1970 = vector.broadcast %squeeze3A_1967 : f32 to vector<16xf32>
    %mul3A_1971 = arith.mulf %mul3A_1970, %get3A_1969 : vector<16xf32>
    %add3A_1972 = arith.addf %add3A_1965, %mul3A_1971 : vector<16xf32>
    %slice3A_1973 = vector.extract_strided_slice %bitcast3A_1759 {offsets = [15], sizes = [1], strides = [1]} : vector<16xf32> to vector<1xf32>
    %squeeze3A_1974 = vector.extract %slice3A_1973[0] : f32 from vector<1xf32>
    %get3A_1975 = arith.constant 560 : index
    %get3A_1976 = tpu.vector_load %arg7[%get3A_1975] {strides = array<i32>} : memref<1360xf32, #tpu.memory_space<vmem>>, vector<16xf32>,
    %mul3A_1977 = vector.broadcast %squeeze3A_1974 : f32 to vector<16xf32>
    %mul3A_1978 = arith.mulf %mul3A_1977, %get3A_1976 : vector<16xf32>
    %add3A_1979 = arith.addf %add3A_1972, %mul3A_1978 : vector<16xf32>
    %slice3A_1980 = vector.extract_strided_slice %bitcast3A_1795 {offsets = [0], sizes = [1], strides = [1]} : vector<16xf32> to vector<1xf32>
    %squeeze3A_1981 = vector.extract %slice3A_1980[0] : f32 from vector<1xf32>
    %get3A_1982 = arith.constant 576 : index
    %get3A_1983 = tpu.vector_load %arg7[%get3A_1982] {strides = array<i32>} : memref<1360xf32, #tpu.memory_space<vmem>>, vector<16xf32>,
    %mul3A_1984 = vector.broadcast %squeeze3A_1981 : f32 to vector<16xf32>
    %mul3A_1985 = arith.mulf %mul3A_1984, %get3A_1983 : vector<16xf32>
    %add3A_1986 = arith.addf %add3A_1979, %mul3A_1985 : vector<16xf32>
    %slice3A_1987 = vector.extract_strided_slice %bitcast3A_1795 {offsets = [1], sizes = [1], strides = [1]} : vector<16xf32> to vector<1xf32>
    %squeeze3A_1988 = vector.extract %slice3A_1987[0] : f32 from vector<1xf32>
    %get3A_1989 = arith.constant 592 : index
    %get3A_1990 = tpu.vector_load %arg7[%get3A_1989] {strides = array<i32>} : memref<1360xf32, #tpu.memory_space<vmem>>, vector<16xf32>,
    %mul3A_1991 = vector.broadcast %squeeze3A_1988 : f32 to vector<16xf32>
    %mul3A_1992 = arith.mulf %mul3A_1991, %get3A_1990 : vector<16xf32>
    %add3A_1993 = arith.addf %add3A_1986, %mul3A_1992 : vector<16xf32>
    %slice3A_1994 = vector.extract_strided_slice %bitcast3A_1795 {offsets = [2], sizes = [1], strides = [1]} : vector<16xf32> to vector<1xf32>
    %squeeze3A_1995 = vector.extract %slice3A_1994[0] : f32 from vector<1xf32>
    %get3A_1996 = arith.constant 608 : index
    %get3A_1997 = tpu.vector_load %arg7[%get3A_1996] {strides = array<i32>} : memref<1360xf32, #tpu.memory_space<vmem>>, vector<16xf32>,
    %mul3A_1998 = vector.broadcast %squeeze3A_1995 : f32 to vector<16xf32>
    %mul3A_1999 = arith.mulf %mul3A_1998, %get3A_1997 : vector<16xf32>
    %add3A_2000 = arith.addf %add3A_1993, %mul3A_1999 : vector<16xf32>
    %slice3A_2001 = vector.extract_strided_slice %bitcast3A_1795 {offsets = [3], sizes = [1], strides = [1]} : vector<16xf32> to vector<1xf32>
    %squeeze3A_2002 = vector.extract %slice3A_2001[0] : f32 from vector<1xf32>
    %get3A_2003 = arith.constant 624 : index
    %get3A_2004 = tpu.vector_load %arg7[%get3A_2003] {strides = array<i32>} : memref<1360xf32, #tpu.memory_space<vmem>>, vector<16xf32>,
    %mul3A_2005 = vector.broadcast %squeeze3A_2002 : f32 to vector<16xf32>
    %mul3A_2006 = arith.mulf %mul3A_2005, %get3A_2004 : vector<16xf32>
    %add3A_2007 = arith.addf %add3A_2000, %mul3A_2006 : vector<16xf32>
    %slice3A_2008 = vector.extract_strided_slice %bitcast3A_1795 {offsets = [4], sizes = [1], strides = [1]} : vector<16xf32> to vector<1xf32>
    %squeeze3A_2009 = vector.extract %slice3A_2008[0] : f32 from vector<1xf32>
    %get3A_2010 = arith.constant 640 : index
    %get3A_2011 = tpu.vector_load %arg7[%get3A_2010] {strides = array<i32>} : memref<1360xf32, #tpu.memory_space<vmem>>, vector<16xf32>,
    %mul3A_2012 = vector.broadcast %squeeze3A_2009 : f32 to vector<16xf32>
    %mul3A_2013 = arith.mulf %mul3A_2012, %get3A_2011 : vector<16xf32>
    %add3A_2014 = arith.addf %add3A_2007, %mul3A_2013 : vector<16xf32>
    %slice3A_2015 = vector.extract_strided_slice %bitcast3A_1795 {offsets = [5], sizes = [1], strides = [1]} : vector<16xf32> to vector<1xf32>
    %squeeze3A_2016 = vector.extract %slice3A_2015[0] : f32 from vector<1xf32>
    %get3A_2017 = arith.constant 656 : index
    %get3A_2018 = tpu.vector_load %arg7[%get3A_2017] {strides = array<i32>} : memref<1360xf32, #tpu.memory_space<vmem>>, vector<16xf32>,
    %mul3A_2019 = vector.broadcast %squeeze3A_2016 : f32 to vector<16xf32>
    %mul3A_2020 = arith.mulf %mul3A_2019, %get3A_2018 : vector<16xf32>
    %add3A_2021 = arith.addf %add3A_2014, %mul3A_2020 : vector<16xf32>
    %slice3A_2022 = vector.extract_strided_slice %bitcast3A_1795 {offsets = [6], sizes = [1], strides = [1]} : vector<16xf32> to vector<1xf32>
    %squeeze3A_2023 = vector.extract %slice3A_2022[0] : f32 from vector<1xf32>
    %get3A_2024 = arith.constant 672 : index
    %get3A_2025 = tpu.vector_load %arg7[%get3A_2024] {strides = array<i32>} : memref<1360xf32, #tpu.memory_space<vmem>>, vector<16xf32>,
    %mul3A_2026 = vector.broadcast %squeeze3A_2023 : f32 to vector<16xf32>
    %mul3A_2027 = arith.mulf %mul3A_2026, %get3A_2025 : vector<16xf32>
    %add3A_2028 = arith.addf %add3A_2021, %mul3A_2027 : vector<16xf32>
    %slice3A_2029 = vector.extract_strided_slice %bitcast3A_1795 {offsets = [7], sizes = [1], strides = [1]} : vector<16xf32> to vector<1xf32>
    %squeeze3A_2030 = vector.extract %slice3A_2029[0] : f32 from vector<1xf32>
    %get3A_2031 = arith.constant 688 : index
    %get3A_2032 = tpu.vector_load %arg7[%get3A_2031] {strides = array<i32>} : memref<1360xf32, #tpu.memory_space<vmem>>, vector<16xf32>,
    %mul3A_2033 = vector.broadcast %squeeze3A_2030 : f32 to vector<16xf32>
    %mul3A_2034 = arith.mulf %mul3A_2033, %get3A_2032 : vector<16xf32>
    %add3A_2035 = arith.addf %add3A_2028, %mul3A_2034 : vector<16xf32>
    %slice3A_2036 = vector.extract_strided_slice %bitcast3A_1795 {offsets = [8], sizes = [1], strides = [1]} : vector<16xf32> to vector<1xf32>
    %squeeze3A_2037 = vector.extract %slice3A_2036[0] : f32 from vector<1xf32>
    %get3A_2038 = arith.constant 704 : index
    %get3A_2039 = tpu.vector_load %arg7[%get3A_2038] {strides = array<i32>} : memref<1360xf32, #tpu.memory_space<vmem>>, vector<16xf32>,
    %mul3A_2040 = vector.broadcast %squeeze3A_2037 : f32 to vector<16xf32>
    %mul3A_2041 = arith.mulf %mul3A_2040, %get3A_2039 : vector<16xf32>
    %add3A_2042 = arith.addf %add3A_2035, %mul3A_2041 : vector<16xf32>
    %slice3A_2043 = vector.extract_strided_slice %bitcast3A_1795 {offsets = [9], sizes = [1], strides = [1]} : vector<16xf32> to vector<1xf32>
    %squeeze3A_2044 = vector.extract %slice3A_2043[0] : f32 from vector<1xf32>
    %get3A_2045 = arith.constant 720 : index
    %get3A_2046 = tpu.vector_load %arg7[%get3A_2045] {strides = array<i32>} : memref<1360xf32, #tpu.memory_space<vmem>>, vector<16xf32>,
    %mul3A_2047 = vector.broadcast %squeeze3A_2044 : f32 to vector<16xf32>
    %mul3A_2048 = arith.mulf %mul3A_2047, %get3A_2046 : vector<16xf32>
    %add3A_2049 = arith.addf %add3A_2042, %mul3A_2048 : vector<16xf32>
    %slice3A_2050 = vector.extract_strided_slice %bitcast3A_1795 {offsets = [10], sizes = [1], strides = [1]} : vector<16xf32> to vector<1xf32>
    %squeeze3A_2051 = vector.extract %slice3A_2050[0] : f32 from vector<1xf32>
    %get3A_2052 = arith.constant 736 : index
    %get3A_2053 = tpu.vector_load %arg7[%get3A_2052] {strides = array<i32>} : memref<1360xf32, #tpu.memory_space<vmem>>, vector<16xf32>,
    %mul3A_2054 = vector.broadcast %squeeze3A_2051 : f32 to vector<16xf32>
    %mul3A_2055 = arith.mulf %mul3A_2054, %get3A_2053 : vector<16xf32>
    %add3A_2056 = arith.addf %add3A_2049, %mul3A_2055 : vector<16xf32>
    %slice3A_2057 = vector.extract_strided_slice %bitcast3A_1795 {offsets = [11], sizes = [1], strides = [1]} : vector<16xf32> to vector<1xf32>
    %squeeze3A_2058 = vector.extract %slice3A_2057[0] : f32 from vector<1xf32>
    %get3A_2059 = arith.constant 752 : index
    %get3A_2060 = tpu.vector_load %arg7[%get3A_2059] {strides = array<i32>} : memref<1360xf32, #tpu.memory_space<vmem>>, vector<16xf32>,
    %mul3A_2061 = vector.broadcast %squeeze3A_2058 : f32 to vector<16xf32>
    %mul3A_2062 = arith.mulf %mul3A_2061, %get3A_2060 : vector<16xf32>
    %add3A_2063 = arith.addf %add3A_2056, %mul3A_2062 : vector<16xf32>
    %slice3A_2064 = vector.extract_strided_slice %bitcast3A_1795 {offsets = [12], sizes = [1], strides = [1]} : vector<16xf32> to vector<1xf32>
    %squeeze3A_2065 = vector.extract %slice3A_2064[0] : f32 from vector<1xf32>
    %get3A_2066 = arith.constant 768 : index
    %get3A_2067 = tpu.vector_load %arg7[%get3A_2066] {strides = array<i32>} : memref<1360xf32, #tpu.memory_space<vmem>>, vector<16xf32>,
    %mul3A_2068 = vector.broadcast %squeeze3A_2065 : f32 to vector<16xf32>
    %mul3A_2069 = arith.mulf %mul3A_2068, %get3A_2067 : vector<16xf32>
    %add3A_2070 = arith.addf %add3A_2063, %mul3A_2069 : vector<16xf32>
    %slice3A_2071 = vector.extract_strided_slice %bitcast3A_1795 {offsets = [13], sizes = [1], strides = [1]} : vector<16xf32> to vector<1xf32>
    %squeeze3A_2072 = vector.extract %slice3A_2071[0] : f32 from vector<1xf32>
    %get3A_2073 = arith.constant 784 : index
    %get3A_2074 = tpu.vector_load %arg7[%get3A_2073] {strides = array<i32>} : memref<1360xf32, #tpu.memory_space<vmem>>, vector<16xf32>,
    %mul3A_2075 = vector.broadcast %squeeze3A_2072 : f32 to vector<16xf32>
    %mul3A_2076 = arith.mulf %mul3A_2075, %get3A_2074 : vector<16xf32>
    %add3A_2077 = arith.addf %add3A_2070, %mul3A_2076 : vector<16xf32>
    %slice3A_2078 = vector.extract_strided_slice %bitcast3A_1795 {offsets = [14], sizes = [1], strides = [1]} : vector<16xf32> to vector<1xf32>
    %squeeze3A_2079 = vector.extract %slice3A_2078[0] : f32 from vector<1xf32>
    %get3A_2080 = arith.constant 800 : index
    %get3A_2081 = tpu.vector_load %arg7[%get3A_2080] {strides = array<i32>} : memref<1360xf32, #tpu.memory_space<vmem>>, vector<16xf32>,
    %mul3A_2082 = vector.broadcast %squeeze3A_2079 : f32 to vector<16xf32>
    %mul3A_2083 = arith.mulf %mul3A_2082, %get3A_2081 : vector<16xf32>
    %add3A_2084 = arith.addf %add3A_2077, %mul3A_2083 : vector<16xf32>
    %slice3A_2085 = vector.extract_strided_slice %bitcast3A_1795 {offsets = [15], sizes = [1], strides = [1]} : vector<16xf32> to vector<1xf32>
    %squeeze3A_2086 = vector.extract %slice3A_2085[0] : f32 from vector<1xf32>
    %get3A_2087 = arith.constant 816 : index
    %get3A_2088 = tpu.vector_load %arg7[%get3A_2087] {strides = array<i32>} : memref<1360xf32, #tpu.memory_space<vmem>>, vector<16xf32>,
    %mul3A_2089 = vector.broadcast %squeeze3A_2086 : f32 to vector<16xf32>
    %mul3A_2090 = arith.mulf %mul3A_2089, %get3A_2088 : vector<16xf32>
    %add3A_2091 = arith.addf %add3A_2084, %mul3A_2090 : vector<16xf32>
    %slice3A_2092 = vector.extract_strided_slice %bitcast3A_1831 {offsets = [0], sizes = [1], strides = [1]} : vector<16xf32> to vector<1xf32>
    %squeeze3A_2093 = vector.extract %slice3A_2092[0] : f32 from vector<1xf32>
    %get3A_2094 = arith.constant 832 : index
    %get3A_2095 = tpu.vector_load %arg7[%get3A_2094] {strides = array<i32>} : memref<1360xf32, #tpu.memory_space<vmem>>, vector<16xf32>,
    %mul3A_2096 = vector.broadcast %squeeze3A_2093 : f32 to vector<16xf32>
    %mul3A_2097 = arith.mulf %mul3A_2096, %get3A_2095 : vector<16xf32>
    %add3A_2098 = arith.addf %add3A_2091, %mul3A_2097 : vector<16xf32>
    %slice3A_2099 = vector.extract_strided_slice %bitcast3A_1831 {offsets = [1], sizes = [1], strides = [1]} : vector<16xf32> to vector<1xf32>
    %squeeze3A_2100 = vector.extract %slice3A_2099[0] : f32 from vector<1xf32>
    %get3A_2101 = arith.constant 848 : index
    %get3A_2102 = tpu.vector_load %arg7[%get3A_2101] {strides = array<i32>} : memref<1360xf32, #tpu.memory_space<vmem>>, vector<16xf32>,
    %mul3A_2103 = vector.broadcast %squeeze3A_2100 : f32 to vector<16xf32>
    %mul3A_2104 = arith.mulf %mul3A_2103, %get3A_2102 : vector<16xf32>
    %add3A_2105 = arith.addf %add3A_2098, %mul3A_2104 : vector<16xf32>
    %slice3A_2106 = vector.extract_strided_slice %bitcast3A_1831 {offsets = [2], sizes = [1], strides = [1]} : vector<16xf32> to vector<1xf32>
    %squeeze3A_2107 = vector.extract %slice3A_2106[0] : f32 from vector<1xf32>
    %get3A_2108 = arith.constant 864 : index
    %get3A_2109 = tpu.vector_load %arg7[%get3A_2108] {strides = array<i32>} : memref<1360xf32, #tpu.memory_space<vmem>>, vector<16xf32>,
    %mul3A_2110 = vector.broadcast %squeeze3A_2107 : f32 to vector<16xf32>
    %mul3A_2111 = arith.mulf %mul3A_2110, %get3A_2109 : vector<16xf32>
    %add3A_2112 = arith.addf %add3A_2105, %mul3A_2111 : vector<16xf32>
    %slice3A_2113 = vector.extract_strided_slice %bitcast3A_1831 {offsets = [3], sizes = [1], strides = [1]} : vector<16xf32> to vector<1xf32>
    %squeeze3A_2114 = vector.extract %slice3A_2113[0] : f32 from vector<1xf32>
    %get3A_2115 = arith.constant 880 : index
    %get3A_2116 = tpu.vector_load %arg7[%get3A_2115] {strides = array<i32>} : memref<1360xf32, #tpu.memory_space<vmem>>, vector<16xf32>,
    %mul3A_2117 = vector.broadcast %squeeze3A_2114 : f32 to vector<16xf32>
    %mul3A_2118 = arith.mulf %mul3A_2117, %get3A_2116 : vector<16xf32>
    %add3A_2119 = arith.addf %add3A_2112, %mul3A_2118 : vector<16xf32>
    %slice3A_2120 = vector.extract_strided_slice %bitcast3A_1831 {offsets = [4], sizes = [1], strides = [1]} : vector<16xf32> to vector<1xf32>
    %squeeze3A_2121 = vector.extract %slice3A_2120[0] : f32 from vector<1xf32>
    %get3A_2122 = arith.constant 896 : index
    %get3A_2123 = tpu.vector_load %arg7[%get3A_2122] {strides = array<i32>} : memref<1360xf32, #tpu.memory_space<vmem>>, vector<16xf32>,
    %mul3A_2124 = vector.broadcast %squeeze3A_2121 : f32 to vector<16xf32>
    %mul3A_2125 = arith.mulf %mul3A_2124, %get3A_2123 : vector<16xf32>
    %add3A_2126 = arith.addf %add3A_2119, %mul3A_2125 : vector<16xf32>
    %slice3A_2127 = vector.extract_strided_slice %bitcast3A_1831 {offsets = [5], sizes = [1], strides = [1]} : vector<16xf32> to vector<1xf32>
    %squeeze3A_2128 = vector.extract %slice3A_2127[0] : f32 from vector<1xf32>
    %get3A_2129 = arith.constant 912 : index
    %get3A_2130 = tpu.vector_load %arg7[%get3A_2129] {strides = array<i32>} : memref<1360xf32, #tpu.memory_space<vmem>>, vector<16xf32>,
    %mul3A_2131 = vector.broadcast %squeeze3A_2128 : f32 to vector<16xf32>
    %mul3A_2132 = arith.mulf %mul3A_2131, %get3A_2130 : vector<16xf32>
    %add3A_2133 = arith.addf %add3A_2126, %mul3A_2132 : vector<16xf32>
    %slice3A_2134 = vector.extract_strided_slice %bitcast3A_1831 {offsets = [6], sizes = [1], strides = [1]} : vector<16xf32> to vector<1xf32>
    %squeeze3A_2135 = vector.extract %slice3A_2134[0] : f32 from vector<1xf32>
    %get3A_2136 = arith.constant 928 : index
    %get3A_2137 = tpu.vector_load %arg7[%get3A_2136] {strides = array<i32>} : memref<1360xf32, #tpu.memory_space<vmem>>, vector<16xf32>,
    %mul3A_2138 = vector.broadcast %squeeze3A_2135 : f32 to vector<16xf32>
    %mul3A_2139 = arith.mulf %mul3A_2138, %get3A_2137 : vector<16xf32>
    %add3A_2140 = arith.addf %add3A_2133, %mul3A_2139 : vector<16xf32>
    %slice3A_2141 = vector.extract_strided_slice %bitcast3A_1831 {offsets = [7], sizes = [1], strides = [1]} : vector<16xf32> to vector<1xf32>
    %squeeze3A_2142 = vector.extract %slice3A_2141[0] : f32 from vector<1xf32>
    %get3A_2143 = arith.constant 944 : index
    %get3A_2144 = tpu.vector_load %arg7[%get3A_2143] {strides = array<i32>} : memref<1360xf32, #tpu.memory_space<vmem>>, vector<16xf32>,
    %mul3A_2145 = vector.broadcast %squeeze3A_2142 : f32 to vector<16xf32>
    %mul3A_2146 = arith.mulf %mul3A_2145, %get3A_2144 : vector<16xf32>
    %add3A_2147 = arith.addf %add3A_2140, %mul3A_2146 : vector<16xf32>
    %slice3A_2148 = vector.extract_strided_slice %bitcast3A_1831 {offsets = [8], sizes = [1], strides = [1]} : vector<16xf32> to vector<1xf32>
    %squeeze3A_2149 = vector.extract %slice3A_2148[0] : f32 from vector<1xf32>
    %get3A_2150 = arith.constant 960 : index
    %get3A_2151 = tpu.vector_load %arg7[%get3A_2150] {strides = array<i32>} : memref<1360xf32, #tpu.memory_space<vmem>>, vector<16xf32>,
    %mul3A_2152 = vector.broadcast %squeeze3A_2149 : f32 to vector<16xf32>
    %mul3A_2153 = arith.mulf %mul3A_2152, %get3A_2151 : vector<16xf32>
    %add3A_2154 = arith.addf %add3A_2147, %mul3A_2153 : vector<16xf32>
    %slice3A_2155 = vector.extract_strided_slice %bitcast3A_1831 {offsets = [9], sizes = [1], strides = [1]} : vector<16xf32> to vector<1xf32>
    %squeeze3A_2156 = vector.extract %slice3A_2155[0] : f32 from vector<1xf32>
    %get3A_2157 = arith.constant 976 : index
    %get3A_2158 = tpu.vector_load %arg7[%get3A_2157] {strides = array<i32>} : memref<1360xf32, #tpu.memory_space<vmem>>, vector<16xf32>,
    %mul3A_2159 = vector.broadcast %squeeze3A_2156 : f32 to vector<16xf32>
    %mul3A_2160 = arith.mulf %mul3A_2159, %get3A_2158 : vector<16xf32>
    %add3A_2161 = arith.addf %add3A_2154, %mul3A_2160 : vector<16xf32>
    %slice3A_2162 = vector.extract_strided_slice %bitcast3A_1831 {offsets = [10], sizes = [1], strides = [1]} : vector<16xf32> to vector<1xf32>
    %squeeze3A_2163 = vector.extract %slice3A_2162[0] : f32 from vector<1xf32>
    %get3A_2164 = arith.constant 992 : index
    %get3A_2165 = tpu.vector_load %arg7[%get3A_2164] {strides = array<i32>} : memref<1360xf32, #tpu.memory_space<vmem>>, vector<16xf32>,
    %mul3A_2166 = vector.broadcast %squeeze3A_2163 : f32 to vector<16xf32>
    %mul3A_2167 = arith.mulf %mul3A_2166, %get3A_2165 : vector<16xf32>
    %add3A_2168 = arith.addf %add3A_2161, %mul3A_2167 : vector<16xf32>
    %slice3A_2169 = vector.extract_strided_slice %bitcast3A_1831 {offsets = [11], sizes = [1], strides = [1]} : vector<16xf32> to vector<1xf32>
    %squeeze3A_2170 = vector.extract %slice3A_2169[0] : f32 from vector<1xf32>
    %get3A_2171 = arith.constant 1008 : index
    %get3A_2172 = tpu.vector_load %arg7[%get3A_2171] {strides = array<i32>} : memref<1360xf32, #tpu.memory_space<vmem>>, vector<16xf32>,
    %mul3A_2173 = vector.broadcast %squeeze3A_2170 : f32 to vector<16xf32>
    %mul3A_2174 = arith.mulf %mul3A_2173, %get3A_2172 : vector<16xf32>
    %add3A_2175 = arith.addf %add3A_2168, %mul3A_2174 : vector<16xf32>
    %slice3A_2176 = vector.extract_strided_slice %bitcast3A_1831 {offsets = [12], sizes = [1], strides = [1]} : vector<16xf32> to vector<1xf32>
    %squeeze3A_2177 = vector.extract %slice3A_2176[0] : f32 from vector<1xf32>
    %get3A_2178 = arith.constant 1024 : index
    %get3A_2179 = tpu.vector_load %arg7[%get3A_2178] {strides = array<i32>} : memref<1360xf32, #tpu.memory_space<vmem>>, vector<16xf32>,
    %mul3A_2180 = vector.broadcast %squeeze3A_2177 : f32 to vector<16xf32>
    %mul3A_2181 = arith.mulf %mul3A_2180, %get3A_2179 : vector<16xf32>
    %add3A_2182 = arith.addf %add3A_2175, %mul3A_2181 : vector<16xf32>
    %slice3A_2183 = vector.extract_strided_slice %bitcast3A_1831 {offsets = [13], sizes = [1], strides = [1]} : vector<16xf32> to vector<1xf32>
    %squeeze3A_2184 = vector.extract %slice3A_2183[0] : f32 from vector<1xf32>
    %get3A_2185 = arith.constant 1040 : index
    %get3A_2186 = tpu.vector_load %arg7[%get3A_2185] {strides = array<i32>} : memref<1360xf32, #tpu.memory_space<vmem>>, vector<16xf32>,
    %mul3A_2187 = vector.broadcast %squeeze3A_2184 : f32 to vector<16xf32>
    %mul3A_2188 = arith.mulf %mul3A_2187, %get3A_2186 : vector<16xf32>
    %add3A_2189 = arith.addf %add3A_2182, %mul3A_2188 : vector<16xf32>
    %slice3A_2190 = vector.extract_strided_slice %bitcast3A_1831 {offsets = [14], sizes = [1], strides = [1]} : vector<16xf32> to vector<1xf32>
    %squeeze3A_2191 = vector.extract %slice3A_2190[0] : f32 from vector<1xf32>
    %get3A_2192 = arith.constant 1056 : index
    %get3A_2193 = tpu.vector_load %arg7[%get3A_2192] {strides = array<i32>} : memref<1360xf32, #tpu.memory_space<vmem>>, vector<16xf32>,
    %mul3A_2194 = vector.broadcast %squeeze3A_2191 : f32 to vector<16xf32>
    %mul3A_2195 = arith.mulf %mul3A_2194, %get3A_2193 : vector<16xf32>
    %add3A_2196 = arith.addf %add3A_2189, %mul3A_2195 : vector<16xf32>
    %slice3A_2197 = vector.extract_strided_slice %bitcast3A_1831 {offsets = [15], sizes = [1], strides = [1]} : vector<16xf32> to vector<1xf32>
    %squeeze3A_2198 = vector.extract %slice3A_2197[0] : f32 from vector<1xf32>
    %get3A_2199 = arith.constant 1072 : index
    %get3A_2200 = tpu.vector_load %arg7[%get3A_2199] {strides = array<i32>} : memref<1360xf32, #tpu.memory_space<vmem>>, vector<16xf32>,
    %mul3A_2201 = vector.broadcast %squeeze3A_2198 : f32 to vector<16xf32>
    %mul3A_2202 = arith.mulf %mul3A_2201, %get3A_2200 : vector<16xf32>
    %add3A_2203 = arith.addf %add3A_2196, %mul3A_2202 : vector<16xf32>
    %slice3A_2204 = vector.extract_strided_slice %bitcast3A_1867 {offsets = [0], sizes = [1], strides = [1]} : vector<16xf32> to vector<1xf32>
    %squeeze3A_2205 = vector.extract %slice3A_2204[0] : f32 from vector<1xf32>
    %get3A_2206 = arith.constant 1088 : index
    %get3A_2207 = tpu.vector_load %arg7[%get3A_2206] {strides = array<i32>} : memref<1360xf32, #tpu.memory_space<vmem>>, vector<16xf32>,
    %mul3A_2208 = vector.broadcast %squeeze3A_2205 : f32 to vector<16xf32>
    %mul3A_2209 = arith.mulf %mul3A_2208, %get3A_2207 : vector<16xf32>
    %add3A_2210 = arith.addf %add3A_2203, %mul3A_2209 : vector<16xf32>
    %slice3A_2211 = vector.extract_strided_slice %bitcast3A_1867 {offsets = [1], sizes = [1], strides = [1]} : vector<16xf32> to vector<1xf32>
    %squeeze3A_2212 = vector.extract %slice3A_2211[0] : f32 from vector<1xf32>
    %get3A_2213 = arith.constant 1104 : index
    %get3A_2214 = tpu.vector_load %arg7[%get3A_2213] {strides = array<i32>} : memref<1360xf32, #tpu.memory_space<vmem>>, vector<16xf32>,
    %mul3A_2215 = vector.broadcast %squeeze3A_2212 : f32 to vector<16xf32>
    %mul3A_2216 = arith.mulf %mul3A_2215, %get3A_2214 : vector<16xf32>
    %add3A_2217 = arith.addf %add3A_2210, %mul3A_2216 : vector<16xf32>
    %slice3A_2218 = vector.extract_strided_slice %bitcast3A_1867 {offsets = [2], sizes = [1], strides = [1]} : vector<16xf32> to vector<1xf32>
    %squeeze3A_2219 = vector.extract %slice3A_2218[0] : f32 from vector<1xf32>
    %get3A_2220 = arith.constant 1120 : index
    %get3A_2221 = tpu.vector_load %arg7[%get3A_2220] {strides = array<i32>} : memref<1360xf32, #tpu.memory_space<vmem>>, vector<16xf32>,
    %mul3A_2222 = vector.broadcast %squeeze3A_2219 : f32 to vector<16xf32>
    %mul3A_2223 = arith.mulf %mul3A_2222, %get3A_2221 : vector<16xf32>
    %add3A_2224 = arith.addf %add3A_2217, %mul3A_2223 : vector<16xf32>
    %slice3A_2225 = vector.extract_strided_slice %bitcast3A_1867 {offsets = [3], sizes = [1], strides = [1]} : vector<16xf32> to vector<1xf32>
    %squeeze3A_2226 = vector.extract %slice3A_2225[0] : f32 from vector<1xf32>
    %get3A_2227 = arith.constant 1136 : index
    %get3A_2228 = tpu.vector_load %arg7[%get3A_2227] {strides = array<i32>} : memref<1360xf32, #tpu.memory_space<vmem>>, vector<16xf32>,
    %mul3A_2229 = vector.broadcast %squeeze3A_2226 : f32 to vector<16xf32>
    %mul3A_2230 = arith.mulf %mul3A_2229, %get3A_2228 : vector<16xf32>
    %add3A_2231 = arith.addf %add3A_2224, %mul3A_2230 : vector<16xf32>
    %slice3A_2232 = vector.extract_strided_slice %bitcast3A_1867 {offsets = [4], sizes = [1], strides = [1]} : vector<16xf32> to vector<1xf32>
    %squeeze3A_2233 = vector.extract %slice3A_2232[0] : f32 from vector<1xf32>
    %get3A_2234 = arith.constant 1152 : index
    %get3A_2235 = tpu.vector_load %arg7[%get3A_2234] {strides = array<i32>} : memref<1360xf32, #tpu.memory_space<vmem>>, vector<16xf32>,
    %mul3A_2236 = vector.broadcast %squeeze3A_2233 : f32 to vector<16xf32>
    %mul3A_2237 = arith.mulf %mul3A_2236, %get3A_2235 : vector<16xf32>
    %add3A_2238 = arith.addf %add3A_2231, %mul3A_2237 : vector<16xf32>
    %slice3A_2239 = vector.extract_strided_slice %bitcast3A_1867 {offsets = [5], sizes = [1], strides = [1]} : vector<16xf32> to vector<1xf32>
    %squeeze3A_2240 = vector.extract %slice3A_2239[0] : f32 from vector<1xf32>
    %get3A_2241 = arith.constant 1168 : index
    %get3A_2242 = tpu.vector_load %arg7[%get3A_2241] {strides = array<i32>} : memref<1360xf32, #tpu.memory_space<vmem>>, vector<16xf32>,
    %mul3A_2243 = vector.broadcast %squeeze3A_2240 : f32 to vector<16xf32>
    %mul3A_2244 = arith.mulf %mul3A_2243, %get3A_2242 : vector<16xf32>
    %add3A_2245 = arith.addf %add3A_2238, %mul3A_2244 : vector<16xf32>
    %slice3A_2246 = vector.extract_strided_slice %bitcast3A_1867 {offsets = [6], sizes = [1], strides = [1]} : vector<16xf32> to vector<1xf32>
    %squeeze3A_2247 = vector.extract %slice3A_2246[0] : f32 from vector<1xf32>
    %get3A_2248 = arith.constant 1184 : index
    %get3A_2249 = tpu.vector_load %arg7[%get3A_2248] {strides = array<i32>} : memref<1360xf32, #tpu.memory_space<vmem>>, vector<16xf32>,
    %mul3A_2250 = vector.broadcast %squeeze3A_2247 : f32 to vector<16xf32>
    %mul3A_2251 = arith.mulf %mul3A_2250, %get3A_2249 : vector<16xf32>
    %add3A_2252 = arith.addf %add3A_2245, %mul3A_2251 : vector<16xf32>
    %slice3A_2253 = vector.extract_strided_slice %bitcast3A_1867 {offsets = [7], sizes = [1], strides = [1]} : vector<16xf32> to vector<1xf32>
    %squeeze3A_2254 = vector.extract %slice3A_2253[0] : f32 from vector<1xf32>
    %get3A_2255 = arith.constant 1200 : index
    %get3A_2256 = tpu.vector_load %arg7[%get3A_2255] {strides = array<i32>} : memref<1360xf32, #tpu.memory_space<vmem>>, vector<16xf32>,
    %mul3A_2257 = vector.broadcast %squeeze3A_2254 : f32 to vector<16xf32>
    %mul3A_2258 = arith.mulf %mul3A_2257, %get3A_2256 : vector<16xf32>
    %add3A_2259 = arith.addf %add3A_2252, %mul3A_2258 : vector<16xf32>
    %slice3A_2260 = vector.extract_strided_slice %bitcast3A_1867 {offsets = [8], sizes = [1], strides = [1]} : vector<16xf32> to vector<1xf32>
    %squeeze3A_2261 = vector.extract %slice3A_2260[0] : f32 from vector<1xf32>
    %get3A_2262 = arith.constant 1216 : index
    %get3A_2263 = tpu.vector_load %arg7[%get3A_2262] {strides = array<i32>} : memref<1360xf32, #tpu.memory_space<vmem>>, vector<16xf32>,
    %mul3A_2264 = vector.broadcast %squeeze3A_2261 : f32 to vector<16xf32>
    %mul3A_2265 = arith.mulf %mul3A_2264, %get3A_2263 : vector<16xf32>
    %add3A_2266 = arith.addf %add3A_2259, %mul3A_2265 : vector<16xf32>
    %slice3A_2267 = vector.extract_strided_slice %bitcast3A_1867 {offsets = [9], sizes = [1], strides = [1]} : vector<16xf32> to vector<1xf32>
    %squeeze3A_2268 = vector.extract %slice3A_2267[0] : f32 from vector<1xf32>
    %get3A_2269 = arith.constant 1232 : index
    %get3A_2270 = tpu.vector_load %arg7[%get3A_2269] {strides = array<i32>} : memref<1360xf32, #tpu.memory_space<vmem>>, vector<16xf32>,
    %mul3A_2271 = vector.broadcast %squeeze3A_2268 : f32 to vector<16xf32>
    %mul3A_2272 = arith.mulf %mul3A_2271, %get3A_2270 : vector<16xf32>
    %add3A_2273 = arith.addf %add3A_2266, %mul3A_2272 : vector<16xf32>
    %slice3A_2274 = vector.extract_strided_slice %bitcast3A_1867 {offsets = [10], sizes = [1], strides = [1]} : vector<16xf32> to vector<1xf32>
    %squeeze3A_2275 = vector.extract %slice3A_2274[0] : f32 from vector<1xf32>
    %get3A_2276 = arith.constant 1248 : index
    %get3A_2277 = tpu.vector_load %arg7[%get3A_2276] {strides = array<i32>} : memref<1360xf32, #tpu.memory_space<vmem>>, vector<16xf32>,
    %mul3A_2278 = vector.broadcast %squeeze3A_2275 : f32 to vector<16xf32>
    %mul3A_2279 = arith.mulf %mul3A_2278, %get3A_2277 : vector<16xf32>
    %add3A_2280 = arith.addf %add3A_2273, %mul3A_2279 : vector<16xf32>
    %slice3A_2281 = vector.extract_strided_slice %bitcast3A_1867 {offsets = [11], sizes = [1], strides = [1]} : vector<16xf32> to vector<1xf32>
    %squeeze3A_2282 = vector.extract %slice3A_2281[0] : f32 from vector<1xf32>
    %get3A_2283 = arith.constant 1264 : index
    %get3A_2284 = tpu.vector_load %arg7[%get3A_2283] {strides = array<i32>} : memref<1360xf32, #tpu.memory_space<vmem>>, vector<16xf32>,
    %mul3A_2285 = vector.broadcast %squeeze3A_2282 : f32 to vector<16xf32>
    %mul3A_2286 = arith.mulf %mul3A_2285, %get3A_2284 : vector<16xf32>
    %add3A_2287 = arith.addf %add3A_2280, %mul3A_2286 : vector<16xf32>
    %slice3A_2288 = vector.extract_strided_slice %bitcast3A_1867 {offsets = [12], sizes = [1], strides = [1]} : vector<16xf32> to vector<1xf32>
    %squeeze3A_2289 = vector.extract %slice3A_2288[0] : f32 from vector<1xf32>
    %get3A_2290 = arith.constant 1280 : index
    %get3A_2291 = tpu.vector_load %arg7[%get3A_2290] {strides = array<i32>} : memref<1360xf32, #tpu.memory_space<vmem>>, vector<16xf32>,
    %mul3A_2292 = vector.broadcast %squeeze3A_2289 : f32 to vector<16xf32>
    %mul3A_2293 = arith.mulf %mul3A_2292, %get3A_2291 : vector<16xf32>
    %add3A_2294 = arith.addf %add3A_2287, %mul3A_2293 : vector<16xf32>
    %slice3A_2295 = vector.extract_strided_slice %bitcast3A_1867 {offsets = [13], sizes = [1], strides = [1]} : vector<16xf32> to vector<1xf32>
    %squeeze3A_2296 = vector.extract %slice3A_2295[0] : f32 from vector<1xf32>
    %get3A_2297 = arith.constant 1296 : index
    %get3A_2298 = tpu.vector_load %arg7[%get3A_2297] {strides = array<i32>} : memref<1360xf32, #tpu.memory_space<vmem>>, vector<16xf32>,
    %mul3A_2299 = vector.broadcast %squeeze3A_2296 : f32 to vector<16xf32>
    %mul3A_2300 = arith.mulf %mul3A_2299, %get3A_2298 : vector<16xf32>
    %add3A_2301 = arith.addf %add3A_2294, %mul3A_2300 : vector<16xf32>
    %slice3A_2302 = vector.extract_strided_slice %bitcast3A_1867 {offsets = [14], sizes = [1], strides = [1]} : vector<16xf32> to vector<1xf32>
    %squeeze3A_2303 = vector.extract %slice3A_2302[0] : f32 from vector<1xf32>
    %get3A_2304 = arith.constant 1312 : index
    %get3A_2305 = tpu.vector_load %arg7[%get3A_2304] {strides = array<i32>} : memref<1360xf32, #tpu.memory_space<vmem>>, vector<16xf32>,
    %mul3A_2306 = vector.broadcast %squeeze3A_2303 : f32 to vector<16xf32>
    %mul3A_2307 = arith.mulf %mul3A_2306, %get3A_2305 : vector<16xf32>
    %add3A_2308 = arith.addf %add3A_2301, %mul3A_2307 : vector<16xf32>
    %slice3A_2309 = vector.extract_strided_slice %bitcast3A_1867 {offsets = [15], sizes = [1], strides = [1]} : vector<16xf32> to vector<1xf32>
    %squeeze3A_2310 = vector.extract %slice3A_2309[0] : f32 from vector<1xf32>
    %get3A_2311 = arith.constant 1328 : index
    %get3A_2312 = tpu.vector_load %arg7[%get3A_2311] {strides = array<i32>} : memref<1360xf32, #tpu.memory_space<vmem>>, vector<16xf32>,
    %mul3A_2313 = vector.broadcast %squeeze3A_2310 : f32 to vector<16xf32>
    %mul3A_2314 = arith.mulf %mul3A_2313, %get3A_2312 : vector<16xf32>
    %add3A_2315 = arith.addf %add3A_2308, %mul3A_2314 : vector<16xf32>
    %reduce_max3A_2316 = arith.constant true
    %reduce_max3A_2317 = vector.broadcast %reduce_max3A_2316 : i1 to vector<16xi1>
    %reduce_max3A_2318 = tpu.scan <max>, %add3A_2315 masked %reduce_max3A_2317 : vector<16xf32>, vector<16xi1> -> vector<16xf32>
    %reduce_max3A_2319 = vector.extract %reduce_max3A_2318[15] : f32 from vector<16xf32>
    %broadcast_in_dim3A_2320 = vector.broadcast %reduce_max3A_2319 : f32 to vector<16xf32>
    %eq3A = arith.cmpf oeq, %add3A_2315, %broadcast_in_dim3A_2320 : vector<16xf32>
    %jit3A = arith.constant 16 : i32
    %broadcast_in_dim3A_2321 = vector.broadcast %jit3A : i32 to vector<16xi32>
    %select_n3A = arith.select %eq3A, %iota3A, %broadcast_in_dim3A_2321 : vector<16xi1>, vector<16xi32>
    %reduce_min3A_2322 = arith.constant true
    %reduce_min3A_2323 = vector.broadcast %reduce_min3A_2322 : i1 to vector<16xi1>
    %reduce_min3A_2324 = arith.constant -2147483648 : i32
    %reduce_min3A_2325 = vector.broadcast %reduce_min3A_2324 : i32 to vector<16xi32>
    %reduce_min3A_2326 = arith.xori %select_n3A, %reduce_min3A_2325 : vector<16xi32>
    %reduce_min3A_2327 = tpu.scan <min>, %reduce_min3A_2326 masked %reduce_min3A_2323 : vector<16xi32>, vector<16xi1> -> vector<16xi32>
    %reduce_min3A_2328 = arith.xori %reduce_min3A_2327, %reduce_min3A_2325 : vector<16xi32>
    %reduce_min3A_2329 = vector.extract %reduce_min3A_2328[15] : i32 from vector<16xi32>
    %eq3A_2330 = vector.broadcast %reduce_min3A_2329 : i32 to vector<16xi32>
    %eq3A_2331 = arith.cmpi eq, %iota3A, %eq3A_2330 : vector<16xi32>
    %jit3A_2332 = arith.constant -3.000000e+38 : f32
    %broadcast_in_dim3A_2333 = vector.broadcast %jit3A_2332 : f32 to vector<16xf32>
    %select_n3A_2334 = arith.select %eq3A_2331, %broadcast_in_dim3A_2333, %add3A_2315 : vector<16xi1>, vector<16xf32>
    %reduce_max3A_2335 = arith.constant true
    %reduce_max3A_2336 = vector.broadcast %reduce_max3A_2335 : i1 to vector<16xi1>
    %reduce_max3A_2337 = tpu.scan <max>, %select_n3A_2334 masked %reduce_max3A_2336 : vector<16xf32>, vector<16xi1> -> vector<16xf32>
    %reduce_max3A_2338 = vector.extract %reduce_max3A_2337[15] : f32 from vector<16xf32>
    %broadcast_in_dim3A_2339 = vector.broadcast %reduce_max3A_2338 : f32 to vector<16xf32>
    %eq3A_2340 = arith.cmpf oeq, %select_n3A_2334, %broadcast_in_dim3A_2339 : vector<16xf32>
    %jit3A_2341 = arith.constant 16 : i32
    %broadcast_in_dim3A_2342 = vector.broadcast %jit3A_2341 : i32 to vector<16xi32>
    %select_n3A_2343 = arith.select %eq3A_2340, %iota3A, %broadcast_in_dim3A_2342 : vector<16xi1>, vector<16xi32>
    %reduce_min3A_2344 = arith.constant true
    %reduce_min3A_2345 = vector.broadcast %reduce_min3A_2344 : i1 to vector<16xi1>
    %reduce_min3A_2346 = arith.constant -2147483648 : i32
    %reduce_min3A_2347 = vector.broadcast %reduce_min3A_2346 : i32 to vector<16xi32>
    %reduce_min3A_2348 = arith.xori %select_n3A_2343, %reduce_min3A_2347 : vector<16xi32>
    %reduce_min3A_2349 = tpu.scan <min>, %reduce_min3A_2348 masked %reduce_min3A_2345 : vector<16xi32>, vector<16xi1> -> vector<16xi32>
    %reduce_min3A_2350 = arith.xori %reduce_min3A_2349, %reduce_min3A_2347 : vector<16xi32>
    %reduce_min3A_2351 = vector.extract %reduce_min3A_2350[15] : i32 from vector<16xi32>
    %sub3A_2352 = arith.subf %broadcast_in_dim3A_2339, %broadcast_in_dim3A_2320 : vector<16xf32>
    %exp3A = math.exp %sub3A_2352 : vector<16xf32>
    %add3A_2353 = arith.constant 1.000000e+00 : f32
    %add3A_2354 = vector.broadcast %add3A_2353 : f32 to vector<16xf32>
    %add3A_2355 = arith.addf %add3A_2354, %exp3A : vector<16xf32>
    %div3A = arith.constant 1.000000e+00 : f32
    %div3A_2356 = vector.broadcast %div3A : f32 to vector<16xf32>
    %div3A_2357 = arith.divf %div3A_2356, %add3A_2355 : vector<16xf32>
    %mul3A_2358 = arith.mulf %exp3A, %div3A_2357 : vector<16xf32>
    %eq3A_2359 = vector.broadcast %reduce_min3A_2329 : i32 to vector<16xi32>
    %eq3A_2360 = arith.cmpi eq, %iota3A, %eq3A_2359 : vector<16xi32>
    %eq3A_2361 = vector.broadcast %reduce_min3A_2351 : i32 to vector<16xi32>
    %eq3A_2362 = arith.cmpi eq, %iota3A, %eq3A_2361 : vector<16xi32>
    %jit3A_2363 = arith.constant 0.000000e+00 : f32
    %broadcast_in_dim3A_2364 = vector.broadcast %jit3A_2363 : f32 to vector<16xf32>
    %select_n3A_2365 = arith.select %eq3A_2362, %mul3A_2358, %broadcast_in_dim3A_2364 : vector<16xi1>, vector<16xf32>
    %select_n3A_2366 = arith.select %eq3A_2360, %div3A_2357, %select_n3A_2365 : vector<16xi1>, vector<16xf32>
    %swap3A_2367 = arith.constant 0 : index
    %swap3A_2368 = tpu.vector_load %arg8[%swap3A_2367] {strides = array<i32>} : memref<32xf32, #tpu.memory_space<vmem>>, vector<16xf32>,
    tpu.vector_store %arg8[%swap3A_2367], %select_n3A_2366 {strides = array<i32>} : memref<32xf32, #tpu.memory_space<vmem>>, vector<16xf32>,
    %broadcast_in_dim3A_2369 = arith.constant 0.000000e+00 : f32
    %broadcast_in_dim3A_2370 = vector.broadcast %broadcast_in_dim3A_2369 : f32 to vector<16xf32>
    %broadcast_in_dim3A_2371 = arith.constant 0x7F800000 : f32
    %broadcast_in_dim3A_2372 = vector.broadcast %broadcast_in_dim3A_2371 : f32 to vector<16xf32>
    %broadcast_in_dim3A_2373 = arith.constant 0xFF800000 : f32
    %broadcast_in_dim3A_2374 = vector.broadcast %broadcast_in_dim3A_2373 : f32 to vector<16xf32>
    %dma_start3A_2375 = tpu.memref_slice %arg2[%add3A_14] : memref<16777216xf32, #tpu.memory_space<hbm>> -> memref<32768xf32, #tpu.memory_space<hbm>>
    %dma_start3A_2376 = tpu.memref_slice %arg2[%add3A_14] : memref<16777216xf32, #tpu.memory_space<hbm>> -> memref<32768xf32, #tpu.memory_space<hbm>>
    tpu.enqueue_dma source(%dma_start3A_2376 : memref<32768xf32, #tpu.memory_space<hbm>>) target(%arg6 : memref<32768xf32, #tpu.memory_space<vmem>>) target_semaphore(%arg10 : memref<!tpu.dma_semaphore, #tpu.memory_space<semaphore_mem>>)
    %dma_wait3A_2377 = tpu.memref_slice %arg2[%add3A_12] : memref<16777216xf32, #tpu.memory_space<hbm>> -> memref<32768xf32, #tpu.memory_space<hbm>>
    %dma_wait3A_2378 = tpu.memref_slice %arg2[%add3A_12] : memref<16777216xf32, #tpu.memory_space<hbm>> -> memref<32768xf32, #tpu.memory_space<hbm>>
    tpu.wait_dma2 semaphore(%arg9 : memref<!tpu.dma_semaphore, #tpu.memory_space<semaphore_mem>>) src(%dma_wait3A_2378 : memref<32768xf32, #tpu.memory_space<hbm>>) dst(%arg5 : memref<32768xf32, #tpu.memory_space<vmem>>)
    %parallel_loop3A_2379 = arith.constant 0 : i32
    %parallel_loop3A_2380 = arith.constant 32768 : i32
    %parallel_loop3A_2381 = arith.constant 64 : i32
    %parallel_loop3A_2382:16 = scf.for %parallel_loop3A_3219 = %parallel_loop3A_2379 to %parallel_loop3A_2380 step %parallel_loop3A_2381 iter_args(%parallel_loop3A_3220 = %broadcast_in_dim3A_2370, %parallel_loop3A_3221 = %broadcast_in_dim3A_2370, %parallel_loop3A_3222 = %broadcast_in_dim3A_2370, %parallel_loop3A_3223 = %broadcast_in_dim3A_2370, %parallel_loop3A_3224 = %broadcast_in_dim3A_2370, %parallel_loop3A_3225 = %broadcast_in_dim3A_2370, %parallel_loop3A_3226 = %broadcast_in_dim3A_2370, %parallel_loop3A_3227 = %broadcast_in_dim3A_2370, %parallel_loop3A_3228 = %broadcast_in_dim3A_2372, %parallel_loop3A_3229 = %broadcast_in_dim3A_2372, %parallel_loop3A_3230 = %broadcast_in_dim3A_2372, %parallel_loop3A_3231 = %broadcast_in_dim3A_2372, %parallel_loop3A_3232 = %broadcast_in_dim3A_2374, %parallel_loop3A_3233 = %broadcast_in_dim3A_2374, %parallel_loop3A_3234 = %broadcast_in_dim3A_2374, %parallel_loop3A_3235 = %broadcast_in_dim3A_2374) -> (vector<16xf32>, vector<16xf32>, vector<16xf32>, vector<16xf32>, vector<16xf32>, vector<16xf32>, vector<16xf32>, vector<16xf32>, vector<16xf32>, vector<16xf32>, vector<16xf32>, vector<16xf32>, vector<16xf32>, vector<16xf32>, vector<16xf32>, vector<16xf32>)  : i32 {
      %parallel_loop3A_3236 = arith.constant 0 : i32
      %parallel_loop3A_3237 = arith.addi %parallel_loop3A_3219, %parallel_loop3A_3236 : i32
      %parallel_loop3A_3238 = arith.index_cast %parallel_loop3A_3237 : i32 to index
      %parallel_loop3A_3239 = tpu.vector_load %arg5[%parallel_loop3A_3238] {strides = array<i32>} : memref<32768xf32, #tpu.memory_space<vmem>>, vector<16xf32>,
      %parallel_loop3A_3240 = arith.addf %parallel_loop3A_3220, %parallel_loop3A_3239 : vector<16xf32>
      %parallel_loop3A_3241 = arith.mulf %parallel_loop3A_3239, %parallel_loop3A_3239 : vector<16xf32>
      %parallel_loop3A_3242 = arith.addf %parallel_loop3A_3224, %parallel_loop3A_3241 : vector<16xf32>
      %parallel_loop3A_3243 = arith.minimumf %parallel_loop3A_3228, %parallel_loop3A_3239 : vector<16xf32>
      %parallel_loop3A_3244 = arith.maximumf %parallel_loop3A_3232, %parallel_loop3A_3239 : vector<16xf32>
      %parallel_loop3A_3245 = arith.constant 16 : i32
      %parallel_loop3A_3246 = arith.addi %parallel_loop3A_3219, %parallel_loop3A_3245 : i32
      %parallel_loop3A_3247 = arith.index_cast %parallel_loop3A_3246 : i32 to index
      %parallel_loop3A_3248 = tpu.vector_load %arg5[%parallel_loop3A_3247] {strides = array<i32>} : memref<32768xf32, #tpu.memory_space<vmem>>, vector<16xf32>,
      %parallel_loop3A_3249 = arith.addf %parallel_loop3A_3221, %parallel_loop3A_3248 : vector<16xf32>
      %parallel_loop3A_3250 = arith.mulf %parallel_loop3A_3248, %parallel_loop3A_3248 : vector<16xf32>
      %parallel_loop3A_3251 = arith.addf %parallel_loop3A_3225, %parallel_loop3A_3250 : vector<16xf32>
      %parallel_loop3A_3252 = arith.minimumf %parallel_loop3A_3229, %parallel_loop3A_3248 : vector<16xf32>
      %parallel_loop3A_3253 = arith.maximumf %parallel_loop3A_3233, %parallel_loop3A_3248 : vector<16xf32>
      %parallel_loop3A_3254 = arith.constant 32 : i32
      %parallel_loop3A_3255 = arith.addi %parallel_loop3A_3219, %parallel_loop3A_3254 : i32
      %parallel_loop3A_3256 = arith.index_cast %parallel_loop3A_3255 : i32 to index
      %parallel_loop3A_3257 = tpu.vector_load %arg5[%parallel_loop3A_3256] {strides = array<i32>} : memref<32768xf32, #tpu.memory_space<vmem>>, vector<16xf32>,
      %parallel_loop3A_3258 = arith.addf %parallel_loop3A_3222, %parallel_loop3A_3257 : vector<16xf32>
      %parallel_loop3A_3259 = arith.mulf %parallel_loop3A_3257, %parallel_loop3A_3257 : vector<16xf32>
      %parallel_loop3A_3260 = arith.addf %parallel_loop3A_3226, %parallel_loop3A_3259 : vector<16xf32>
      %parallel_loop3A_3261 = arith.minimumf %parallel_loop3A_3230, %parallel_loop3A_3257 : vector<16xf32>
      %parallel_loop3A_3262 = arith.maximumf %parallel_loop3A_3234, %parallel_loop3A_3257 : vector<16xf32>
      %parallel_loop3A_3263 = arith.constant 48 : i32
      %parallel_loop3A_3264 = arith.addi %parallel_loop3A_3219, %parallel_loop3A_3263 : i32
      %parallel_loop3A_3265 = arith.index_cast %parallel_loop3A_3264 : i32 to index
      %parallel_loop3A_3266 = tpu.vector_load %arg5[%parallel_loop3A_3265] {strides = array<i32>} : memref<32768xf32, #tpu.memory_space<vmem>>, vector<16xf32>,
      %parallel_loop3A_3267 = arith.addf %parallel_loop3A_3223, %parallel_loop3A_3266 : vector<16xf32>
      %parallel_loop3A_3268 = arith.mulf %parallel_loop3A_3266, %parallel_loop3A_3266 : vector<16xf32>
      %parallel_loop3A_3269 = arith.addf %parallel_loop3A_3227, %parallel_loop3A_3268 : vector<16xf32>
      %parallel_loop3A_3270 = arith.minimumf %parallel_loop3A_3231, %parallel_loop3A_3266 : vector<16xf32>
      %parallel_loop3A_3271 = arith.maximumf %parallel_loop3A_3235, %parallel_loop3A_3266 : vector<16xf32>
      scf.yield %parallel_loop3A_3240, %parallel_loop3A_3249, %parallel_loop3A_3258, %parallel_loop3A_3267, %parallel_loop3A_3242, %parallel_loop3A_3251, %parallel_loop3A_3260, %parallel_loop3A_3269, %parallel_loop3A_3243, %parallel_loop3A_3252, %parallel_loop3A_3261, %parallel_loop3A_3270, %parallel_loop3A_3244, %parallel_loop3A_3253, %parallel_loop3A_3262, %parallel_loop3A_3271 : vector<16xf32>, vector<16xf32>, vector<16xf32>, vector<16xf32>, vector<16xf32>, vector<16xf32>, vector<16xf32>, vector<16xf32>, vector<16xf32>, vector<16xf32>, vector<16xf32>, vector<16xf32>, vector<16xf32>, vector<16xf32>, vector<16xf32>, vector<16xf32>
    } {sc.loop_unroll_factor = 4 : i64, sc.parallel_access}
    %dma_start3A_2383 = tpu.memref_slice %arg2[%add3A_16] : memref<16777216xf32, #tpu.memory_space<hbm>> -> memref<32768xf32, #tpu.memory_space<hbm>>
    %dma_start3A_2384 = tpu.memref_slice %arg2[%add3A_16] : memref<16777216xf32, #tpu.memory_space<hbm>> -> memref<32768xf32, #tpu.memory_space<hbm>>
    tpu.enqueue_dma source(%dma_start3A_2384 : memref<32768xf32, #tpu.memory_space<hbm>>) target(%arg5 : memref<32768xf32, #tpu.memory_space<vmem>>) target_semaphore(%arg9 : memref<!tpu.dma_semaphore, #tpu.memory_space<semaphore_mem>>)
    %dma_wait3A_2385 = tpu.memref_slice %arg2[%add3A_14] : memref<16777216xf32, #tpu.memory_space<hbm>> -> memref<32768xf32, #tpu.memory_space<hbm>>
    %dma_wait3A_2386 = tpu.memref_slice %arg2[%add3A_14] : memref<16777216xf32, #tpu.memory_space<hbm>> -> memref<32768xf32, #tpu.memory_space<hbm>>
    tpu.wait_dma2 semaphore(%arg10 : memref<!tpu.dma_semaphore, #tpu.memory_space<semaphore_mem>>) src(%dma_wait3A_2386 : memref<32768xf32, #tpu.memory_space<hbm>>) dst(%arg6 : memref<32768xf32, #tpu.memory_space<vmem>>)
    %parallel_loop3A_2387 = arith.constant 0 : i32
    %parallel_loop3A_2388 = arith.constant 32768 : i32
    %parallel_loop3A_2389 = arith.constant 64 : i32
    %parallel_loop3A_2390:16 = scf.for %parallel_loop3A_3219 = %parallel_loop3A_2387 to %parallel_loop3A_2388 step %parallel_loop3A_2389 iter_args(%parallel_loop3A_3220 = %parallel_loop3A_2382#0, %parallel_loop3A_3221 = %parallel_loop3A_2382#1, %parallel_loop3A_3222 = %parallel_loop3A_2382#2, %parallel_loop3A_3223 = %parallel_loop3A_2382#3, %parallel_loop3A_3224 = %parallel_loop3A_2382#4, %parallel_loop3A_3225 = %parallel_loop3A_2382#5, %parallel_loop3A_3226 = %parallel_loop3A_2382#6, %parallel_loop3A_3227 = %parallel_loop3A_2382#7, %parallel_loop3A_3228 = %parallel_loop3A_2382#8, %parallel_loop3A_3229 = %parallel_loop3A_2382#9, %parallel_loop3A_3230 = %parallel_loop3A_2382#10, %parallel_loop3A_3231 = %parallel_loop3A_2382#11, %parallel_loop3A_3232 = %parallel_loop3A_2382#12, %parallel_loop3A_3233 = %parallel_loop3A_2382#13, %parallel_loop3A_3234 = %parallel_loop3A_2382#14, %parallel_loop3A_3235 = %parallel_loop3A_2382#15) -> (vector<16xf32>, vector<16xf32>, vector<16xf32>, vector<16xf32>, vector<16xf32>, vector<16xf32>, vector<16xf32>, vector<16xf32>, vector<16xf32>, vector<16xf32>, vector<16xf32>, vector<16xf32>, vector<16xf32>, vector<16xf32>, vector<16xf32>, vector<16xf32>)  : i32 {
      %parallel_loop3A_3236 = arith.constant 0 : i32
      %parallel_loop3A_3237 = arith.addi %parallel_loop3A_3219, %parallel_loop3A_3236 : i32
      %parallel_loop3A_3238 = arith.index_cast %parallel_loop3A_3237 : i32 to index
      %parallel_loop3A_3239 = tpu.vector_load %arg6[%parallel_loop3A_3238] {strides = array<i32>} : memref<32768xf32, #tpu.memory_space<vmem>>, vector<16xf32>,
      %parallel_loop3A_3240 = arith.addf %parallel_loop3A_3220, %parallel_loop3A_3239 : vector<16xf32>
      %parallel_loop3A_3241 = arith.mulf %parallel_loop3A_3239, %parallel_loop3A_3239 : vector<16xf32>
      %parallel_loop3A_3242 = arith.addf %parallel_loop3A_3224, %parallel_loop3A_3241 : vector<16xf32>
      %parallel_loop3A_3243 = arith.minimumf %parallel_loop3A_3228, %parallel_loop3A_3239 : vector<16xf32>
      %parallel_loop3A_3244 = arith.maximumf %parallel_loop3A_3232, %parallel_loop3A_3239 : vector<16xf32>
      %parallel_loop3A_3245 = arith.constant 16 : i32
      %parallel_loop3A_3246 = arith.addi %parallel_loop3A_3219, %parallel_loop3A_3245 : i32
      %parallel_loop3A_3247 = arith.index_cast %parallel_loop3A_3246 : i32 to index
      %parallel_loop3A_3248 = tpu.vector_load %arg6[%parallel_loop3A_3247] {strides = array<i32>} : memref<32768xf32, #tpu.memory_space<vmem>>, vector<16xf32>,
      %parallel_loop3A_3249 = arith.addf %parallel_loop3A_3221, %parallel_loop3A_3248 : vector<16xf32>
      %parallel_loop3A_3250 = arith.mulf %parallel_loop3A_3248, %parallel_loop3A_3248 : vector<16xf32>
      %parallel_loop3A_3251 = arith.addf %parallel_loop3A_3225, %parallel_loop3A_3250 : vector<16xf32>
      %parallel_loop3A_3252 = arith.minimumf %parallel_loop3A_3229, %parallel_loop3A_3248 : vector<16xf32>
      %parallel_loop3A_3253 = arith.maximumf %parallel_loop3A_3233, %parallel_loop3A_3248 : vector<16xf32>
      %parallel_loop3A_3254 = arith.constant 32 : i32
      %parallel_loop3A_3255 = arith.addi %parallel_loop3A_3219, %parallel_loop3A_3254 : i32
      %parallel_loop3A_3256 = arith.index_cast %parallel_loop3A_3255 : i32 to index
      %parallel_loop3A_3257 = tpu.vector_load %arg6[%parallel_loop3A_3256] {strides = array<i32>} : memref<32768xf32, #tpu.memory_space<vmem>>, vector<16xf32>,
      %parallel_loop3A_3258 = arith.addf %parallel_loop3A_3222, %parallel_loop3A_3257 : vector<16xf32>
      %parallel_loop3A_3259 = arith.mulf %parallel_loop3A_3257, %parallel_loop3A_3257 : vector<16xf32>
      %parallel_loop3A_3260 = arith.addf %parallel_loop3A_3226, %parallel_loop3A_3259 : vector<16xf32>
      %parallel_loop3A_3261 = arith.minimumf %parallel_loop3A_3230, %parallel_loop3A_3257 : vector<16xf32>
      %parallel_loop3A_3262 = arith.maximumf %parallel_loop3A_3234, %parallel_loop3A_3257 : vector<16xf32>
      %parallel_loop3A_3263 = arith.constant 48 : i32
      %parallel_loop3A_3264 = arith.addi %parallel_loop3A_3219, %parallel_loop3A_3263 : i32
      %parallel_loop3A_3265 = arith.index_cast %parallel_loop3A_3264 : i32 to index
      %parallel_loop3A_3266 = tpu.vector_load %arg6[%parallel_loop3A_3265] {strides = array<i32>} : memref<32768xf32, #tpu.memory_space<vmem>>, vector<16xf32>,
      %parallel_loop3A_3267 = arith.addf %parallel_loop3A_3223, %parallel_loop3A_3266 : vector<16xf32>
      %parallel_loop3A_3268 = arith.mulf %parallel_loop3A_3266, %parallel_loop3A_3266 : vector<16xf32>
      %parallel_loop3A_3269 = arith.addf %parallel_loop3A_3227, %parallel_loop3A_3268 : vector<16xf32>
      %parallel_loop3A_3270 = arith.minimumf %parallel_loop3A_3231, %parallel_loop3A_3266 : vector<16xf32>
      %parallel_loop3A_3271 = arith.maximumf %parallel_loop3A_3235, %parallel_loop3A_3266 : vector<16xf32>
      scf.yield %parallel_loop3A_3240, %parallel_loop3A_3249, %parallel_loop3A_3258, %parallel_loop3A_3267, %parallel_loop3A_3242, %parallel_loop3A_3251, %parallel_loop3A_3260, %parallel_loop3A_3269, %parallel_loop3A_3243, %parallel_loop3A_3252, %parallel_loop3A_3261, %parallel_loop3A_3270, %parallel_loop3A_3244, %parallel_loop3A_3253, %parallel_loop3A_3262, %parallel_loop3A_3271 : vector<16xf32>, vector<16xf32>, vector<16xf32>, vector<16xf32>, vector<16xf32>, vector<16xf32>, vector<16xf32>, vector<16xf32>, vector<16xf32>, vector<16xf32>, vector<16xf32>, vector<16xf32>, vector<16xf32>, vector<16xf32>, vector<16xf32>, vector<16xf32>
    } {sc.loop_unroll_factor = 4 : i64, sc.parallel_access}
    %dma_start3A_2391 = tpu.memref_slice %arg2[%add3A_18] : memref<16777216xf32, #tpu.memory_space<hbm>> -> memref<32768xf32, #tpu.memory_space<hbm>>
    %dma_start3A_2392 = tpu.memref_slice %arg2[%add3A_18] : memref<16777216xf32, #tpu.memory_space<hbm>> -> memref<32768xf32, #tpu.memory_space<hbm>>
    tpu.enqueue_dma source(%dma_start3A_2392 : memref<32768xf32, #tpu.memory_space<hbm>>) target(%arg6 : memref<32768xf32, #tpu.memory_space<vmem>>) target_semaphore(%arg10 : memref<!tpu.dma_semaphore, #tpu.memory_space<semaphore_mem>>)
    %dma_wait3A_2393 = tpu.memref_slice %arg2[%add3A_16] : memref<16777216xf32, #tpu.memory_space<hbm>> -> memref<32768xf32, #tpu.memory_space<hbm>>
    %dma_wait3A_2394 = tpu.memref_slice %arg2[%add3A_16] : memref<16777216xf32, #tpu.memory_space<hbm>> -> memref<32768xf32, #tpu.memory_space<hbm>>
    tpu.wait_dma2 semaphore(%arg9 : memref<!tpu.dma_semaphore, #tpu.memory_space<semaphore_mem>>) src(%dma_wait3A_2394 : memref<32768xf32, #tpu.memory_space<hbm>>) dst(%arg5 : memref<32768xf32, #tpu.memory_space<vmem>>)
    %parallel_loop3A_2395 = arith.constant 0 : i32
    %parallel_loop3A_2396 = arith.constant 32768 : i32
    %parallel_loop3A_2397 = arith.constant 64 : i32
    %parallel_loop3A_2398:16 = scf.for %parallel_loop3A_3219 = %parallel_loop3A_2395 to %parallel_loop3A_2396 step %parallel_loop3A_2397 iter_args(%parallel_loop3A_3220 = %parallel_loop3A_2390#0, %parallel_loop3A_3221 = %parallel_loop3A_2390#1, %parallel_loop3A_3222 = %parallel_loop3A_2390#2, %parallel_loop3A_3223 = %parallel_loop3A_2390#3, %parallel_loop3A_3224 = %parallel_loop3A_2390#4, %parallel_loop3A_3225 = %parallel_loop3A_2390#5, %parallel_loop3A_3226 = %parallel_loop3A_2390#6, %parallel_loop3A_3227 = %parallel_loop3A_2390#7, %parallel_loop3A_3228 = %parallel_loop3A_2390#8, %parallel_loop3A_3229 = %parallel_loop3A_2390#9, %parallel_loop3A_3230 = %parallel_loop3A_2390#10, %parallel_loop3A_3231 = %parallel_loop3A_2390#11, %parallel_loop3A_3232 = %parallel_loop3A_2390#12, %parallel_loop3A_3233 = %parallel_loop3A_2390#13, %parallel_loop3A_3234 = %parallel_loop3A_2390#14, %parallel_loop3A_3235 = %parallel_loop3A_2390#15) -> (vector<16xf32>, vector<16xf32>, vector<16xf32>, vector<16xf32>, vector<16xf32>, vector<16xf32>, vector<16xf32>, vector<16xf32>, vector<16xf32>, vector<16xf32>, vector<16xf32>, vector<16xf32>, vector<16xf32>, vector<16xf32>, vector<16xf32>, vector<16xf32>)  : i32 {
      %parallel_loop3A_3236 = arith.constant 0 : i32
      %parallel_loop3A_3237 = arith.addi %parallel_loop3A_3219, %parallel_loop3A_3236 : i32
      %parallel_loop3A_3238 = arith.index_cast %parallel_loop3A_3237 : i32 to index
      %parallel_loop3A_3239 = tpu.vector_load %arg5[%parallel_loop3A_3238] {strides = array<i32>} : memref<32768xf32, #tpu.memory_space<vmem>>, vector<16xf32>,
      %parallel_loop3A_3240 = arith.addf %parallel_loop3A_3220, %parallel_loop3A_3239 : vector<16xf32>
      %parallel_loop3A_3241 = arith.mulf %parallel_loop3A_3239, %parallel_loop3A_3239 : vector<16xf32>
      %parallel_loop3A_3242 = arith.addf %parallel_loop3A_3224, %parallel_loop3A_3241 : vector<16xf32>
      %parallel_loop3A_3243 = arith.minimumf %parallel_loop3A_3228, %parallel_loop3A_3239 : vector<16xf32>
      %parallel_loop3A_3244 = arith.maximumf %parallel_loop3A_3232, %parallel_loop3A_3239 : vector<16xf32>
      %parallel_loop3A_3245 = arith.constant 16 : i32
      %parallel_loop3A_3246 = arith.addi %parallel_loop3A_3219, %parallel_loop3A_3245 : i32
      %parallel_loop3A_3247 = arith.index_cast %parallel_loop3A_3246 : i32 to index
      %parallel_loop3A_3248 = tpu.vector_load %arg5[%parallel_loop3A_3247] {strides = array<i32>} : memref<32768xf32, #tpu.memory_space<vmem>>, vector<16xf32>,
      %parallel_loop3A_3249 = arith.addf %parallel_loop3A_3221, %parallel_loop3A_3248 : vector<16xf32>
      %parallel_loop3A_3250 = arith.mulf %parallel_loop3A_3248, %parallel_loop3A_3248 : vector<16xf32>
      %parallel_loop3A_3251 = arith.addf %parallel_loop3A_3225, %parallel_loop3A_3250 : vector<16xf32>
      %parallel_loop3A_3252 = arith.minimumf %parallel_loop3A_3229, %parallel_loop3A_3248 : vector<16xf32>
      %parallel_loop3A_3253 = arith.maximumf %parallel_loop3A_3233, %parallel_loop3A_3248 : vector<16xf32>
      %parallel_loop3A_3254 = arith.constant 32 : i32
      %parallel_loop3A_3255 = arith.addi %parallel_loop3A_3219, %parallel_loop3A_3254 : i32
      %parallel_loop3A_3256 = arith.index_cast %parallel_loop3A_3255 : i32 to index
      %parallel_loop3A_3257 = tpu.vector_load %arg5[%parallel_loop3A_3256] {strides = array<i32>} : memref<32768xf32, #tpu.memory_space<vmem>>, vector<16xf32>,
      %parallel_loop3A_3258 = arith.addf %parallel_loop3A_3222, %parallel_loop3A_3257 : vector<16xf32>
      %parallel_loop3A_3259 = arith.mulf %parallel_loop3A_3257, %parallel_loop3A_3257 : vector<16xf32>
      %parallel_loop3A_3260 = arith.addf %parallel_loop3A_3226, %parallel_loop3A_3259 : vector<16xf32>
      %parallel_loop3A_3261 = arith.minimumf %parallel_loop3A_3230, %parallel_loop3A_3257 : vector<16xf32>
      %parallel_loop3A_3262 = arith.maximumf %parallel_loop3A_3234, %parallel_loop3A_3257 : vector<16xf32>
      %parallel_loop3A_3263 = arith.constant 48 : i32
      %parallel_loop3A_3264 = arith.addi %parallel_loop3A_3219, %parallel_loop3A_3263 : i32
      %parallel_loop3A_3265 = arith.index_cast %parallel_loop3A_3264 : i32 to index
      %parallel_loop3A_3266 = tpu.vector_load %arg5[%parallel_loop3A_3265] {strides = array<i32>} : memref<32768xf32, #tpu.memory_space<vmem>>, vector<16xf32>,
      %parallel_loop3A_3267 = arith.addf %parallel_loop3A_3223, %parallel_loop3A_3266 : vector<16xf32>
      %parallel_loop3A_3268 = arith.mulf %parallel_loop3A_3266, %parallel_loop3A_3266 : vector<16xf32>
      %parallel_loop3A_3269 = arith.addf %parallel_loop3A_3227, %parallel_loop3A_3268 : vector<16xf32>
      %parallel_loop3A_3270 = arith.minimumf %parallel_loop3A_3231, %parallel_loop3A_3266 : vector<16xf32>
      %parallel_loop3A_3271 = arith.maximumf %parallel_loop3A_3235, %parallel_loop3A_3266 : vector<16xf32>
      scf.yield %parallel_loop3A_3240, %parallel_loop3A_3249, %parallel_loop3A_3258, %parallel_loop3A_3267, %parallel_loop3A_3242, %parallel_loop3A_3251, %parallel_loop3A_3260, %parallel_loop3A_3269, %parallel_loop3A_3243, %parallel_loop3A_3252, %parallel_loop3A_3261, %parallel_loop3A_3270, %parallel_loop3A_3244, %parallel_loop3A_3253, %parallel_loop3A_3262, %parallel_loop3A_3271 : vector<16xf32>, vector<16xf32>, vector<16xf32>, vector<16xf32>, vector<16xf32>, vector<16xf32>, vector<16xf32>, vector<16xf32>, vector<16xf32>, vector<16xf32>, vector<16xf32>, vector<16xf32>, vector<16xf32>, vector<16xf32>, vector<16xf32>, vector<16xf32>
    } {sc.loop_unroll_factor = 4 : i64, sc.parallel_access}
    %dma_wait3A_2399 = tpu.memref_slice %arg2[%add3A_18] : memref<16777216xf32, #tpu.memory_space<hbm>> -> memref<32768xf32, #tpu.memory_space<hbm>>
    %dma_wait3A_2400 = tpu.memref_slice %arg2[%add3A_18] : memref<16777216xf32, #tpu.memory_space<hbm>> -> memref<32768xf32, #tpu.memory_space<hbm>>
    tpu.wait_dma2 semaphore(%arg10 : memref<!tpu.dma_semaphore, #tpu.memory_space<semaphore_mem>>) src(%dma_wait3A_2400 : memref<32768xf32, #tpu.memory_space<hbm>>) dst(%arg6 : memref<32768xf32, #tpu.memory_space<vmem>>)
    %parallel_loop3A_2401 = arith.constant 0 : i32
    %parallel_loop3A_2402 = arith.constant 32768 : i32
    %parallel_loop3A_2403 = arith.constant 64 : i32
    %parallel_loop3A_2404:16 = scf.for %parallel_loop3A_3219 = %parallel_loop3A_2401 to %parallel_loop3A_2402 step %parallel_loop3A_2403 iter_args(%parallel_loop3A_3220 = %parallel_loop3A_2398#0, %parallel_loop3A_3221 = %parallel_loop3A_2398#1, %parallel_loop3A_3222 = %parallel_loop3A_2398#2, %parallel_loop3A_3223 = %parallel_loop3A_2398#3, %parallel_loop3A_3224 = %parallel_loop3A_2398#4, %parallel_loop3A_3225 = %parallel_loop3A_2398#5, %parallel_loop3A_3226 = %parallel_loop3A_2398#6, %parallel_loop3A_3227 = %parallel_loop3A_2398#7, %parallel_loop3A_3228 = %parallel_loop3A_2398#8, %parallel_loop3A_3229 = %parallel_loop3A_2398#9, %parallel_loop3A_3230 = %parallel_loop3A_2398#10, %parallel_loop3A_3231 = %parallel_loop3A_2398#11, %parallel_loop3A_3232 = %parallel_loop3A_2398#12, %parallel_loop3A_3233 = %parallel_loop3A_2398#13, %parallel_loop3A_3234 = %parallel_loop3A_2398#14, %parallel_loop3A_3235 = %parallel_loop3A_2398#15) -> (vector<16xf32>, vector<16xf32>, vector<16xf32>, vector<16xf32>, vector<16xf32>, vector<16xf32>, vector<16xf32>, vector<16xf32>, vector<16xf32>, vector<16xf32>, vector<16xf32>, vector<16xf32>, vector<16xf32>, vector<16xf32>, vector<16xf32>, vector<16xf32>)  : i32 {
      %parallel_loop3A_3236 = arith.constant 0 : i32
      %parallel_loop3A_3237 = arith.addi %parallel_loop3A_3219, %parallel_loop3A_3236 : i32
      %parallel_loop3A_3238 = arith.index_cast %parallel_loop3A_3237 : i32 to index
      %parallel_loop3A_3239 = tpu.vector_load %arg6[%parallel_loop3A_3238] {strides = array<i32>} : memref<32768xf32, #tpu.memory_space<vmem>>, vector<16xf32>,
      %parallel_loop3A_3240 = arith.addf %parallel_loop3A_3220, %parallel_loop3A_3239 : vector<16xf32>
      %parallel_loop3A_3241 = arith.mulf %parallel_loop3A_3239, %parallel_loop3A_3239 : vector<16xf32>
      %parallel_loop3A_3242 = arith.addf %parallel_loop3A_3224, %parallel_loop3A_3241 : vector<16xf32>
      %parallel_loop3A_3243 = arith.minimumf %parallel_loop3A_3228, %parallel_loop3A_3239 : vector<16xf32>
      %parallel_loop3A_3244 = arith.maximumf %parallel_loop3A_3232, %parallel_loop3A_3239 : vector<16xf32>
      %parallel_loop3A_3245 = arith.constant 16 : i32
      %parallel_loop3A_3246 = arith.addi %parallel_loop3A_3219, %parallel_loop3A_3245 : i32
      %parallel_loop3A_3247 = arith.index_cast %parallel_loop3A_3246 : i32 to index
      %parallel_loop3A_3248 = tpu.vector_load %arg6[%parallel_loop3A_3247] {strides = array<i32>} : memref<32768xf32, #tpu.memory_space<vmem>>, vector<16xf32>,
      %parallel_loop3A_3249 = arith.addf %parallel_loop3A_3221, %parallel_loop3A_3248 : vector<16xf32>
      %parallel_loop3A_3250 = arith.mulf %parallel_loop3A_3248, %parallel_loop3A_3248 : vector<16xf32>
      %parallel_loop3A_3251 = arith.addf %parallel_loop3A_3225, %parallel_loop3A_3250 : vector<16xf32>
      %parallel_loop3A_3252 = arith.minimumf %parallel_loop3A_3229, %parallel_loop3A_3248 : vector<16xf32>
      %parallel_loop3A_3253 = arith.maximumf %parallel_loop3A_3233, %parallel_loop3A_3248 : vector<16xf32>
      %parallel_loop3A_3254 = arith.constant 32 : i32
      %parallel_loop3A_3255 = arith.addi %parallel_loop3A_3219, %parallel_loop3A_3254 : i32
      %parallel_loop3A_3256 = arith.index_cast %parallel_loop3A_3255 : i32 to index
      %parallel_loop3A_3257 = tpu.vector_load %arg6[%parallel_loop3A_3256] {strides = array<i32>} : memref<32768xf32, #tpu.memory_space<vmem>>, vector<16xf32>,
      %parallel_loop3A_3258 = arith.addf %parallel_loop3A_3222, %parallel_loop3A_3257 : vector<16xf32>
      %parallel_loop3A_3259 = arith.mulf %parallel_loop3A_3257, %parallel_loop3A_3257 : vector<16xf32>
      %parallel_loop3A_3260 = arith.addf %parallel_loop3A_3226, %parallel_loop3A_3259 : vector<16xf32>
      %parallel_loop3A_3261 = arith.minimumf %parallel_loop3A_3230, %parallel_loop3A_3257 : vector<16xf32>
      %parallel_loop3A_3262 = arith.maximumf %parallel_loop3A_3234, %parallel_loop3A_3257 : vector<16xf32>
      %parallel_loop3A_3263 = arith.constant 48 : i32
      %parallel_loop3A_3264 = arith.addi %parallel_loop3A_3219, %parallel_loop3A_3263 : i32
      %parallel_loop3A_3265 = arith.index_cast %parallel_loop3A_3264 : i32 to index
      %parallel_loop3A_3266 = tpu.vector_load %arg6[%parallel_loop3A_3265] {strides = array<i32>} : memref<32768xf32, #tpu.memory_space<vmem>>, vector<16xf32>,
      %parallel_loop3A_3267 = arith.addf %parallel_loop3A_3223, %parallel_loop3A_3266 : vector<16xf32>
      %parallel_loop3A_3268 = arith.mulf %parallel_loop3A_3266, %parallel_loop3A_3266 : vector<16xf32>
      %parallel_loop3A_3269 = arith.addf %parallel_loop3A_3227, %parallel_loop3A_3268 : vector<16xf32>
      %parallel_loop3A_3270 = arith.minimumf %parallel_loop3A_3231, %parallel_loop3A_3266 : vector<16xf32>
      %parallel_loop3A_3271 = arith.maximumf %parallel_loop3A_3235, %parallel_loop3A_3266 : vector<16xf32>
      scf.yield %parallel_loop3A_3240, %parallel_loop3A_3249, %parallel_loop3A_3258, %parallel_loop3A_3267, %parallel_loop3A_3242, %parallel_loop3A_3251, %parallel_loop3A_3260, %parallel_loop3A_3269, %parallel_loop3A_3243, %parallel_loop3A_3252, %parallel_loop3A_3261, %parallel_loop3A_3270, %parallel_loop3A_3244, %parallel_loop3A_3253, %parallel_loop3A_3262, %parallel_loop3A_3271 : vector<16xf32>, vector<16xf32>, vector<16xf32>, vector<16xf32>, vector<16xf32>, vector<16xf32>, vector<16xf32>, vector<16xf32>, vector<16xf32>, vector<16xf32>, vector<16xf32>, vector<16xf32>, vector<16xf32>, vector<16xf32>, vector<16xf32>, vector<16xf32>
    } {sc.loop_unroll_factor = 4 : i64, sc.parallel_access}
    %add3A_2405 = arith.addf %parallel_loop3A_2404#0, %parallel_loop3A_2404#1 : vector<16xf32>
    %add3A_2406 = arith.addf %parallel_loop3A_2404#2, %parallel_loop3A_2404#3 : vector<16xf32>
    %add3A_2407 = arith.addf %add3A_2405, %add3A_2406 : vector<16xf32>
    %add3A_2408 = arith.addf %parallel_loop3A_2404#4, %parallel_loop3A_2404#5 : vector<16xf32>
    %add3A_2409 = arith.addf %parallel_loop3A_2404#6, %parallel_loop3A_2404#7 : vector<16xf32>
    %add3A_2410 = arith.addf %add3A_2408, %add3A_2409 : vector<16xf32>
    %min3A_2411 = arith.minimumf %parallel_loop3A_2404#8, %parallel_loop3A_2404#9 : vector<16xf32>
    %min3A_2412 = arith.minimumf %parallel_loop3A_2404#10, %parallel_loop3A_2404#11 : vector<16xf32>
    %min3A_2413 = arith.minimumf %min3A_2411, %min3A_2412 : vector<16xf32>
    %max3A_2414 = arith.maximumf %parallel_loop3A_2404#12, %parallel_loop3A_2404#13 : vector<16xf32>
    %max3A_2415 = arith.maximumf %parallel_loop3A_2404#14, %parallel_loop3A_2404#15 : vector<16xf32>
    %max3A_2416 = arith.maximumf %max3A_2414, %max3A_2415 : vector<16xf32>
    %reduce_sum3A_2417 = arith.constant true
    %reduce_sum3A_2418 = vector.broadcast %reduce_sum3A_2417 : i1 to vector<16xi1>
    %reduce_sum3A_2419 = tpu.scan <sum>, %add3A_2407 masked %reduce_sum3A_2418 : vector<16xf32>, vector<16xi1> -> vector<16xf32>
    %reduce_sum3A_2420 = vector.extract %reduce_sum3A_2419[15] : f32 from vector<16xf32>
    %broadcast_in_dim3A_2421 = vector.broadcast %reduce_sum3A_2420 : f32 to vector<16xf32>
    %reduce_sum3A_2422 = arith.constant true
    %reduce_sum3A_2423 = vector.broadcast %reduce_sum3A_2422 : i1 to vector<16xi1>
    %reduce_sum3A_2424 = tpu.scan <sum>, %add3A_2410 masked %reduce_sum3A_2423 : vector<16xf32>, vector<16xi1> -> vector<16xf32>
    %reduce_sum3A_2425 = vector.extract %reduce_sum3A_2424[15] : f32 from vector<16xf32>
    %broadcast_in_dim3A_2426 = vector.broadcast %reduce_sum3A_2425 : f32 to vector<16xf32>
    %mul3A_2427 = arith.constant 7.62939453E-6 : f32
    %mul3A_2428 = vector.broadcast %mul3A_2427 : f32 to vector<16xf32>
    %mul3A_2429 = arith.mulf %broadcast_in_dim3A_2421, %mul3A_2428 : vector<16xf32>
    %mul3A_2430 = arith.mulf %broadcast_in_dim3A_2421, %broadcast_in_dim3A_2421 : vector<16xf32>
    %mul3A_2431 = arith.constant 7.62939453E-6 : f32
    %mul3A_2432 = vector.broadcast %mul3A_2431 : f32 to vector<16xf32>
    %mul3A_2433 = arith.mulf %mul3A_2430, %mul3A_2432 : vector<16xf32>
    %sub3A_2434 = arith.subf %broadcast_in_dim3A_2426, %mul3A_2433 : vector<16xf32>
    %mul3A_2435 = arith.constant 7.62945274E-6 : f32
    %mul3A_2436 = vector.broadcast %mul3A_2435 : f32 to vector<16xf32>
    %mul3A_2437 = arith.mulf %sub3A_2434, %mul3A_2436 : vector<16xf32>
    %max3A_2438 = arith.constant 9.99999935E-39 : f32
    %max3A_2439 = vector.broadcast %max3A_2438 : f32 to vector<16xf32>
    %max3A_2440 = arith.maximumf %mul3A_2437, %max3A_2439 : vector<16xf32>
    %bitcast3A_2441 = vector.bitcast %max3A_2440 : vector<16xf32> to vector<16xi32>
    %shift_right_arithmetic3A_2442 = arith.constant 1 : i32
    %shift_right_arithmetic3A_2443 = vector.broadcast %shift_right_arithmetic3A_2442 : i32 to vector<16xi32>
    %shift_right_arithmetic3A_2444 = arith.shrsi %bitcast3A_2441, %shift_right_arithmetic3A_2443 : vector<16xi32>
    %sub3A_2445 = arith.constant 1597463007 : i32
    %sub3A_2446 = vector.broadcast %sub3A_2445 : i32 to vector<16xi32>
    %sub3A_2447 = arith.subi %sub3A_2446, %shift_right_arithmetic3A_2444 : vector<16xi32>
    %bitcast3A_2448 = vector.bitcast %sub3A_2447 : vector<16xi32> to vector<16xf32>
    %mul3A_2449 = arith.constant 5.000000e-01 : f32
    %mul3A_2450 = vector.broadcast %mul3A_2449 : f32 to vector<16xf32>
    %mul3A_2451 = arith.mulf %mul3A_2450, %max3A_2440 : vector<16xf32>
    %mul3A_2452 = arith.mulf %mul3A_2451, %bitcast3A_2448 : vector<16xf32>
    %mul3A_2453 = arith.mulf %mul3A_2452, %bitcast3A_2448 : vector<16xf32>
    %sub3A_2454 = arith.constant 1.500000e+00 : f32
    %sub3A_2455 = vector.broadcast %sub3A_2454 : f32 to vector<16xf32>
    %sub3A_2456 = arith.subf %sub3A_2455, %mul3A_2453 : vector<16xf32>
    %mul3A_2457 = arith.mulf %bitcast3A_2448, %sub3A_2456 : vector<16xf32>
    %mul3A_2458 = arith.constant 5.000000e-01 : f32
    %mul3A_2459 = vector.broadcast %mul3A_2458 : f32 to vector<16xf32>
    %mul3A_2460 = arith.mulf %mul3A_2459, %max3A_2440 : vector<16xf32>
    %mul3A_2461 = arith.mulf %mul3A_2460, %mul3A_2457 : vector<16xf32>
    %mul3A_2462 = arith.mulf %mul3A_2461, %mul3A_2457 : vector<16xf32>
    %sub3A_2463 = arith.constant 1.500000e+00 : f32
    %sub3A_2464 = vector.broadcast %sub3A_2463 : f32 to vector<16xf32>
    %sub3A_2465 = arith.subf %sub3A_2464, %mul3A_2462 : vector<16xf32>
    %mul3A_2466 = arith.mulf %mul3A_2457, %sub3A_2465 : vector<16xf32>
    %mul3A_2467 = arith.constant 5.000000e-01 : f32
    %mul3A_2468 = vector.broadcast %mul3A_2467 : f32 to vector<16xf32>
    %mul3A_2469 = arith.mulf %mul3A_2468, %max3A_2440 : vector<16xf32>
    %mul3A_2470 = arith.mulf %mul3A_2469, %mul3A_2466 : vector<16xf32>
    %mul3A_2471 = arith.mulf %mul3A_2470, %mul3A_2466 : vector<16xf32>
    %sub3A_2472 = arith.constant 1.500000e+00 : f32
    %sub3A_2473 = vector.broadcast %sub3A_2472 : f32 to vector<16xf32>
    %sub3A_2474 = arith.subf %sub3A_2473, %mul3A_2471 : vector<16xf32>
    %mul3A_2475 = arith.mulf %mul3A_2466, %sub3A_2474 : vector<16xf32>
    %mul3A_2476 = arith.constant 5.000000e-01 : f32
    %mul3A_2477 = vector.broadcast %mul3A_2476 : f32 to vector<16xf32>
    %mul3A_2478 = arith.mulf %mul3A_2477, %max3A_2440 : vector<16xf32>
    %mul3A_2479 = arith.mulf %mul3A_2478, %mul3A_2475 : vector<16xf32>
    %mul3A_2480 = arith.mulf %mul3A_2479, %mul3A_2475 : vector<16xf32>
    %sub3A_2481 = arith.constant 1.500000e+00 : f32
    %sub3A_2482 = vector.broadcast %sub3A_2481 : f32 to vector<16xf32>
    %sub3A_2483 = arith.subf %sub3A_2482, %mul3A_2480 : vector<16xf32>
    %mul3A_2484 = arith.mulf %mul3A_2475, %sub3A_2483 : vector<16xf32>
    %mul3A_2485 = arith.constant 5.000000e-01 : f32
    %mul3A_2486 = vector.broadcast %mul3A_2485 : f32 to vector<16xf32>
    %mul3A_2487 = arith.mulf %mul3A_2486, %max3A_2440 : vector<16xf32>
    %mul3A_2488 = arith.mulf %mul3A_2487, %mul3A_2484 : vector<16xf32>
    %mul3A_2489 = arith.mulf %mul3A_2488, %mul3A_2484 : vector<16xf32>
    %sub3A_2490 = arith.constant 1.500000e+00 : f32
    %sub3A_2491 = vector.broadcast %sub3A_2490 : f32 to vector<16xf32>
    %sub3A_2492 = arith.subf %sub3A_2491, %mul3A_2489 : vector<16xf32>
    %mul3A_2493 = arith.mulf %mul3A_2484, %sub3A_2492 : vector<16xf32>
    %mul3A_2494 = arith.mulf %max3A_2440, %mul3A_2493 : vector<16xf32>
    %bitcast3A_2495 = vector.bitcast %mul3A_2494 : vector<16xf32> to vector<16xi32>
    %add3A_2496 = arith.constant 32767 : i32
    %add3A_2497 = vector.broadcast %add3A_2496 : i32 to vector<16xi32>
    %add3A_2498 = arith.addi %bitcast3A_2495, %add3A_2497 : vector<16xi32>
    %shift_right_arithmetic3A_2499 = arith.constant 16 : i32
    %shift_right_arithmetic3A_2500 = vector.broadcast %shift_right_arithmetic3A_2499 : i32 to vector<16xi32>
    %shift_right_arithmetic3A_2501 = arith.shrsi %bitcast3A_2495, %shift_right_arithmetic3A_2500 : vector<16xi32>
    %and3A_2502 = arith.constant 1 : i32
    %and3A_2503 = vector.broadcast %and3A_2502 : i32 to vector<16xi32>
    %and3A_2504 = arith.andi %shift_right_arithmetic3A_2501, %and3A_2503 : vector<16xi32>
    %add3A_2505 = arith.addi %add3A_2498, %and3A_2504 : vector<16xi32>
    %and3A_2506 = arith.constant -65536 : i32
    %and3A_2507 = vector.broadcast %and3A_2506 : i32 to vector<16xi32>
    %and3A_2508 = arith.andi %add3A_2505, %and3A_2507 : vector<16xi32>
    %bitcast3A_2509 = vector.bitcast %and3A_2508 : vector<16xi32> to vector<16xf32>
    %bitcast3A_2510 = vector.bitcast %mul3A_2429 : vector<16xf32> to vector<16xi32>
    %add3A_2511 = arith.constant 32767 : i32
    %add3A_2512 = vector.broadcast %add3A_2511 : i32 to vector<16xi32>
    %add3A_2513 = arith.addi %bitcast3A_2510, %add3A_2512 : vector<16xi32>
    %shift_right_arithmetic3A_2514 = arith.constant 16 : i32
    %shift_right_arithmetic3A_2515 = vector.broadcast %shift_right_arithmetic3A_2514 : i32 to vector<16xi32>
    %shift_right_arithmetic3A_2516 = arith.shrsi %bitcast3A_2510, %shift_right_arithmetic3A_2515 : vector<16xi32>
    %and3A_2517 = arith.constant 1 : i32
    %and3A_2518 = vector.broadcast %and3A_2517 : i32 to vector<16xi32>
    %and3A_2519 = arith.andi %shift_right_arithmetic3A_2516, %and3A_2518 : vector<16xi32>
    %add3A_2520 = arith.addi %add3A_2513, %and3A_2519 : vector<16xi32>
    %and3A_2521 = arith.constant -65536 : i32
    %and3A_2522 = vector.broadcast %and3A_2521 : i32 to vector<16xi32>
    %and3A_2523 = arith.andi %add3A_2520, %and3A_2522 : vector<16xi32>
    %bitcast3A_2524 = vector.bitcast %and3A_2523 : vector<16xi32> to vector<16xf32>
    %reduce_min3A_2525 = arith.constant true
    %reduce_min3A_2526 = vector.broadcast %reduce_min3A_2525 : i1 to vector<16xi1>
    %reduce_min3A_2527 = tpu.scan <min>, %min3A_2413 masked %reduce_min3A_2526 : vector<16xf32>, vector<16xi1> -> vector<16xf32>
    %reduce_min3A_2528 = vector.extract %reduce_min3A_2527[15] : f32 from vector<16xf32>
    %broadcast_in_dim3A_2529 = vector.broadcast %reduce_min3A_2528 : f32 to vector<16xf32>
    %bitcast3A_2530 = vector.bitcast %broadcast_in_dim3A_2529 : vector<16xf32> to vector<16xi32>
    %add3A_2531 = arith.constant 32767 : i32
    %add3A_2532 = vector.broadcast %add3A_2531 : i32 to vector<16xi32>
    %add3A_2533 = arith.addi %bitcast3A_2530, %add3A_2532 : vector<16xi32>
    %shift_right_arithmetic3A_2534 = arith.constant 16 : i32
    %shift_right_arithmetic3A_2535 = vector.broadcast %shift_right_arithmetic3A_2534 : i32 to vector<16xi32>
    %shift_right_arithmetic3A_2536 = arith.shrsi %bitcast3A_2530, %shift_right_arithmetic3A_2535 : vector<16xi32>
    %and3A_2537 = arith.constant 1 : i32
    %and3A_2538 = vector.broadcast %and3A_2537 : i32 to vector<16xi32>
    %and3A_2539 = arith.andi %shift_right_arithmetic3A_2536, %and3A_2538 : vector<16xi32>
    %add3A_2540 = arith.addi %add3A_2533, %and3A_2539 : vector<16xi32>
    %and3A_2541 = arith.constant -65536 : i32
    %and3A_2542 = vector.broadcast %and3A_2541 : i32 to vector<16xi32>
    %and3A_2543 = arith.andi %add3A_2540, %and3A_2542 : vector<16xi32>
    %bitcast3A_2544 = vector.bitcast %and3A_2543 : vector<16xi32> to vector<16xf32>
    %reduce_max3A_2545 = arith.constant true
    %reduce_max3A_2546 = vector.broadcast %reduce_max3A_2545 : i1 to vector<16xi1>
    %reduce_max3A_2547 = tpu.scan <max>, %max3A_2416 masked %reduce_max3A_2546 : vector<16xf32>, vector<16xi1> -> vector<16xf32>
    %reduce_max3A_2548 = vector.extract %reduce_max3A_2547[15] : f32 from vector<16xf32>
    %broadcast_in_dim3A_2549 = vector.broadcast %reduce_max3A_2548 : f32 to vector<16xf32>
    %bitcast3A_2550 = vector.bitcast %broadcast_in_dim3A_2549 : vector<16xf32> to vector<16xi32>
    %add3A_2551 = arith.constant 32767 : i32
    %add3A_2552 = vector.broadcast %add3A_2551 : i32 to vector<16xi32>
    %add3A_2553 = arith.addi %bitcast3A_2550, %add3A_2552 : vector<16xi32>
    %shift_right_arithmetic3A_2554 = arith.constant 16 : i32
    %shift_right_arithmetic3A_2555 = vector.broadcast %shift_right_arithmetic3A_2554 : i32 to vector<16xi32>
    %shift_right_arithmetic3A_2556 = arith.shrsi %bitcast3A_2550, %shift_right_arithmetic3A_2555 : vector<16xi32>
    %and3A_2557 = arith.constant 1 : i32
    %and3A_2558 = vector.broadcast %and3A_2557 : i32 to vector<16xi32>
    %and3A_2559 = arith.andi %shift_right_arithmetic3A_2556, %and3A_2558 : vector<16xi32>
    %add3A_2560 = arith.addi %add3A_2553, %and3A_2559 : vector<16xi32>
    %and3A_2561 = arith.constant -65536 : i32
    %and3A_2562 = vector.broadcast %and3A_2561 : i32 to vector<16xi32>
    %and3A_2563 = arith.andi %add3A_2560, %and3A_2562 : vector<16xi32>
    %bitcast3A_2564 = vector.bitcast %and3A_2563 : vector<16xi32> to vector<16xf32>
    %get3A_2565 = arith.constant 256 : index
    %get3A_2566 = tpu.vector_load %arg7[%get3A_2565] {strides = array<i32>} : memref<1360xf32, #tpu.memory_space<vmem>>, vector<16xf32>,
    %get3A_2567 = arith.constant 0 : index
    %get3A_2568 = tpu.vector_load %arg7[%get3A_2567] {strides = array<i32>} : memref<1360xf32, #tpu.memory_space<vmem>>, vector<16xf32>,
    %mul3A_2569 = arith.mulf %bitcast3A_2524, %get3A_2568 : vector<16xf32>
    %add3A_2570 = arith.addf %get3A_2566, %mul3A_2569 : vector<16xf32>
    %get3A_2571 = arith.constant 64 : index
    %get3A_2572 = tpu.vector_load %arg7[%get3A_2571] {strides = array<i32>} : memref<1360xf32, #tpu.memory_space<vmem>>, vector<16xf32>,
    %mul3A_2573 = arith.mulf %bitcast3A_2509, %get3A_2572 : vector<16xf32>
    %add3A_2574 = arith.addf %add3A_2570, %mul3A_2573 : vector<16xf32>
    %get3A_2575 = arith.constant 128 : index
    %get3A_2576 = tpu.vector_load %arg7[%get3A_2575] {strides = array<i32>} : memref<1360xf32, #tpu.memory_space<vmem>>, vector<16xf32>,
    %mul3A_2577 = arith.mulf %bitcast3A_2544, %get3A_2576 : vector<16xf32>
    %add3A_2578 = arith.addf %add3A_2574, %mul3A_2577 : vector<16xf32>
    %get3A_2579 = arith.constant 192 : index
    %get3A_2580 = tpu.vector_load %arg7[%get3A_2579] {strides = array<i32>} : memref<1360xf32, #tpu.memory_space<vmem>>, vector<16xf32>,
    %mul3A_2581 = arith.mulf %bitcast3A_2564, %get3A_2580 : vector<16xf32>
    %add3A_2582 = arith.addf %add3A_2578, %mul3A_2581 : vector<16xf32>
    %max3A_2583 = arith.constant 0.000000e+00 : f32
    %max3A_2584 = vector.broadcast %max3A_2583 : f32 to vector<16xf32>
    %max3A_2585 = arith.maximumf %add3A_2582, %max3A_2584 : vector<16xf32>
    %bitcast3A_2586 = vector.bitcast %max3A_2585 : vector<16xf32> to vector<16xi32>
    %add3A_2587 = arith.constant 32767 : i32
    %add3A_2588 = vector.broadcast %add3A_2587 : i32 to vector<16xi32>
    %add3A_2589 = arith.addi %bitcast3A_2586, %add3A_2588 : vector<16xi32>
    %shift_right_arithmetic3A_2590 = arith.constant 16 : i32
    %shift_right_arithmetic3A_2591 = vector.broadcast %shift_right_arithmetic3A_2590 : i32 to vector<16xi32>
    %shift_right_arithmetic3A_2592 = arith.shrsi %bitcast3A_2586, %shift_right_arithmetic3A_2591 : vector<16xi32>
    %and3A_2593 = arith.constant 1 : i32
    %and3A_2594 = vector.broadcast %and3A_2593 : i32 to vector<16xi32>
    %and3A_2595 = arith.andi %shift_right_arithmetic3A_2592, %and3A_2594 : vector<16xi32>
    %add3A_2596 = arith.addi %add3A_2589, %and3A_2595 : vector<16xi32>
    %and3A_2597 = arith.constant -65536 : i32
    %and3A_2598 = vector.broadcast %and3A_2597 : i32 to vector<16xi32>
    %and3A_2599 = arith.andi %add3A_2596, %and3A_2598 : vector<16xi32>
    %bitcast3A_2600 = vector.bitcast %and3A_2599 : vector<16xi32> to vector<16xf32>
    %get3A_2601 = arith.constant 272 : index
    %get3A_2602 = tpu.vector_load %arg7[%get3A_2601] {strides = array<i32>} : memref<1360xf32, #tpu.memory_space<vmem>>, vector<16xf32>,
    %get3A_2603 = arith.constant 16 : index
    %get3A_2604 = tpu.vector_load %arg7[%get3A_2603] {strides = array<i32>} : memref<1360xf32, #tpu.memory_space<vmem>>, vector<16xf32>,
    %mul3A_2605 = arith.mulf %bitcast3A_2524, %get3A_2604 : vector<16xf32>
    %add3A_2606 = arith.addf %get3A_2602, %mul3A_2605 : vector<16xf32>
    %get3A_2607 = arith.constant 80 : index
    %get3A_2608 = tpu.vector_load %arg7[%get3A_2607] {strides = array<i32>} : memref<1360xf32, #tpu.memory_space<vmem>>, vector<16xf32>,
    %mul3A_2609 = arith.mulf %bitcast3A_2509, %get3A_2608 : vector<16xf32>
    %add3A_2610 = arith.addf %add3A_2606, %mul3A_2609 : vector<16xf32>
    %get3A_2611 = arith.constant 144 : index
    %get3A_2612 = tpu.vector_load %arg7[%get3A_2611] {strides = array<i32>} : memref<1360xf32, #tpu.memory_space<vmem>>, vector<16xf32>,
    %mul3A_2613 = arith.mulf %bitcast3A_2544, %get3A_2612 : vector<16xf32>
    %add3A_2614 = arith.addf %add3A_2610, %mul3A_2613 : vector<16xf32>
    %get3A_2615 = arith.constant 208 : index
    %get3A_2616 = tpu.vector_load %arg7[%get3A_2615] {strides = array<i32>} : memref<1360xf32, #tpu.memory_space<vmem>>, vector<16xf32>,
    %mul3A_2617 = arith.mulf %bitcast3A_2564, %get3A_2616 : vector<16xf32>
    %add3A_2618 = arith.addf %add3A_2614, %mul3A_2617 : vector<16xf32>
    %max3A_2619 = arith.constant 0.000000e+00 : f32
    %max3A_2620 = vector.broadcast %max3A_2619 : f32 to vector<16xf32>
    %max3A_2621 = arith.maximumf %add3A_2618, %max3A_2620 : vector<16xf32>
    %bitcast3A_2622 = vector.bitcast %max3A_2621 : vector<16xf32> to vector<16xi32>
    %add3A_2623 = arith.constant 32767 : i32
    %add3A_2624 = vector.broadcast %add3A_2623 : i32 to vector<16xi32>
    %add3A_2625 = arith.addi %bitcast3A_2622, %add3A_2624 : vector<16xi32>
    %shift_right_arithmetic3A_2626 = arith.constant 16 : i32
    %shift_right_arithmetic3A_2627 = vector.broadcast %shift_right_arithmetic3A_2626 : i32 to vector<16xi32>
    %shift_right_arithmetic3A_2628 = arith.shrsi %bitcast3A_2622, %shift_right_arithmetic3A_2627 : vector<16xi32>
    %and3A_2629 = arith.constant 1 : i32
    %and3A_2630 = vector.broadcast %and3A_2629 : i32 to vector<16xi32>
    %and3A_2631 = arith.andi %shift_right_arithmetic3A_2628, %and3A_2630 : vector<16xi32>
    %add3A_2632 = arith.addi %add3A_2625, %and3A_2631 : vector<16xi32>
    %and3A_2633 = arith.constant -65536 : i32
    %and3A_2634 = vector.broadcast %and3A_2633 : i32 to vector<16xi32>
    %and3A_2635 = arith.andi %add3A_2632, %and3A_2634 : vector<16xi32>
    %bitcast3A_2636 = vector.bitcast %and3A_2635 : vector<16xi32> to vector<16xf32>
    %get3A_2637 = arith.constant 288 : index
    %get3A_2638 = tpu.vector_load %arg7[%get3A_2637] {strides = array<i32>} : memref<1360xf32, #tpu.memory_space<vmem>>, vector<16xf32>,
    %get3A_2639 = arith.constant 32 : index
    %get3A_2640 = tpu.vector_load %arg7[%get3A_2639] {strides = array<i32>} : memref<1360xf32, #tpu.memory_space<vmem>>, vector<16xf32>,
    %mul3A_2641 = arith.mulf %bitcast3A_2524, %get3A_2640 : vector<16xf32>
    %add3A_2642 = arith.addf %get3A_2638, %mul3A_2641 : vector<16xf32>
    %get3A_2643 = arith.constant 96 : index
    %get3A_2644 = tpu.vector_load %arg7[%get3A_2643] {strides = array<i32>} : memref<1360xf32, #tpu.memory_space<vmem>>, vector<16xf32>,
    %mul3A_2645 = arith.mulf %bitcast3A_2509, %get3A_2644 : vector<16xf32>
    %add3A_2646 = arith.addf %add3A_2642, %mul3A_2645 : vector<16xf32>
    %get3A_2647 = arith.constant 160 : index
    %get3A_2648 = tpu.vector_load %arg7[%get3A_2647] {strides = array<i32>} : memref<1360xf32, #tpu.memory_space<vmem>>, vector<16xf32>,
    %mul3A_2649 = arith.mulf %bitcast3A_2544, %get3A_2648 : vector<16xf32>
    %add3A_2650 = arith.addf %add3A_2646, %mul3A_2649 : vector<16xf32>
    %get3A_2651 = arith.constant 224 : index
    %get3A_2652 = tpu.vector_load %arg7[%get3A_2651] {strides = array<i32>} : memref<1360xf32, #tpu.memory_space<vmem>>, vector<16xf32>,
    %mul3A_2653 = arith.mulf %bitcast3A_2564, %get3A_2652 : vector<16xf32>
    %add3A_2654 = arith.addf %add3A_2650, %mul3A_2653 : vector<16xf32>
    %max3A_2655 = arith.constant 0.000000e+00 : f32
    %max3A_2656 = vector.broadcast %max3A_2655 : f32 to vector<16xf32>
    %max3A_2657 = arith.maximumf %add3A_2654, %max3A_2656 : vector<16xf32>
    %bitcast3A_2658 = vector.bitcast %max3A_2657 : vector<16xf32> to vector<16xi32>
    %add3A_2659 = arith.constant 32767 : i32
    %add3A_2660 = vector.broadcast %add3A_2659 : i32 to vector<16xi32>
    %add3A_2661 = arith.addi %bitcast3A_2658, %add3A_2660 : vector<16xi32>
    %shift_right_arithmetic3A_2662 = arith.constant 16 : i32
    %shift_right_arithmetic3A_2663 = vector.broadcast %shift_right_arithmetic3A_2662 : i32 to vector<16xi32>
    %shift_right_arithmetic3A_2664 = arith.shrsi %bitcast3A_2658, %shift_right_arithmetic3A_2663 : vector<16xi32>
    %and3A_2665 = arith.constant 1 : i32
    %and3A_2666 = vector.broadcast %and3A_2665 : i32 to vector<16xi32>
    %and3A_2667 = arith.andi %shift_right_arithmetic3A_2664, %and3A_2666 : vector<16xi32>
    %add3A_2668 = arith.addi %add3A_2661, %and3A_2667 : vector<16xi32>
    %and3A_2669 = arith.constant -65536 : i32
    %and3A_2670 = vector.broadcast %and3A_2669 : i32 to vector<16xi32>
    %and3A_2671 = arith.andi %add3A_2668, %and3A_2670 : vector<16xi32>
    %bitcast3A_2672 = vector.bitcast %and3A_2671 : vector<16xi32> to vector<16xf32>
    %get3A_2673 = arith.constant 304 : index
    %get3A_2674 = tpu.vector_load %arg7[%get3A_2673] {strides = array<i32>} : memref<1360xf32, #tpu.memory_space<vmem>>, vector<16xf32>,
    %get3A_2675 = arith.constant 48 : index
    %get3A_2676 = tpu.vector_load %arg7[%get3A_2675] {strides = array<i32>} : memref<1360xf32, #tpu.memory_space<vmem>>, vector<16xf32>,
    %mul3A_2677 = arith.mulf %bitcast3A_2524, %get3A_2676 : vector<16xf32>
    %add3A_2678 = arith.addf %get3A_2674, %mul3A_2677 : vector<16xf32>
    %get3A_2679 = arith.constant 112 : index
    %get3A_2680 = tpu.vector_load %arg7[%get3A_2679] {strides = array<i32>} : memref<1360xf32, #tpu.memory_space<vmem>>, vector<16xf32>,
    %mul3A_2681 = arith.mulf %bitcast3A_2509, %get3A_2680 : vector<16xf32>
    %add3A_2682 = arith.addf %add3A_2678, %mul3A_2681 : vector<16xf32>
    %get3A_2683 = arith.constant 176 : index
    %get3A_2684 = tpu.vector_load %arg7[%get3A_2683] {strides = array<i32>} : memref<1360xf32, #tpu.memory_space<vmem>>, vector<16xf32>,
    %mul3A_2685 = arith.mulf %bitcast3A_2544, %get3A_2684 : vector<16xf32>
    %add3A_2686 = arith.addf %add3A_2682, %mul3A_2685 : vector<16xf32>
    %get3A_2687 = arith.constant 240 : index
    %get3A_2688 = tpu.vector_load %arg7[%get3A_2687] {strides = array<i32>} : memref<1360xf32, #tpu.memory_space<vmem>>, vector<16xf32>,
    %mul3A_2689 = arith.mulf %bitcast3A_2564, %get3A_2688 : vector<16xf32>
    %add3A_2690 = arith.addf %add3A_2686, %mul3A_2689 : vector<16xf32>
    %max3A_2691 = arith.constant 0.000000e+00 : f32
    %max3A_2692 = vector.broadcast %max3A_2691 : f32 to vector<16xf32>
    %max3A_2693 = arith.maximumf %add3A_2690, %max3A_2692 : vector<16xf32>
    %bitcast3A_2694 = vector.bitcast %max3A_2693 : vector<16xf32> to vector<16xi32>
    %add3A_2695 = arith.constant 32767 : i32
    %add3A_2696 = vector.broadcast %add3A_2695 : i32 to vector<16xi32>
    %add3A_2697 = arith.addi %bitcast3A_2694, %add3A_2696 : vector<16xi32>
    %shift_right_arithmetic3A_2698 = arith.constant 16 : i32
    %shift_right_arithmetic3A_2699 = vector.broadcast %shift_right_arithmetic3A_2698 : i32 to vector<16xi32>
    %shift_right_arithmetic3A_2700 = arith.shrsi %bitcast3A_2694, %shift_right_arithmetic3A_2699 : vector<16xi32>
    %and3A_2701 = arith.constant 1 : i32
    %and3A_2702 = vector.broadcast %and3A_2701 : i32 to vector<16xi32>
    %and3A_2703 = arith.andi %shift_right_arithmetic3A_2700, %and3A_2702 : vector<16xi32>
    %add3A_2704 = arith.addi %add3A_2697, %and3A_2703 : vector<16xi32>
    %and3A_2705 = arith.constant -65536 : i32
    %and3A_2706 = vector.broadcast %and3A_2705 : i32 to vector<16xi32>
    %and3A_2707 = arith.andi %add3A_2704, %and3A_2706 : vector<16xi32>
    %bitcast3A_2708 = vector.bitcast %and3A_2707 : vector<16xi32> to vector<16xf32>
    %get3A_2709 = arith.constant 1344 : index
    %get3A_2710 = tpu.vector_load %arg7[%get3A_2709] {strides = array<i32>} : memref<1360xf32, #tpu.memory_space<vmem>>, vector<16xf32>,
    %slice3A_2711 = vector.extract_strided_slice %bitcast3A_2600 {offsets = [0], sizes = [1], strides = [1]} : vector<16xf32> to vector<1xf32>
    %squeeze3A_2712 = vector.extract %slice3A_2711[0] : f32 from vector<1xf32>
    %get3A_2713 = arith.constant 320 : index
    %get3A_2714 = tpu.vector_load %arg7[%get3A_2713] {strides = array<i32>} : memref<1360xf32, #tpu.memory_space<vmem>>, vector<16xf32>,
    %mul3A_2715 = vector.broadcast %squeeze3A_2712 : f32 to vector<16xf32>
    %mul3A_2716 = arith.mulf %mul3A_2715, %get3A_2714 : vector<16xf32>
    %add3A_2717 = arith.addf %get3A_2710, %mul3A_2716 : vector<16xf32>
    %slice3A_2718 = vector.extract_strided_slice %bitcast3A_2600 {offsets = [1], sizes = [1], strides = [1]} : vector<16xf32> to vector<1xf32>
    %squeeze3A_2719 = vector.extract %slice3A_2718[0] : f32 from vector<1xf32>
    %get3A_2720 = arith.constant 336 : index
    %get3A_2721 = tpu.vector_load %arg7[%get3A_2720] {strides = array<i32>} : memref<1360xf32, #tpu.memory_space<vmem>>, vector<16xf32>,
    %mul3A_2722 = vector.broadcast %squeeze3A_2719 : f32 to vector<16xf32>
    %mul3A_2723 = arith.mulf %mul3A_2722, %get3A_2721 : vector<16xf32>
    %add3A_2724 = arith.addf %add3A_2717, %mul3A_2723 : vector<16xf32>
    %slice3A_2725 = vector.extract_strided_slice %bitcast3A_2600 {offsets = [2], sizes = [1], strides = [1]} : vector<16xf32> to vector<1xf32>
    %squeeze3A_2726 = vector.extract %slice3A_2725[0] : f32 from vector<1xf32>
    %get3A_2727 = arith.constant 352 : index
    %get3A_2728 = tpu.vector_load %arg7[%get3A_2727] {strides = array<i32>} : memref<1360xf32, #tpu.memory_space<vmem>>, vector<16xf32>,
    %mul3A_2729 = vector.broadcast %squeeze3A_2726 : f32 to vector<16xf32>
    %mul3A_2730 = arith.mulf %mul3A_2729, %get3A_2728 : vector<16xf32>
    %add3A_2731 = arith.addf %add3A_2724, %mul3A_2730 : vector<16xf32>
    %slice3A_2732 = vector.extract_strided_slice %bitcast3A_2600 {offsets = [3], sizes = [1], strides = [1]} : vector<16xf32> to vector<1xf32>
    %squeeze3A_2733 = vector.extract %slice3A_2732[0] : f32 from vector<1xf32>
    %get3A_2734 = arith.constant 368 : index
    %get3A_2735 = tpu.vector_load %arg7[%get3A_2734] {strides = array<i32>} : memref<1360xf32, #tpu.memory_space<vmem>>, vector<16xf32>,
    %mul3A_2736 = vector.broadcast %squeeze3A_2733 : f32 to vector<16xf32>
    %mul3A_2737 = arith.mulf %mul3A_2736, %get3A_2735 : vector<16xf32>
    %add3A_2738 = arith.addf %add3A_2731, %mul3A_2737 : vector<16xf32>
    %slice3A_2739 = vector.extract_strided_slice %bitcast3A_2600 {offsets = [4], sizes = [1], strides = [1]} : vector<16xf32> to vector<1xf32>
    %squeeze3A_2740 = vector.extract %slice3A_2739[0] : f32 from vector<1xf32>
    %get3A_2741 = arith.constant 384 : index
    %get3A_2742 = tpu.vector_load %arg7[%get3A_2741] {strides = array<i32>} : memref<1360xf32, #tpu.memory_space<vmem>>, vector<16xf32>,
    %mul3A_2743 = vector.broadcast %squeeze3A_2740 : f32 to vector<16xf32>
    %mul3A_2744 = arith.mulf %mul3A_2743, %get3A_2742 : vector<16xf32>
    %add3A_2745 = arith.addf %add3A_2738, %mul3A_2744 : vector<16xf32>
    %slice3A_2746 = vector.extract_strided_slice %bitcast3A_2600 {offsets = [5], sizes = [1], strides = [1]} : vector<16xf32> to vector<1xf32>
    %squeeze3A_2747 = vector.extract %slice3A_2746[0] : f32 from vector<1xf32>
    %get3A_2748 = arith.constant 400 : index
    %get3A_2749 = tpu.vector_load %arg7[%get3A_2748] {strides = array<i32>} : memref<1360xf32, #tpu.memory_space<vmem>>, vector<16xf32>,
    %mul3A_2750 = vector.broadcast %squeeze3A_2747 : f32 to vector<16xf32>
    %mul3A_2751 = arith.mulf %mul3A_2750, %get3A_2749 : vector<16xf32>
    %add3A_2752 = arith.addf %add3A_2745, %mul3A_2751 : vector<16xf32>
    %slice3A_2753 = vector.extract_strided_slice %bitcast3A_2600 {offsets = [6], sizes = [1], strides = [1]} : vector<16xf32> to vector<1xf32>
    %squeeze3A_2754 = vector.extract %slice3A_2753[0] : f32 from vector<1xf32>
    %get3A_2755 = arith.constant 416 : index
    %get3A_2756 = tpu.vector_load %arg7[%get3A_2755] {strides = array<i32>} : memref<1360xf32, #tpu.memory_space<vmem>>, vector<16xf32>,
    %mul3A_2757 = vector.broadcast %squeeze3A_2754 : f32 to vector<16xf32>
    %mul3A_2758 = arith.mulf %mul3A_2757, %get3A_2756 : vector<16xf32>
    %add3A_2759 = arith.addf %add3A_2752, %mul3A_2758 : vector<16xf32>
    %slice3A_2760 = vector.extract_strided_slice %bitcast3A_2600 {offsets = [7], sizes = [1], strides = [1]} : vector<16xf32> to vector<1xf32>
    %squeeze3A_2761 = vector.extract %slice3A_2760[0] : f32 from vector<1xf32>
    %get3A_2762 = arith.constant 432 : index
    %get3A_2763 = tpu.vector_load %arg7[%get3A_2762] {strides = array<i32>} : memref<1360xf32, #tpu.memory_space<vmem>>, vector<16xf32>,
    %mul3A_2764 = vector.broadcast %squeeze3A_2761 : f32 to vector<16xf32>
    %mul3A_2765 = arith.mulf %mul3A_2764, %get3A_2763 : vector<16xf32>
    %add3A_2766 = arith.addf %add3A_2759, %mul3A_2765 : vector<16xf32>
    %slice3A_2767 = vector.extract_strided_slice %bitcast3A_2600 {offsets = [8], sizes = [1], strides = [1]} : vector<16xf32> to vector<1xf32>
    %squeeze3A_2768 = vector.extract %slice3A_2767[0] : f32 from vector<1xf32>
    %get3A_2769 = arith.constant 448 : index
    %get3A_2770 = tpu.vector_load %arg7[%get3A_2769] {strides = array<i32>} : memref<1360xf32, #tpu.memory_space<vmem>>, vector<16xf32>,
    %mul3A_2771 = vector.broadcast %squeeze3A_2768 : f32 to vector<16xf32>
    %mul3A_2772 = arith.mulf %mul3A_2771, %get3A_2770 : vector<16xf32>
    %add3A_2773 = arith.addf %add3A_2766, %mul3A_2772 : vector<16xf32>
    %slice3A_2774 = vector.extract_strided_slice %bitcast3A_2600 {offsets = [9], sizes = [1], strides = [1]} : vector<16xf32> to vector<1xf32>
    %squeeze3A_2775 = vector.extract %slice3A_2774[0] : f32 from vector<1xf32>
    %get3A_2776 = arith.constant 464 : index
    %get3A_2777 = tpu.vector_load %arg7[%get3A_2776] {strides = array<i32>} : memref<1360xf32, #tpu.memory_space<vmem>>, vector<16xf32>,
    %mul3A_2778 = vector.broadcast %squeeze3A_2775 : f32 to vector<16xf32>
    %mul3A_2779 = arith.mulf %mul3A_2778, %get3A_2777 : vector<16xf32>
    %add3A_2780 = arith.addf %add3A_2773, %mul3A_2779 : vector<16xf32>
    %slice3A_2781 = vector.extract_strided_slice %bitcast3A_2600 {offsets = [10], sizes = [1], strides = [1]} : vector<16xf32> to vector<1xf32>
    %squeeze3A_2782 = vector.extract %slice3A_2781[0] : f32 from vector<1xf32>
    %get3A_2783 = arith.constant 480 : index
    %get3A_2784 = tpu.vector_load %arg7[%get3A_2783] {strides = array<i32>} : memref<1360xf32, #tpu.memory_space<vmem>>, vector<16xf32>,
    %mul3A_2785 = vector.broadcast %squeeze3A_2782 : f32 to vector<16xf32>
    %mul3A_2786 = arith.mulf %mul3A_2785, %get3A_2784 : vector<16xf32>
    %add3A_2787 = arith.addf %add3A_2780, %mul3A_2786 : vector<16xf32>
    %slice3A_2788 = vector.extract_strided_slice %bitcast3A_2600 {offsets = [11], sizes = [1], strides = [1]} : vector<16xf32> to vector<1xf32>
    %squeeze3A_2789 = vector.extract %slice3A_2788[0] : f32 from vector<1xf32>
    %get3A_2790 = arith.constant 496 : index
    %get3A_2791 = tpu.vector_load %arg7[%get3A_2790] {strides = array<i32>} : memref<1360xf32, #tpu.memory_space<vmem>>, vector<16xf32>,
    %mul3A_2792 = vector.broadcast %squeeze3A_2789 : f32 to vector<16xf32>
    %mul3A_2793 = arith.mulf %mul3A_2792, %get3A_2791 : vector<16xf32>
    %add3A_2794 = arith.addf %add3A_2787, %mul3A_2793 : vector<16xf32>
    %slice3A_2795 = vector.extract_strided_slice %bitcast3A_2600 {offsets = [12], sizes = [1], strides = [1]} : vector<16xf32> to vector<1xf32>
    %squeeze3A_2796 = vector.extract %slice3A_2795[0] : f32 from vector<1xf32>
    %get3A_2797 = arith.constant 512 : index
    %get3A_2798 = tpu.vector_load %arg7[%get3A_2797] {strides = array<i32>} : memref<1360xf32, #tpu.memory_space<vmem>>, vector<16xf32>,
    %mul3A_2799 = vector.broadcast %squeeze3A_2796 : f32 to vector<16xf32>
    %mul3A_2800 = arith.mulf %mul3A_2799, %get3A_2798 : vector<16xf32>
    %add3A_2801 = arith.addf %add3A_2794, %mul3A_2800 : vector<16xf32>
    %slice3A_2802 = vector.extract_strided_slice %bitcast3A_2600 {offsets = [13], sizes = [1], strides = [1]} : vector<16xf32> to vector<1xf32>
    %squeeze3A_2803 = vector.extract %slice3A_2802[0] : f32 from vector<1xf32>
    %get3A_2804 = arith.constant 528 : index
    %get3A_2805 = tpu.vector_load %arg7[%get3A_2804] {strides = array<i32>} : memref<1360xf32, #tpu.memory_space<vmem>>, vector<16xf32>,
    %mul3A_2806 = vector.broadcast %squeeze3A_2803 : f32 to vector<16xf32>
    %mul3A_2807 = arith.mulf %mul3A_2806, %get3A_2805 : vector<16xf32>
    %add3A_2808 = arith.addf %add3A_2801, %mul3A_2807 : vector<16xf32>
    %slice3A_2809 = vector.extract_strided_slice %bitcast3A_2600 {offsets = [14], sizes = [1], strides = [1]} : vector<16xf32> to vector<1xf32>
    %squeeze3A_2810 = vector.extract %slice3A_2809[0] : f32 from vector<1xf32>
    %get3A_2811 = arith.constant 544 : index
    %get3A_2812 = tpu.vector_load %arg7[%get3A_2811] {strides = array<i32>} : memref<1360xf32, #tpu.memory_space<vmem>>, vector<16xf32>,
    %mul3A_2813 = vector.broadcast %squeeze3A_2810 : f32 to vector<16xf32>
    %mul3A_2814 = arith.mulf %mul3A_2813, %get3A_2812 : vector<16xf32>
    %add3A_2815 = arith.addf %add3A_2808, %mul3A_2814 : vector<16xf32>
    %slice3A_2816 = vector.extract_strided_slice %bitcast3A_2600 {offsets = [15], sizes = [1], strides = [1]} : vector<16xf32> to vector<1xf32>
    %squeeze3A_2817 = vector.extract %slice3A_2816[0] : f32 from vector<1xf32>
    %get3A_2818 = arith.constant 560 : index
    %get3A_2819 = tpu.vector_load %arg7[%get3A_2818] {strides = array<i32>} : memref<1360xf32, #tpu.memory_space<vmem>>, vector<16xf32>,
    %mul3A_2820 = vector.broadcast %squeeze3A_2817 : f32 to vector<16xf32>
    %mul3A_2821 = arith.mulf %mul3A_2820, %get3A_2819 : vector<16xf32>
    %add3A_2822 = arith.addf %add3A_2815, %mul3A_2821 : vector<16xf32>
    %slice3A_2823 = vector.extract_strided_slice %bitcast3A_2636 {offsets = [0], sizes = [1], strides = [1]} : vector<16xf32> to vector<1xf32>
    %squeeze3A_2824 = vector.extract %slice3A_2823[0] : f32 from vector<1xf32>
    %get3A_2825 = arith.constant 576 : index
    %get3A_2826 = tpu.vector_load %arg7[%get3A_2825] {strides = array<i32>} : memref<1360xf32, #tpu.memory_space<vmem>>, vector<16xf32>,
    %mul3A_2827 = vector.broadcast %squeeze3A_2824 : f32 to vector<16xf32>
    %mul3A_2828 = arith.mulf %mul3A_2827, %get3A_2826 : vector<16xf32>
    %add3A_2829 = arith.addf %add3A_2822, %mul3A_2828 : vector<16xf32>
    %slice3A_2830 = vector.extract_strided_slice %bitcast3A_2636 {offsets = [1], sizes = [1], strides = [1]} : vector<16xf32> to vector<1xf32>
    %squeeze3A_2831 = vector.extract %slice3A_2830[0] : f32 from vector<1xf32>
    %get3A_2832 = arith.constant 592 : index
    %get3A_2833 = tpu.vector_load %arg7[%get3A_2832] {strides = array<i32>} : memref<1360xf32, #tpu.memory_space<vmem>>, vector<16xf32>,
    %mul3A_2834 = vector.broadcast %squeeze3A_2831 : f32 to vector<16xf32>
    %mul3A_2835 = arith.mulf %mul3A_2834, %get3A_2833 : vector<16xf32>
    %add3A_2836 = arith.addf %add3A_2829, %mul3A_2835 : vector<16xf32>
    %slice3A_2837 = vector.extract_strided_slice %bitcast3A_2636 {offsets = [2], sizes = [1], strides = [1]} : vector<16xf32> to vector<1xf32>
    %squeeze3A_2838 = vector.extract %slice3A_2837[0] : f32 from vector<1xf32>
    %get3A_2839 = arith.constant 608 : index
    %get3A_2840 = tpu.vector_load %arg7[%get3A_2839] {strides = array<i32>} : memref<1360xf32, #tpu.memory_space<vmem>>, vector<16xf32>,
    %mul3A_2841 = vector.broadcast %squeeze3A_2838 : f32 to vector<16xf32>
    %mul3A_2842 = arith.mulf %mul3A_2841, %get3A_2840 : vector<16xf32>
    %add3A_2843 = arith.addf %add3A_2836, %mul3A_2842 : vector<16xf32>
    %slice3A_2844 = vector.extract_strided_slice %bitcast3A_2636 {offsets = [3], sizes = [1], strides = [1]} : vector<16xf32> to vector<1xf32>
    %squeeze3A_2845 = vector.extract %slice3A_2844[0] : f32 from vector<1xf32>
    %get3A_2846 = arith.constant 624 : index
    %get3A_2847 = tpu.vector_load %arg7[%get3A_2846] {strides = array<i32>} : memref<1360xf32, #tpu.memory_space<vmem>>, vector<16xf32>,
    %mul3A_2848 = vector.broadcast %squeeze3A_2845 : f32 to vector<16xf32>
    %mul3A_2849 = arith.mulf %mul3A_2848, %get3A_2847 : vector<16xf32>
    %add3A_2850 = arith.addf %add3A_2843, %mul3A_2849 : vector<16xf32>
    %slice3A_2851 = vector.extract_strided_slice %bitcast3A_2636 {offsets = [4], sizes = [1], strides = [1]} : vector<16xf32> to vector<1xf32>
    %squeeze3A_2852 = vector.extract %slice3A_2851[0] : f32 from vector<1xf32>
    %get3A_2853 = arith.constant 640 : index
    %get3A_2854 = tpu.vector_load %arg7[%get3A_2853] {strides = array<i32>} : memref<1360xf32, #tpu.memory_space<vmem>>, vector<16xf32>,
    %mul3A_2855 = vector.broadcast %squeeze3A_2852 : f32 to vector<16xf32>
    %mul3A_2856 = arith.mulf %mul3A_2855, %get3A_2854 : vector<16xf32>
    %add3A_2857 = arith.addf %add3A_2850, %mul3A_2856 : vector<16xf32>
    %slice3A_2858 = vector.extract_strided_slice %bitcast3A_2636 {offsets = [5], sizes = [1], strides = [1]} : vector<16xf32> to vector<1xf32>
    %squeeze3A_2859 = vector.extract %slice3A_2858[0] : f32 from vector<1xf32>
    %get3A_2860 = arith.constant 656 : index
    %get3A_2861 = tpu.vector_load %arg7[%get3A_2860] {strides = array<i32>} : memref<1360xf32, #tpu.memory_space<vmem>>, vector<16xf32>,
    %mul3A_2862 = vector.broadcast %squeeze3A_2859 : f32 to vector<16xf32>
    %mul3A_2863 = arith.mulf %mul3A_2862, %get3A_2861 : vector<16xf32>
    %add3A_2864 = arith.addf %add3A_2857, %mul3A_2863 : vector<16xf32>
    %slice3A_2865 = vector.extract_strided_slice %bitcast3A_2636 {offsets = [6], sizes = [1], strides = [1]} : vector<16xf32> to vector<1xf32>
    %squeeze3A_2866 = vector.extract %slice3A_2865[0] : f32 from vector<1xf32>
    %get3A_2867 = arith.constant 672 : index
    %get3A_2868 = tpu.vector_load %arg7[%get3A_2867] {strides = array<i32>} : memref<1360xf32, #tpu.memory_space<vmem>>, vector<16xf32>,
    %mul3A_2869 = vector.broadcast %squeeze3A_2866 : f32 to vector<16xf32>
    %mul3A_2870 = arith.mulf %mul3A_2869, %get3A_2868 : vector<16xf32>
    %add3A_2871 = arith.addf %add3A_2864, %mul3A_2870 : vector<16xf32>
    %slice3A_2872 = vector.extract_strided_slice %bitcast3A_2636 {offsets = [7], sizes = [1], strides = [1]} : vector<16xf32> to vector<1xf32>
    %squeeze3A_2873 = vector.extract %slice3A_2872[0] : f32 from vector<1xf32>
    %get3A_2874 = arith.constant 688 : index
    %get3A_2875 = tpu.vector_load %arg7[%get3A_2874] {strides = array<i32>} : memref<1360xf32, #tpu.memory_space<vmem>>, vector<16xf32>,
    %mul3A_2876 = vector.broadcast %squeeze3A_2873 : f32 to vector<16xf32>
    %mul3A_2877 = arith.mulf %mul3A_2876, %get3A_2875 : vector<16xf32>
    %add3A_2878 = arith.addf %add3A_2871, %mul3A_2877 : vector<16xf32>
    %slice3A_2879 = vector.extract_strided_slice %bitcast3A_2636 {offsets = [8], sizes = [1], strides = [1]} : vector<16xf32> to vector<1xf32>
    %squeeze3A_2880 = vector.extract %slice3A_2879[0] : f32 from vector<1xf32>
    %get3A_2881 = arith.constant 704 : index
    %get3A_2882 = tpu.vector_load %arg7[%get3A_2881] {strides = array<i32>} : memref<1360xf32, #tpu.memory_space<vmem>>, vector<16xf32>,
    %mul3A_2883 = vector.broadcast %squeeze3A_2880 : f32 to vector<16xf32>
    %mul3A_2884 = arith.mulf %mul3A_2883, %get3A_2882 : vector<16xf32>
    %add3A_2885 = arith.addf %add3A_2878, %mul3A_2884 : vector<16xf32>
    %slice3A_2886 = vector.extract_strided_slice %bitcast3A_2636 {offsets = [9], sizes = [1], strides = [1]} : vector<16xf32> to vector<1xf32>
    %squeeze3A_2887 = vector.extract %slice3A_2886[0] : f32 from vector<1xf32>
    %get3A_2888 = arith.constant 720 : index
    %get3A_2889 = tpu.vector_load %arg7[%get3A_2888] {strides = array<i32>} : memref<1360xf32, #tpu.memory_space<vmem>>, vector<16xf32>,
    %mul3A_2890 = vector.broadcast %squeeze3A_2887 : f32 to vector<16xf32>
    %mul3A_2891 = arith.mulf %mul3A_2890, %get3A_2889 : vector<16xf32>
    %add3A_2892 = arith.addf %add3A_2885, %mul3A_2891 : vector<16xf32>
    %slice3A_2893 = vector.extract_strided_slice %bitcast3A_2636 {offsets = [10], sizes = [1], strides = [1]} : vector<16xf32> to vector<1xf32>
    %squeeze3A_2894 = vector.extract %slice3A_2893[0] : f32 from vector<1xf32>
    %get3A_2895 = arith.constant 736 : index
    %get3A_2896 = tpu.vector_load %arg7[%get3A_2895] {strides = array<i32>} : memref<1360xf32, #tpu.memory_space<vmem>>, vector<16xf32>,
    %mul3A_2897 = vector.broadcast %squeeze3A_2894 : f32 to vector<16xf32>
    %mul3A_2898 = arith.mulf %mul3A_2897, %get3A_2896 : vector<16xf32>
    %add3A_2899 = arith.addf %add3A_2892, %mul3A_2898 : vector<16xf32>
    %slice3A_2900 = vector.extract_strided_slice %bitcast3A_2636 {offsets = [11], sizes = [1], strides = [1]} : vector<16xf32> to vector<1xf32>
    %squeeze3A_2901 = vector.extract %slice3A_2900[0] : f32 from vector<1xf32>
    %get3A_2902 = arith.constant 752 : index
    %get3A_2903 = tpu.vector_load %arg7[%get3A_2902] {strides = array<i32>} : memref<1360xf32, #tpu.memory_space<vmem>>, vector<16xf32>,
    %mul3A_2904 = vector.broadcast %squeeze3A_2901 : f32 to vector<16xf32>
    %mul3A_2905 = arith.mulf %mul3A_2904, %get3A_2903 : vector<16xf32>
    %add3A_2906 = arith.addf %add3A_2899, %mul3A_2905 : vector<16xf32>
    %slice3A_2907 = vector.extract_strided_slice %bitcast3A_2636 {offsets = [12], sizes = [1], strides = [1]} : vector<16xf32> to vector<1xf32>
    %squeeze3A_2908 = vector.extract %slice3A_2907[0] : f32 from vector<1xf32>
    %get3A_2909 = arith.constant 768 : index
    %get3A_2910 = tpu.vector_load %arg7[%get3A_2909] {strides = array<i32>} : memref<1360xf32, #tpu.memory_space<vmem>>, vector<16xf32>,
    %mul3A_2911 = vector.broadcast %squeeze3A_2908 : f32 to vector<16xf32>
    %mul3A_2912 = arith.mulf %mul3A_2911, %get3A_2910 : vector<16xf32>
    %add3A_2913 = arith.addf %add3A_2906, %mul3A_2912 : vector<16xf32>
    %slice3A_2914 = vector.extract_strided_slice %bitcast3A_2636 {offsets = [13], sizes = [1], strides = [1]} : vector<16xf32> to vector<1xf32>
    %squeeze3A_2915 = vector.extract %slice3A_2914[0] : f32 from vector<1xf32>
    %get3A_2916 = arith.constant 784 : index
    %get3A_2917 = tpu.vector_load %arg7[%get3A_2916] {strides = array<i32>} : memref<1360xf32, #tpu.memory_space<vmem>>, vector<16xf32>,
    %mul3A_2918 = vector.broadcast %squeeze3A_2915 : f32 to vector<16xf32>
    %mul3A_2919 = arith.mulf %mul3A_2918, %get3A_2917 : vector<16xf32>
    %add3A_2920 = arith.addf %add3A_2913, %mul3A_2919 : vector<16xf32>
    %slice3A_2921 = vector.extract_strided_slice %bitcast3A_2636 {offsets = [14], sizes = [1], strides = [1]} : vector<16xf32> to vector<1xf32>
    %squeeze3A_2922 = vector.extract %slice3A_2921[0] : f32 from vector<1xf32>
    %get3A_2923 = arith.constant 800 : index
    %get3A_2924 = tpu.vector_load %arg7[%get3A_2923] {strides = array<i32>} : memref<1360xf32, #tpu.memory_space<vmem>>, vector<16xf32>,
    %mul3A_2925 = vector.broadcast %squeeze3A_2922 : f32 to vector<16xf32>
    %mul3A_2926 = arith.mulf %mul3A_2925, %get3A_2924 : vector<16xf32>
    %add3A_2927 = arith.addf %add3A_2920, %mul3A_2926 : vector<16xf32>
    %slice3A_2928 = vector.extract_strided_slice %bitcast3A_2636 {offsets = [15], sizes = [1], strides = [1]} : vector<16xf32> to vector<1xf32>
    %squeeze3A_2929 = vector.extract %slice3A_2928[0] : f32 from vector<1xf32>
    %get3A_2930 = arith.constant 816 : index
    %get3A_2931 = tpu.vector_load %arg7[%get3A_2930] {strides = array<i32>} : memref<1360xf32, #tpu.memory_space<vmem>>, vector<16xf32>,
    %mul3A_2932 = vector.broadcast %squeeze3A_2929 : f32 to vector<16xf32>
    %mul3A_2933 = arith.mulf %mul3A_2932, %get3A_2931 : vector<16xf32>
    %add3A_2934 = arith.addf %add3A_2927, %mul3A_2933 : vector<16xf32>
    %slice3A_2935 = vector.extract_strided_slice %bitcast3A_2672 {offsets = [0], sizes = [1], strides = [1]} : vector<16xf32> to vector<1xf32>
    %squeeze3A_2936 = vector.extract %slice3A_2935[0] : f32 from vector<1xf32>
    %get3A_2937 = arith.constant 832 : index
    %get3A_2938 = tpu.vector_load %arg7[%get3A_2937] {strides = array<i32>} : memref<1360xf32, #tpu.memory_space<vmem>>, vector<16xf32>,
    %mul3A_2939 = vector.broadcast %squeeze3A_2936 : f32 to vector<16xf32>
    %mul3A_2940 = arith.mulf %mul3A_2939, %get3A_2938 : vector<16xf32>
    %add3A_2941 = arith.addf %add3A_2934, %mul3A_2940 : vector<16xf32>
    %slice3A_2942 = vector.extract_strided_slice %bitcast3A_2672 {offsets = [1], sizes = [1], strides = [1]} : vector<16xf32> to vector<1xf32>
    %squeeze3A_2943 = vector.extract %slice3A_2942[0] : f32 from vector<1xf32>
    %get3A_2944 = arith.constant 848 : index
    %get3A_2945 = tpu.vector_load %arg7[%get3A_2944] {strides = array<i32>} : memref<1360xf32, #tpu.memory_space<vmem>>, vector<16xf32>,
    %mul3A_2946 = vector.broadcast %squeeze3A_2943 : f32 to vector<16xf32>
    %mul3A_2947 = arith.mulf %mul3A_2946, %get3A_2945 : vector<16xf32>
    %add3A_2948 = arith.addf %add3A_2941, %mul3A_2947 : vector<16xf32>
    %slice3A_2949 = vector.extract_strided_slice %bitcast3A_2672 {offsets = [2], sizes = [1], strides = [1]} : vector<16xf32> to vector<1xf32>
    %squeeze3A_2950 = vector.extract %slice3A_2949[0] : f32 from vector<1xf32>
    %get3A_2951 = arith.constant 864 : index
    %get3A_2952 = tpu.vector_load %arg7[%get3A_2951] {strides = array<i32>} : memref<1360xf32, #tpu.memory_space<vmem>>, vector<16xf32>,
    %mul3A_2953 = vector.broadcast %squeeze3A_2950 : f32 to vector<16xf32>
    %mul3A_2954 = arith.mulf %mul3A_2953, %get3A_2952 : vector<16xf32>
    %add3A_2955 = arith.addf %add3A_2948, %mul3A_2954 : vector<16xf32>
    %slice3A_2956 = vector.extract_strided_slice %bitcast3A_2672 {offsets = [3], sizes = [1], strides = [1]} : vector<16xf32> to vector<1xf32>
    %squeeze3A_2957 = vector.extract %slice3A_2956[0] : f32 from vector<1xf32>
    %get3A_2958 = arith.constant 880 : index
    %get3A_2959 = tpu.vector_load %arg7[%get3A_2958] {strides = array<i32>} : memref<1360xf32, #tpu.memory_space<vmem>>, vector<16xf32>,
    %mul3A_2960 = vector.broadcast %squeeze3A_2957 : f32 to vector<16xf32>
    %mul3A_2961 = arith.mulf %mul3A_2960, %get3A_2959 : vector<16xf32>
    %add3A_2962 = arith.addf %add3A_2955, %mul3A_2961 : vector<16xf32>
    %slice3A_2963 = vector.extract_strided_slice %bitcast3A_2672 {offsets = [4], sizes = [1], strides = [1]} : vector<16xf32> to vector<1xf32>
    %squeeze3A_2964 = vector.extract %slice3A_2963[0] : f32 from vector<1xf32>
    %get3A_2965 = arith.constant 896 : index
    %get3A_2966 = tpu.vector_load %arg7[%get3A_2965] {strides = array<i32>} : memref<1360xf32, #tpu.memory_space<vmem>>, vector<16xf32>,
    %mul3A_2967 = vector.broadcast %squeeze3A_2964 : f32 to vector<16xf32>
    %mul3A_2968 = arith.mulf %mul3A_2967, %get3A_2966 : vector<16xf32>
    %add3A_2969 = arith.addf %add3A_2962, %mul3A_2968 : vector<16xf32>
    %slice3A_2970 = vector.extract_strided_slice %bitcast3A_2672 {offsets = [5], sizes = [1], strides = [1]} : vector<16xf32> to vector<1xf32>
    %squeeze3A_2971 = vector.extract %slice3A_2970[0] : f32 from vector<1xf32>
    %get3A_2972 = arith.constant 912 : index
    %get3A_2973 = tpu.vector_load %arg7[%get3A_2972] {strides = array<i32>} : memref<1360xf32, #tpu.memory_space<vmem>>, vector<16xf32>,
    %mul3A_2974 = vector.broadcast %squeeze3A_2971 : f32 to vector<16xf32>
    %mul3A_2975 = arith.mulf %mul3A_2974, %get3A_2973 : vector<16xf32>
    %add3A_2976 = arith.addf %add3A_2969, %mul3A_2975 : vector<16xf32>
    %slice3A_2977 = vector.extract_strided_slice %bitcast3A_2672 {offsets = [6], sizes = [1], strides = [1]} : vector<16xf32> to vector<1xf32>
    %squeeze3A_2978 = vector.extract %slice3A_2977[0] : f32 from vector<1xf32>
    %get3A_2979 = arith.constant 928 : index
    %get3A_2980 = tpu.vector_load %arg7[%get3A_2979] {strides = array<i32>} : memref<1360xf32, #tpu.memory_space<vmem>>, vector<16xf32>,
    %mul3A_2981 = vector.broadcast %squeeze3A_2978 : f32 to vector<16xf32>
    %mul3A_2982 = arith.mulf %mul3A_2981, %get3A_2980 : vector<16xf32>
    %add3A_2983 = arith.addf %add3A_2976, %mul3A_2982 : vector<16xf32>
    %slice3A_2984 = vector.extract_strided_slice %bitcast3A_2672 {offsets = [7], sizes = [1], strides = [1]} : vector<16xf32> to vector<1xf32>
    %squeeze3A_2985 = vector.extract %slice3A_2984[0] : f32 from vector<1xf32>
    %get3A_2986 = arith.constant 944 : index
    %get3A_2987 = tpu.vector_load %arg7[%get3A_2986] {strides = array<i32>} : memref<1360xf32, #tpu.memory_space<vmem>>, vector<16xf32>,
    %mul3A_2988 = vector.broadcast %squeeze3A_2985 : f32 to vector<16xf32>
    %mul3A_2989 = arith.mulf %mul3A_2988, %get3A_2987 : vector<16xf32>
    %add3A_2990 = arith.addf %add3A_2983, %mul3A_2989 : vector<16xf32>
    %slice3A_2991 = vector.extract_strided_slice %bitcast3A_2672 {offsets = [8], sizes = [1], strides = [1]} : vector<16xf32> to vector<1xf32>
    %squeeze3A_2992 = vector.extract %slice3A_2991[0] : f32 from vector<1xf32>
    %get3A_2993 = arith.constant 960 : index
    %get3A_2994 = tpu.vector_load %arg7[%get3A_2993] {strides = array<i32>} : memref<1360xf32, #tpu.memory_space<vmem>>, vector<16xf32>,
    %mul3A_2995 = vector.broadcast %squeeze3A_2992 : f32 to vector<16xf32>
    %mul3A_2996 = arith.mulf %mul3A_2995, %get3A_2994 : vector<16xf32>
    %add3A_2997 = arith.addf %add3A_2990, %mul3A_2996 : vector<16xf32>
    %slice3A_2998 = vector.extract_strided_slice %bitcast3A_2672 {offsets = [9], sizes = [1], strides = [1]} : vector<16xf32> to vector<1xf32>
    %squeeze3A_2999 = vector.extract %slice3A_2998[0] : f32 from vector<1xf32>
    %get3A_3000 = arith.constant 976 : index
    %get3A_3001 = tpu.vector_load %arg7[%get3A_3000] {strides = array<i32>} : memref<1360xf32, #tpu.memory_space<vmem>>, vector<16xf32>,
    %mul3A_3002 = vector.broadcast %squeeze3A_2999 : f32 to vector<16xf32>
    %mul3A_3003 = arith.mulf %mul3A_3002, %get3A_3001 : vector<16xf32>
    %add3A_3004 = arith.addf %add3A_2997, %mul3A_3003 : vector<16xf32>
    %slice3A_3005 = vector.extract_strided_slice %bitcast3A_2672 {offsets = [10], sizes = [1], strides = [1]} : vector<16xf32> to vector<1xf32>
    %squeeze3A_3006 = vector.extract %slice3A_3005[0] : f32 from vector<1xf32>
    %get3A_3007 = arith.constant 992 : index
    %get3A_3008 = tpu.vector_load %arg7[%get3A_3007] {strides = array<i32>} : memref<1360xf32, #tpu.memory_space<vmem>>, vector<16xf32>,
    %mul3A_3009 = vector.broadcast %squeeze3A_3006 : f32 to vector<16xf32>
    %mul3A_3010 = arith.mulf %mul3A_3009, %get3A_3008 : vector<16xf32>
    %add3A_3011 = arith.addf %add3A_3004, %mul3A_3010 : vector<16xf32>
    %slice3A_3012 = vector.extract_strided_slice %bitcast3A_2672 {offsets = [11], sizes = [1], strides = [1]} : vector<16xf32> to vector<1xf32>
    %squeeze3A_3013 = vector.extract %slice3A_3012[0] : f32 from vector<1xf32>
    %get3A_3014 = arith.constant 1008 : index
    %get3A_3015 = tpu.vector_load %arg7[%get3A_3014] {strides = array<i32>} : memref<1360xf32, #tpu.memory_space<vmem>>, vector<16xf32>,
    %mul3A_3016 = vector.broadcast %squeeze3A_3013 : f32 to vector<16xf32>
    %mul3A_3017 = arith.mulf %mul3A_3016, %get3A_3015 : vector<16xf32>
    %add3A_3018 = arith.addf %add3A_3011, %mul3A_3017 : vector<16xf32>
    %slice3A_3019 = vector.extract_strided_slice %bitcast3A_2672 {offsets = [12], sizes = [1], strides = [1]} : vector<16xf32> to vector<1xf32>
    %squeeze3A_3020 = vector.extract %slice3A_3019[0] : f32 from vector<1xf32>
    %get3A_3021 = arith.constant 1024 : index
    %get3A_3022 = tpu.vector_load %arg7[%get3A_3021] {strides = array<i32>} : memref<1360xf32, #tpu.memory_space<vmem>>, vector<16xf32>,
    %mul3A_3023 = vector.broadcast %squeeze3A_3020 : f32 to vector<16xf32>
    %mul3A_3024 = arith.mulf %mul3A_3023, %get3A_3022 : vector<16xf32>
    %add3A_3025 = arith.addf %add3A_3018, %mul3A_3024 : vector<16xf32>
    %slice3A_3026 = vector.extract_strided_slice %bitcast3A_2672 {offsets = [13], sizes = [1], strides = [1]} : vector<16xf32> to vector<1xf32>
    %squeeze3A_3027 = vector.extract %slice3A_3026[0] : f32 from vector<1xf32>
    %get3A_3028 = arith.constant 1040 : index
    %get3A_3029 = tpu.vector_load %arg7[%get3A_3028] {strides = array<i32>} : memref<1360xf32, #tpu.memory_space<vmem>>, vector<16xf32>,
    %mul3A_3030 = vector.broadcast %squeeze3A_3027 : f32 to vector<16xf32>
    %mul3A_3031 = arith.mulf %mul3A_3030, %get3A_3029 : vector<16xf32>
    %add3A_3032 = arith.addf %add3A_3025, %mul3A_3031 : vector<16xf32>
    %slice3A_3033 = vector.extract_strided_slice %bitcast3A_2672 {offsets = [14], sizes = [1], strides = [1]} : vector<16xf32> to vector<1xf32>
    %squeeze3A_3034 = vector.extract %slice3A_3033[0] : f32 from vector<1xf32>
    %get3A_3035 = arith.constant 1056 : index
    %get3A_3036 = tpu.vector_load %arg7[%get3A_3035] {strides = array<i32>} : memref<1360xf32, #tpu.memory_space<vmem>>, vector<16xf32>,
    %mul3A_3037 = vector.broadcast %squeeze3A_3034 : f32 to vector<16xf32>
    %mul3A_3038 = arith.mulf %mul3A_3037, %get3A_3036 : vector<16xf32>
    %add3A_3039 = arith.addf %add3A_3032, %mul3A_3038 : vector<16xf32>
    %slice3A_3040 = vector.extract_strided_slice %bitcast3A_2672 {offsets = [15], sizes = [1], strides = [1]} : vector<16xf32> to vector<1xf32>
    %squeeze3A_3041 = vector.extract %slice3A_3040[0] : f32 from vector<1xf32>
    %get3A_3042 = arith.constant 1072 : index
    %get3A_3043 = tpu.vector_load %arg7[%get3A_3042] {strides = array<i32>} : memref<1360xf32, #tpu.memory_space<vmem>>, vector<16xf32>,
    %mul3A_3044 = vector.broadcast %squeeze3A_3041 : f32 to vector<16xf32>
    %mul3A_3045 = arith.mulf %mul3A_3044, %get3A_3043 : vector<16xf32>
    %add3A_3046 = arith.addf %add3A_3039, %mul3A_3045 : vector<16xf32>
    %slice3A_3047 = vector.extract_strided_slice %bitcast3A_2708 {offsets = [0], sizes = [1], strides = [1]} : vector<16xf32> to vector<1xf32>
    %squeeze3A_3048 = vector.extract %slice3A_3047[0] : f32 from vector<1xf32>
    %get3A_3049 = arith.constant 1088 : index
    %get3A_3050 = tpu.vector_load %arg7[%get3A_3049] {strides = array<i32>} : memref<1360xf32, #tpu.memory_space<vmem>>, vector<16xf32>,
    %mul3A_3051 = vector.broadcast %squeeze3A_3048 : f32 to vector<16xf32>
    %mul3A_3052 = arith.mulf %mul3A_3051, %get3A_3050 : vector<16xf32>
    %add3A_3053 = arith.addf %add3A_3046, %mul3A_3052 : vector<16xf32>
    %slice3A_3054 = vector.extract_strided_slice %bitcast3A_2708 {offsets = [1], sizes = [1], strides = [1]} : vector<16xf32> to vector<1xf32>
    %squeeze3A_3055 = vector.extract %slice3A_3054[0] : f32 from vector<1xf32>
    %get3A_3056 = arith.constant 1104 : index
    %get3A_3057 = tpu.vector_load %arg7[%get3A_3056] {strides = array<i32>} : memref<1360xf32, #tpu.memory_space<vmem>>, vector<16xf32>,
    %mul3A_3058 = vector.broadcast %squeeze3A_3055 : f32 to vector<16xf32>
    %mul3A_3059 = arith.mulf %mul3A_3058, %get3A_3057 : vector<16xf32>
    %add3A_3060 = arith.addf %add3A_3053, %mul3A_3059 : vector<16xf32>
    %slice3A_3061 = vector.extract_strided_slice %bitcast3A_2708 {offsets = [2], sizes = [1], strides = [1]} : vector<16xf32> to vector<1xf32>
    %squeeze3A_3062 = vector.extract %slice3A_3061[0] : f32 from vector<1xf32>
    %get3A_3063 = arith.constant 1120 : index
    %get3A_3064 = tpu.vector_load %arg7[%get3A_3063] {strides = array<i32>} : memref<1360xf32, #tpu.memory_space<vmem>>, vector<16xf32>,
    %mul3A_3065 = vector.broadcast %squeeze3A_3062 : f32 to vector<16xf32>
    %mul3A_3066 = arith.mulf %mul3A_3065, %get3A_3064 : vector<16xf32>
    %add3A_3067 = arith.addf %add3A_3060, %mul3A_3066 : vector<16xf32>
    %slice3A_3068 = vector.extract_strided_slice %bitcast3A_2708 {offsets = [3], sizes = [1], strides = [1]} : vector<16xf32> to vector<1xf32>
    %squeeze3A_3069 = vector.extract %slice3A_3068[0] : f32 from vector<1xf32>
    %get3A_3070 = arith.constant 1136 : index
    %get3A_3071 = tpu.vector_load %arg7[%get3A_3070] {strides = array<i32>} : memref<1360xf32, #tpu.memory_space<vmem>>, vector<16xf32>,
    %mul3A_3072 = vector.broadcast %squeeze3A_3069 : f32 to vector<16xf32>
    %mul3A_3073 = arith.mulf %mul3A_3072, %get3A_3071 : vector<16xf32>
    %add3A_3074 = arith.addf %add3A_3067, %mul3A_3073 : vector<16xf32>
    %slice3A_3075 = vector.extract_strided_slice %bitcast3A_2708 {offsets = [4], sizes = [1], strides = [1]} : vector<16xf32> to vector<1xf32>
    %squeeze3A_3076 = vector.extract %slice3A_3075[0] : f32 from vector<1xf32>
    %get3A_3077 = arith.constant 1152 : index
    %get3A_3078 = tpu.vector_load %arg7[%get3A_3077] {strides = array<i32>} : memref<1360xf32, #tpu.memory_space<vmem>>, vector<16xf32>,
    %mul3A_3079 = vector.broadcast %squeeze3A_3076 : f32 to vector<16xf32>
    %mul3A_3080 = arith.mulf %mul3A_3079, %get3A_3078 : vector<16xf32>
    %add3A_3081 = arith.addf %add3A_3074, %mul3A_3080 : vector<16xf32>
    %slice3A_3082 = vector.extract_strided_slice %bitcast3A_2708 {offsets = [5], sizes = [1], strides = [1]} : vector<16xf32> to vector<1xf32>
    %squeeze3A_3083 = vector.extract %slice3A_3082[0] : f32 from vector<1xf32>
    %get3A_3084 = arith.constant 1168 : index
    %get3A_3085 = tpu.vector_load %arg7[%get3A_3084] {strides = array<i32>} : memref<1360xf32, #tpu.memory_space<vmem>>, vector<16xf32>,
    %mul3A_3086 = vector.broadcast %squeeze3A_3083 : f32 to vector<16xf32>
    %mul3A_3087 = arith.mulf %mul3A_3086, %get3A_3085 : vector<16xf32>
    %add3A_3088 = arith.addf %add3A_3081, %mul3A_3087 : vector<16xf32>
    %slice3A_3089 = vector.extract_strided_slice %bitcast3A_2708 {offsets = [6], sizes = [1], strides = [1]} : vector<16xf32> to vector<1xf32>
    %squeeze3A_3090 = vector.extract %slice3A_3089[0] : f32 from vector<1xf32>
    %get3A_3091 = arith.constant 1184 : index
    %get3A_3092 = tpu.vector_load %arg7[%get3A_3091] {strides = array<i32>} : memref<1360xf32, #tpu.memory_space<vmem>>, vector<16xf32>,
    %mul3A_3093 = vector.broadcast %squeeze3A_3090 : f32 to vector<16xf32>
    %mul3A_3094 = arith.mulf %mul3A_3093, %get3A_3092 : vector<16xf32>
    %add3A_3095 = arith.addf %add3A_3088, %mul3A_3094 : vector<16xf32>
    %slice3A_3096 = vector.extract_strided_slice %bitcast3A_2708 {offsets = [7], sizes = [1], strides = [1]} : vector<16xf32> to vector<1xf32>
    %squeeze3A_3097 = vector.extract %slice3A_3096[0] : f32 from vector<1xf32>
    %get3A_3098 = arith.constant 1200 : index
    %get3A_3099 = tpu.vector_load %arg7[%get3A_3098] {strides = array<i32>} : memref<1360xf32, #tpu.memory_space<vmem>>, vector<16xf32>,
    %mul3A_3100 = vector.broadcast %squeeze3A_3097 : f32 to vector<16xf32>
    %mul3A_3101 = arith.mulf %mul3A_3100, %get3A_3099 : vector<16xf32>
    %add3A_3102 = arith.addf %add3A_3095, %mul3A_3101 : vector<16xf32>
    %slice3A_3103 = vector.extract_strided_slice %bitcast3A_2708 {offsets = [8], sizes = [1], strides = [1]} : vector<16xf32> to vector<1xf32>
    %squeeze3A_3104 = vector.extract %slice3A_3103[0] : f32 from vector<1xf32>
    %get3A_3105 = arith.constant 1216 : index
    %get3A_3106 = tpu.vector_load %arg7[%get3A_3105] {strides = array<i32>} : memref<1360xf32, #tpu.memory_space<vmem>>, vector<16xf32>,
    %mul3A_3107 = vector.broadcast %squeeze3A_3104 : f32 to vector<16xf32>
    %mul3A_3108 = arith.mulf %mul3A_3107, %get3A_3106 : vector<16xf32>
    %add3A_3109 = arith.addf %add3A_3102, %mul3A_3108 : vector<16xf32>
    %slice3A_3110 = vector.extract_strided_slice %bitcast3A_2708 {offsets = [9], sizes = [1], strides = [1]} : vector<16xf32> to vector<1xf32>
    %squeeze3A_3111 = vector.extract %slice3A_3110[0] : f32 from vector<1xf32>
    %get3A_3112 = arith.constant 1232 : index
    %get3A_3113 = tpu.vector_load %arg7[%get3A_3112] {strides = array<i32>} : memref<1360xf32, #tpu.memory_space<vmem>>, vector<16xf32>,
    %mul3A_3114 = vector.broadcast %squeeze3A_3111 : f32 to vector<16xf32>
    %mul3A_3115 = arith.mulf %mul3A_3114, %get3A_3113 : vector<16xf32>
    %add3A_3116 = arith.addf %add3A_3109, %mul3A_3115 : vector<16xf32>
    %slice3A_3117 = vector.extract_strided_slice %bitcast3A_2708 {offsets = [10], sizes = [1], strides = [1]} : vector<16xf32> to vector<1xf32>
    %squeeze3A_3118 = vector.extract %slice3A_3117[0] : f32 from vector<1xf32>
    %get3A_3119 = arith.constant 1248 : index
    %get3A_3120 = tpu.vector_load %arg7[%get3A_3119] {strides = array<i32>} : memref<1360xf32, #tpu.memory_space<vmem>>, vector<16xf32>,
    %mul3A_3121 = vector.broadcast %squeeze3A_3118 : f32 to vector<16xf32>
    %mul3A_3122 = arith.mulf %mul3A_3121, %get3A_3120 : vector<16xf32>
    %add3A_3123 = arith.addf %add3A_3116, %mul3A_3122 : vector<16xf32>
    %slice3A_3124 = vector.extract_strided_slice %bitcast3A_2708 {offsets = [11], sizes = [1], strides = [1]} : vector<16xf32> to vector<1xf32>
    %squeeze3A_3125 = vector.extract %slice3A_3124[0] : f32 from vector<1xf32>
    %get3A_3126 = arith.constant 1264 : index
    %get3A_3127 = tpu.vector_load %arg7[%get3A_3126] {strides = array<i32>} : memref<1360xf32, #tpu.memory_space<vmem>>, vector<16xf32>,
    %mul3A_3128 = vector.broadcast %squeeze3A_3125 : f32 to vector<16xf32>
    %mul3A_3129 = arith.mulf %mul3A_3128, %get3A_3127 : vector<16xf32>
    %add3A_3130 = arith.addf %add3A_3123, %mul3A_3129 : vector<16xf32>
    %slice3A_3131 = vector.extract_strided_slice %bitcast3A_2708 {offsets = [12], sizes = [1], strides = [1]} : vector<16xf32> to vector<1xf32>
    %squeeze3A_3132 = vector.extract %slice3A_3131[0] : f32 from vector<1xf32>
    %get3A_3133 = arith.constant 1280 : index
    %get3A_3134 = tpu.vector_load %arg7[%get3A_3133] {strides = array<i32>} : memref<1360xf32, #tpu.memory_space<vmem>>, vector<16xf32>,
    %mul3A_3135 = vector.broadcast %squeeze3A_3132 : f32 to vector<16xf32>
    %mul3A_3136 = arith.mulf %mul3A_3135, %get3A_3134 : vector<16xf32>
    %add3A_3137 = arith.addf %add3A_3130, %mul3A_3136 : vector<16xf32>
    %slice3A_3138 = vector.extract_strided_slice %bitcast3A_2708 {offsets = [13], sizes = [1], strides = [1]} : vector<16xf32> to vector<1xf32>
    %squeeze3A_3139 = vector.extract %slice3A_3138[0] : f32 from vector<1xf32>
    %get3A_3140 = arith.constant 1296 : index
    %get3A_3141 = tpu.vector_load %arg7[%get3A_3140] {strides = array<i32>} : memref<1360xf32, #tpu.memory_space<vmem>>, vector<16xf32>,
    %mul3A_3142 = vector.broadcast %squeeze3A_3139 : f32 to vector<16xf32>
    %mul3A_3143 = arith.mulf %mul3A_3142, %get3A_3141 : vector<16xf32>
    %add3A_3144 = arith.addf %add3A_3137, %mul3A_3143 : vector<16xf32>
    %slice3A_3145 = vector.extract_strided_slice %bitcast3A_2708 {offsets = [14], sizes = [1], strides = [1]} : vector<16xf32> to vector<1xf32>
    %squeeze3A_3146 = vector.extract %slice3A_3145[0] : f32 from vector<1xf32>
    %get3A_3147 = arith.constant 1312 : index
    %get3A_3148 = tpu.vector_load %arg7[%get3A_3147] {strides = array<i32>} : memref<1360xf32, #tpu.memory_space<vmem>>, vector<16xf32>,
    %mul3A_3149 = vector.broadcast %squeeze3A_3146 : f32 to vector<16xf32>
    %mul3A_3150 = arith.mulf %mul3A_3149, %get3A_3148 : vector<16xf32>
    %add3A_3151 = arith.addf %add3A_3144, %mul3A_3150 : vector<16xf32>
    %slice3A_3152 = vector.extract_strided_slice %bitcast3A_2708 {offsets = [15], sizes = [1], strides = [1]} : vector<16xf32> to vector<1xf32>
    %squeeze3A_3153 = vector.extract %slice3A_3152[0] : f32 from vector<1xf32>
    %get3A_3154 = arith.constant 1328 : index
    %get3A_3155 = tpu.vector_load %arg7[%get3A_3154] {strides = array<i32>} : memref<1360xf32, #tpu.memory_space<vmem>>, vector<16xf32>,
    %mul3A_3156 = vector.broadcast %squeeze3A_3153 : f32 to vector<16xf32>
    %mul3A_3157 = arith.mulf %mul3A_3156, %get3A_3155 : vector<16xf32>
    %add3A_3158 = arith.addf %add3A_3151, %mul3A_3157 : vector<16xf32>
    %reduce_max3A_3159 = arith.constant true
    %reduce_max3A_3160 = vector.broadcast %reduce_max3A_3159 : i1 to vector<16xi1>
    %reduce_max3A_3161 = tpu.scan <max>, %add3A_3158 masked %reduce_max3A_3160 : vector<16xf32>, vector<16xi1> -> vector<16xf32>
    %reduce_max3A_3162 = vector.extract %reduce_max3A_3161[15] : f32 from vector<16xf32>
    %broadcast_in_dim3A_3163 = vector.broadcast %reduce_max3A_3162 : f32 to vector<16xf32>
    %eq3A_3164 = arith.cmpf oeq, %add3A_3158, %broadcast_in_dim3A_3163 : vector<16xf32>
    %jit3A_3165 = arith.constant 16 : i32
    %broadcast_in_dim3A_3166 = vector.broadcast %jit3A_3165 : i32 to vector<16xi32>
    %select_n3A_3167 = arith.select %eq3A_3164, %iota3A, %broadcast_in_dim3A_3166 : vector<16xi1>, vector<16xi32>
    %reduce_min3A_3168 = arith.constant true
    %reduce_min3A_3169 = vector.broadcast %reduce_min3A_3168 : i1 to vector<16xi1>
    %reduce_min3A_3170 = arith.constant -2147483648 : i32
    %reduce_min3A_3171 = vector.broadcast %reduce_min3A_3170 : i32 to vector<16xi32>
    %reduce_min3A_3172 = arith.xori %select_n3A_3167, %reduce_min3A_3171 : vector<16xi32>
    %reduce_min3A_3173 = tpu.scan <min>, %reduce_min3A_3172 masked %reduce_min3A_3169 : vector<16xi32>, vector<16xi1> -> vector<16xi32>
    %reduce_min3A_3174 = arith.xori %reduce_min3A_3173, %reduce_min3A_3171 : vector<16xi32>
    %reduce_min3A_3175 = vector.extract %reduce_min3A_3174[15] : i32 from vector<16xi32>
    %eq3A_3176 = vector.broadcast %reduce_min3A_3175 : i32 to vector<16xi32>
    %eq3A_3177 = arith.cmpi eq, %iota3A, %eq3A_3176 : vector<16xi32>
    %jit3A_3178 = arith.constant -3.000000e+38 : f32
    %broadcast_in_dim3A_3179 = vector.broadcast %jit3A_3178 : f32 to vector<16xf32>
    %select_n3A_3180 = arith.select %eq3A_3177, %broadcast_in_dim3A_3179, %add3A_3158 : vector<16xi1>, vector<16xf32>
    %reduce_max3A_3181 = arith.constant true
    %reduce_max3A_3182 = vector.broadcast %reduce_max3A_3181 : i1 to vector<16xi1>
    %reduce_max3A_3183 = tpu.scan <max>, %select_n3A_3180 masked %reduce_max3A_3182 : vector<16xf32>, vector<16xi1> -> vector<16xf32>
    %reduce_max3A_3184 = vector.extract %reduce_max3A_3183[15] : f32 from vector<16xf32>
    %broadcast_in_dim3A_3185 = vector.broadcast %reduce_max3A_3184 : f32 to vector<16xf32>
    %eq3A_3186 = arith.cmpf oeq, %select_n3A_3180, %broadcast_in_dim3A_3185 : vector<16xf32>
    %jit3A_3187 = arith.constant 16 : i32
    %broadcast_in_dim3A_3188 = vector.broadcast %jit3A_3187 : i32 to vector<16xi32>
    %select_n3A_3189 = arith.select %eq3A_3186, %iota3A, %broadcast_in_dim3A_3188 : vector<16xi1>, vector<16xi32>
    %reduce_min3A_3190 = arith.constant true
    %reduce_min3A_3191 = vector.broadcast %reduce_min3A_3190 : i1 to vector<16xi1>
    %reduce_min3A_3192 = arith.constant -2147483648 : i32
    %reduce_min3A_3193 = vector.broadcast %reduce_min3A_3192 : i32 to vector<16xi32>
    %reduce_min3A_3194 = arith.xori %select_n3A_3189, %reduce_min3A_3193 : vector<16xi32>
    %reduce_min3A_3195 = tpu.scan <min>, %reduce_min3A_3194 masked %reduce_min3A_3191 : vector<16xi32>, vector<16xi1> -> vector<16xi32>
    %reduce_min3A_3196 = arith.xori %reduce_min3A_3195, %reduce_min3A_3193 : vector<16xi32>
    %reduce_min3A_3197 = vector.extract %reduce_min3A_3196[15] : i32 from vector<16xi32>
    %sub3A_3198 = arith.subf %broadcast_in_dim3A_3185, %broadcast_in_dim3A_3163 : vector<16xf32>
    %exp3A_3199 = math.exp %sub3A_3198 : vector<16xf32>
    %add3A_3200 = arith.constant 1.000000e+00 : f32
    %add3A_3201 = vector.broadcast %add3A_3200 : f32 to vector<16xf32>
    %add3A_3202 = arith.addf %add3A_3201, %exp3A_3199 : vector<16xf32>
    %div3A_3203 = arith.constant 1.000000e+00 : f32
    %div3A_3204 = vector.broadcast %div3A_3203 : f32 to vector<16xf32>
    %div3A_3205 = arith.divf %div3A_3204, %add3A_3202 : vector<16xf32>
    %mul3A_3206 = arith.mulf %exp3A_3199, %div3A_3205 : vector<16xf32>
    %eq3A_3207 = vector.broadcast %reduce_min3A_3175 : i32 to vector<16xi32>
    %eq3A_3208 = arith.cmpi eq, %iota3A, %eq3A_3207 : vector<16xi32>
    %eq3A_3209 = vector.broadcast %reduce_min3A_3197 : i32 to vector<16xi32>
    %eq3A_3210 = arith.cmpi eq, %iota3A, %eq3A_3209 : vector<16xi32>
    %jit3A_3211 = arith.constant 0.000000e+00 : f32
    %broadcast_in_dim3A_3212 = vector.broadcast %jit3A_3211 : f32 to vector<16xf32>
    %select_n3A_3213 = arith.select %eq3A_3210, %mul3A_3206, %broadcast_in_dim3A_3212 : vector<16xi1>, vector<16xf32>
    %select_n3A_3214 = arith.select %eq3A_3208, %div3A_3205, %select_n3A_3213 : vector<16xi1>, vector<16xf32>
    %swap3A_3215 = arith.constant 16 : index
    %swap3A_3216 = tpu.vector_load %arg8[%swap3A_3215] {strides = array<i32>} : memref<32xf32, #tpu.memory_space<vmem>>, vector<16xf32>,
    tpu.vector_store %arg8[%swap3A_3215], %select_n3A_3214 {strides = array<i32>} : memref<32xf32, #tpu.memory_space<vmem>>, vector<16xf32>,
    %mul3A_3217 = arith.constant 32 : i32
    %mul3A_3218 = arith.muli %add3A, %mul3A_3217 : i32
    "tpu.region"() ({
      %run_scoped3A = tpu.sem_alloc : memref<!tpu.dma_semaphore, #tpu.memory_space<semaphore_mem>>
      %dma_start3A_3219 = tpu.memref_slice %arg4[%mul3A_3218] : memref<1024xf32, #tpu.memory_space<hbm>> -> memref<32xf32, #tpu.memory_space<hbm>>
      %dma_start3A_3220 = tpu.memref_slice %arg4[%mul3A_3218] : memref<1024xf32, #tpu.memory_space<hbm>> -> memref<32xf32, #tpu.memory_space<hbm>>
      tpu.enqueue_dma source(%arg8 : memref<32xf32, #tpu.memory_space<vmem>>) target(%dma_start3A_3220 : memref<32xf32, #tpu.memory_space<hbm>>) target_semaphore(%run_scoped3A : memref<!tpu.dma_semaphore, #tpu.memory_space<semaphore_mem>>)
      %dma_wait3A_3221 = tpu.memref_slice %arg4[%mul3A_3218] : memref<1024xf32, #tpu.memory_space<hbm>> -> memref<32xf32, #tpu.memory_space<hbm>>
      %dma_wait3A_3222 = tpu.memref_slice %arg4[%mul3A_3218] : memref<1024xf32, #tpu.memory_space<hbm>> -> memref<32xf32, #tpu.memory_space<hbm>>
      tpu.wait_dma2 semaphore(%run_scoped3A : memref<!tpu.dma_semaphore, #tpu.memory_space<semaphore_mem>>) src(%arg8 : memref<32xf32, #tpu.memory_space<vmem>>) dst(%dma_wait3A_3222 : memref<32xf32, #tpu.memory_space<hbm>>)
      tpu.yield
    }) : () -> ()
    return
  }
}

module attributes {stable_mosaic.version = 14 : i64} {
  func.func @_tc_rows_kernel(%arg0: i32, %arg1: memref<1048576xf32, #tpu.memory_space<vmem>>, %arg2: memref<4x64xf32, #tpu.memory_space<vmem>>, %arg3: memref<1x64xf32, #tpu.memory_space<vmem>>, %arg4: memref<16x64xf32, #tpu.memory_space<vmem>>, %arg5: memref<1x16xf32, #tpu.memory_space<vmem>>, %arg6: memref<8x16xf32, #tpu.memory_space<vmem>>) attributes {dimension_semantics = [#tpu.dimension_semantics<arbitrary>], iteration_bounds = array<i64: 8>, scalar_prefetch = 0 : i64, scratch_operands = 0 : i64, tpu.core_type = #tpu.core_type<tc>, window_params = [{transform_indices = @transform_0, window_bounds = array<i64: 1048576>}, {pipeline_mode = #tpu.pipeline_mode<synchronous>, transform_indices = @transform_1, window_bounds = array<i64: 4, 64>}, {pipeline_mode = #tpu.pipeline_mode<synchronous>, transform_indices = @transform_2, window_bounds = array<i64: 1, 64>}, {pipeline_mode = #tpu.pipeline_mode<synchronous>, transform_indices = @transform_3, window_bounds = array<i64: 16, 64>}, {pipeline_mode = #tpu.pipeline_mode<synchronous>, transform_indices = @transform_4, window_bounds = array<i64: 1, 16>}, {transform_indices = @transform_5, window_bounds = array<i64: 8, 16>}]} {
    %get3A = arith.constant 0 : index
    %get3A_0 = vector.load %arg1[%get3A] : memref<1048576xf32, #tpu.memory_space<vmem>>, vector<1048576xf32>
    %reshape3A = vector.shape_cast %get3A_0 : vector<1048576xf32> to vector<8x131072xf32>
    %reduce_sum3A = arith.constant dense<0.000000e+00> : vector<8xf32>
    %reduce_sum3A_1 = vector.multi_reduction <add>, %reshape3A, %reduce_sum3A [1] : vector<8x131072xf32> to vector<8xf32>
    %broadcast_in_dim3A = vector.shape_cast %reduce_sum3A_1 : vector<8xf32> to vector<8x1xf32>
    %mul3A = arith.mulf %reshape3A, %reshape3A : vector<8x131072xf32>
    %reduce_sum3A_2 = arith.constant dense<0.000000e+00> : vector<8xf32>
    %reduce_sum3A_3 = vector.multi_reduction <add>, %mul3A, %reduce_sum3A_2 [1] : vector<8x131072xf32> to vector<8xf32>
    %broadcast_in_dim3A_4 = vector.shape_cast %reduce_sum3A_3 : vector<8xf32> to vector<8x1xf32>
    %reduce_min3A = arith.constant dense<0x7F800000> : vector<8xf32>
    %reduce_min3A_5 = vector.multi_reduction <minimumf>, %reshape3A, %reduce_min3A [1] : vector<8x131072xf32> to vector<8xf32>
    %broadcast_in_dim3A_6 = vector.shape_cast %reduce_min3A_5 : vector<8xf32> to vector<8x1xf32>
    %reduce_max3A = arith.constant dense<0xFF800000> : vector<8xf32>
    %reduce_max3A_7 = vector.multi_reduction <maximumf>, %reshape3A, %reduce_max3A [1] : vector<8x131072xf32> to vector<8xf32>
    %broadcast_in_dim3A_8 = vector.shape_cast %reduce_max3A_7 : vector<8xf32> to vector<8x1xf32>
    %div3A = arith.constant 1.310720e+05 : f32
    %div3A_9 = vector.broadcast %div3A : f32 to vector<8x1xf32>
    %div3A_10 = arith.divf %broadcast_in_dim3A, %div3A_9 : vector<8x1xf32>
    %mul3A_11 = arith.mulf %broadcast_in_dim3A, %broadcast_in_dim3A : vector<8x1xf32>
    %div3A_12 = arith.constant 1.310720e+05 : f32
    %div3A_13 = vector.broadcast %div3A_12 : f32 to vector<8x1xf32>
    %div3A_14 = arith.divf %mul3A_11, %div3A_13 : vector<8x1xf32>
    %sub3A = arith.subf %broadcast_in_dim3A_4, %div3A_14 : vector<8x1xf32>
    %sub3A_15 = arith.constant 1.310720e+05 : f32
    %sub3A_16 = arith.constant 1.000000e+00 : f32
    %sub3A_17 = arith.subf %sub3A_15, %sub3A_16 : f32
    %div3A_18 = vector.broadcast %sub3A_17 : f32 to vector<8x1xf32>
    %div3A_19 = arith.divf %sub3A, %div3A_18 : vector<8x1xf32>
    %max3A = arith.constant 0.000000e+00 : f32
    %max3A_20 = vector.broadcast %max3A : f32 to vector<8x1xf32>
    %max3A_21 = arith.maximumf %div3A_19, %max3A_20 : vector<8x1xf32>
    %sqrt3A = math.sqrt %max3A_21 : vector<8x1xf32>
    %get3A_22 = arith.constant 0 : index
    %get3A_23 = arith.constant 0 : index
    %get3A_24 = vector.load %arg2[%get3A_22, %get3A_23] : memref<4x64xf32, #tpu.memory_space<vmem>>, vector<4x64xf32>
    %convert_element_type3A = arith.truncf %get3A_24 : vector<4x64xf32> to vector<4x64xbf16>
    %convert_element_type3A_25 = arith.extf %convert_element_type3A : vector<4x64xbf16> to vector<4x64xf32>
    %convert_element_type3A_26 = arith.truncf %div3A_10 : vector<8x1xf32> to vector<8x1xbf16>
    %convert_element_type3A_27 = arith.extf %convert_element_type3A_26 : vector<8x1xbf16> to vector<8x1xf32>
    %slice3A = vector.extract_strided_slice %convert_element_type3A_25 {offsets = [0, 0], sizes = [1, 64], strides = [1, 1]} : vector<4x64xf32> to vector<1x64xf32>
    %mul3A_28 = vector.broadcast %convert_element_type3A_27 : vector<8x1xf32> to vector<8x64xf32>
    %mul3A_29 = vector.broadcast %slice3A : vector<1x64xf32> to vector<8x64xf32>
    %mul3A_30 = arith.mulf %mul3A_28, %mul3A_29 : vector<8x64xf32>
    %convert_element_type3A_31 = arith.truncf %sqrt3A : vector<8x1xf32> to vector<8x1xbf16>
    %convert_element_type3A_32 = arith.extf %convert_element_type3A_31 : vector<8x1xbf16> to vector<8x1xf32>
    %slice3A_33 = vector.extract_strided_slice %convert_element_type3A_25 {offsets = [1, 0], sizes = [1, 64], strides = [1, 1]} : vector<4x64xf32> to vector<1x64xf32>
    %mul3A_34 = vector.broadcast %convert_element_type3A_32 : vector<8x1xf32> to vector<8x64xf32>
    %mul3A_35 = vector.broadcast %slice3A_33 : vector<1x64xf32> to vector<8x64xf32>
    %mul3A_36 = arith.mulf %mul3A_34, %mul3A_35 : vector<8x64xf32>
    %add3A = arith.addf %mul3A_30, %mul3A_36 : vector<8x64xf32>
    %convert_element_type3A_37 = arith.truncf %broadcast_in_dim3A_6 : vector<8x1xf32> to vector<8x1xbf16>
    %convert_element_type3A_38 = arith.extf %convert_element_type3A_37 : vector<8x1xbf16> to vector<8x1xf32>
    %slice3A_39 = vector.extract_strided_slice %convert_element_type3A_25 {offsets = [2, 0], sizes = [1, 64], strides = [1, 1]} : vector<4x64xf32> to vector<1x64xf32>
    %mul3A_40 = vector.broadcast %convert_element_type3A_38 : vector<8x1xf32> to vector<8x64xf32>
    %mul3A_41 = vector.broadcast %slice3A_39 : vector<1x64xf32> to vector<8x64xf32>
    %mul3A_42 = arith.mulf %mul3A_40, %mul3A_41 : vector<8x64xf32>
    %add3A_43 = arith.addf %add3A, %mul3A_42 : vector<8x64xf32>
    %convert_element_type3A_44 = arith.truncf %broadcast_in_dim3A_8 : vector<8x1xf32> to vector<8x1xbf16>
    %convert_element_type3A_45 = arith.extf %convert_element_type3A_44 : vector<8x1xbf16> to vector<8x1xf32>
    %slice3A_46 = vector.extract_strided_slice %convert_element_type3A_25 {offsets = [3, 0], sizes = [1, 64], strides = [1, 1]} : vector<4x64xf32> to vector<1x64xf32>
    %mul3A_47 = vector.broadcast %convert_element_type3A_45 : vector<8x1xf32> to vector<8x64xf32>
    %mul3A_48 = vector.broadcast %slice3A_46 : vector<1x64xf32> to vector<8x64xf32>
    %mul3A_49 = arith.mulf %mul3A_47, %mul3A_48 : vector<8x64xf32>
    %add3A_50 = arith.addf %add3A_43, %mul3A_49 : vector<8x64xf32>
    %get3A_51 = arith.constant 0 : index
    %get3A_52 = arith.constant 0 : index
    %get3A_53 = vector.load %arg3[%get3A_51, %get3A_52] : memref<1x64xf32, #tpu.memory_space<vmem>>, vector<1x64xf32>
    %add3A_54 = vector.broadcast %get3A_53 : vector<1x64xf32> to vector<8x64xf32>
    %add3A_55 = arith.addf %add3A_50, %add3A_54 : vector<8x64xf32>
    %max3A_56 = arith.constant 0.000000e+00 : f32
    %max3A_57 = vector.broadcast %max3A_56 : f32 to vector<8x64xf32>
    %max3A_58 = arith.maximumf %add3A_55, %max3A_57 : vector<8x64xf32>
    %convert_element_type3A_59 = arith.truncf %max3A_58 : vector<8x64xf32> to vector<8x64xbf16>
    %get3A_60 = arith.constant 0 : index
    %get3A_61 = arith.constant 0 : index
    %get3A_62 = vector.load %arg4[%get3A_60, %get3A_61] : memref<16x64xf32, #tpu.memory_space<vmem>>, vector<16x64xf32>
    %convert_element_type3A_63 = arith.truncf %get3A_62 : vector<16x64xf32> to vector<16x64xbf16>
    %dot_general3A = arith.constant dense<0.000000e+00> : vector<8x16xf32>
    %dot_general3A_64 = tpu.matmul %convert_element_type3A_59, %convert_element_type3A_63, %dot_general3A {dimension_numbers = #tpu.dot_dimension_numbers<[1], [1], [0], [0], [0, 0, 1, 0], [], []>, transpose_lhs_hint = false} : vector<8x64xbf16>, vector<16x64xbf16>, vector<8x16xf32> -> vector<8x16xf32>
    %get3A_65 = arith.constant 0 : index
    %get3A_66 = arith.constant 0 : index
    %get3A_67 = vector.load %arg5[%get3A_65, %get3A_66] : memref<1x16xf32, #tpu.memory_space<vmem>>, vector<1x16xf32>
    %add3A_68 = vector.broadcast %get3A_67 : vector<1x16xf32> to vector<8x16xf32>
    %add3A_69 = arith.addf %dot_general3A_64, %add3A_68 : vector<8x16xf32>
    %iota3A = tpu.iota {dimensions = array<i32: 1>} : vector<8x16xi32>
    %reduce_max3A_70 = arith.constant dense<0xFF800000> : vector<8xf32>
    %reduce_max3A_71 = vector.multi_reduction <maximumf>, %add3A_69, %reduce_max3A_70 [1] : vector<8x16xf32> to vector<8xf32>
    %broadcast_in_dim3A_72 = vector.shape_cast %reduce_max3A_71 : vector<8xf32> to vector<8x1xf32>
    %eq3A = vector.broadcast %broadcast_in_dim3A_72 : vector<8x1xf32> to vector<8x16xf32>
    %eq3A_73 = arith.cmpf oeq, %add3A_69, %eq3A : vector<8x16xf32>
    %jit3A = arith.constant 16 : i32
    %broadcast_in_dim3A_74 = vector.broadcast %jit3A : i32 to vector<8x16xi32>
    %select_n3A = arith.select %eq3A_73, %iota3A, %broadcast_in_dim3A_74 : vector<8x16xi1>, vector<8x16xi32>
    %reduce_min3A_75 = arith.constant dense<2147483647> : vector<8xi32>
    %reduce_min3A_76 = vector.multi_reduction <minsi>, %select_n3A, %reduce_min3A_75 [1] : vector<8x16xi32> to vector<8xi32>
    %broadcast_in_dim3A_77 = vector.shape_cast %reduce_min3A_76 : vector<8xi32> to vector<8x1xi32>
    %eq3A_78 = vector.broadcast %broadcast_in_dim3A_77 : vector<8x1xi32> to vector<8x16xi32>
    %eq3A_79 = arith.cmpi eq, %iota3A, %eq3A_78 : vector<8x16xi32>
    %jit3A_80 = arith.constant 0xFF800000 : f32
    %broadcast_in_dim3A_81 = vector.broadcast %jit3A_80 : f32 to vector<8x16xf32>
    %select_n3A_82 = arith.select %eq3A_79, %broadcast_in_dim3A_81, %add3A_69 : vector<8x16xi1>, vector<8x16xf32>
    %reduce_max3A_83 = arith.constant dense<0xFF800000> : vector<8xf32>
    %reduce_max3A_84 = vector.multi_reduction <maximumf>, %select_n3A_82, %reduce_max3A_83 [1] : vector<8x16xf32> to vector<8xf32>
    %broadcast_in_dim3A_85 = vector.shape_cast %reduce_max3A_84 : vector<8xf32> to vector<8x1xf32>
    %eq3A_86 = vector.broadcast %broadcast_in_dim3A_85 : vector<8x1xf32> to vector<8x16xf32>
    %eq3A_87 = arith.cmpf oeq, %select_n3A_82, %eq3A_86 : vector<8x16xf32>
    %jit3A_88 = arith.constant 16 : i32
    %broadcast_in_dim3A_89 = vector.broadcast %jit3A_88 : i32 to vector<8x16xi32>
    %select_n3A_90 = arith.select %eq3A_87, %iota3A, %broadcast_in_dim3A_89 : vector<8x16xi1>, vector<8x16xi32>
    %reduce_min3A_91 = arith.constant dense<2147483647> : vector<8xi32>
    %reduce_min3A_92 = vector.multi_reduction <minsi>, %select_n3A_90, %reduce_min3A_91 [1] : vector<8x16xi32> to vector<8xi32>
    %broadcast_in_dim3A_93 = vector.shape_cast %reduce_min3A_92 : vector<8xi32> to vector<8x1xi32>
    %sub3A_94 = arith.subf %broadcast_in_dim3A_85, %broadcast_in_dim3A_72 : vector<8x1xf32>
    %exp3A = math.exp %sub3A_94 : vector<8x1xf32>
    %add3A_95 = arith.constant 1.000000e+00 : f32
    %add3A_96 = vector.broadcast %add3A_95 : f32 to vector<8x1xf32>
    %add3A_97 = arith.addf %add3A_96, %exp3A : vector<8x1xf32>
    %div3A_98 = arith.constant 1.000000e+00 : f32
    %div3A_99 = vector.broadcast %div3A_98 : f32 to vector<8x1xf32>
    %div3A_100 = arith.divf %div3A_99, %add3A_97 : vector<8x1xf32>
    %mul3A_101 = arith.mulf %exp3A, %div3A_100 : vector<8x1xf32>
    %eq3A_102 = vector.broadcast %broadcast_in_dim3A_77 : vector<8x1xi32> to vector<8x16xi32>
    %eq3A_103 = arith.cmpi eq, %iota3A, %eq3A_102 : vector<8x16xi32>
    %eq3A_104 = vector.broadcast %broadcast_in_dim3A_93 : vector<8x1xi32> to vector<8x16xi32>
    %eq3A_105 = arith.cmpi eq, %iota3A, %eq3A_104 : vector<8x16xi32>
    %jit3A_106 = arith.constant 0.000000e+00 : f32
    %broadcast_in_dim3A_107 = vector.shape_cast %mul3A_101 : vector<8x1xf32> to vector<8x1xf32>
    %broadcast_in_dim3A_108 = vector.broadcast %broadcast_in_dim3A_107 : vector<8x1xf32> to vector<8x16xf32>
    %broadcast_in_dim3A_109 = vector.broadcast %jit3A_106 : f32 to vector<8x16xf32>
    %select_n3A_110 = arith.select %eq3A_105, %broadcast_in_dim3A_108, %broadcast_in_dim3A_109 : vector<8x16xi1>, vector<8x16xf32>
    %broadcast_in_dim3A_111 = vector.shape_cast %div3A_100 : vector<8x1xf32> to vector<8x1xf32>
    %broadcast_in_dim3A_112 = vector.broadcast %broadcast_in_dim3A_111 : vector<8x1xf32> to vector<8x16xf32>
    %select_n3A_113 = arith.select %eq3A_103, %broadcast_in_dim3A_112, %select_n3A_110 : vector<8x16xi1>, vector<8x16xf32>
    %swap3A = arith.constant 0 : index
    %swap3A_114 = arith.constant 0 : index
    %swap3A_115 = vector.load %arg6[%swap3A, %swap3A_114] : memref<8x16xf32, #tpu.memory_space<vmem>>, vector<8x16xf32>
    tpu.vector_store %arg6[%swap3A, %swap3A_114], %select_n3A_113 {strides = array<i32>} : memref<8x16xf32, #tpu.memory_space<vmem>>, vector<8x16xf32>,
    return
  }
  func.func @transform_0(%arg0: i32) -> i32 {
    %add3A = arith.constant 8 : i32
    %add3A_0 = arith.addi %add3A, %arg0 : i32
    %c0_i32 = arith.constant 0 : i32
    return %add3A_0 : i32
  }
  func.func @transform_1(%arg0: i32) -> (i32, i32) {
    %c0_i32 = arith.constant 0 : i32
    %c0_i32_0 = arith.constant 0 : i32
    %c0_i32_1 = arith.constant 0 : i32
    return %c0_i32, %c0_i32_0 : i32, i32
  }
  func.func @transform_2(%arg0: i32) -> (i32, i32) {
    %c0_i32 = arith.constant 0 : i32
    %c0_i32_0 = arith.constant 0 : i32
    %c0_i32_1 = arith.constant 0 : i32
    return %c0_i32, %c0_i32_0 : i32, i32
  }
  func.func @transform_3(%arg0: i32) -> (i32, i32) {
    %c0_i32 = arith.constant 0 : i32
    %c0_i32_0 = arith.constant 0 : i32
    %c0_i32_1 = arith.constant 0 : i32
    return %c0_i32, %c0_i32_0 : i32, i32
  }
  func.func @transform_4(%arg0: i32) -> (i32, i32) {
    %c0_i32 = arith.constant 0 : i32
    %c0_i32_0 = arith.constant 0 : i32
    %c0_i32_1 = arith.constant 0 : i32
    return %c0_i32, %c0_i32_0 : i32, i32
  }
  func.func @transform_5(%arg0: i32) -> (i32, i32) {
    %c0_i32 = arith.constant 0 : i32
    %c0_i32_0 = arith.constant 0 : i32
    return %arg0, %c0_i32 : i32, i32
  }
}

</mosaic_0001>

<sc_bundles>
// kernel: kernel.4.cloned.1.call-start
scs
__scs_entry_jumppad:
0x0: {  	(pc) =	sbr.rel $0x88, $3  }
0x1: {  	(tag) =	ssettag $0x0;
	lr =	simm.s32 $0x1  }
0x2: {  	[smem:$0x3F9C] =	sst lr;
	_ =	strace $0xD0000000  }
0x3: {  	_ = 	snop  }
0x4: {  	_ = 	snop  }
0x5: {  	_ = 	snop  }
0x6: {  	_ = 	snop  }
0x7: {  	_ = 	snop  }
__scs_overlays_trampoline_lowered:
0x8: {  	[smem:$0x3FAB] =	sst s0  }
0x9: {  	[smem:$0x3FAC] =	sst s1  }
0xa: {  	[smem:$0x3FAD] =	sst s2  }
0xb: {  	[smem:$0x3FAE] =	sst s3  }
0xc: {  	[smem:$0x3FAF] =	sst s4  }
0xd: {  	[smem:$0x3FB0] =	sst s5  }
0xe: {  	[smem:$0x3FB1] =	sst s6  }
0xf: {  	[smem:$0x3FB2] =	sst s7  }
0x10: {  	[smem:$0x3FB3] =	sst s8  }
0x11: {  	[smem:$0x3FB4] =	sst s9;
	s0 =	simm.s32 @!p0 $0x0  }
0x12: {  	s1 =	sld [smem:$0x3F9A];
	s0 =	simm.s32 @p0 $0x1  }
0x13: {  	[smem:$0x3FB5] =	sst s0;
	s0 =	simm.s32 @!p1 $0x0  }
0x14: {  	s2 =	sld [smem:$0x3F99];
	s0 =	simm.s32 @p1 $0x1  }
0x15: {  	[smem:$0x3FB6] =	sst s0;
	s0 =	simm.s32 @!p2 $0x0  }
0x16: {  	s3 =	sld [smem:$0x3FDB];
	s0 =	simm.s32 @p2 $0x1  }
0x17: {  	s4 =	simm.s32 $0x1BF5;
	[smem:$0x3FB8] =	sst s0  }
0x18: {  	s0 =	sld [smem:$0x3F9B];
	_ =	swait.ge [sflag:s4], $0x0  }
0x19: {  	s7 =	sld [smem:$0x3F9C]  }
0x1a: {  	s8 =	sadd.s32 $0xFFFFE003, lr  }
0x1b: {  	s9 =	sadd.s32 $0xFFFFFEF7, lr;
	s5 =	simm.s32 $0xFFFFFFFF;
	p2 =	slt.u32 s8, $0xFFFFF086  }
0x1c: {  	p1 =	slt.u32 s9, $0xF7A;
	s5 =	simm.s32 @!p2 $0x0  }
0x1d: {  	s5 =	simm.s32 @p1 $0x1;
	p0 =	seq.s32 s7, s2  }
0x1e: {  	s7 =	smul.u32 @!p0 $0xF7A, s2;
	p2 =	seq.s32 @!p0 s5, $0x0  }
0x1f: {  	s9 =	smul.u32 $0xF7A, s1;
	s8 =	simm.s32 @!p0 $0x1BF5;
	p2 =	por !p2, p0  }
0x20: {  	[sflag:s8] =	ssyncset.s32 @!p0 $0xFFFFF086;
	s6 =	sadd.s32 @!p0 s3, s7;
	s7 =	simm.s32 @!p0 $0x108  }
0x21: {  	s3 =	sadd.s32 s3, s9;
	s6 =	sadd.s32 @!p0 $0x88, s6;
	s7 =	simm.s32 @p2 $0x1082  }
0x22: {  	[simem:s7], [sflag:s8] =	dma.local @!p0 [hbm:s6], $0xF7A  }
0x23: {  	s9 =	sor.u32 $0xD0000000, s2;
	s6 =	simm.s32 $0x108;
	_ =	swait.ge @!p0 [sflag:s8], $0x0  }
0x24: {  	s3 =	sadd.s32 $0x88, s3;
	s6 =	simm.s32 @!p1 $0x1082;
	[sflag:s4] =	ssyncset.s32 $0xFFFFF086  }
0x25: {  	[simem:s6], [sflag:s4] =	dma.local [hbm:s3], $0xF7A  }
0x26: {  	[smem:$0x3F9C] =	sst s1;
	(tag) =	ssettag s2;
	_ =	strace s9  }
0x27: {  	s1 =	sld [smem:$0x3FAC]  }
0x28: {  	s2 =	sld [smem:$0x3FAD]  }
0x29: {  	s4 =	sld [smem:$0x3FAF]  }
0x2a: {  	p0 =	seq.s32 s5, $0x0;
	s5 =	sld [smem:$0x3FB0]  }
0x2b: {  	s6 =	sld [smem:$0x3FB1]  }
0x2c: {  	s7 =	sld [smem:$0x3FB2]  }
0x2d: {  	s3 =	simm.s32 $0x108;
	s8 =	sld [smem:$0x3FB3]  }
0x2e: {  	s3 =	simm.s32 @!p0 $0x1082;
	s9 =	sld [smem:$0x3FB4]  }
0x2f: {  	lr =	sadd.s32 s0, s3;
	s0 =	sld [smem:$0x3FAB]  }
0x30: {  	s3 =	sld [smem:$0x3FAE]  }
0x31: {  	[smem:$0x3FB7] =	sst s10  }
0x32: {  	s10 =	sld [smem:$0x3FB5];
	_ =	sdelay $0x3  }
0x33: {  	p0 =	seq.s32 s10, $0x1;
	s10 =	sld [smem:$0x3FB7];
	_ =	sdelay $0x3  }
0x34: {  	[smem:$0x3FB7] =	sst s10  }
0x35: {  	s10 =	sld [smem:$0x3FB6];
	_ =	sdelay $0x3  }
0x36: {  	p1 =	seq.s32 s10, $0x1;
	s10 =	sld [smem:$0x3FB7];
	_ =	sdelay $0x3  }
0x37: {  	[smem:$0x3FB7] =	sst s10  }
0x38: {  	s10 =	sld [smem:$0x3FB8]  }
0x39: {  	_ = 	snop;
	(pc) =	sbr.ind lr, $3  }
0x3a: {  	_ = 	snop  }
0x3b: {  	_ = 	snop  }
0x3c: {  	p2 =	seq.s32 s10, $0x1;
	s10 =	sld [smem:$0x3FB7]  }
0x3d: {  	_ =	shalt  }
0x3e: {  	_ =	shalt  }
0x3f: {  	_ =	shalt  }
0x40: {  	_ =	shalt  }
0x41: {  	_ =	shalt  }
0x42: {  	_ =	shalt  }
0x43: {  	_ =	shalt  }
0x44: {  	_ =	shalt  }
0x45: {  	_ =	shalt  }
0x46: {  	_ =	shalt  }
0x47: {  	_ =	shalt  }
0x48: {  	_ =	shalt  }
0x49: {  	_ =	shalt  }
0x4a: {  	_ =	shalt  }
0x4b: {  	_ =	shalt  }
0x4c: {  	_ =	shalt  }
0x4d: {  	_ =	shalt  }
0x4e: {  	_ =	shalt  }
0x4f: {  	_ =	shalt  }
0x50: {  	_ =	shalt  }
0x51: {  	_ =	shalt  }
0x52: {  	_ =	shalt  }
0x53: {  	_ =	shalt  }
0x54: {  	_ =	shalt  }
0x55: {  	_ =	shalt  }
0x56: {  	_ =	shalt  }
0x57: {  	_ =	shalt  }
0x58: {  	_ =	shalt  }
0x59: {  	_ =	shalt  }
0x5a: {  	_ =	shalt  }
0x5b: {  	_ =	shalt  }
0x5c: {  	_ =	shalt  }
0x5d: {  	_ =	shalt  }
0x5e: {  	_ =	shalt  }
0x5f: {  	_ =	shalt  }
0x60: {  	_ =	shalt  }
0x61: {  	_ =	shalt  }
0x62: {  	_ =	shalt  }
0x63: {  	_ =	shalt  }
0x64: {  	_ =	shalt  }
0x65: {  	_ =	shalt  }
0x66: {  	_ =	shalt  }
0x67: {  	_ =	shalt  }
0x68: {  	_ =	shalt  }
0x69: {  	_ =	shalt  }
0x6a: {  	_ =	shalt  }
0x6b: {  	_ =	shalt  }
0x6c: {  	_ =	shalt  }
0x6d: {  	_ =	shalt  }
0x6e: {  	_ =	shalt  }
0x6f: {  	_ =	shalt  }
0x70: {  	_ =	shalt  }
0x71: {  	_ =	shalt  }
0x72: {  	_ =	shalt  }
0x73: {  	_ =	shalt  }
0x74: {  	_ =	shalt  }
0x75: {  	_ =	shalt  }
0x76: {  	_ =	shalt  }
0x77: {  	_ =	shalt  }
0x78: {  	_ =	shalt  }
0x79: {  	_ =	shalt  }
0x7a: {  	_ =	shalt  }
0x7b: {  	_ =	shalt  }
0x7c: {  	_ =	shalt  }
0x7d: {  	_ =	shalt  }
0x7e: {  	_ =	shalt  }
0x7f: {  	_ =	shalt  }
0x80: {  	_ =	shalt  }
0x81: {  	_ =	shalt  }
0x82: {  	_ =	shalt  }
0x83: {  	_ =	shalt  }
0x84: {  	_ =	shalt  }
0x85: {  	_ =	shalt  }
0x86: {  	_ =	shalt  }
0x87: {  	_ =	shalt  }
.Lfunc_end0:
.L_simem_size_0:
called_computation_lowered:
.L_overlay_start_0:
0x88: {  	s2 =	sld [smem:$0x3FD9]  }
0x89: {  	s3 =	sld [smem:$0x3FFE];
	_ =	sdelay $0x1  }
0x8a: {  	s1 =	srdreg.scid  }
0x8b: {  	s0 =	sand.u32 $0x1, s1  }
0x8c: {  	s17 =	sshll.u32 s0, $0xA;
	s2 =	sadd.s32 s3, s2  }
0x8d: {  	s2 =	sadd.s32 s2, s17  }
0x8e: {  	[smem:$0x3FC3] =	sst s2  }
0x8f: {  	_ = 	snop  }
0x90: {  	s2 =	sld [smem:$0x3FC9]  }
0x91: {  	s18 =	sld [smem:$0x3FD0];
	(tm) =	ssettm $0x1  }
0x92: {  	s4 =	sld [smem:$0x3FFB];
	_ =	sdelay $0x3  }
0x93: {  	_ =	strace s4  }
0x94: {  	s4 =	sld [smem:$0x3FFC];
	_ =	sdelay $0x3  }
0x95: {  	_ =	strace s4  }
0x96: {  	s4 =	sld [smem:$0x3FFD];
	_ =	sdelay $0x3  }
0x97: {  	_ =	strace s4  }
0x98: {  	_ =	strace $0x8FFFFFFF  }
0x99: {  	s19 =	sld [smem:$0x3FDB];
	_ =	sdelay $0x1  }
0x9a: {  	s5 =	simm.s32 $_scs_section_size  }
0x9b: {  	s6 =	simm.s32 $_size__tile_overlayer_lowered;
	s7 =	simm.s32 $_tile_overlayer_lowered  }
0x9c: {  	s22 =	simm.s32 $0x1BFF;
	s21 =	sshll.u32 s7, $0x1;
	s4 =	sadd.s32 s5, s19  }
0x9d: {  	s8 =	simm.s32 $0x0;
	s20 =	sshll.u32 s6, $0x1;
	s6 =	sadd.s32 s21, s4  }
0x9e: {  	[timem:s8], [sflag:s22] =	dma.local [hbm:s6], s20  }
0x9f: {  	_ =	swait.ge [sflag:s22], s20  }
0xa0: {  	s5 =	ssub.s32 $0x0, s20;
	[sflag:s22] =	ssyncset.done $0x0  }
0xa1: {  	[sflag:s22] =	ssyncadd.s32 s5;
	_ =	sdelay $0x1  }
0xa2: {  	s23 =	simm.s32 $0x1B8B  }
0xa3: {  	_ =	swait.ge [sflag:s23], $0x1  }
0xa4: {  	[sflag:s23] =	ssyncset.done $0x0  }
0xa5: {  	s25 =	simm.s32 $0x1B8E;
	s24 =	sld [smem:$0x3FFE];
	[sflag:s23] =	ssyncadd.s32 $0xFFFFFFFF  }
0xa6: {  	s26 =	simm.s32 $execute0_lowered;
	[smem:$0x3FD2] =	sst s25  }
0xa7: {  	s6 =	sshll.u32 s26, $0x1;
	_ =	strace $0x80000046;
	[dreg:$0x1] =	wrdreg $0xFFFFFFFF  }
0xa8: {  	s28 =	simm.s32 $_size_execute0_lowered;
	s4 =	sadd.s32 s4, s6;
	[dreg:$0x0] =	wrdreg $0x0  }
0xa9: {  	s6 =	sshll.u32 s28, $0x1;
	[dreg:$0x2] =	wrdreg s4  }
0xaa: {  	[dreg:$0x3] =	wrdreg s6  }
0xab: {  	[dreg:$0x4] =	wrdreg $0xC0  }
0xac: {  	_ =	task [dreg:s8], $0x5FFFF  }
0xad: {  	[dreg:$0x1] =	wrdreg $0xFFFFFFFF  }
0xae: {  	[dreg:$0x0] =	wrdreg $0x60  }
0xaf: {  	[dreg:$0x2] =	wrdreg s2  }
0xb0: {  	[dreg:$0x3] =	wrdreg s18  }
0xb1: {  	[dreg:$0x4] =	wrdreg s24  }
0xb2: {  	[dreg:$0x5] =	wrdreg $0x9  }
0xb3: {  	_ =	task.clear_ibuf [dreg:s8], $0x6FFFF;
	_ =	strace $0x90000046  }
0xb4: {  	s29 =	simm.s32 $0x9;
	_ =	strace $0x80000048  }
0xb5: {  	_ =	swait.ge [sflag:s29], $0x1  }
0xb6: {  	[sflag:s29] =	ssyncadd.s32 $0xFFFFFFFF  }
0xb7: {  	_ =	strace $0x90000048  }
0xb8: {  	_ =	sfence  }
0xb9: {  	s30 =	sld [smem:$0x0];
	_ =	sdelay $0x2  }
0xba: {  	s31 =	sshll.u32 s1, $0xD;
	s1 =	sshrl.u32 s1, $0x2  }
0xbb: {  	s3 =	sand.u32 $0x4000, s31;
	s1 =	sadd.s32 s1, s30  }
0xbc: {  	s0 =	sor.u32 s3, s0;
	s1 =	sshll.u32 s1, $0x11  }
0xbd: {  	s0 =	sor.u32 s1, s0  }
0xbe: {  	s0 =	sadd.s32 $0x8F2B, s0  }
0xbf: {  	[sflag:s0] =	ssyncadd.remote.s32 $0x1  }
0xc0: {  	_ =	sfence.sel $0xFFFF  }
0xc1: {  	[dreg:$0x0] =	wrdreg $0xFFFFFFFF;
	(pc) =	sbr.abs _section_cstart, $3  }
0xc2: {  	[dreg:$0x1] =	wrdreg $0xFFFFFFFF  }
0xc3: {  	_ =	task.clear_ibuf [dreg:s8], $0x2FFFF;
	_ =	strace $0x9FFFFFFF  }
0xc4: {  	(tm) =	ssettm $0x7FFFFFFF  }
0xc5: {  	_ =	shalt  }
tec
execute0_lowered:
.L_overlay_start_1:
0x0: {  	(tag) =	ssettag $0x1  }
0x1: {  	s4 =	rddreg [dreg:$0x0]  }
0x2: {  	s2 =	rddreg [dreg:$0x1]  }
0x3: {  	s5 =	rddreg [dreg:$0x2]  }
0x4: {  	s0 =	rddreg [dreg:$0x3];
	s6 =	srdreg.scid  }
0x5: {  	s1 =	stileid.u32;
	s3 =	simm.s32 $0x0;
	s14 =	simm.s32 $0x10000  }
0x6: {  	s15 =	simm.s32 $0x3;
	s16 =	simm.s32 $0x8000;
	s17 =	simm.s32 $0x1  }
0x7: {  	s18 =	simm.s32 $0x2;
	s19 =	simm.s32 $0x10580;
	s20 =	simm.s32 $0x0  }
0x8: {  	s6 =	sand.u32 $0x1, s6;
	s7 =	sshll.u32 s1, $0x1;
	[smem:$0x7FF] =	sst s3  }
0x9: {  	s7 =	sor.u32 s6, s7;
	_ =	strace $0x80000047;
	s6 =	ssub.s32 $0x2, s6  }
0xa: {  	s8 =	sshll.u32 s7, $0xF;
	s7 =	sshll.u32 s7, $0x2;
	s9 =	sshrl.u32 s6, $0x1  }
0xb: {  	s4 =	sadd.s32 s4, s8;
	s12 =	sadd.s32 s7, s5;
	s13 =	ssub.s32 s6, s9  }
0xc: {  	s5 =	sadd.s32 $0x1000, s4;
	s6 =	sadd.s32 $0x2000, s4;
	s7 =	sadd.s32 $0x3000, s4  }
0xd: {  	s8 =	sadd.s32 $0x4000, s4;
	s9 =	sadd.s32 $0x5000, s4;
	s10 =	sadd.s32 $0x6000, s4  }
0xe: {  	v0 =	vlaneseq.u32;
	s11 =	sadd.s32 $0x7000, s4;
	s12 =	sadd.s32 $0xC00, s12;
	s13 =	smax.u32 s13, $0x1  }
.LBB2_1:
0xf: {  	[tilespmem:s3], [sflag:$0x1] =	stream.linear.gather [hbm4b:s4+s3], $0x8000, $0x38;
	[tilespmem:$0x10600] =	vst v63  }
0x10: {  	_ = 	snop  }
0x11: {  	[tilespmem:s14], [sflag:$0x3] =	stream.linear.gather [hbm4b:s2+s3], $0x580, $0x38;
	[tilespmem:$0x10600] =	vst v63  }
0x12: {  	_ =	swait.ge [sflag:s15], $0x580  }
0x13: {  	[sflag:s15] =	ssyncset.done $0x0  }
0x14: {  	[sflag:s15] =	ssyncadd.s32 $0xFFFFFA80  }
0x15: {  	v1 =	vld [tilespmem:$0x10000]  }
0x16: {  	v2 =	vld [tilespmem:$0x10010]  }
0x17: {  	v5 =	vld [tilespmem:$0x10030]  }
0x18: {  	v9 =	vld [tilespmem:$0x10060]  }
0x19: {  	v34 =	vld [tilespmem:$0x10230]  }
0x1a: {  	v35 =	vld [tilespmem:$0x10240]  }
0x1b: {  	v36 =	vld [tilespmem:$0x10250]  }
0x1c: {  	v61 =	vld [tilespmem:$0x10260]  }
0x1d: {  	v38 =	vld [tilespmem:$0x10270]  }
0x1e: {  	v44 =	vld [tilespmem:$0x10290]  }
0x1f: {  	v4 =	vld [tilespmem:$0x10020];
	v3 =	vshrl.u32 v1, $0x10  }
0x20: {  	v8 =	vshrl.u32 v5, $0x10;
	v11 =	vshrl.u32 v9, $0x10;
	v63 =	vshrl.u32 v34, $0x10  }
0x21: {  	v40 =	vshrl.u32 v35, $0x10;
	v41 =	vshrl.u32 v36, $0x10;
	v3 =	vand.u32 $0x1, v3  }
0x22: {  	v6 =	vld [tilespmem:$0x10040];
	v43 =	vshrl.u32 v61, $0x10;
	v1 =	vadd.s32 v3, v1;
	v3 =	vshrl.u32 v2, $0x10  }
0x23: {  	v46 =	vshrl.u32 v38, $0x10;
	v50 =	vshrl.u32 v44, $0x10;
	v3 =	vand.u32 $0x1, v3  }
0x24: {  	v7 =	vld [tilespmem:$0x10050];
	v8 =	vand.u32 $0x1, v8;
	v2 =	vadd.s32 v3, v2;
	v3 =	vshrl.u32 v4, $0x10  }
0x25: {  	v11 =	vand.u32 $0x1, v11;
	v2 =	vadd.s32 $0x7FFF, v2;
	v10 =	vand.u32 $0x1, v3  }
0x26: {  	v3 =	vand.u32 $0xFFFF0000, v2;
	v2 =	vadd.s32 v10, v4;
	v4 =	vadd.s32 v8, v5  }
0x27: {  	v8 =	vshrl.u32 v6, $0x10;
	v2 =	vadd.s32 $0x7FFF, v2;
	v5 =	vadd.s32 $0x7FFF, v4  }
0x28: {  	v10 =	vld [tilespmem:$0x10070];
	v4 =	vand.u32 $0xFFFF0000, v2;
	v2 =	vand.u32 $0xFFFF0000, v5;
	v5 =	vand.u32 $0x1, v8  }
0x29: {  	v12 =	vld [tilespmem:$0x10090];
	v39 =	vand.u32 $0x1, v63;
	v5 =	vadd.s32 v5, v6;
	v6 =	vshrl.u32 v7, $0x10  }
0x2a: {  	v45 =	vand.u32 $0x1, v43;
	v8 =	vld [tilespmem:$0x10080];
	v5 =	vadd.s32 $0x7FFF, v5;
	v13 =	vand.u32 $0x1, v6  }
0x2b: {  	v1 =	vadd.s32 $0x7FFF, v1;
	v6 =	vand.u32 $0xFFFF0000, v5;
	v5 =	vadd.s32 v13, v7  }
0x2c: {  	v1 =	vand.u32 $0xFFFF0000, v1;
	v7 =	vadd.s32 v11, v9;
	v5 =	vadd.s32 $0x7FFF, v5  }
0x2d: {  	v11 =	vshrl.u32 v10, $0x10;
	v13 =	vld [tilespmem:$0x100A0];
	v9 =	vadd.s32 $0x7FFF, v7;
	v7 =	vand.u32 $0xFFFF0000, v5  }
0x2e: {  	v14 =	vld [tilespmem:$0x100B0];
	v5 =	vand.u32 $0xFFFF0000, v9;
	v9 =	vand.u32 $0x1, v11;
	v11 =	vshrl.u32 v12, $0x10  }
0x2f: {  	v15 =	vld [tilespmem:$0x100C0];
	v9 =	vadd.s32 v9, v10;
	v10 =	vshrl.u32 v8, $0x10;
	v11 =	vand.u32 $0x1, v11  }
0x30: {  	v49 =	vld [tilespmem:$0x102B0];
	[tilespmem:$0x10050] =	vst v7;
	v7 =	vand.u32 $0x1, v50;
	v9 =	vadd.s32 $0x7FFF, v9;
	v10 =	vand.u32 $0x1, v10  }
0x31: {  	v9 =	vand.u32 $0xFFFF0000, v9;
	v8 =	vadd.s32 v10, v8;
	v10 =	vadd.s32 v11, v12  }
0x32: {  	v51 =	vld [tilespmem:$0x102C0];
	v12 =	vshrl.u32 v13, $0x10;
	v8 =	vadd.s32 $0x7FFF, v8;
	v11 =	vadd.s32 $0x7FFF, v10  }
0x33: {  	v16 =	vld [tilespmem:$0x100D0];
	v10 =	vand.u32 $0xFFFF0000, v8;
	v8 =	vand.u32 $0xFFFF0000, v11;
	v11 =	vand.u32 $0x1, v12  }
0x34: {  	[tilespmem:$0x10070] =	vst v9;
	v12 =	vshrl.u32 v14, $0x10;
	v11 =	vadd.s32 v11, v13;
	v13 =	vshrl.u32 v15, $0x10  }
0x35: {  	v9 =	vld [tilespmem:$0x102D0];
	v12 =	vand.u32 $0x1, v12;
	[tilespmem:$0x10080] =	vst v10;
	v10 =	vshrl.u32 v49, $0x10;
	v11 =	vadd.s32 $0x7FFF, v11  }
0x36: {  	v17 =	vld [tilespmem:$0x100E0];
	[tilespmem:$0x10090] =	vst v8;
	v13 =	vand.u32 $0x1, v13;
	v12 =	vadd.s32 v12, v14;
	v8 =	vand.u32 $0x1, v10  }
0x37: {  	v18 =	vld [tilespmem:$0x100F0];
	v10 =	vshrl.u32 v51, $0x10;
	v11 =	vand.u32 $0xFFFF0000, v11;
	v13 =	vadd.s32 v13, v15  }
0x38: {  	v52 =	vld [tilespmem:$0x102E0];
	v12 =	vadd.s32 $0x7FFF, v12;
	v15 =	vshrl.u32 v16, $0x10;
	v8 =	vadd.s32 v8, v49  }
0x39: {  	v10 =	vand.u32 $0x1, v10;
	v14 =	vadd.s32 $0x7FFF, v13;
	v13 =	vand.u32 $0xFFFF0000, v12  }
0x3a: {  	v53 =	vld [tilespmem:$0x102F0];
	[tilespmem:$0x100A0] =	vst v11;
	v8 =	vadd.s32 $0x7FFF, v8;
	v10 =	vadd.s32 v10, v51;
	v11 =	vshrl.u32 v9, $0x10  }
0x3b: {  	v12 =	vand.u32 $0xFFFF0000, v14;
	v14 =	vand.u32 $0x1, v15;
	v15 =	vshrl.u32 v17, $0x10  }
0x3c: {  	v8 =	vand.u32 $0xFFFF0000, v8;
	v10 =	vadd.s32 $0x7FFF, v10;
	v11 =	vand.u32 $0x1, v11  }
0x3d: {  	v19 =	vld [tilespmem:$0x10140];
	[tilespmem:$0x100B0] =	vst v13;
	v13 =	vshrl.u32 v52, $0x10;
	v14 =	vadd.s32 v14, v16;
	v16 =	vshrl.u32 v18, $0x10  }
0x3e: {  	v22 =	vand.u32 $0x1, v15;
	v10 =	vand.u32 $0xFFFF0000, v10;
	v9 =	vadd.s32 v11, v9  }
0x3f: {  	v11 =	vand.u32 $0x1, v13;
	v13 =	vshrl.u32 v53, $0x10;
	v14 =	vadd.s32 $0x7FFF, v14  }
0x40: {  	v20 =	vld [tilespmem:$0x10150];
	v16 =	vand.u32 $0x1, v16;
	v9 =	vadd.s32 $0x7FFF, v9;
	v11 =	vadd.s32 v11, v52  }
0x41: {  	v21 =	vld [tilespmem:$0x10160];
	v13 =	vand.u32 $0x1, v13;
	v15 =	vand.u32 $0xFFFF0000, v14;
	v14 =	vadd.s32 v22, v17  }
0x42: {  	[tilespmem:$0x100C0] =	vst v12;
	v12 =	vld [tilespmem:$0x10300];
	v16 =	vadd.s32 v16, v18;
	v18 =	vshrl.u32 v19, $0x10;
	v9 =	vand.u32 $0xFFFF0000, v9  }
0x43: {  	v11 =	vadd.s32 $0x7FFF, v11;
	v13 =	vadd.s32 v13, v53;
	v14 =	vadd.s32 $0x7FFF, v14  }
0x44: {  	v17 =	vadd.s32 $0x7FFF, v16;
	v11 =	vand.u32 $0xFFFF0000, v11;
	v13 =	vadd.s32 $0x7FFF, v13  }
0x45: {  	v22 =	vld [tilespmem:$0x10170];
	v16 =	vand.u32 $0xFFFF0000, v14;
	v14 =	vand.u32 $0xFFFF0000, v17;
	v17 =	vand.u32 $0x1, v18  }
0x46: {  	v18 =	vshrl.u32 v20, $0x10;
	v13 =	vand.u32 $0xFFFF0000, v13;
	v17 =	vadd.s32 v17, v19  }
0x47: {  	v23 =	vld [tilespmem:$0x10180];
	v19 =	vshrl.u32 v21, $0x10;
	v25 =	vand.u32 $0x1, v18;
	[tilespmem:$0x100F0] =	vst v14;
	v14 =	vshrl.u32 v12, $0x10  }
0x48: {  	v24 =	vld [tilespmem:$0x10190];
	v17 =	vadd.s32 $0x7FFF, v17;
	v19 =	vand.u32 $0x1, v19;
	v14 =	vand.u32 $0x1, v14  }
0x49: {  	[tilespmem:$0x100D0] =	vst v15;
	v15 =	vld [tilespmem:$0x10310];
	v18 =	vand.u32 $0xFFFF0000, v17;
	v17 =	vadd.s32 v25, v20;
	v19 =	vadd.s32 v19, v21  }
0x4a: {  	[tilespmem:$0x100E0] =	vst v16;
	v16 =	vld [tilespmem:$0x10320];
	v21 =	vshrl.u32 v22, $0x10;
	v12 =	vadd.s32 v14, v12;
	v17 =	vadd.s32 $0x7FFF, v17  }
0x4b: {  	v20 =	vadd.s32 $0x7FFF, v19;
	v12 =	vadd.s32 $0x7FFF, v12;
	v19 =	vand.u32 $0xFFFF0000, v17  }
0x4c: {  	v25 =	vld [tilespmem:$0x101A0];
	v17 =	vand.u32 $0xFFFF0000, v20;
	v20 =	vand.u32 $0x1, v21;
	v21 =	vshrl.u32 v23, $0x10  }
0x4d: {  	[tilespmem:$0x10140] =	vst v18;
	v12 =	vand.u32 $0xFFFF0000, v12;
	v20 =	vadd.s32 v20, v22;
	v22 =	vshrl.u32 v24, $0x10  }
0x4e: {  	v18 =	vld [tilespmem:$0x10330];
	v28 =	vand.u32 $0x1, v21;
	[tilespmem:$0x10160] =	vst v17;
	v17 =	vshrl.u32 v15, $0x10;
	v20 =	vadd.s32 $0x7FFF, v20  }
0x4f: {  	v26 =	vld [tilespmem:$0x101B0];
	v22 =	vand.u32 $0x1, v22;
	v14 =	vand.u32 $0x1, v17;
	v17 =	vshrl.u32 v16, $0x10  }
0x50: {  	v21 =	vand.u32 $0xFFFF0000, v20;
	v20 =	vadd.s32 v28, v23;
	v22 =	vadd.s32 v22, v24  }
0x51: {  	v27 =	vld [tilespmem:$0x101C0];
	v24 =	vshrl.u32 v25, $0x10;
	v14 =	vadd.s32 v14, v15;
	v15 =	vand.u32 $0x1, v17  }
0x52: {  	[tilespmem:$0x10150] =	vst v19;
	v19 =	vld [tilespmem:$0x10340];
	v20 =	vadd.s32 $0x7FFF, v20;
	v23 =	vadd.s32 $0x7FFF, v22;
	v14 =	vadd.s32 $0x7FFF, v14  }
0x53: {  	[tilespmem:$0x102C0] =	vst v10;
	v10 =	vld [tilespmem:$0x10420];
	v15 =	vadd.s32 v15, v16;
	v16 =	vshrl.u32 v18, $0x10;
	v22 =	vand.u32 $0xFFFF0000, v20  }
0x54: {  	v20 =	vand.u32 $0xFFFF0000, v23;
	v23 =	vand.u32 $0x1, v24;
	v24 =	vshrl.u32 v26, $0x10  }
0x55: {  	[tilespmem:$0x102F0] =	vst v13;
	v14 =	vand.u32 $0xFFFF0000, v14;
	v15 =	vadd.s32 $0x7FFF, v15;
	v16 =	vand.u32 $0x1, v16  }
0x56: {  	v28 =	vld [tilespmem:$0x101D0];
	[tilespmem:$0x10170] =	vst v21;
	v23 =	vadd.s32 v23, v25;
	v25 =	vshrl.u32 v27, $0x10;
	v31 =	vand.u32 $0x1, v24  }
0x57: {  	v13 =	vld [tilespmem:$0x10430];
	[tilespmem:$0x10190] =	vst v20;
	v15 =	vand.u32 $0xFFFF0000, v15;
	v20 =	vshrl.u32 v19, $0x10;
	v16 =	vadd.s32 v16, v18  }
0x58: {  	v21 =	vld [tilespmem:$0x10350];
	[tilespmem:$0x10310] =	vst v14;
	v14 =	vshrl.u32 v10, $0x10;
	v23 =	vadd.s32 $0x7FFF, v23;
	v25 =	vand.u32 $0x1, v25  }
0x59: {  	v18 =	vand.u32 $0x1, v20;
	v16 =	vadd.s32 $0x7FFF, v16;
	v14 =	vand.u32 $0x1, v14  }
0x5a: {  	v29 =	vld [tilespmem:$0x101E0];
	v24 =	vand.u32 $0xFFFF0000, v23;
	v23 =	vadd.s32 v31, v26;
	v25 =	vadd.s32 v25, v27  }
0x5b: {  	v17 =	vld [tilespmem:$0x10360];
	v27 =	vshrl.u32 v28, $0x10;
	v18 =	vadd.s32 v18, v19;
	v16 =	vand.u32 $0xFFFF0000, v16  }
0x5c: {  	v30 =	vld [tilespmem:$0x101F0];
	[tilespmem:$0x10180] =	vst v22;
	v10 =	vadd.s32 v14, v10;
	v23 =	vadd.s32 $0x7FFF, v23;
	v26 =	vadd.s32 $0x7FFF, v25  }
0x5d: {  	v22 =	vld [tilespmem:$0x10370];
	v20 =	vshrl.u32 v21, $0x10;
	v18 =	vadd.s32 $0x7FFF, v18;
	[tilespmem:$0x10330] =	vst v16;
	v16 =	vshrl.u32 v13, $0x10  }
0x5e: {  	v10 =	vadd.s32 $0x7FFF, v10;
	v25 =	vand.u32 $0xFFFF0000, v23;
	v23 =	vand.u32 $0xFFFF0000, v26  }
0x5f: {  	v26 =	vand.u32 $0x1, v27;
	v27 =	vshrl.u32 v29, $0x10;
	v19 =	vand.u32 $0x1, v20  }
0x60: {  	v18 =	vand.u32 $0xFFFF0000, v18;
	v20 =	vshrl.u32 v17, $0x10;
	v14 =	vand.u32 $0x1, v16  }
0x61: {  	v31 =	vld [tilespmem:$0x10200];
	v26 =	vadd.s32 v26, v28;
	v28 =	vshrl.u32 v30, $0x10;
	v27 =	vand.u32 $0x1, v27  }
0x62: {  	[tilespmem:$0x101A0] =	vst v24;
	v19 =	vadd.s32 v19, v21;
	v20 =	vand.u32 $0x1, v20;
	v24 =	vshrl.u32 v22, $0x10  }
0x63: {  	v13 =	vadd.s32 v14, v13;
	v26 =	vadd.s32 $0x7FFF, v26;
	v28 =	vand.u32 $0x1, v28  }
0x64: {  	v32 =	vld [tilespmem:$0x10210];
	v27 =	vadd.s32 v27, v29;
	v19 =	vadd.s32 $0x7FFF, v19;
	v17 =	vadd.s32 v20, v17  }
0x65: {  	v33 =	vld [tilespmem:$0x10220];
	v20 =	vand.u32 $0x1, v24;
	v26 =	vand.u32 $0xFFFF0000, v26;
	v28 =	vadd.s32 v28, v30  }
0x66: {  	[tilespmem:$0x101C0] =	vst v23;
	v23 =	vld [tilespmem:$0x10380];
	v27 =	vadd.s32 $0x7FFF, v27;
	v30 =	vshrl.u32 v31, $0x10;
	v19 =	vand.u32 $0xFFFF0000, v19  }
0x67: {  	v17 =	vadd.s32 $0x7FFF, v17;
	v20 =	vadd.s32 v20, v22;
	v29 =	vadd.s32 $0x7FFF, v28  }
0x68: {  	v28 =	vand.u32 $0xFFFF0000, v27;
	v17 =	vand.u32 $0xFFFF0000, v17;
	v20 =	vadd.s32 $0x7FFF, v20  }
0x69: {  	v27 =	vand.u32 $0xFFFF0000, v29;
	v29 =	vand.u32 $0x1, v30;
	v30 =	vshrl.u32 v32, $0x10  }
0x6a: {  	v29 =	vadd.s32 v29, v31;
	v31 =	vshrl.u32 v33, $0x10;
	v37 =	vand.u32 $0x1, v30  }
0x6b: {  	v24 =	vshrl.u32 v23, $0x10;
	v29 =	vadd.s32 $0x7FFF, v29;
	v31 =	vand.u32 $0x1, v31  }
0x6c: {  	v22 =	vand.u32 $0x1, v24;
	v30 =	vand.u32 $0xFFFF0000, v29;
	v29 =	vadd.s32 v37, v32  }
0x6d: {  	[tilespmem:$0x10000] =	vst v1;
	v31 =	vadd.s32 v31, v33;
	v32 =	vadd.s32 v39, v34;
	v34 =	vand.u32 $0x1, v40  }
0x6e: {  	[tilespmem:$0x10010] =	vst v3;
	v37 =	vand.u32 $0x1, v41;
	v33 =	vadd.s32 v45, v61;
	v22 =	vadd.s32 v22, v23  }
0x6f: {  	[tilespmem:$0x10020] =	vst v4;
	v21 =	vld [tilespmem:$0x10390];
	v29 =	vadd.s32 $0x7FFF, v29;
	v62 =	vadd.s32 $0x7FFF, v31;
	v32 =	vadd.s32 $0x7FFF, v32  }
0x70: {  	[tilespmem:$0x10030] =	vst v2;
	v39 =	vld [tilespmem:$0x10280];
	v34 =	vadd.s32 v34, v35;
	v42 =	vadd.s32 v37, v36;
	v4 =	vadd.s32 $0x7FFF, v33  }
0x71: {  	[tilespmem:$0x10040] =	vst v6;
	v31 =	vand.u32 $0xFFFF0000, v29;
	v29 =	vand.u32 $0xFFFF0000, v62;
	v32 =	vand.u32 $0xFFFF0000, v32  }
0x72: {  	[tilespmem:$0x101B0] =	vst v25;
	v25 =	vld [tilespmem:$0x103A0];
	v1 =	vadd.s32 $0x7FFF, v34;
	v2 =	vand.u32 $0xFFFF0000, v4;
	v4 =	vand.u32 $0x1, v46  }
0x73: {  	[tilespmem:$0x101D0] =	vst v26;
	v3 =	vand.u32 $0xFFFF0000, v1;
	v1 =	vadd.s32 $0x7FFF, v42;
	v4 =	vadd.s32 v4, v38  }
0x74: {  	v26 =	vld [tilespmem:$0x103B0];
	v1 =	vand.u32 $0xFFFF0000, v1;
	v4 =	vadd.s32 $0x7FFF, v4;
	[tilespmem:$0x10240] =	vst v3;
	v3 =	vand.u32 $0xFFFF0000, v20  }
0x75: {  	[tilespmem:$0x10060] =	vst v5;
	v20 =	vadd.s32 $0x7FFF, v22;
	v22 =	vshrl.u32 v21, $0x10;
	v48 =	vshrl.u32 v39, $0x10  }
0x76: {  	v4 =	vand.u32 $0xFFFF0000, v4;
	[tilespmem:$0x10250] =	vst v1;
	v1 =	vand.u32 $0xFFFF0000, v20;
	v20 =	vand.u32 $0x1, v22  }
0x77: {  	v47 =	vld [tilespmem:$0x102A0];
	v22 =	vshrl.u32 v25, $0x10;
	[tilespmem:$0x10370] =	vst v3;
	v3 =	vand.u32 $0xFFFF0000, v10;
	v10 =	vadd.s32 $0x7FFF, v13  }
0x78: {  	[tilespmem:$0x10260] =	vst v2;
	v6 =	vand.u32 $0x1, v48;
	v2 =	vadd.s32 v20, v21;
	v20 =	vand.u32 $0x1, v22  }
0x79: {  	v21 =	vshrl.u32 v26, $0x10;
	[tilespmem:$0x10380] =	vst v1;
	v1 =	vand.u32 $0xFFFF0000, v10;
	v6 =	vadd.s32 v6, v39  }
0x7a: {  	v23 =	vld [tilespmem:$0x103C0];
	[tilespmem:$0x10270] =	vst v4;
	v2 =	vadd.s32 $0x7FFF, v2;
	v4 =	vadd.s32 v20, v25;
	v5 =	vadd.s32 $0x7FFF, v6  }
0x7b: {  	[tilespmem:$0x102B0] =	vst v8;
	v22 =	vld [tilespmem:$0x103E0];
	v20 =	vand.u32 $0x1, v21;
	v6 =	vadd.s32 v7, v44;
	v5 =	vand.u32 $0xFFFF0000, v5  }
0x7c: {  	v7 =	vshrl.u32 v47, $0x10;
	v2 =	vand.u32 $0xFFFF0000, v2;
	[tilespmem:$0x10280] =	vst v5;
	v5 =	vadd.s32 v20, v26;
	v20 =	vld [tilespmem:$0x103F0]  }
0x7d: {  	[tilespmem:$0x102D0] =	vst v9;
	v21 =	vld [tilespmem:$0x10400];
	v4 =	vadd.s32 $0x7FFF, v4;
	v6 =	vadd.s32 $0x7FFF, v6;
	v7 =	vand.u32 $0x1, v7  }
0x7e: {  	[tilespmem:$0x102E0] =	vst v11;
	v24 =	vld [tilespmem:$0x103D0];
	v4 =	vand.u32 $0xFFFF0000, v4;
	v6 =	vand.u32 $0xFFFF0000, v6;
	v7 =	vadd.s32 v7, v47  }
0x7f: {  	v7 =	vadd.s32 $0x7FFF, v7;
	[tilespmem:$0x10290] =	vst v6;
	v5 =	vadd.s32 $0x7FFF, v5;
	v6 =	vshrl.u32 v23, $0x10  }
0x80: {  	[tilespmem:$0x10300] =	vst v12;
	v8 =	vshrl.u32 v22, $0x10;
	v7 =	vand.u32 $0xFFFF0000, v7;
	v5 =	vand.u32 $0xFFFF0000, v5  }
0x81: {  	[tilespmem:$0x10320] =	vst v15;
	v6 =	vand.u32 $0x1, v6;
	v8 =	vand.u32 $0x1, v8;
	v9 =	vshrl.u32 v20, $0x10  }
0x82: {  	[tilespmem:$0x10340] =	vst v18;
	v11 =	vshrl.u32 v21, $0x10;
	v6 =	vadd.s32 v6, v23;
	v23 =	vld [tilespmem:$0x10410];
	v9 =	vand.u32 $0x1, v9  }
0x83: {  	[tilespmem:$0x102A0] =	vst v7;
	v7 =	vshrl.u32 v24, $0x10;
	v8 =	vadd.s32 v8, v22;
	v9 =	vadd.s32 v9, v20;
	v20 =	vld [tilespmem:$0x10440]  }
0x84: {  	[tilespmem:$0x10350] =	vst v19;
	v11 =	vand.u32 $0x1, v11;
	v7 =	vand.u32 $0x1, v7;
	v6 =	vadd.s32 $0x7FFF, v6  }
0x85: {  	[tilespmem:$0x101E0] =	vst v28;
	v8 =	vadd.s32 $0x7FFF, v8;
	v11 =	vadd.s32 v11, v21;
	v7 =	vadd.s32 v7, v24  }
0x86: {  	v15 =	vld [tilespmem:$0x10450];
	[tilespmem:$0x10360] =	vst v17;
	v6 =	vand.u32 $0xFFFF0000, v6;
	v8 =	vand.u32 $0xFFFF0000, v8;
	v11 =	vadd.s32 $0x7FFF, v11  }
0x87: {  	v18 =	vld [tilespmem:$0x10460];
	[tilespmem:$0x101F0] =	vst v27;
	v7 =	vadd.s32 $0x7FFF, v7;
	v11 =	vand.u32 $0xFFFF0000, v11;
	v12 =	vshrl.u32 v23, $0x10  }
0x88: {  	v19 =	vld [tilespmem:$0x10470];
	[tilespmem:$0x10200] =	vst v30;
	v7 =	vand.u32 $0xFFFF0000, v7;
	v12 =	vand.u32 $0x1, v12;
	v16 =	vshrl.u32 v20, $0x10  }
0x89: {  	[tilespmem:$0x10420] =	vst v3;
	v9 =	vadd.s32 $0x7FFF, v9;
	v12 =	vadd.s32 v12, v23;
	v14 =	vand.u32 $0x1, v16  }
0x8a: {  	[tilespmem:$0x10390] =	vst v2;
	v9 =	vand.u32 $0xFFFF0000, v9;
	v12 =	vadd.s32 $0x7FFF, v12;
	v16 =	vld [tilespmem:$0x10490];
	v13 =	vadd.s32 v14, v20  }
0x8b: {  	[tilespmem:$0x103A0] =	vst v4;
	v12 =	vand.u32 $0xFFFF0000, v12;
	v14 =	vld [tilespmem:$0x10480];
	v10 =	vadd.s32 $0x7FFF, v13;
	v13 =	vshrl.u32 v15, $0x10  }
0x8c: {  	[tilespmem:$0x103B0] =	vst v5;
	v2 =	vand.u32 $0xFFFF0000, v10;
	v10 =	vand.u32 $0x1, v13;
	v13 =	vshrl.u32 v18, $0x10  }
0x8d: {  	[tilespmem:$0x103C0] =	vst v6;
	v4 =	vadd.s32 v10, v15;
	v10 =	vand.u32 $0x1, v13;
	v13 =	vshrl.u32 v19, $0x10;
	v15 =	vld [tilespmem:$0x104A0]  }
0x8e: {  	[tilespmem:$0x103E0] =	vst v8;
	v4 =	vadd.s32 $0x7FFF, v4;
	v5 =	vadd.s32 v10, v18;
	v10 =	vand.u32 $0x1, v13  }
0x8f: {  	[tilespmem:$0x10400] =	vst v11;
	v11 =	vld [tilespmem:$0x104E0];
	v8 =	vshrl.u32 v16, $0x10;
	v4 =	vand.u32 $0xFFFF0000, v4;
	v5 =	vadd.s32 $0x7FFF, v5  }
0x90: {  	[tilespmem:$0x103D0] =	vst v7;
	v6 =	vadd.s32 v10, v19;
	v7 =	vshrl.u32 v14, $0x10;
	v10 =	vld [tilespmem:$0x104B0];
	v8 =	vand.u32 $0x1, v8  }
0x91: {  	[tilespmem:$0x10410] =	vst v12;
	v12 =	vld [tilespmem:$0x104F0];
	v5 =	vand.u32 $0xFFFF0000, v5;
	v6 =	vadd.s32 $0x7FFF, v6;
	v7 =	vand.u32 $0x1, v7  }
0x92: {  	[tilespmem:$0x103F0] =	vst v9;
	v13 =	vld [tilespmem:$0x104C0];
	v8 =	vadd.s32 v8, v16;
	v6 =	vand.u32 $0xFFFF0000, v6;
	v9 =	vshrl.u32 v15, $0x10  }
0x93: {  	[tilespmem:$0x10430] =	vst v1;
	v7 =	vadd.s32 v7, v14;
	v14 =	vld [tilespmem:$0x104D0];
	v8 =	vadd.s32 $0x7FFF, v8;
	v9 =	vand.u32 $0x1, v9  }
0x94: {  	[tilespmem:$0x10440] =	vst v2;
	v7 =	vadd.s32 $0x7FFF, v7;
	v3 =	vand.u32 $0xFFFF0000, v8;
	v9 =	vadd.s32 v9, v15  }
0x95: {  	[tilespmem:$0x10470] =	vst v6;
	v6 =	vshrl.u32 v11, $0x10;
	v8 =	vadd.s32 $0x7FFF, v9;
	v9 =	vshrl.u32 v10, $0x10  }
0x96: {  	[tilespmem:$0x10450] =	vst v4;
	v7 =	vand.u32 $0xFFFF0000, v7;
	v1 =	vand.u32 $0xFFFF0000, v8;
	v8 =	vand.u32 $0x1, v9  }
0x97: {  	[tilespmem:$0x10460] =	vst v5;
	v6 =	vand.u32 $0x1, v6;
	v9 =	vshrl.u32 v13, $0x10;
	v2 =	vadd.s32 v8, v10;
	v10 =	vld [tilespmem:$0x10500]  }
0x98: {  	[tilespmem:$0x10480] =	vst v7;
	v7 =	vshrl.u32 v12, $0x10;
	v8 =	vand.u32 $0x1, v9;
	v9 =	vshrl.u32 v14, $0x10  }
0x99: {  	[tilespmem:$0x10490] =	vst v3;
	v3 =	vadd.s32 v6, v11;
	v4 =	vadd.s32 v8, v13;
	v8 =	vand.u32 $0x1, v9  }
0x9a: {  	v6 =	vand.u32 $0x1, v7;
	[tilespmem:$0x104A0] =	vst v1;
	v1 =	vadd.s32 $0x7FFF, v3;
	v5 =	vadd.s32 v8, v14;
	v8 =	vld [tilespmem:$0x10510]  }
0x9b: {  	[tilespmem:$0x10210] =	vst v31;
	v3 =	vadd.s32 v6, v12;
	v2 =	vadd.s32 $0x7FFF, v2;
	v9 =	vld [tilespmem:$0x10520];
	v1 =	vand.u32 $0xFFFF0000, v1  }
0x9c: {  	[tilespmem:$0x10220] =	vst v29;
	v11 =	vld [tilespmem:$0x10530];
	v2 =	vand.u32 $0xFFFF0000, v2;
	v4 =	vadd.s32 $0x7FFF, v4;
	v7 =	vshrl.u32 v10, $0x10  }
0x9d: {  	[tilespmem:$0x10230] =	vst v32;
	v4 =	vand.u32 $0xFFFF0000, v4;
	v5 =	vadd.s32 $0x7FFF, v5;
	v6 =	vand.u32 $0x1, v7  }
0x9e: {  	[tilespmem:$0x104B0] =	vst v2;
	v2 =	vadd.s32 $0x7FFF, v3;
	v5 =	vand.u32 $0xFFFF0000, v5;
	v3 =	vadd.s32 v6, v10  }
0x9f: {  	[tilespmem:$0x104C0] =	vst v4;
	v2 =	vand.u32 $0xFFFF0000, v2;
	v4 =	vshrl.u32 v8, $0x10;
	v3 =	vadd.s32 $0x7FFF, v3  }
0xa0: {  	[tilespmem:$0x104D0] =	vst v5;
	v5 =	vshrl.u32 v9, $0x10;
	v4 =	vand.u32 $0x1, v4;
	v3 =	vand.u32 $0xFFFF0000, v3  }
0xa1: {  	[tilespmem:$0x104E0] =	vst v1;
	v1 =	vadd.s32 v4, v8;
	v4 =	vand.u32 $0x1, v5;
	v5 =	vshrl.u32 v11, $0x10  }
0xa2: {  	[tilespmem:$0x104F0] =	vst v2;
	v1 =	vadd.s32 $0x7FFF, v1;
	v2 =	vadd.s32 v4, v9;
	v4 =	vand.u32 $0x1, v5  }
0xa3: {  	[tilespmem:$0x10500] =	vst v3;
	v1 =	vand.u32 $0xFFFF0000, v1;
	v2 =	vadd.s32 $0x7FFF, v2;
	v3 =	vadd.s32 v4, v11  }
0xa4: {  	[tilespmem:$0x10510] =	vst v1;
	v1 =	vand.u32 $0xFFFF0000, v2;
	v2 =	vadd.s32 $0x7FFF, v3  }
0xa5: {  	[tilespmem:$0x10520] =	vst v1;
	v1 =	vand.u32 $0xFFFF0000, v2  }
0xa6: {  	[tilespmem:$0x10530] =	vst v1  }
0xa7: {  	[tilespmem:s16], [sflag:$0x2] =	stream.linear.gather [hbm4b:s5+s3], $0x8000, $0x38;
	[tilespmem:$0x10600] =	vst v63  }
0xa8: {  	_ =	swait.ge [sflag:s17], $0x8000  }
0xa9: {  	[sflag:s17] =	ssyncset.done $0x0  }
0xaa: {  	s21 =	simm.s32 $0x80;
	[sflag:s17] =	ssyncadd.s32 $0xFFFF8000  }
0xab: {  	v3 =	vld [tilespmem:s21+$0xFFFFFF90]  }
0xac: {  	v6 =	vld [tilespmem:s21+$0x50]  }
0xad: {  	v5 =	vld [tilespmem:s21+$0x70]  }
0xae: {  	v7 =	vld [tilespmem:s21+$0x30]  }
0xaf: {  	v2 =	vld [tilespmem:s21+$0x60]  }
0xb0: {  	v12 =	vld [tilespmem:s21+$0x0]  }
0xb1: {  	v11 =	vld [tilespmem:s21+$0xFFFFFFF0]  }
0xb2: {  	v9 =	vld [tilespmem:s21+$0xFFFFFFC0]  }
0xb3: {  	v8 =	vld [tilespmem:s21+$0xFFFFFFB0]  }
0xb4: {  	v17 =	vimm.f32 $0.0e+00;
	v24 =	vld [tilespmem:s21+$0xFFFFFFA0]  }
0xb5: {  	v14 =	vimm.f32 $+Inf;
	v1 =	vimm.f32 $-Inf;
	v27 =	vld [tilespmem:s21+$0xFFFFFFE0];
	v10 =	vmul.f32 v3, v3  }
0xb6: {  	v18 =	vadd.f32 v3, v17;
	v13 =	vmul.f32 v12, v12;
	v19 =	vmul.f32 v6, v6  }
0xb7: {  	v16 =	vld [tilespmem:s21+$0xFFFFFFD0];
	v21 =	vmin.f32 v14, v3;
	v54 =	vmul.f32 v5, v5;
	v55 =	vmul.f32 v7, v7  }
0xb8: {  	v22 =	vmax.f32 v1, v3;
	v15 =	vmul.f32 v2, v2;
	v31 =	vmul.f32 v11, v11  }
0xb9: {  	v4 =	vld [tilespmem:s21+$0x40];
	v28 =	vmul.f32 v8, v8;
	v56 =	vmul.f32 v9, v9;
	v29 =	vadd.f32 v24, v17  }
0xba: {  	v3 =	vld [tilespmem:s21+$0xFFFFFF80];
	v57 =	vmin.f32 v14, v24;
	v58 =	vadd.f32 v8, v17;
	v30 =	vmul.f32 v27, v27  }
0xbb: {  	v61 =	vmul.f32 v24, v24;
	v63 =	vmax.f32 v1, v24;
	v20 =	vadd.f32 v10, v17;
	v10 =	vld [tilespmem:s21+$0x10]  }
0xbc: {  	v21 =	vmin.f32 v21, v16;
	v33 =	vmin.f32 v57, v27;
	v23 =	vadd.f32 v16, v18  }
0xbd: {  	v18 =	vmul.f32 v16, v16;
	v60 =	vadd.f32 v28, v17;
	v29 =	vadd.f32 v27, v29  }
0xbe: {  	v25 =	vld [tilespmem:s21+$0x20];
	v35 =	vmax.f32 v63, v27;
	v62 =	vadd.f32 v11, v58;
	v34 =	vadd.f32 v61, v17  }
0xbf: {  	v26 =	vadd.f32 v18, v20;
	v18 =	vmul.f32 v4, v4;
	v59 =	vmul.f32 v3, v3  }
0xc0: {  	v28 =	vadd.f32 v10, v23;
	v23 =	vmax.f32 v22, v16;
	v16 =	vadd.f32 v31, v60  }
0xc1: {  	v20 =	vmax.f32 v1, v8;
	v38 =	vadd.f32 v7, v62;
	v32 =	vadd.f32 v3, v17  }
0xc2: {  	v27 =	vmin.f32 v14, v3;
	v37 =	vadd.f32 v59, v17;
	v16 =	vadd.f32 v55, v16  }
0xc3: {  	v31 =	vmin.f32 v33, v25;
	v33 =	vmul.f32 v10, v10;
	v17 =	vadd.f32 v5, v38  }
0xc4: {  	s22 =	simm.s32 $0x180;
	s21 =	simm.s32 $0x0;
	v22 =	vmul.f32 v25, v25;
	v24 =	vadd.f32 v56, v37;
	v16 =	vadd.f32 v54, v16  }
.LBB2_2:
0xc5: {  	v36 =	vld [tilespmem:s22+$0xFFFFFF90];
	s21 =	sadd.s32 $0x100, s21;
	v30 =	vadd.f32 v30, v34;
	v26 =	vadd.f32 v33, v26;
	v33 =	vmax.f32 v35, v25  }
0xc6: {  	v25 =	vadd.f32 v25, v29;
	v29 =	vmin.f32 v31, v2;
	v34 =	vld [tilespmem:s22+$0x50];
	p0 =	slt.u32 s21, $0x7F00;
	v35 =	vmax.f32 v33, v2  }
0xc7: {  	v1 =	vmax.f32 v1, v3;
	v3 =	vadd.f32 v6, v28;
	v31 =	vld [tilespmem:s22+$0x70];
	v19 =	vadd.f32 v19, v26  }
0xc8: {  	v1 =	vmax.f32 v1, v9;
	v26 =	vadd.f32 v9, v32;
	v25 =	vadd.f32 v2, v25;
	v28 =	vld [tilespmem:s22+$0x40]  }
0xc9: {  	v8 =	vmin.f32 v14, v8;
	v14 =	vmin.f32 v21, v10;
	v1 =	vmax.f32 v1, v12;
	v32 =	vld [tilespmem:s22+$0x30]  }
0xca: {  	v14 =	vmin.f32 v14, v6;
	v1 =	vmax.f32 v1, v4;
	v21 =	vmul.f32 v36, v36;
	v2 =	vld [tilespmem:s22+$0x60]  }
0xcb: {  	v33 =	vadd.f32 v36, v3;
	v3 =	vmin.f32 v8, v11;
	v8 =	vmax.f32 v23, v10;
	v37 =	vld [tilespmem:s22+$0xFFFFFFF0]  }
0xcc: {  	v10 =	vmin.f32 v27, v9;
	v3 =	vmin.f32 v3, v7;
	v23 =	vadd.f32 v21, v19;
	v21 =	vld [tilespmem:s22+$0x0]  }
0xcd: {  	v11 =	vmax.f32 v20, v11;
	v20 =	vadd.f32 v22, v30;
	v19 =	vmin.f32 v10, v12;
	v9 =	vld [tilespmem:s22+$0xFFFFFFC0]  }
0xce: {  	v13 =	vadd.f32 v13, v24;
	v30 =	vmax.f32 v11, v7;
	v8 =	vmax.f32 v8, v6;
	v6 =	vmovc v34;
	v10 =	vld [tilespmem:s22+$0x10]  }
0xcf: {  	v22 =	vmin.f32 v14, v36;
	v24 =	vmax.f32 v8, v36;
	v12 =	vadd.f32 v12, v26;
	v7 =	vmovc v32;
	v27 =	vld [tilespmem:s22+$0xFFFFFFD0]  }
0xd0: {  	v36 =	vadd.f32 v18, v13;
	v38 =	vadd.f32 v15, v20;
	v20 =	vmax.f32 v30, v5;
	v8 =	vld [tilespmem:s22+$0xFFFFFFB0];
	v11 =	vmovc v37  }
0xd1: {  	v14 =	vmin.f32 v3, v5;
	v5 =	vmovc v31;
	v40 =	vmin.f32 v19, v4;
	v39 =	vld [tilespmem:s22+$0xFFFFFFA0];
	v13 =	vmul.f32 v21, v21  }
0xd2: {  	v19 =	vmul.f32 v34, v6;
	v42 =	vmul.f32 v31, v5;
	v43 =	vadd.f32 v4, v12;
	v4 =	vmovc v28;
	v41 =	vld [tilespmem:s22+$0xFFFFFFE0]  }
0xd3: {  	v32 =	vmul.f32 v32, v7;
	v15 =	vmul.f32 v2, v2;
	v12 =	vmov v21;
	v3 =	vld [tilespmem:s22+$0xFFFFFF80]  }
0xd4: {  	v31 =	vadd.f32 v27, v33;
	v18 =	vmul.f32 v27, v27;
	v33 =	vmul.f32 v37, v11  }
0xd5: {  	v37 =	vmul.f32 v9, v9;
	v21 =	vmin.f32 v22, v27;
	v34 =	vmul.f32 v8, v8  }
0xd6: {  	v22 =	vadd.f32 v39, v25;
	v26 =	vadd.f32 v18, v23;
	v25 =	vld [tilespmem:s22+$0x20];
	v18 =	vmul.f32 v28, v4  }
0xd7: {  	v17 =	vadd.f32 v8, v17;
	v23 =	vmin.f32 v29, v39;
	v30 =	vmul.f32 v41, v41  }
0xd8: {  	v20 =	vmax.f32 v20, v8;
	v16 =	vadd.f32 v34, v16;
	v44 =	vmul.f32 v3, v3  }
0xd9: {  	v28 =	vadd.f32 v10, v31;
	v34 =	vmin.f32 v23, v41;
	v29 =	vadd.f32 v41, v22  }
0xda: {  	v45 =	vmul.f32 v39, v39;
	v23 =	vmax.f32 v24, v27;
	v16 =	vadd.f32 v33, v16  }
.Ltmp0:
0xdb: {  	v17 =	vadd.f32 v11, v17;
	v22 =	vmul.f32 v25, v25;
	v31 =	vmin.f32 v34, v25;
	(pc) =	sbr.rel @p0 .LBB2_2-.Ltmp0, $4  }
0xdc: {  	v33 =	vmul.f32 v10, v10;
	v24 =	vadd.f32 v44, v36;
	v16 =	vadd.f32 v32, v16  }
0xdd: {  	v27 =	vmax.f32 v35, v39;
	v17 =	vadd.f32 v7, v17;
	v34 =	vadd.f32 v45, v38  }
0xde: {  	v35 =	vmax.f32 v27, v41;
	v32 =	vadd.f32 v3, v43;
	v24 =	vadd.f32 v37, v24  }
0xdf: {  	s22 =	sadd.s32 $0x100, s22;
	v27 =	vmin.f32 v40, v3;
	v17 =	vadd.f32 v5, v17;
	v16 =	vadd.f32 v42, v16  }
0xe0: {  	[tilespmem:s3], [sflag:$0x1] =	stream.linear.gather [hbm4b:s6+s3], $0x8000, $0x38;
	[tilespmem:$0x10600] =	vst v63  }
0xe1: {  	_ =	swait.ge [sflag:s18], $0x8000  }
0xe2: {  	[sflag:s18] =	ssyncset.done $0x0  }
0xe3: {  	v30 =	vadd.f32 v30, v34;
	v26 =	vadd.f32 v33, v26;
	s21 =	simm.s32 $0x8080;
	[sflag:s18] =	ssyncadd.s32 $0xFFFF8000  }
0xe4: {  	v57 =	vmax.f32 v35, v25;
	v25 =	vadd.f32 v25, v29;
	v29 =	vmin.f32 v31, v2;
	v31 =	vld [tilespmem:s21+$0xFFFFFF90]  }
0xe5: {  	v1 =	vmax.f32 v1, v3;
	v28 =	vadd.f32 v6, v28;
	v21 =	vmin.f32 v21, v10;
	v3 =	vld [tilespmem:s21+$0x50]  }
0xe6: {  	v59 =	vmin.f32 v14, v8;
	v23 =	vmax.f32 v23, v10;
	v58 =	vmax.f32 v1, v9;
	v1 =	vld [tilespmem:s21+$0x70]  }
0xe7: {  	v20 =	vmax.f32 v20, v11;
	v24 =	vadd.f32 v13, v24;
	v35 =	vmax.f32 v57, v2;
	v8 =	vld [tilespmem:s21+$0x30]  }
0xe8: {  	v60 =	vmin.f32 v21, v6;
	v21 =	vmin.f32 v59, v11;
	v26 =	vadd.f32 v19, v26;
	v10 =	vld [tilespmem:s21+$0x60]  }
0xe9: {  	v6 =	vmax.f32 v23, v6;
	v19 =	vadd.f32 v9, v32;
	v25 =	vadd.f32 v2, v25;
	v11 =	vld [tilespmem:s21+$0x0]  }
0xea: {  	v32 =	vmax.f32 v58, v12;
	v9 =	vmin.f32 v27, v9;
	v21 =	vmin.f32 v21, v7;
	v13 =	vld [tilespmem:s21+$0xFFFFFFF0]  }
0xeb: {  	v22 =	vadd.f32 v22, v30;
	v7 =	vmax.f32 v20, v7;
	v27 =	vmin.f32 v9, v12;
	v9 =	vld [tilespmem:s21+$0xFFFFFFC0]  }
0xec: {  	v18 =	vadd.f32 v18, v24;
	v14 =	vmax.f32 v32, v4;
	v12 =	vadd.f32 v12, v19;
	v19 =	vld [tilespmem:s21+$0xFFFFFFB0]  }
0xed: {  	v21 =	vmin.f32 v21, v5;
	v24 =	vadd.f32 v15, v22;
	v22 =	vmax.f32 v7, v5;
	v37 =	vld [tilespmem:s21+$0xFFFFFFA0]  }
0xee: {  	v27 =	vmin.f32 v27, v4;
	v38 =	vld [tilespmem:s21+$0xFFFFFFE0];
	v36 =	vadd.f32 v4, v12;
	v7 =	vmul.f32 v31, v31  }
0xef: {  	v23 =	vld [tilespmem:s21+$0xFFFFFFD0];
	v20 =	vadd.f32 v31, v28;
	v12 =	vmul.f32 v11, v11;
	v5 =	vmul.f32 v3, v3  }
0xf0: {  	v28 =	vmin.f32 v60, v31;
	v39 =	vmul.f32 v1, v1;
	v61 =	vmul.f32 v8, v8  }
0xf1: {  	v31 =	vmax.f32 v6, v31;
	v15 =	vmul.f32 v10, v10;
	v63 =	vmul.f32 v13, v13  }
0xf2: {  	v40 =	vmul.f32 v19, v19;
	v41 =	vmul.f32 v9, v9;
	v42 =	vmin.f32 v29, v37  }
0xf3: {  	v17 =	vadd.f32 v19, v17;
	v30 =	vmul.f32 v38, v38;
	v26 =	vadd.f32 v7, v26;
	v7 =	vld [tilespmem:s21+$0xFFFFFF80]  }
0xf4: {  	v4 =	vld [tilespmem:s21+$0x10];
	v44 =	vmul.f32 v37, v37;
	v35 =	vmax.f32 v35, v37;
	v6 =	vmin.f32 v28, v23  }
0xf5: {  	v2 =	vld [tilespmem:s21+$0x40];
	v28 =	vadd.f32 v37, v25;
	v42 =	vmin.f32 v42, v38;
	v35 =	vmax.f32 v35, v38  }
0xf6: {  	v25 =	vld [tilespmem:s21+$0x20];
	v62 =	vadd.f32 v23, v20;
	v20 =	vmul.f32 v23, v23;
	v40 =	vadd.f32 v40, v16  }
0xf7: {  	v16 =	vmax.f32 v22, v19;
	v23 =	vmax.f32 v31, v23;
	v17 =	vadd.f32 v13, v17  }
0xf8: {  	v29 =	vadd.f32 v38, v28;
	v26 =	vadd.f32 v20, v26;
	v43 =	vmul.f32 v7, v7  }
0xf9: {  	v33 =	vmul.f32 v4, v4;
	v28 =	vadd.f32 v4, v62;
	v34 =	vadd.f32 v63, v40  }
0xfa: {  	v20 =	vmul.f32 v2, v2;
	v17 =	vadd.f32 v8, v17;
	v18 =	vadd.f32 v43, v18  }
0xfb: {  	v22 =	vmul.f32 v25, v25;
	v40 =	vadd.f32 v61, v34;
	v34 =	vadd.f32 v44, v24  }
0xfc: {  	v31 =	vmin.f32 v42, v25;
	v32 =	vadd.f32 v7, v36;
	v24 =	vadd.f32 v41, v18  }
0xfd: {  	s22 =	simm.s32 $0x8180;
	s21 =	simm.s32 $0x0;
	v27 =	vmin.f32 v27, v7;
	v18 =	vadd.f32 v1, v17;
	v17 =	vadd.f32 v39, v40  }
.LBB2_4:
0xfe: {  	v36 =	vld [tilespmem:s22+$0xFFFFFF90];
	s21 =	sadd.s32 $0x100, s21;
	v30 =	vadd.f32 v30, v34;
	v26 =	vadd.f32 v33, v26;
	v33 =	vmax.f32 v35, v25  }
0xff: {  	v25 =	vadd.f32 v25, v29;
	v29 =	vmin.f32 v31, v10;
	v34 =	vld [tilespmem:s22+$0x50];
	p0 =	slt.u32 s21, $0x7F00;
	v35 =	vmax.f32 v33, v10  }
0x100: {  	v7 =	vmax.f32 v14, v7;
	v28 =	vadd.f32 v3, v28;
	v31 =	vld [tilespmem:s22+$0x70];
	v5 =	vadd.f32 v5, v26  }
0x101: {  	v7 =	vmax.f32 v7, v9;
	v26 =	vadd.f32 v9, v32;
	v25 =	vadd.f32 v10, v25;
	v33 =	vld [tilespmem:s22+$0x40]  }
0x102: {  	v19 =	vmin.f32 v21, v19;
	v6 =	vmin.f32 v6, v4;
	v7 =	vmax.f32 v7, v11;
	v32 =	vld [tilespmem:s22+$0x30]  }
0x103: {  	v6 =	vmin.f32 v6, v3;
	v14 =	vmax.f32 v7, v2;
	v21 =	vmul.f32 v36, v36;
	v10 =	vld [tilespmem:s22+$0x60]  }
0x104: {  	v7 =	vmin.f32 v19, v13;
	v19 =	vmax.f32 v23, v4;
	v28 =	vadd.f32 v36, v28;
	v37 =	vld [tilespmem:s22+$0xFFFFFFF0]  }
0x105: {  	v4 =	vmin.f32 v27, v9;
	v23 =	vadd.f32 v21, v5;
	v38 =	vld [tilespmem:s22+$0x0];
	v5 =	vmin.f32 v7, v8  }
0x106: {  	v7 =	vmax.f32 v16, v13;
	v16 =	vmin.f32 v4, v11;
	v21 =	vadd.f32 v22, v30;
	v9 =	vld [tilespmem:s22+$0xFFFFFFC0]  }
0x107: {  	v12 =	vadd.f32 v12, v24;
	v19 =	vmax.f32 v19, v3;
	v3 =	vmovc v34;
	v7 =	vmax.f32 v7, v8;
	v4 =	vld [tilespmem:s22+$0x10]  }
0x108: {  	v6 =	vmin.f32 v6, v36;
	v22 =	vmax.f32 v19, v36;
	v11 =	vadd.f32 v11, v26;
	v8 =	vmovc v32;
	v24 =	vld [tilespmem:s22+$0xFFFFFFD0]  }
0x109: {  	v27 =	vadd.f32 v20, v12;
	v36 =	vadd.f32 v15, v21;
	v39 =	vmax.f32 v7, v1;
	v19 =	vld [tilespmem:s22+$0xFFFFFFB0];
	v13 =	vmovc v37  }
0x10a: {  	v41 =	vmin.f32 v16, v2;
	v21 =	vmin.f32 v5, v1;
	v1 =	vmovc v31;
	v40 =	vld [tilespmem:s22+$0xFFFFFFA0];
	v12 =	vmul.f32 v38, v38  }
0x10b: {  	v5 =	vmul.f32 v34, v3;
	v44 =	vadd.f32 v2, v11;
	v2 =	vmovc v33;
	v43 =	vmul.f32 v31, v1;
	v42 =	vld [tilespmem:s22+$0xFFFFFFE0]  }
0x10c: {  	v32 =	vmul.f32 v32, v8;
	v15 =	vmul.f32 v10, v10;
	v11 =	vmov v38;
	v7 =	vld [tilespmem:s22+$0xFFFFFF80]  }
0x10d: {  	v31 =	vmul.f32 v37, v13;
	v28 =	vadd.f32 v24, v28;
	v16 =	vmul.f32 v24, v24  }
0x10e: {  	v37 =	vmul.f32 v9, v9;
	v6 =	vmin.f32 v6, v24;
	v34 =	vmul.f32 v19, v19  }
0x10f: {  	v20 =	vmul.f32 v33, v2;
	v38 =	vadd.f32 v40, v25;
	v26 =	vadd.f32 v16, v23;
	v25 =	vld [tilespmem:s22+$0x20]  }
0x110: {  	v18 =	vadd.f32 v19, v18;
	v23 =	vmin.f32 v29, v40;
	v30 =	vmul.f32 v42, v42  }
0x111: {  	v16 =	vmax.f32 v39, v19;
	v17 =	vadd.f32 v34, v17;
	v33 =	vmul.f32 v7, v7  }
0x112: {  	v28 =	vadd.f32 v4, v28;
	v34 =	vmin.f32 v23, v42;
	v29 =	vadd.f32 v42, v38  }
0x113: {  	v23 =	vmax.f32 v22, v24;
	v38 =	vmul.f32 v40, v40;
	v17 =	vadd.f32 v31, v17  }
.Ltmp1:
0x114: {  	v18 =	vadd.f32 v13, v18;
	v22 =	vmul.f32 v25, v25;
	v31 =	vmin.f32 v34, v25;
	(pc) =	sbr.rel @p0 .LBB2_4-.Ltmp1, $4  }
0x115: {  	v24 =	vadd.f32 v33, v27;
	v33 =	vmul.f32 v4, v4;
	v17 =	vadd.f32 v32, v17  }
0x116: {  	v18 =	vadd.f32 v8, v18;
	v27 =	vmax.f32 v35, v40;
	v34 =	vadd.f32 v38, v36  }
0x117: {  	v32 =	vadd.f32 v7, v44;
	v35 =	vmax.f32 v27, v42;
	v24 =	vadd.f32 v37, v24  }
0x118: {  	s22 =	sadd.s32 $0x100, s22;
	v27 =	vmin.f32 v41, v7;
	v18 =	vadd.f32 v1, v18;
	v17 =	vadd.f32 v43, v17  }
0x119: {  	[tilespmem:s16], [sflag:$0x2] =	stream.linear.gather [hbm4b:s7+s3], $0x8000, $0x38;
	[tilespmem:$0x10600] =	vst v63  }
0x11a: {  	_ =	swait.ge [sflag:s17], $0x8000  }
0x11b: {  	[sflag:s17] =	ssyncset.done $0x0  }
0x11c: {  	v26 =	vadd.f32 v33, v26;
	s21 =	simm.s32 $0x80;
	v57 =	vmax.f32 v35, v25;
	[sflag:s17] =	ssyncadd.s32 $0xFFFF8000  }
0x11d: {  	v25 =	vadd.f32 v25, v29;
	v29 =	vmin.f32 v31, v10;
	v14 =	vmax.f32 v14, v7;
	v31 =	vld [tilespmem:s21+$0xFFFFFF90]  }
0x11e: {  	v30 =	vadd.f32 v30, v34;
	v35 =	vmax.f32 v57, v10;
	v14 =	vmax.f32 v14, v9;
	v7 =	vld [tilespmem:s21+$0x50]  }
0x11f: {  	v26 =	vadd.f32 v5, v26;
	v25 =	vadd.f32 v10, v25;
	v10 =	vmax.f32 v14, v11;
	v5 =	vld [tilespmem:s21+$0x70]  }
0x120: {  	v28 =	vadd.f32 v3, v28;
	v19 =	vmin.f32 v21, v19;
	v14 =	vmax.f32 v10, v2;
	v10 =	vld [tilespmem:s21+$0x30]  }
0x121: {  	v19 =	vmin.f32 v19, v13;
	v13 =	vmax.f32 v16, v13;
	v16 =	vadd.f32 v12, v24;
	v12 =	vld [tilespmem:s21+$0x0]  }
0x122: {  	v32 =	vadd.f32 v9, v32;
	v9 =	vmin.f32 v27, v9;
	v24 =	vmax.f32 v13, v8;
	v13 =	vld [tilespmem:s21+$0xFFFFFFF0]  }
0x123: {  	v58 =	vmin.f32 v6, v4;
	v19 =	vmin.f32 v19, v8;
	v9 =	vmin.f32 v9, v11;
	v8 =	vld [tilespmem:s21+$0xFFFFFFC0]  }
0x124: {  	v23 =	vmax.f32 v23, v4;
	v22 =	vadd.f32 v22, v30;
	v36 =	vmin.f32 v9, v2;
	v9 =	vld [tilespmem:s21+$0xFFFFFFB0]  }
0x125: {  	v21 =	vmin.f32 v58, v3;
	v3 =	vmax.f32 v23, v3;
	v11 =	vadd.f32 v11, v32;
	v37 =	vld [tilespmem:s21+$0xFFFFFFA0]  }
0x126: {  	v27 =	vadd.f32 v20, v16;
	v20 =	vmin.f32 v19, v1;
	v59 =	vadd.f32 v15, v22;
	v38 =	vld [tilespmem:s21+$0xFFFFFFE0]  }
0x127: {  	v22 =	vmax.f32 v24, v1;
	v24 =	vadd.f32 v2, v11;
	v1 =	vld [tilespmem:s21+$0xFFFFFF80];
	v15 =	vmul.f32 v31, v31  }
0x128: {  	v16 =	vld [tilespmem:s21+$0x10];
	v19 =	vadd.f32 v31, v28;
	v11 =	vmul.f32 v12, v12;
	v2 =	vmul.f32 v7, v7  }
0x129: {  	v23 =	vld [tilespmem:s21+$0xFFFFFFD0];
	v21 =	vmin.f32 v21, v31;
	v39 =	vmul.f32 v5, v5;
	v60 =	vmul.f32 v10, v10  }
0x12a: {  	v31 =	vmax.f32 v3, v31;
	v61 =	vmul.f32 v13, v13;
	v40 =	vmul.f32 v9, v9  }
0x12b: {  	v41 =	vmul.f32 v8, v8;
	v42 =	vadd.f32 v37, v25;
	v43 =	vmin.f32 v29, v37  }
0x12c: {  	v18 =	vadd.f32 v9, v18;
	v30 =	vmul.f32 v38, v38;
	v44 =	vmul.f32 v1, v1  }
0x12d: {  	v4 =	vld [tilespmem:s21+$0x60];
	v63 =	vmul.f32 v37, v37;
	v33 =	vmul.f32 v16, v16;
	v35 =	vmax.f32 v35, v37  }
0x12e: {  	v32 =	vadd.f32 v1, v24;
	v3 =	vmin.f32 v21, v23;
	v21 =	vmax.f32 v22, v9  }
0x12f: {  	v6 =	vld [tilespmem:s21+$0x40];
	v62 =	vmin.f32 v43, v38;
	v26 =	vadd.f32 v15, v26;
	v28 =	vadd.f32 v23, v19  }
0x130: {  	v25 =	vld [tilespmem:s21+$0x20];
	v35 =	vmax.f32 v35, v38;
	v17 =	vadd.f32 v40, v17;
	v29 =	vadd.f32 v38, v42  }
0x131: {  	v19 =	vmul.f32 v23, v23;
	v18 =	vadd.f32 v13, v18;
	v27 =	vadd.f32 v44, v27  }
0x132: {  	v15 =	vmul.f32 v4, v4;
	v34 =	vadd.f32 v63, v59;
	v17 =	vadd.f32 v61, v17  }
0x133: {  	v23 =	vmax.f32 v31, v23;
	v26 =	vadd.f32 v19, v26;
	v28 =	vadd.f32 v16, v28  }
0x134: {  	v19 =	vmul.f32 v6, v6;
	v18 =	vadd.f32 v10, v18;
	v17 =	vadd.f32 v60, v17  }
0x135: {  	v24 =	vadd.f32 v41, v27;
	v27 =	vmin.f32 v36, v1;
	v22 =	vmul.f32 v25, v25  }
0x136: {  	s22 =	simm.s32 $0x180;
	s21 =	simm.s32 $0x0;
	v31 =	vmin.f32 v62, v25;
	v18 =	vadd.f32 v5, v18;
	v17 =	vadd.f32 v39, v17  }
.LBB2_6:
0x137: {  	v36 =	vld [tilespmem:s22+$0xFFFFFF90];
	s21 =	sadd.s32 $0x100, s21;
	v30 =	vadd.f32 v30, v34;
	v26 =	vadd.f32 v33, v26;
	v33 =	vmax.f32 v35, v25  }
0x138: {  	v25 =	vadd.f32 v25, v29;
	v29 =	vmin.f32 v31, v4;
	v34 =	vld [tilespmem:s22+$0x50];
	p0 =	slt.u32 s21, $0x7F00;
	v35 =	vmax.f32 v33, v4  }
0x139: {  	v1 =	vmax.f32 v14, v1;
	v28 =	vadd.f32 v7, v28;
	v31 =	vld [tilespmem:s22+$0x70];
	v2 =	vadd.f32 v2, v26  }
0x13a: {  	v1 =	vmax.f32 v1, v8;
	v26 =	vadd.f32 v8, v32;
	v25 =	vadd.f32 v4, v25;
	v33 =	vld [tilespmem:s22+$0x40]  }
0x13b: {  	v9 =	vmin.f32 v20, v9;
	v3 =	vmin.f32 v3, v16;
	v1 =	vmax.f32 v1, v12;
	v32 =	vld [tilespmem:s22+$0x30]  }
0x13c: {  	v14 =	vmax.f32 v1, v6;
	v1 =	vmin.f32 v3, v7;
	v20 =	vmul.f32 v36, v36;
	v4 =	vld [tilespmem:s22+$0x60]  }
0x13d: {  	v23 =	vmax.f32 v23, v16;
	v9 =	vmin.f32 v9, v13;
	v3 =	vadd.f32 v36, v28;
	v28 =	vld [tilespmem:s22+$0xFFFFFFF0]  }
0x13e: {  	v37 =	vadd.f32 v20, v2;
	v38 =	vld [tilespmem:s22+$0x0];
	v2 =	vmin.f32 v27, v8;
	v20 =	vmin.f32 v9, v10  }
0x13f: {  	v30 =	vadd.f32 v22, v30;
	v9 =	vmax.f32 v21, v13;
	v8 =	vld [tilespmem:s22+$0xFFFFFFC0];
	v2 =	vmin.f32 v2, v12  }
0x140: {  	v11 =	vadd.f32 v11, v24;
	v21 =	vmax.f32 v9, v10;
	v9 =	vmax.f32 v23, v7;
	v7 =	vmovc v34;
	v16 =	vld [tilespmem:s22+$0x10]  }
0x141: {  	v22 =	vmin.f32 v1, v36;
	v1 =	vadd.f32 v12, v26;
	v23 =	vmax.f32 v9, v36;
	v10 =	vmovc v32;
	v24 =	vld [tilespmem:s22+$0xFFFFFFD0]  }
0x142: {  	v27 =	vadd.f32 v19, v11;
	v36 =	vadd.f32 v15, v30;
	v21 =	vmax.f32 v21, v5;
	v9 =	vld [tilespmem:s22+$0xFFFFFFB0];
	v13 =	vmovc v28  }
0x143: {  	v20 =	vmin.f32 v20, v5;
	v40 =	vmin.f32 v2, v6;
	v5 =	vmovc v31;
	v39 =	vld [tilespmem:s22+$0xFFFFFFA0];
	v11 =	vmul.f32 v38, v38  }
0x144: {  	v43 =	vadd.f32 v6, v1;
	v2 =	vmul.f32 v34, v7;
	v6 =	vmovc v33;
	v42 =	vmul.f32 v31, v5;
	v41 =	vld [tilespmem:s22+$0xFFFFFFE0]  }
0x145: {  	v32 =	vmul.f32 v32, v10;
	v15 =	vmul.f32 v4, v4;
	v12 =	vmov v38;
	v1 =	vld [tilespmem:s22+$0xFFFFFF80]  }
0x146: {  	v34 =	vmul.f32 v28, v13;
	v31 =	vadd.f32 v24, v3;
	v19 =	vmul.f32 v24, v24  }
0x147: {  	v38 =	vmul.f32 v8, v8;
	v3 =	vmin.f32 v22, v24;
	v28 =	vmul.f32 v9, v9  }
0x148: {  	v22 =	vadd.f32 v39, v25;
	v26 =	vadd.f32 v19, v37;
	v25 =	vld [tilespmem:s22+$0x20];
	v19 =	vmul.f32 v33, v6  }
0x149: {  	v18 =	vadd.f32 v9, v18;
	v33 =	vmin.f32 v29, v39;
	v30 =	vmul.f32 v41, v41  }
0x14a: {  	v21 =	vmax.f32 v21, v9;
	v17 =	vadd.f32 v28, v17;
	v37 =	vmul.f32 v1, v1  }
0x14b: {  	v33 =	vmin.f32 v33, v41;
	v28 =	vadd.f32 v16, v31;
	v29 =	vadd.f32 v41, v22  }
0x14c: {  	v23 =	vmax.f32 v23, v24;
	v44 =	vmul.f32 v39, v39;
	v17 =	vadd.f32 v34, v17  }
.Ltmp2:
0x14d: {  	v18 =	vadd.f32 v13, v18;
	v22 =	vmul.f32 v25, v25;
	v31 =	vmin.f32 v33, v25;
	(pc) =	sbr.rel @p0 .LBB2_6-.Ltmp2, $4  }
0x14e: {  	v24 =	vadd.f32 v37, v27;
	v33 =	vmul.f32 v16, v16;
	v17 =	vadd.f32 v32, v17  }
0x14f: {  	v34 =	vadd.f32 v44, v36;
	v18 =	vadd.f32 v10, v18;
	v27 =	vmax.f32 v35, v39  }
0x150: {  	v32 =	vadd.f32 v1, v43;
	v35 =	vmax.f32 v27, v41;
	v24 =	vadd.f32 v38, v24  }
0x151: {  	s22 =	sadd.s32 $0x100, s22;
	v27 =	vmin.f32 v40, v1;
	v18 =	vadd.f32 v5, v18;
	v17 =	vadd.f32 v42, v17  }
0x152: {  	[tilespmem:s3], [sflag:$0x1] =	stream.linear.gather [hbm4b:s8+s3], $0x8000, $0x38;
	[tilespmem:$0x10600] =	vst v63  }
0x153: {  	_ =	swait.ge [sflag:s18], $0x8000  }
0x154: {  	v30 =	vadd.f32 v30, v34;
	[sflag:s18] =	ssyncset.done $0x0  }
0x155: {  	v26 =	vadd.f32 v33, v26;
	s21 =	simm.s32 $0x8080;
	v56 =	vmax.f32 v35, v25;
	v25 =	vadd.f32 v25, v29;
	[sflag:s18] =	ssyncadd.s32 $0xFFFF8000  }
0x156: {  	v29 =	vmin.f32 v31, v4;
	v14 =	vmax.f32 v14, v1;
	v32 =	vadd.f32 v8, v32;
	v31 =	vld [tilespmem:s21+$0xFFFFFF90]  }
0x157: {  	v20 =	vmin.f32 v20, v9;
	v57 =	vmax.f32 v56, v4;
	v14 =	vmax.f32 v14, v8;
	v1 =	vld [tilespmem:s21+$0x50]  }
0x158: {  	v26 =	vadd.f32 v2, v26;
	v25 =	vadd.f32 v4, v25;
	v4 =	vmax.f32 v14, v12;
	v2 =	vld [tilespmem:s21+$0x70]  }
0x159: {  	v14 =	vmin.f32 v3, v16;
	v16 =	vmax.f32 v23, v16;
	v23 =	vmin.f32 v27, v8;
	v8 =	vld [tilespmem:s21+$0x60]  }
0x15a: {  	v20 =	vmin.f32 v20, v13;
	v13 =	vmax.f32 v21, v13;
	v21 =	vadd.f32 v11, v24;
	v11 =	vld [tilespmem:s21+$0x0]  }
0x15b: {  	v28 =	vadd.f32 v7, v28;
	v20 =	vmin.f32 v20, v10;
	v13 =	vmax.f32 v13, v10;
	v10 =	vld [tilespmem:s21+$0xFFFFFFF0]  }
0x15c: {  	v24 =	vadd.f32 v12, v32;
	v14 =	vmin.f32 v14, v7;
	v16 =	vmax.f32 v16, v7;
	v7 =	vld [tilespmem:s21+$0xFFFFFFC0]  }
0x15d: {  	v22 =	vadd.f32 v22, v30;
	v23 =	vmin.f32 v23, v12;
	v36 =	vld [tilespmem:s21+$0xFFFFFFD0]  }
0x15e: {  	v9 =	vmax.f32 v4, v6;
	v23 =	vmin.f32 v23, v6;
	v24 =	vadd.f32 v6, v24;
	v6 =	vld [tilespmem:s21+$0xFFFFFFB0]  }
0x15f: {  	v58 =	vadd.f32 v19, v21;
	v12 =	vmin.f32 v20, v5;
	v59 =	vadd.f32 v15, v22;
	v37 =	vld [tilespmem:s21+$0xFFFFFFE0]  }
0x160: {  	v15 =	vmax.f32 v13, v5;
	v5 =	vld [tilespmem:s21+$0x10];
	v13 =	vmul.f32 v31, v31;
	v21 =	vmul.f32 v1, v1  }
0x161: {  	v4 =	vld [tilespmem:s21+$0x30];
	v22 =	vmin.f32 v14, v31;
	v38 =	vmul.f32 v2, v2;
	v14 =	vmul.f32 v8, v8  }
0x162: {  	v27 =	vmul.f32 v36, v36;
	v40 =	vmul.f32 v10, v10  }
0x163: {  	v3 =	vld [tilespmem:s21+$0x40];
	v19 =	vadd.f32 v31, v28;
	v60 =	vmul.f32 v6, v6;
	v41 =	vmul.f32 v7, v7  }
0x164: {  	v28 =	vld [tilespmem:s21+$0xFFFFFFA0];
	v18 =	vadd.f32 v6, v18;
	v30 =	vmul.f32 v37, v37;
	v15 =	vmax.f32 v15, v6  }
0x165: {  	v33 =	vmul.f32 v5, v5;
	v20 =	vadd.f32 v13, v26;
	v13 =	vmul.f32 v11, v11  }
0x166: {  	v26 =	vmax.f32 v16, v31;
	v16 =	vld [tilespmem:s21+$0xFFFFFF80];
	v31 =	vmul.f32 v4, v4;
	v43 =	vadd.f32 v60, v17  }
0x167: {  	v39 =	vadd.f32 v36, v19;
	v19 =	vmin.f32 v22, v36;
	v18 =	vadd.f32 v10, v18  }
0x168: {  	v22 =	vld [tilespmem:s21+$0x20];
	v17 =	vmax.f32 v26, v36;
	v27 =	vadd.f32 v27, v20;
	v62 =	vadd.f32 v40, v43  }
0x169: {  	v20 =	vmul.f32 v3, v3;
	v18 =	vadd.f32 v4, v18;
	v25 =	vadd.f32 v28, v25  }
0x16a: {  	v29 =	vmin.f32 v29, v28;
	v61 =	vmul.f32 v28, v28;
	v36 =	vadd.f32 v31, v62  }
0x16b: {  	v31 =	vmax.f32 v57, v28;
	v42 =	vmul.f32 v16, v16;
	v32 =	vadd.f32 v37, v25  }
0x16c: {  	v25 =	vmin.f32 v29, v37;
	v29 =	vadd.f32 v5, v39;
	v35 =	vadd.f32 v61, v59  }
0x16d: {  	v26 =	vmul.f32 v22, v22;
	v34 =	vadd.f32 v16, v24;
	v63 =	vadd.f32 v42, v58  }
0x16e: {  	v31 =	vmax.f32 v31, v37;
	v24 =	vmin.f32 v23, v16;
	v23 =	vadd.f32 v2, v18  }
0x16f: {  	s22 =	simm.s32 $0x8180;
	s21 =	simm.s32 $0x0;
	v25 =	vmin.f32 v25, v22;
	v18 =	vadd.f32 v38, v36;
	v28 =	vadd.f32 v41, v63  }
.LBB2_8:
0x170: {  	v36 =	vld [tilespmem:s22+$0xFFFFFF90];
	s21 =	sadd.s32 $0x100, s21;
	v30 =	vadd.f32 v30, v35;
	v27 =	vadd.f32 v33, v27;
	v31 =	vmax.f32 v31, v22  }
0x171: {  	v22 =	vadd.f32 v22, v32;
	v25 =	vmin.f32 v25, v8;
	v33 =	vld [tilespmem:s22+$0x50];
	p0 =	slt.u32 s21, $0x7F00;
	v31 =	vmax.f32 v31, v8  }
0x172: {  	v9 =	vmax.f32 v9, v16;
	v16 =	vadd.f32 v1, v29;
	v32 =	vld [tilespmem:s22+$0x70];
	v21 =	vadd.f32 v21, v27  }
0x173: {  	v9 =	vmax.f32 v9, v7;
	v27 =	vadd.f32 v7, v34;
	v22 =	vadd.f32 v8, v22;
	v29 =	vld [tilespmem:s22+$0x40]  }
0x174: {  	v6 =	vmin.f32 v12, v6;
	v12 =	vmin.f32 v19, v5;
	v9 =	vmax.f32 v9, v11;
	v34 =	vld [tilespmem:s22+$0x30]  }
0x175: {  	v12 =	vmin.f32 v12, v1;
	v9 =	vmax.f32 v9, v3;
	v19 =	vmul.f32 v36, v36;
	v8 =	vld [tilespmem:s22+$0x60]  }
0x176: {  	v6 =	vmin.f32 v6, v10;
	v35 =	vadd.f32 v36, v16;
	v16 =	vmax.f32 v17, v5;
	v37 =	vld [tilespmem:s22+$0xFFFFFFF0]  }
0x177: {  	v5 =	vmin.f32 v24, v7;
	v17 =	vadd.f32 v19, v21;
	v19 =	vld [tilespmem:s22+$0x0];
	v21 =	vmin.f32 v6, v4  }
0x178: {  	v30 =	vadd.f32 v26, v30;
	v6 =	vmax.f32 v15, v10;
	v15 =	vmin.f32 v5, v11;
	v7 =	vld [tilespmem:s22+$0xFFFFFFC0]  }
0x179: {  	v13 =	vadd.f32 v13, v28;
	v24 =	vmax.f32 v6, v4;
	v6 =	vmax.f32 v16, v1;
	v1 =	vmovc v33;
	v5 =	vld [tilespmem:s22+$0x10]  }
0x17a: {  	v26 =	vmin.f32 v12, v36;
	v11 =	vadd.f32 v11, v27;
	v28 =	vmax.f32 v6, v36;
	v4 =	vmovc v34;
	v36 =	vld [tilespmem:s22+$0xFFFFFFD0]  }
0x17b: {  	v38 =	vadd.f32 v20, v13;
	v39 =	vadd.f32 v14, v30;
	v24 =	vmax.f32 v24, v2;
	v6 =	vld [tilespmem:s22+$0xFFFFFFB0];
	v10 =	vmovc v37  }
0x17c: {  	v41 =	vmin.f32 v15, v3;
	v12 =	vmin.f32 v21, v2;
	v2 =	vmovc v32;
	v40 =	vld [tilespmem:s22+$0xFFFFFFA0];
	v13 =	vmul.f32 v19, v19  }
0x17d: {  	v21 =	vmul.f32 v33, v1;
	v44 =	vadd.f32 v3, v11;
	v3 =	vmovc v29;
	v43 =	vmul.f32 v32, v2;
	v42 =	vld [tilespmem:s22+$0xFFFFFFE0]  }
0x17e: {  	v34 =	vmul.f32 v34, v4;
	v14 =	vmul.f32 v8, v8;
	v11 =	vmov v19;
	v16 =	vld [tilespmem:s22+$0xFFFFFF80]  }
0x17f: {  	v33 =	vadd.f32 v36, v35;
	v15 =	vmul.f32 v36, v36;
	v35 =	vmul.f32 v37, v10  }
0x180: {  	v37 =	vmul.f32 v7, v7;
	v19 =	vmin.f32 v26, v36;
	v32 =	vmul.f32 v6, v6  }
0x181: {  	v20 =	vmul.f32 v29, v3;
	v26 =	vadd.f32 v40, v22;
	v27 =	vadd.f32 v15, v17;
	v22 =	vld [tilespmem:s22+$0x20]  }
0x182: {  	v23 =	vadd.f32 v6, v23;
	v17 =	vmin.f32 v25, v40;
	v30 =	vmul.f32 v42, v42  }
0x183: {  	v15 =	vmax.f32 v24, v6;
	v18 =	vadd.f32 v32, v18;
	v45 =	vmul.f32 v16, v16  }
0x184: {  	v29 =	vadd.f32 v5, v33;
	v24 =	vmin.f32 v17, v42;
	v32 =	vadd.f32 v42, v26  }
0x185: {  	v46 =	vmul.f32 v40, v40;
	v17 =	vmax.f32 v28, v36;
	v18 =	vadd.f32 v35, v18  }
.Ltmp3:
0x186: {  	v23 =	vadd.f32 v10, v23;
	v26 =	vmul.f32 v22, v22;
	v25 =	vmin.f32 v24, v22;
	(pc) =	sbr.rel @p0 .LBB2_8-.Ltmp3, $4  }
0x187: {  	v33 =	vmul.f32 v5, v5;
	v24 =	vadd.f32 v45, v38;
	v18 =	vadd.f32 v34, v18  }
0x188: {  	v31 =	vmax.f32 v31, v40;
	v35 =	vadd.f32 v46, v39;
	v23 =	vadd.f32 v4, v23  }
0x189: {  	v31 =	vmax.f32 v31, v42;
	v34 =	vadd.f32 v16, v44;
	v28 =	vadd.f32 v37, v24  }
0x18a: {  	s22 =	sadd.s32 $0x100, s22;
	v23 =	vadd.f32 v2, v23;
	v24 =	vmin.f32 v41, v16;
	v18 =	vadd.f32 v43, v18  }
0x18b: {  	v34 =	vadd.f32 v7, v34  }
0x18c: {  	v30 =	vadd.f32 v30, v35  }
0x18d: {  	v32 =	vadd.f32 v22, v32;
	v34 =	vadd.f32 v11, v34  }
0x18e: {  	v27 =	vadd.f32 v33, v27;
	v29 =	vadd.f32 v1, v29  }
0x18f: {  	v32 =	vadd.f32 v8, v32;
	v57 =	vadd.f32 v3, v34  }
0x190: {  	v13 =	vadd.f32 v13, v28;
	v26 =	vadd.f32 v26, v30  }
0x191: {  	v23 =	vadd.f32 v23, v32;
	v28 =	vadd.f32 v29, v57  }
0x192: {  	v21 =	vadd.f32 v21, v27;
	v13 =	vadd.f32 v20, v13  }
0x193: {  	v14 =	vadd.f32 v14, v26;
	v20 =	vadd.f32 v23, v28;
	_ =	sdelay $0x1  }
0x194: {  	v13 =	vadd.f32 v21, v13;
	v14 =	vadd.f32 v18, v14;
	(xrf2) =	vadd.scan.msk.f32 $0xffff, v20;
	_ =	sdelay $0x1  }
0x195: {  	v13 =	vadd.f32 v14, v13;
	_ =	sdelay $0x1  }
0x196: {  	(xrf2) =	vadd.scan.msk.f32 $0xffff, v13;
	_ =	sdelay $0x5  }
0x197: {  	v13, _, _ =	vpop (xrf2)  }
0x198: {  	v14 =	vmul.f32 v13, v13;
	_ =	sdelay $0x1  }
0x199: {  	v14 =	vmul.f32 $7.629394530e-06, v14  }
0x19a: {  	v18, _, _ =	vpop (xrf2)  }
0x19b: {  	v14 =	vsub.f32 v18, v14;
	_ =	sdelay $0x1  }
0x19c: {  	v14 =	vmul.f32 $7.629452740e-06, v14;
	_ =	sdelay $0x1  }
0x19d: {  	v14 =	vmax.f32 v14, $9.999999350e-39  }
0x19e: {  	v14 =	vbroadcast v14, $0xF;
	_ =	sdelay $0x1  }
0x19f: {  	v18 =	vshra.s32 v14, $0x1;
	v20 =	vmul.f32 $5.000000000e-01, v14  }
0x1a0: {  	v18 =	vsub.s32 $0x5F3759DF, v18  }
0x1a1: {  	v21 =	vmul.f32 v18, v20;
	_ =	sdelay $0x1  }
0x1a2: {  	v21 =	vmul.f32 v18, v21;
	_ =	sdelay $0x1  }
0x1a3: {  	v21 =	vsub.f32 $1.500000000e+00, v21;
	_ =	sdelay $0x1  }
0x1a4: {  	v18 =	vmul.f32 v18, v21;
	_ =	sdelay $0x1  }
0x1a5: {  	v21 =	vmul.f32 v18, v20;
	_ =	sdelay $0x1  }
0x1a6: {  	v21 =	vmul.f32 v21, v18;
	_ =	sdelay $0x1  }
0x1a7: {  	v21 =	vsub.f32 $1.500000000e+00, v21;
	_ =	sdelay $0x1  }
0x1a8: {  	v18 =	vmul.f32 v21, v18;
	_ =	sdelay $0x1  }
0x1a9: {  	v21 =	vmul.f32 v18, v20;
	_ =	sdelay $0x1  }
0x1aa: {  	v21 =	vmul.f32 v21, v18;
	_ =	sdelay $0x1  }
0x1ab: {  	v21 =	vsub.f32 $1.500000000e+00, v21;
	_ =	sdelay $0x1  }
0x1ac: {  	v18 =	vmul.f32 v21, v18;
	_ =	sdelay $0x1  }
0x1ad: {  	v21 =	vmul.f32 v18, v20;
	_ =	sdelay $0x1  }
0x1ae: {  	v22 =	vmax.f32 v31, v22;
	v21 =	vmul.f32 v21, v18  }
0x1af: {  	v9 =	vmax.f32 v9, v16;
	v16 =	vmin.f32 v19, v5;
	v6 =	vmin.f32 v12, v6  }
0x1b0: {  	v5 =	vmax.f32 v17, v5;
	v9 =	vmax.f32 v9, v7;
	v19 =	vsub.f32 $1.500000000e+00, v21  }
0x1b1: {  	v12 =	vmin.f32 v16, v1;
	v6 =	vmin.f32 v6, v10;
	v7 =	vmin.f32 v24, v7  }
0x1b2: {  	v10 =	vmax.f32 v15, v10;
	v7 =	vmin.f32 v7, v11;
	v16 =	vmul.f32 v19, v18  }
0x1b3: {  	v9 =	vmax.f32 v9, v11;
	v6 =	vmin.f32 v6, v4;
	v7 =	vmin.f32 v7, v3  }
0x1b4: {  	v6 =	vmin.f32 v6, v2;
	v23 =	vmin.f32 v25, v8;
	v11 =	vmul.f32 v16, v20  }
0x1b5: {  	v1 =	vmax.f32 v5, v1;
	v7 =	vmin.f32 v7, v12;
	v6 =	vmin.f32 v23, v6  }
0x1b6: {  	v4 =	vmax.f32 v10, v4;
	v6 =	vmin.f32 v7, v6;
	v7 =	vmul.f32 v11, v16  }
0x1b7: {  	v2 =	vmax.f32 v4, v2;
	v3 =	vmax.f32 v9, v3;
	v8 =	vmax.f32 v22, v8  }
0x1b8: {  	v1 =	vmax.f32 v3, v1;
	v2 =	vmax.f32 v8, v2;
	(xrf0) =	vmin.scan.msk.f32 $0xffff, v6;
	v3 =	vsub.f32 $1.500000000e+00, v7  }
0x1b9: {  	v1 =	vmax.f32 v1, v2;
	v2 =	vmul.f32 $7.629394530e-06, v13  }
0x1ba: {  	v3 =	vmul.f32 v3, v16  }
0x1bb: {  	(xrf0) =	vmax.scan.msk.f32 $0xffff, v1;
	v1 =	vbroadcast v2, $0xF;
	_ =	sdelay $0x1  }
0x1bc: {  	v5 =	vld [tilespmem:$0x10000];
	v4 =	vshrl.u32 v1, $0x10;
	v2 =	vmul.f32 v3, v14  }
0x1bd: {  	v4 =	vand.u32 $0x1, v4;
	v3, _, _ =	vpop (xrf0)  }
0x1be: {  	v1 =	vadd.s32 v4, v1;
	v7 =	vld [tilespmem:$0x10100];
	v6 =	vshrl.u32 v2, $0x10;
	v3 =	vbroadcast v3, $0xF  }
0x1bf: {  	v4 =	vld [tilespmem:$0x10040];
	v1 =	vadd.s32 $0x7FFF, v1;
	v6 =	vand.u32 $0x1, v6  }
0x1c0: {  	v9, _, _ =	vpop (xrf0);
	v6 =	vadd.s32 v6, v2;
	v2 =	vand.u32 $0xFFFF0000, v1;
	v8 =	vshrl.u32 v3, $0x10  }
0x1c1: {  	v5 =	vmul.f32 v2, v5;
	v1 =	vand.u32 $0x1, v8;
	v8 =	vbroadcast v9, $0xF;
	v9 =	vld [tilespmem:$0x10080]  }
0x1c2: {  	v6 =	vadd.s32 $0x7FFF, v6;
	v3 =	vadd.s32 v1, v3  }
0x1c3: {  	v10 =	vld [tilespmem:$0x100C0];
	v1 =	vand.u32 $0xFFFF0000, v6;
	v5 =	vadd.f32 v5, v7;
	v6 =	vshrl.u32 v8, $0x10  }
0x1c4: {  	v3 =	vadd.s32 $0x7FFF, v3;
	v7 =	vmul.f32 v1, v4;
	v6 =	vand.u32 $0x1, v6  }
0x1c5: {  	v4 =	vand.u32 $0xFFFF0000, v3;
	v3 =	vadd.s32 v6, v8  }
0x1c6: {  	v5 =	vadd.f32 v7, v5;
	v3 =	vadd.s32 $0x7FFF, v3;
	v6 =	vmul.f32 v4, v9  }
0x1c7: {  	v3 =	vand.u32 $0xFFFF0000, v3  }
0x1c8: {  	v5 =	vadd.f32 v6, v5;
	v6 =	vmul.f32 v3, v10;
	_ =	sdelay $0x1  }
0x1c9: {  	v5 =	vadd.f32 v6, v5;
	_ =	sdelay $0x1  }
0x1ca: {  	v5 =	vmax.f32 v5, $0.0e+00  }
0x1cb: {  	v6 =	vshrl.u32 v5, $0x10  }
0x1cc: {  	v6 =	vand.u32 $0x1, v6  }
0x1cd: {  	v5 =	vadd.s32 v6, v5;
	v6 =	vld [tilespmem:$0x10140]  }
0x1ce: {  	v7 =	vld [tilespmem:$0x10540];
	v5 =	vadd.s32 $0x7FFF, v5  }
0x1cf: {  	v8 =	vld [tilespmem:$0x10150];
	v5 =	vand.u32 $0xFFFF0000, v5  }
0x1d0: {  	v9 =	vbroadcast v5, $0x0  }
0x1d1: {  	v10 =	vld [tilespmem:$0x10160]  }
0x1d2: {  	v6 =	vmul.f32 v6, v9;
	v9 =	vbroadcast v5, $0x1  }
0x1d3: {  	v11 =	vld [tilespmem:$0x10170]  }
0x1d4: {  	v12 =	vld [tilespmem:$0x10110];
	v6 =	vadd.f32 v6, v7;
	v7 =	vmul.f32 v8, v9;
	v8 =	vbroadcast v5, $0x2  }
0x1d5: {  	v9 =	vld [tilespmem:$0x10180]  }
0x1d6: {  	v13 =	vld [tilespmem:$0x10010];
	v6 =	vadd.f32 v7, v6;
	v7 =	vmul.f32 v10, v8;
	v8 =	vbroadcast v5, $0x3  }
0x1d7: {  	v10 =	vld [tilespmem:$0x10190]  }
0x1d8: {  	v14 =	vld [tilespmem:$0x10050];
	v6 =	vadd.f32 v7, v6;
	v7 =	vmul.f32 v11, v8;
	v8 =	vbroadcast v5, $0x4  }
0x1d9: {  	v11 =	vld [tilespmem:$0x101A0]  }
0x1da: {  	v15 =	vld [tilespmem:$0x10090];
	v6 =	vadd.f32 v7, v6;
	v7 =	vmul.f32 v9, v8;
	v8 =	vbroadcast v5, $0x5  }
0x1db: {  	v9 =	vmul.f32 v2, v13;
	v13 =	vld [tilespmem:$0x101B0]  }
0x1dc: {  	v16 =	vld [tilespmem:$0x100D0];
	v6 =	vadd.f32 v7, v6;
	v7 =	vmul.f32 v10, v8;
	v8 =	vbroadcast v5, $0x6  }
0x1dd: {  	v9 =	vadd.f32 v9, v12;
	v10 =	vmul.f32 v1, v14;
	v12 =	vld [tilespmem:$0x101C0]  }
0x1de: {  	v6 =	vadd.f32 v7, v6;
	v7 =	vmul.f32 v11, v8;
	v8 =	vbroadcast v5, $0x7  }
0x1df: {  	v9 =	vadd.f32 v10, v9;
	v10 =	vmul.f32 v4, v15;
	v11 =	vld [tilespmem:$0x101D0]  }
0x1e0: {  	v6 =	vadd.f32 v7, v6;
	v7 =	vmul.f32 v13, v8;
	v8 =	vbroadcast v5, $0x8  }
0x1e1: {  	v9 =	vadd.f32 v10, v9;
	v10 =	vmul.f32 v3, v16;
	v13 =	vld [tilespmem:$0x101E0]  }
0x1e2: {  	v6 =	vadd.f32 v7, v6;
	v7 =	vmul.f32 v12, v8;
	v8 =	vbroadcast v5, $0x9  }
0x1e3: {  	v9 =	vadd.f32 v10, v9;
	v10 =	vld [tilespmem:$0x101F0]  }
0x1e4: {  	v6 =	vadd.f32 v7, v6;
	v7 =	vmul.f32 v11, v8;
	v8 =	vbroadcast v5, $0xA  }
0x1e5: {  	v9 =	vmax.f32 v9, $0.0e+00;
	v11 =	vld [tilespmem:$0x10200]  }
0x1e6: {  	v6 =	vadd.f32 v7, v6;
	v7 =	vmul.f32 v13, v8;
	v8 =	vbroadcast v5, $0xB  }
0x1e7: {  	v12 =	vshrl.u32 v9, $0x10;
	v13 =	vld [tilespmem:$0x10210]  }
0x1e8: {  	v6 =	vadd.f32 v7, v6;
	v7 =	vmul.f32 v10, v8;
	v8 =	vbroadcast v5, $0xC  }
0x1e9: {  	v10 =	vand.u32 $0x1, v12;
	v12 =	vld [tilespmem:$0x10220]  }
0x1ea: {  	v6 =	vadd.f32 v7, v6;
	v7 =	vmul.f32 v11, v8;
	v8 =	vbroadcast v5, $0xD  }
0x1eb: {  	v9 =	vadd.s32 v10, v9;
	v10 =	vld [tilespmem:$0x10230]  }
0x1ec: {  	v6 =	vadd.f32 v7, v6;
	v7 =	vmul.f32 v13, v8;
	v8 =	vbroadcast v5, $0xE  }
0x1ed: {  	v9 =	vadd.s32 $0x7FFF, v9;
	v11 =	vld [tilespmem:$0x10240]  }
0x1ee: {  	v5 =	vbroadcast v5, $0xF;
	v6 =	vadd.f32 v7, v6;
	v7 =	vmul.f32 v12, v8  }
0x1ef: {  	v8 =	vand.u32 $0xFFFF0000, v9;
	v9 =	vld [tilespmem:$0x10250]  }
0x1f0: {  	v5 =	vmul.f32 v10, v5;
	v6 =	vadd.f32 v7, v6;
	v7 =	vbroadcast v8, $0x0  }
0x1f1: {  	v10 =	vld [tilespmem:$0x10260]  }
0x1f2: {  	v5 =	vadd.f32 v5, v6;
	v6 =	vmul.f32 v11, v7;
	v7 =	vbroadcast v8, $0x1  }
0x1f3: {  	v11 =	vld [tilespmem:$0x10270]  }
0x1f4: {  	v14 =	vld [tilespmem:$0x10060];
	v5 =	vadd.f32 v6, v5;
	v6 =	vmul.f32 v9, v7;
	v7 =	vbroadcast v8, $0x2  }
0x1f5: {  	v9 =	vld [tilespmem:$0x10280]  }
0x1f6: {  	v13 =	vld [tilespmem:$0x10020];
	v5 =	vadd.f32 v6, v5;
	v6 =	vmul.f32 v10, v7;
	v7 =	vbroadcast v8, $0x3  }
0x1f7: {  	v10 =	vld [tilespmem:$0x10290]  }
0x1f8: {  	v12 =	vld [tilespmem:$0x10120];
	v5 =	vadd.f32 v6, v5;
	v6 =	vmul.f32 v11, v7;
	v7 =	vbroadcast v8, $0x4  }
0x1f9: {  	v11 =	vld [tilespmem:$0x102A0]  }
0x1fa: {  	v15 =	vld [tilespmem:$0x100A0];
	v5 =	vadd.f32 v6, v5;
	v6 =	vmul.f32 v9, v7;
	v7 =	vbroadcast v8, $0x5  }
0x1fb: {  	v9 =	vmul.f32 v2, v13;
	v13 =	vld [tilespmem:$0x102B0]  }
0x1fc: {  	v16 =	vld [tilespmem:$0x100E0];
	v5 =	vadd.f32 v6, v5;
	v6 =	vmul.f32 v10, v7;
	v7 =	vbroadcast v8, $0x6  }
0x1fd: {  	v9 =	vadd.f32 v9, v12;
	v10 =	vmul.f32 v1, v14;
	v12 =	vld [tilespmem:$0x102C0]  }
0x1fe: {  	v5 =	vadd.f32 v6, v5;
	v6 =	vmul.f32 v11, v7;
	v7 =	vbroadcast v8, $0x7  }
0x1ff: {  	v9 =	vadd.f32 v10, v9;
	v10 =	vmul.f32 v4, v15;
	v11 =	vld [tilespmem:$0x102D0]  }
0x200: {  	v5 =	vadd.f32 v6, v5;
	v6 =	vmul.f32 v13, v7;
	v7 =	vbroadcast v8, $0x8  }
0x201: {  	v9 =	vadd.f32 v10, v9;
	v10 =	vmul.f32 v3, v16;
	v13 =	vld [tilespmem:$0x102E0]  }
0x202: {  	v5 =	vadd.f32 v6, v5;
	v6 =	vmul.f32 v12, v7;
	v7 =	vbroadcast v8, $0x9  }
0x203: {  	v9 =	vadd.f32 v10, v9;
	v10 =	vld [tilespmem:$0x102F0]  }
0x204: {  	v5 =	vadd.f32 v6, v5;
	v6 =	vmul.f32 v11, v7;
	v7 =	vbroadcast v8, $0xA  }
0x205: {  	v9 =	vmax.f32 v9, $0.0e+00;
	v11 =	vld [tilespmem:$0x10300]  }
0x206: {  	v5 =	vadd.f32 v6, v5;
	v6 =	vmul.f32 v13, v7;
	v7 =	vbroadcast v8, $0xB  }
0x207: {  	v12 =	vshrl.u32 v9, $0x10;
	v13 =	vld [tilespmem:$0x10310]  }
0x208: {  	v5 =	vadd.f32 v6, v5;
	v6 =	vmul.f32 v10, v7;
	v7 =	vbroadcast v8, $0xC  }
0x209: {  	v10 =	vand.u32 $0x1, v12;
	v12 =	vld [tilespmem:$0x10320]  }
0x20a: {  	v5 =	vadd.f32 v6, v5;
	v6 =	vmul.f32 v11, v7;
	v7 =	vbroadcast v8, $0xD  }
0x20b: {  	v9 =	vadd.s32 v10, v9;
	v10 =	vld [tilespmem:$0x10330]  }
0x20c: {  	v5 =	vadd.f32 v6, v5;
	v6 =	vmul.f32 v13, v7;
	v7 =	vbroadcast v8, $0xE  }
0x20d: {  	v9 =	vadd.s32 $0x7FFF, v9;
	v11 =	vld [tilespmem:$0x10340]  }
0x20e: {  	v5 =	vadd.f32 v6, v5;
	v6 =	vmul.f32 v12, v7;
	v7 =	vbroadcast v8, $0xF  }
0x20f: {  	v8 =	vand.u32 $0xFFFF0000, v9;
	v9 =	vld [tilespmem:$0x10350]  }
0x210: {  	v5 =	vadd.f32 v6, v5;
	v6 =	vmul.f32 v10, v7;
	v7 =	vbroadcast v8, $0x0  }
0x211: {  	v10 =	vld [tilespmem:$0x10360]  }
0x212: {  	v5 =	vadd.f32 v6, v5;
	v6 =	vmul.f32 v11, v7;
	v7 =	vbroadcast v8, $0x1  }
0x213: {  	v11 =	vld [tilespmem:$0x10370]  }
0x214: {  	v14 =	vld [tilespmem:$0x10070];
	v5 =	vadd.f32 v6, v5;
	v6 =	vmul.f32 v9, v7;
	v7 =	vbroadcast v8, $0x2  }
0x215: {  	v9 =	vld [tilespmem:$0x10380]  }
0x216: {  	v13 =	vld [tilespmem:$0x10030];
	v5 =	vadd.f32 v6, v5;
	v6 =	vmul.f32 v10, v7;
	v7 =	vbroadcast v8, $0x3  }
0x217: {  	v10 =	vld [tilespmem:$0x10390]  }
0x218: {  	v12 =	vld [tilespmem:$0x10130];
	v5 =	vadd.f32 v6, v5;
	v6 =	vmul.f32 v11, v7;
	v7 =	vbroadcast v8, $0x4  }
0x219: {  	v11 =	vld [tilespmem:$0x103A0]  }
0x21a: {  	v15 =	vld [tilespmem:$0x100B0];
	v5 =	vadd.f32 v6, v5;
	v6 =	vmul.f32 v9, v7;
	v7 =	vbroadcast v8, $0x5  }
0x21b: {  	v2 =	vmul.f32 v2, v13;
	v9 =	vld [tilespmem:$0x103B0]  }
0x21c: {  	v13 =	vld [tilespmem:$0x100F0];
	v5 =	vadd.f32 v6, v5;
	v6 =	vmul.f32 v10, v7;
	v7 =	vbroadcast v8, $0x6  }
0x21d: {  	v1 =	vmul.f32 v1, v14;
	v2 =	vadd.f32 v2, v12;
	v10 =	vld [tilespmem:$0x103C0]  }
0x21e: {  	v5 =	vadd.f32 v6, v5;
	v6 =	vmul.f32 v11, v7;
	v7 =	vbroadcast v8, $0x7  }
0x21f: {  	v1 =	vadd.f32 v1, v2;
	v2 =	vmul.f32 v4, v15;
	v4 =	vld [tilespmem:$0x103D0]  }
0x220: {  	v5 =	vadd.f32 v6, v5;
	v6 =	vmul.f32 v9, v7;
	v7 =	vbroadcast v8, $0x8  }
0x221: {  	v1 =	vadd.f32 v2, v1;
	v2 =	vmul.f32 v3, v13;
	v3 =	vld [tilespmem:$0x103E0]  }
0x222: {  	v5 =	vadd.f32 v6, v5;
	v6 =	vmul.f32 v10, v7;
	v7 =	vbroadcast v8, $0x9  }
0x223: {  	v1 =	vadd.f32 v2, v1;
	v2 =	vld [tilespmem:$0x103F0]  }
0x224: {  	v5 =	vadd.f32 v6, v5;
	v4 =	vmul.f32 v4, v7;
	v6 =	vbroadcast v8, $0xA  }
0x225: {  	v1 =	vmax.f32 v1, $0.0e+00;
	v7 =	vld [tilespmem:$0x10400]  }
0x226: {  	v4 =	vadd.f32 v4, v5;
	v3 =	vmul.f32 v3, v6;
	v5 =	vbroadcast v8, $0xB  }
0x227: {  	v9 =	vld [tilespmem:$0x10410];
	v6 =	vshrl.u32 v1, $0x10  }
0x228: {  	v3 =	vadd.f32 v3, v4;
	v2 =	vmul.f32 v2, v5;
	v4 =	vbroadcast v8, $0xC  }
0x229: {  	v5 =	vand.u32 $0x1, v6;
	v6 =	vld [tilespmem:$0x10420]  }
0x22a: {  	v2 =	vadd.f32 v2, v3;
	v3 =	vmul.f32 v7, v4;
	v4 =	vbroadcast v8, $0xD  }
0x22b: {  	v1 =	vadd.s32 v5, v1;
	v5 =	vld [tilespmem:$0x10430]  }
0x22c: {  	v2 =	vadd.f32 v3, v2;
	v3 =	vmul.f32 v9, v4;
	v4 =	vbroadcast v8, $0xE  }
0x22d: {  	v1 =	vadd.s32 $0x7FFF, v1;
	v7 =	vld [tilespmem:$0x10440]  }
0x22e: {  	v2 =	vadd.f32 v3, v2;
	v3 =	vmul.f32 v6, v4;
	v4 =	vbroadcast v8, $0xF  }
0x22f: {  	v1 =	vand.u32 $0xFFFF0000, v1;
	v6 =	vld [tilespmem:$0x10450]  }
0x230: {  	v2 =	vadd.f32 v3, v2;
	v3 =	vmul.f32 v5, v4;
	v4 =	vbroadcast v1, $0x0  }
0x231: {  	v5 =	vld [tilespmem:$0x10460]  }
0x232: {  	v2 =	vadd.f32 v3, v2;
	v3 =	vmul.f32 v7, v4;
	v4 =	vbroadcast v1, $0x1  }
0x233: {  	v7 =	vld [tilespmem:$0x10470]  }
0x234: {  	v2 =	vadd.f32 v3, v2;
	v3 =	vmul.f32 v6, v4;
	v4 =	vbroadcast v1, $0x2  }
0x235: {  	v6 =	vld [tilespmem:$0x10480]  }
0x236: {  	v2 =	vadd.f32 v3, v2;
	v3 =	vmul.f32 v5, v4;
	v4 =	vbroadcast v1, $0x3  }
0x237: {  	v5 =	vld [tilespmem:$0x10490]  }
0x238: {  	v2 =	vadd.f32 v3, v2;
	v3 =	vmul.f32 v7, v4;
	v4 =	vbroadcast v1, $0x4  }
0x239: {  	v7 =	vld [tilespmem:$0x104A0]  }
0x23a: {  	v2 =	vadd.f32 v3, v2;
	v3 =	vmul.f32 v6, v4;
	v4 =	vbroadcast v1, $0x5  }
0x23b: {  	v6 =	vld [tilespmem:$0x104B0]  }
0x23c: {  	v2 =	vadd.f32 v3, v2;
	v3 =	vmul.f32 v5, v4;
	v4 =	vbroadcast v1, $0x6  }
0x23d: {  	v5 =	vld [tilespmem:$0x104C0]  }
0x23e: {  	v2 =	vadd.f32 v3, v2;
	v3 =	vmul.f32 v7, v4;
	v4 =	vbroadcast v1, $0x7  }
0x23f: {  	v7 =	vld [tilespmem:$0x104D0]  }
0x240: {  	v2 =	vadd.f32 v3, v2;
	v3 =	vmul.f32 v6, v4;
	v4 =	vbroadcast v1, $0x8  }
0x241: {  	v6 =	vld [tilespmem:$0x104E0]  }
0x242: {  	v2 =	vadd.f32 v3, v2;
	v3 =	vmul.f32 v5, v4;
	v4 =	vbroadcast v1, $0x9  }
0x243: {  	v5 =	vld [tilespmem:$0x104F0]  }
0x244: {  	v2 =	vadd.f32 v3, v2;
	v3 =	vmul.f32 v7, v4;
	v4 =	vbroadcast v1, $0xA  }
0x245: {  	v7 =	vld [tilespmem:$0x10500]  }
0x246: {  	v2 =	vadd.f32 v3, v2;
	v3 =	vmul.f32 v6, v4;
	v4 =	vbroadcast v1, $0xB  }
0x247: {  	v6 =	vld [tilespmem:$0x10510]  }
0x248: {  	v2 =	vadd.f32 v3, v2;
	v3 =	vmul.f32 v5, v4;
	v4 =	vbroadcast v1, $0xC  }
0x249: {  	v5 =	vld [tilespmem:$0x10520]  }
0x24a: {  	v2 =	vadd.f32 v3, v2;
	v3 =	vmul.f32 v7, v4;
	v4 =	vbroadcast v1, $0xD  }
0x24b: {  	v7 =	vld [tilespmem:$0x10530]  }
0x24c: {  	v2 =	vadd.f32 v3, v2;
	v3 =	vmul.f32 v6, v4;
	v4 =	vbroadcast v1, $0xE;
	_ =	sdelay $0x1  }
0x24d: {  	v1 =	vbroadcast v1, $0xF;
	v2 =	vadd.f32 v3, v2;
	v3 =	vmul.f32 v5, v4;
	_ =	sdelay $0x1  }
0x24e: {  	v1 =	vmul.f32 v7, v1;
	v2 =	vadd.f32 v3, v2;
	_ =	sdelay $0x1  }
0x24f: {  	v2 =	vadd.f32 v1, v2;
	_ =	sdelay $0x1  }
0x250: {  	(xrf0) =	vmax.scan.msk.f32 $0xffff, v2;
	_ =	sdelay $0x5  }
0x251: {  	v1, _, _ =	vpop (xrf0)  }
0x252: {  	v3 =	vbroadcast v1, $0xF;
	_ =	sdelay $0x1  }
0x253: {  	v1 =	vor.u32 $0x80000000, v0;
	vm0 =	veq.f32 v2, v3  }
0x254: {  	v4 =	vnsel vm0, $0x80000010, v1  }
0x255: {  	(xrf0) =	vmin.scan.msk.u32 $0xffff, v4;
	_ =	sdelay $0x5  }
0x256: {  	v4, _, _ =	vpop (xrf0)  }
0x257: {  	(v2sf) =	vpush v4, $0xF;
	_ =	sdelay $0xe  }
0x258: {  	s21 =	spop (v2sf)  }
0x259: {  	s21 =	sxor.u32 $0x80000000, s21  }
0x25a: {  	v4 =	vmov s21  }
0x25b: {  	vm14 =	veq.s32 v4, v0  }
0x25c: {  	v2 =	vsel vm14, $0xFF61B1E6, v2  }
0x25d: {  	(xrf0) =	vmax.scan.msk.f32 $0xffff, v2;
	_ =	sdelay $0x5  }
0x25e: {  	v4, _, _ =	vpop (xrf0)  }
0x25f: {  	v4 =	vbroadcast v4, $0xF;
	_ =	sdelay $0x1  }
0x260: {  	vm1 =	veq.f32 v2, v4;
	v2 =	vsub.f32 v4, v3  }
0x261: {  	v3 =	vnsel vm1, $0x80000010, v1  }
0x262: {  	(xrf0) =	vmin.scan.msk.u32 $0xffff, v3;
	v2 =	vmul.f32 $1.442695020e+00, v2;
	_ =	sdelay $0x1  }
0x263: {  	(erf) = vpow2.f32 v2;
	_ =	sdelay $0x3  }
0x264: {  	v2, _, _ =	vpop (xrf0)  }
0x265: {  	(v2sf) =	vpush v2, $0xF;
	_ =	sdelay $0x3  }
0x266: {  	v2 =	vpop (erf)  }
0x267: {  	v3 =	vadd.f32 $1.000000000e+00, v2;
	_ =	sdelay $0x1  }
0x268: {  	(erf) = vrcp.f32 v3;
	_ =	sdelay $0x7  }
0x269: {  	s30 =	spop (v2sf)  }
0x26a: {  	s21 =	sxor.u32 $0x80000000, s30;
	v3 =	vpop (erf)  }
0x26b: {  	v2 =	vmul.f32 v3, v2;
	v4 =	vmov s21  }
0x26c: {  	vm15 =	veq.s32 v4, v0  }
0x26d: {  	v2 =	vnsel vm15, $0x0, v2  }
0x26e: {  	v2 =	vsel vm14, v3, v2  }
0x26f: {  	[tilespmem:$0x10580] =	vst v2  }
0x270: {  	[tilespmem:s16], [sflag:$0x2] =	stream.linear.gather [hbm4b:s9+s3], $0x8000, $0x38;
	[tilespmem:$0x10600] =	vst v63  }
0x271: {  	_ =	swait.ge [sflag:s17], $0x8000  }
0x272: {  	[sflag:s17] =	ssyncset.done $0x0  }
0x273: {  	s31 =	simm.s32 $0x80;
	[sflag:s17] =	ssyncadd.s32 $0xFFFF8000  }
0x274: {  	v4 =	vld [tilespmem:s31+$0xFFFFFF90]  }
0x275: {  	v7 =	vld [tilespmem:s31+$0x50]  }
0x276: {  	v6 =	vld [tilespmem:s31+$0x70]  }
0x277: {  	v8 =	vld [tilespmem:s31+$0x30]  }
0x278: {  	v3 =	vld [tilespmem:s31+$0x60]  }
0x279: {  	v13 =	vld [tilespmem:s31+$0x0]  }
0x27a: {  	v12 =	vld [tilespmem:s31+$0xFFFFFFF0]  }
0x27b: {  	v10 =	vld [tilespmem:s31+$0xFFFFFFC0]  }
0x27c: {  	v9 =	vld [tilespmem:s31+$0xFFFFFFB0]  }
0x27d: {  	v18 =	vimm.f32 $0.0e+00;
	v25 =	vld [tilespmem:s31+$0xFFFFFFA0]  }
0x27e: {  	v15 =	vimm.f32 $+Inf;
	v2 =	vimm.f32 $-Inf;
	v28 =	vld [tilespmem:s31+$0xFFFFFFE0];
	v11 =	vmul.f32 v4, v4  }
0x27f: {  	v19 =	vadd.f32 v4, v18;
	v14 =	vmul.f32 v13, v13;
	v20 =	vmul.f32 v7, v7  }
0x280: {  	v17 =	vld [tilespmem:s31+$0xFFFFFFD0];
	v22 =	vmin.f32 v15, v4;
	v37 =	vmul.f32 v6, v6;
	v58 =	vmul.f32 v8, v8  }
0x281: {  	v5 =	vld [tilespmem:s31+$0x40];
	v23 =	vmax.f32 v2, v4;
	v16 =	vmul.f32 v3, v3;
	v59 =	vmul.f32 v12, v12  }
0x282: {  	v26 =	vld [tilespmem:s31+$0x20];
	v29 =	vmul.f32 v9, v9;
	v36 =	vmul.f32 v10, v10;
	v30 =	vadd.f32 v25, v18  }
0x283: {  	v4 =	vld [tilespmem:s31+$0xFFFFFF80];
	v60 =	vmin.f32 v15, v25;
	v61 =	vadd.f32 v9, v18;
	v31 =	vmul.f32 v28, v28  }
0x284: {  	v40 =	vmul.f32 v25, v25;
	v63 =	vmax.f32 v2, v25;
	v21 =	vadd.f32 v11, v18;
	v11 =	vld [tilespmem:s31+$0x10]  }
0x285: {  	v22 =	vmin.f32 v22, v17;
	v34 =	vmin.f32 v60, v28;
	v24 =	vadd.f32 v17, v19  }
0x286: {  	v19 =	vmul.f32 v17, v17;
	v39 =	vadd.f32 v29, v18;
	v30 =	vadd.f32 v28, v30  }
0x287: {  	v62 =	vadd.f32 v12, v61;
	v32 =	vmin.f32 v34, v26;
	v35 =	vadd.f32 v40, v18  }
0x288: {  	v27 =	vadd.f32 v19, v21;
	v19 =	vmul.f32 v5, v5;
	v38 =	vmul.f32 v4, v4  }
0x289: {  	v29 =	vadd.f32 v11, v24;
	v24 =	vmax.f32 v23, v17;
	v17 =	vadd.f32 v59, v39  }
0x28a: {  	v21 =	vmax.f32 v2, v9;
	v33 =	vadd.f32 v4, v18;
	v38 =	vadd.f32 v38, v18  }
0x28b: {  	v23 =	vmul.f32 v26, v26;
	v39 =	vadd.f32 v8, v62;
	v17 =	vadd.f32 v58, v17  }
0x28c: {  	v34 =	vmul.f32 v11, v11;
	v25 =	vadd.f32 v36, v38;
	v36 =	vmax.f32 v63, v28  }
0x28d: {  	s22 =	simm.s32 $0x180;
	s21 =	simm.s32 $0x0;
	v28 =	vmin.f32 v15, v4;
	v18 =	vadd.f32 v6, v39;
	v17 =	vadd.f32 v37, v17  }
.LBB2_10:
0x28e: {  	v37 =	vld [tilespmem:s22+$0xFFFFFF90];
	s21 =	sadd.s32 $0x100, s21;
	v31 =	vadd.f32 v31, v35;
	v27 =	vadd.f32 v34, v27;
	v34 =	vmax.f32 v36, v26  }
0x28f: {  	v26 =	vadd.f32 v26, v30;
	v30 =	vmin.f32 v32, v3;
	v35 =	vld [tilespmem:s22+$0x50];
	p0 =	slt.u32 s21, $0x7F00;
	v36 =	vmax.f32 v34, v3  }
0x290: {  	v2 =	vmax.f32 v2, v4;
	v4 =	vadd.f32 v7, v29;
	v32 =	vld [tilespmem:s22+$0x70];
	v20 =	vadd.f32 v20, v27  }
0x291: {  	v2 =	vmax.f32 v2, v10;
	v27 =	vadd.f32 v10, v33;
	v26 =	vadd.f32 v3, v26;
	v29 =	vld [tilespmem:s22+$0x40]  }
0x292: {  	v9 =	vmin.f32 v15, v9;
	v15 =	vmin.f32 v22, v11;
	v2 =	vmax.f32 v2, v13;
	v33 =	vld [tilespmem:s22+$0x30]  }
0x293: {  	v15 =	vmin.f32 v15, v7;
	v2 =	vmax.f32 v2, v5;
	v22 =	vmul.f32 v37, v37;
	v3 =	vld [tilespmem:s22+$0x60]  }
0x294: {  	v34 =	vadd.f32 v37, v4;
	v4 =	vmin.f32 v9, v12;
	v9 =	vmax.f32 v24, v11;
	v38 =	vld [tilespmem:s22+$0xFFFFFFF0]  }
0x295: {  	v11 =	vmin.f32 v28, v10;
	v4 =	vmin.f32 v4, v8;
	v24 =	vadd.f32 v22, v20;
	v22 =	vld [tilespmem:s22+$0x0]  }
0x296: {  	v12 =	vmax.f32 v21, v12;
	v21 =	vadd.f32 v23, v31;
	v20 =	vmin.f32 v11, v13;
	v10 =	vld [tilespmem:s22+$0xFFFFFFC0]  }
0x297: {  	v14 =	vadd.f32 v14, v25;
	v31 =	vmax.f32 v12, v8;
	v9 =	vmax.f32 v9, v7;
	v7 =	vmovc v35;
	v11 =	vld [tilespmem:s22+$0x10]  }
0x298: {  	v23 =	vmin.f32 v15, v37;
	v25 =	vmax.f32 v9, v37;
	v13 =	vadd.f32 v13, v27;
	v8 =	vmovc v33;
	v28 =	vld [tilespmem:s22+$0xFFFFFFD0]  }
0x299: {  	v37 =	vadd.f32 v19, v14;
	v39 =	vadd.f32 v16, v21;
	v21 =	vmax.f32 v31, v6;
	v9 =	vld [tilespmem:s22+$0xFFFFFFB0];
	v12 =	vmovc v38  }
0x29a: {  	v15 =	vmin.f32 v4, v6;
	v6 =	vmovc v32;
	v41 =	vmin.f32 v20, v5;
	v40 =	vld [tilespmem:s22+$0xFFFFFFA0];
	v14 =	vmul.f32 v22, v22  }
0x29b: {  	v20 =	vmul.f32 v35, v7;
	v43 =	vmul.f32 v32, v6;
	v44 =	vadd.f32 v5, v13;
	v5 =	vmovc v29;
	v42 =	vld [tilespmem:s22+$0xFFFFFFE0]  }
0x29c: {  	v33 =	vmul.f32 v33, v8;
	v16 =	vmul.f32 v3, v3;
	v13 =	vmov v22;
	v4 =	vld [tilespmem:s22+$0xFFFFFF80]  }
0x29d: {  	v32 =	vadd.f32 v28, v34;
	v19 =	vmul.f32 v28, v28;
	v34 =	vmul.f32 v38, v12  }
0x29e: {  	v38 =	vmul.f32 v10, v10;
	v22 =	vmin.f32 v23, v28;
	v35 =	vmul.f32 v9, v9  }
0x29f: {  	v23 =	vadd.f32 v40, v26;
	v27 =	vadd.f32 v19, v24;
	v26 =	vld [tilespmem:s22+$0x20];
	v19 =	vmul.f32 v29, v5  }
0x2a0: {  	v18 =	vadd.f32 v9, v18;
	v24 =	vmin.f32 v30, v40;
	v31 =	vmul.f32 v42, v42  }
0x2a1: {  	v21 =	vmax.f32 v21, v9;
	v17 =	vadd.f32 v35, v17;
	v45 =	vmul.f32 v4, v4  }
0x2a2: {  	v29 =	vadd.f32 v11, v32;
	v35 =	vmin.f32 v24, v42;
	v30 =	vadd.f32 v42, v23  }
0x2a3: {  	v46 =	vmul.f32 v40, v40;
	v24 =	vmax.f32 v25, v28;
	v17 =	vadd.f32 v34, v17  }
.Ltmp4:
0x2a4: {  	v18 =	vadd.f32 v12, v18;
	v23 =	vmul.f32 v26, v26;
	v32 =	vmin.f32 v35, v26;
	(pc) =	sbr.rel @p0 .LBB2_10-.Ltmp4, $4  }
0x2a5: {  	v34 =	vmul.f32 v11, v11;
	v25 =	vadd.f32 v45, v37;
	v17 =	vadd.f32 v33, v17  }
0x2a6: {  	v28 =	vmax.f32 v36, v40;
	v18 =	vadd.f32 v8, v18;
	v35 =	vadd.f32 v46, v39  }
0x2a7: {  	v36 =	vmax.f32 v28, v42;
	v33 =	vadd.f32 v4, v44;
	v25 =	vadd.f32 v38, v25  }
0x2a8: {  	s22 =	sadd.s32 $0x100, s22;
	v28 =	vmin.f32 v41, v4;
	v18 =	vadd.f32 v6, v18;
	v17 =	vadd.f32 v43, v17  }
0x2a9: {  	[tilespmem:s3], [sflag:$0x1] =	stream.linear.gather [hbm4b:s10+s3], $0x8000, $0x38;
	[tilespmem:$0x10600] =	vst v63  }
0x2aa: {  	_ =	swait.ge [sflag:s18], $0x8000  }
0x2ab: {  	[sflag:s18] =	ssyncset.done $0x0  }
0x2ac: {  	v31 =	vadd.f32 v31, v35;
	v27 =	vadd.f32 v34, v27;
	s21 =	simm.s32 $0x8080;
	[sflag:s18] =	ssyncadd.s32 $0xFFFF8000  }
0x2ad: {  	v56 =	vmax.f32 v36, v26;
	v26 =	vadd.f32 v26, v30;
	v30 =	vmin.f32 v32, v3;
	v57 =	vld [tilespmem:s21+$0xFFFFFF90]  }
0x2ae: {  	v2 =	vmax.f32 v2, v4;
	v29 =	vadd.f32 v7, v29;
	v22 =	vmin.f32 v22, v11;
	v4 =	vld [tilespmem:s21+$0x50]  }
0x2af: {  	v59 =	vmin.f32 v15, v9;
	v24 =	vmax.f32 v24, v11;
	v58 =	vmax.f32 v2, v10;
	v2 =	vld [tilespmem:s21+$0x70]  }
0x2b0: {  	v21 =	vmax.f32 v21, v12;
	v25 =	vadd.f32 v14, v25;
	v36 =	vmax.f32 v56, v3;
	v9 =	vld [tilespmem:s21+$0x30]  }
0x2b1: {  	v60 =	vmin.f32 v22, v7;
	v22 =	vmin.f32 v59, v12;
	v27 =	vadd.f32 v20, v27;
	v11 =	vld [tilespmem:s21+$0x60]  }
0x2b2: {  	v7 =	vmax.f32 v24, v7;
	v20 =	vadd.f32 v10, v33;
	v26 =	vadd.f32 v3, v26;
	v12 =	vld [tilespmem:s21+$0x0]  }
0x2b3: {  	v33 =	vmax.f32 v58, v13;
	v10 =	vmin.f32 v28, v10;
	v22 =	vmin.f32 v22, v8;
	v14 =	vld [tilespmem:s21+$0xFFFFFFF0]  }
0x2b4: {  	v23 =	vadd.f32 v23, v31;
	v8 =	vmax.f32 v21, v8;
	v28 =	vmin.f32 v10, v13;
	v10 =	vld [tilespmem:s21+$0xFFFFFFC0]  }
0x2b5: {  	v19 =	vadd.f32 v19, v25;
	v15 =	vmax.f32 v33, v5;
	v13 =	vadd.f32 v13, v20;
	v20 =	vld [tilespmem:s21+$0xFFFFFFB0]  }
0x2b6: {  	v22 =	vmin.f32 v22, v6;
	v25 =	vadd.f32 v16, v23;
	v23 =	vmax.f32 v8, v6;
	v38 =	vld [tilespmem:s21+$0xFFFFFFA0]  }
0x2b7: {  	v28 =	vmin.f32 v28, v5;
	v39 =	vld [tilespmem:s21+$0xFFFFFFE0];
	v37 =	vadd.f32 v5, v13;
	v8 =	vmul.f32 v57, v57  }
0x2b8: {  	v24 =	vld [tilespmem:s21+$0xFFFFFFD0];
	v21 =	vadd.f32 v57, v29;
	v13 =	vmul.f32 v12, v12;
	v6 =	vmul.f32 v4, v4  }
0x2b9: {  	v29 =	vmin.f32 v60, v57;
	v40 =	vmul.f32 v2, v2;
	v61 =	vmul.f32 v9, v9  }
0x2ba: {  	v32 =	vmax.f32 v7, v57;
	v16 =	vmul.f32 v11, v11;
	v63 =	vmul.f32 v14, v14  }
0x2bb: {  	v41 =	vmul.f32 v20, v20;
	v42 =	vmul.f32 v10, v10;
	v43 =	vmin.f32 v30, v38  }
0x2bc: {  	v18 =	vadd.f32 v20, v18;
	v31 =	vmul.f32 v39, v39;
	v27 =	vadd.f32 v8, v27;
	v8 =	vld [tilespmem:s21+$0xFFFFFF80]  }
0x2bd: {  	v5 =	vld [tilespmem:s21+$0x10];
	v45 =	vmul.f32 v38, v38;
	v36 =	vmax.f32 v36, v38;
	v7 =	vmin.f32 v29, v24  }
0x2be: {  	v3 =	vld [tilespmem:s21+$0x40];
	v29 =	vadd.f32 v38, v26;
	v43 =	vmin.f32 v43, v39;
	v36 =	vmax.f32 v36, v39  }
0x2bf: {  	v26 =	vld [tilespmem:s21+$0x20];
	v62 =	vadd.f32 v24, v21;
	v21 =	vmul.f32 v24, v24;
	v41 =	vadd.f32 v41, v17  }
0x2c0: {  	v17 =	vmax.f32 v23, v20;
	v24 =	vmax.f32 v32, v24;
	v18 =	vadd.f32 v14, v18  }
0x2c1: {  	v30 =	vadd.f32 v39, v29;
	v27 =	vadd.f32 v21, v27;
	v44 =	vmul.f32 v8, v8  }
0x2c2: {  	v34 =	vmul.f32 v5, v5;
	v29 =	vadd.f32 v5, v62;
	v35 =	vadd.f32 v63, v41  }
0x2c3: {  	v21 =	vmul.f32 v3, v3;
	v18 =	vadd.f32 v9, v18;
	v19 =	vadd.f32 v44, v19  }
0x2c4: {  	v23 =	vmul.f32 v26, v26;
	v41 =	vadd.f32 v61, v35;
	v35 =	vadd.f32 v45, v25  }
0x2c5: {  	v32 =	vmin.f32 v43, v26;
	v33 =	vadd.f32 v8, v37;
	v25 =	vadd.f32 v42, v19  }
0x2c6: {  	s22 =	simm.s32 $0x8180;
	s21 =	simm.s32 $0x0;
	v28 =	vmin.f32 v28, v8;
	v19 =	vadd.f32 v2, v18;
	v18 =	vadd.f32 v40, v41  }
.LBB2_12:
0x2c7: {  	v37 =	vld [tilespmem:s22+$0xFFFFFF90];
	s21 =	sadd.s32 $0x100, s21;
	v31 =	vadd.f32 v31, v35;
	v27 =	vadd.f32 v34, v27;
	v34 =	vmax.f32 v36, v26  }
0x2c8: {  	v26 =	vadd.f32 v26, v30;
	v30 =	vmin.f32 v32, v11;
	v35 =	vld [tilespmem:s22+$0x50];
	p0 =	slt.u32 s21, $0x7F00;
	v36 =	vmax.f32 v34, v11  }
0x2c9: {  	v8 =	vmax.f32 v15, v8;
	v29 =	vadd.f32 v4, v29;
	v32 =	vld [tilespmem:s22+$0x70];
	v6 =	vadd.f32 v6, v27  }
0x2ca: {  	v8 =	vmax.f32 v8, v10;
	v27 =	vadd.f32 v10, v33;
	v26 =	vadd.f32 v11, v26;
	v34 =	vld [tilespmem:s22+$0x40]  }
0x2cb: {  	v20 =	vmin.f32 v22, v20;
	v7 =	vmin.f32 v7, v5;
	v8 =	vmax.f32 v8, v12;
	v33 =	vld [tilespmem:s22+$0x30]  }
0x2cc: {  	v7 =	vmin.f32 v7, v4;
	v15 =	vmax.f32 v8, v3;
	v22 =	vmul.f32 v37, v37;
	v11 =	vld [tilespmem:s22+$0x60]  }
0x2cd: {  	v8 =	vmin.f32 v20, v14;
	v20 =	vmax.f32 v24, v5;
	v29 =	vadd.f32 v37, v29;
	v38 =	vld [tilespmem:s22+$0xFFFFFFF0]  }
0x2ce: {  	v5 =	vmin.f32 v28, v10;
	v24 =	vadd.f32 v22, v6;
	v39 =	vld [tilespmem:s22+$0x0];
	v6 =	vmin.f32 v8, v9  }
0x2cf: {  	v8 =	vmax.f32 v17, v14;
	v17 =	vmin.f32 v5, v12;
	v22 =	vadd.f32 v23, v31;
	v10 =	vld [tilespmem:s22+$0xFFFFFFC0]  }
0x2d0: {  	v13 =	vadd.f32 v13, v25;
	v20 =	vmax.f32 v20, v4;
	v4 =	vmovc v35;
	v8 =	vmax.f32 v8, v9;
	v5 =	vld [tilespmem:s22+$0x10]  }
0x2d1: {  	v7 =	vmin.f32 v7, v37;
	v23 =	vmax.f32 v20, v37;
	v12 =	vadd.f32 v12, v27;
	v9 =	vmovc v33;
	v25 =	vld [tilespmem:s22+$0xFFFFFFD0]  }
0x2d2: {  	v28 =	vadd.f32 v21, v13;
	v37 =	vadd.f32 v16, v22;
	v40 =	vmax.f32 v8, v2;
	v20 =	vld [tilespmem:s22+$0xFFFFFFB0];
	v14 =	vmovc v38  }
0x2d3: {  	v42 =	vmin.f32 v17, v3;
	v22 =	vmin.f32 v6, v2;
	v2 =	vmovc v32;
	v41 =	vld [tilespmem:s22+$0xFFFFFFA0];
	v13 =	vmul.f32 v39, v39  }
0x2d4: {  	v6 =	vmul.f32 v35, v4;
	v45 =	vadd.f32 v3, v12;
	v3 =	vmovc v34;
	v44 =	vmul.f32 v32, v2;
	v43 =	vld [tilespmem:s22+$0xFFFFFFE0]  }
0x2d5: {  	v33 =	vmul.f32 v33, v9;
	v16 =	vmul.f32 v11, v11;
	v12 =	vmov v39;
	v8 =	vld [tilespmem:s22+$0xFFFFFF80]  }
0x2d6: {  	v32 =	vmul.f32 v38, v14;
	v29 =	vadd.f32 v25, v29;
	v17 =	vmul.f32 v25, v25  }
0x2d7: {  	v38 =	vmul.f32 v10, v10;
	v7 =	vmin.f32 v7, v25;
	v35 =	vmul.f32 v20, v20  }
0x2d8: {  	v21 =	vmul.f32 v34, v3;
	v39 =	vadd.f32 v41, v26;
	v27 =	vadd.f32 v17, v24;
	v26 =	vld [tilespmem:s22+$0x20]  }
0x2d9: {  	v19 =	vadd.f32 v20, v19;
	v24 =	vmin.f32 v30, v41;
	v31 =	vmul.f32 v43, v43  }
0x2da: {  	v17 =	vmax.f32 v40, v20;
	v18 =	vadd.f32 v35, v18;
	v34 =	vmul.f32 v8, v8  }
0x2db: {  	v29 =	vadd.f32 v5, v29;
	v35 =	vmin.f32 v24, v43;
	v30 =	vadd.f32 v43, v39  }
0x2dc: {  	v24 =	vmax.f32 v23, v25;
	v39 =	vmul.f32 v41, v41;
	v18 =	vadd.f32 v32, v18  }
.Ltmp5:
0x2dd: {  	v19 =	vadd.f32 v14, v19;
	v23 =	vmul.f32 v26, v26;
	v32 =	vmin.f32 v35, v26;
	(pc) =	sbr.rel @p0 .LBB2_12-.Ltmp5, $4  }
0x2de: {  	v25 =	vadd.f32 v34, v28;
	v34 =	vmul.f32 v5, v5;
	v18 =	vadd.f32 v33, v18  }
0x2df: {  	v19 =	vadd.f32 v9, v19;
	v28 =	vmax.f32 v36, v41;
	v35 =	vadd.f32 v39, v37  }
0x2e0: {  	v33 =	vadd.f32 v8, v45;
	v36 =	vmax.f32 v28, v43;
	v25 =	vadd.f32 v38, v25  }
0x2e1: {  	s22 =	sadd.s32 $0x100, s22;
	v28 =	vmin.f32 v42, v8;
	v19 =	vadd.f32 v2, v19;
	v18 =	vadd.f32 v44, v18  }
0x2e2: {  	[tilespmem:s16], [sflag:$0x2] =	stream.linear.gather [hbm4b:s11+s3], $0x8000, $0x38;
	[tilespmem:$0x10600] =	vst v63  }
0x2e3: {  	_ =	swait.ge [sflag:s17], $0x8000  }
0x2e4: {  	[sflag:s17] =	ssyncset.done $0x0  }
0x2e5: {  	v31 =	vadd.f32 v31, v35;
	v27 =	vadd.f32 v34, v27;
	s21 =	simm.s32 $0x80;
	[sflag:s17] =	ssyncadd.s32 $0xFFFF8000  }
0x2e6: {  	v56 =	vmax.f32 v36, v26;
	v26 =	vadd.f32 v26, v30;
	v15 =	vmax.f32 v15, v8;
	v57 =	vld [tilespmem:s21+$0xFFFFFF90]  }
0x2e7: {  	v30 =	vmin.f32 v32, v11;
	v36 =	vmax.f32 v56, v11;
	v15 =	vmax.f32 v15, v10;
	v8 =	vld [tilespmem:s21+$0x50]  }
0x2e8: {  	v27 =	vadd.f32 v6, v27;
	v26 =	vadd.f32 v11, v26;
	v11 =	vmax.f32 v15, v12;
	v6 =	vld [tilespmem:s21+$0x70]  }
0x2e9: {  	v29 =	vadd.f32 v4, v29;
	v20 =	vmin.f32 v22, v20;
	v15 =	vmax.f32 v11, v3;
	v11 =	vld [tilespmem:s21+$0x30]  }
0x2ea: {  	v20 =	vmin.f32 v20, v14;
	v14 =	vmax.f32 v17, v14;
	v17 =	vadd.f32 v13, v25;
	v13 =	vld [tilespmem:s21+$0x0]  }
0x2eb: {  	v33 =	vadd.f32 v10, v33;
	v10 =	vmin.f32 v28, v10;
	v25 =	vmax.f32 v14, v9;
	v14 =	vld [tilespmem:s21+$0xFFFFFFF0]  }
0x2ec: {  	v58 =	vmin.f32 v7, v5;
	v20 =	vmin.f32 v20, v9;
	v10 =	vmin.f32 v10, v12;
	v9 =	vld [tilespmem:s21+$0xFFFFFFC0]  }
0x2ed: {  	v24 =	vmax.f32 v24, v5;
	v23 =	vadd.f32 v23, v31;
	v37 =	vmin.f32 v10, v3;
	v10 =	vld [tilespmem:s21+$0xFFFFFFB0]  }
0x2ee: {  	v22 =	vmin.f32 v58, v4;
	v4 =	vmax.f32 v24, v4;
	v12 =	vadd.f32 v12, v33;
	v38 =	vld [tilespmem:s21+$0xFFFFFFA0]  }
0x2ef: {  	v28 =	vadd.f32 v21, v17;
	v21 =	vmin.f32 v20, v2;
	v59 =	vadd.f32 v16, v23;
	v39 =	vld [tilespmem:s21+$0xFFFFFFE0]  }
0x2f0: {  	v23 =	vmax.f32 v25, v2;
	v25 =	vadd.f32 v3, v12;
	v2 =	vld [tilespmem:s21+$0xFFFFFF80];
	v16 =	vmul.f32 v57, v57  }
0x2f1: {  	v17 =	vld [tilespmem:s21+$0x10];
	v20 =	vadd.f32 v57, v29;
	v12 =	vmul.f32 v13, v13;
	v3 =	vmul.f32 v8, v8  }
0x2f2: {  	v24 =	vld [tilespmem:s21+$0xFFFFFFD0];
	v22 =	vmin.f32 v22, v57;
	v40 =	vmul.f32 v6, v6;
	v60 =	vmul.f32 v11, v11  }
0x2f3: {  	v32 =	vmax.f32 v4, v57;
	v61 =	vmul.f32 v14, v14;
	v41 =	vmul.f32 v10, v10  }
0x2f4: {  	v42 =	vmul.f32 v9, v9;
	v43 =	vadd.f32 v38, v26;
	v44 =	vmin.f32 v30, v38  }
0x2f5: {  	v19 =	vadd.f32 v10, v19;
	v31 =	vmul.f32 v39, v39;
	v45 =	vmul.f32 v2, v2  }
0x2f6: {  	v5 =	vld [tilespmem:s21+$0x60];
	v63 =	vmul.f32 v38, v38;
	v34 =	vmul.f32 v17, v17;
	v36 =	vmax.f32 v36, v38  }
0x2f7: {  	v33 =	vadd.f32 v2, v25;
	v4 =	vmin.f32 v22, v24;
	v22 =	vmax.f32 v23, v10  }
0x2f8: {  	v7 =	vld [tilespmem:s21+$0x40];
	v62 =	vmin.f32 v44, v39;
	v27 =	vadd.f32 v16, v27;
	v29 =	vadd.f32 v24, v20  }
0x2f9: {  	v26 =	vld [tilespmem:s21+$0x20];
	v36 =	vmax.f32 v36, v39;
	v18 =	vadd.f32 v41, v18;
	v30 =	vadd.f32 v39, v43  }
0x2fa: {  	v20 =	vmul.f32 v24, v24;
	v19 =	vadd.f32 v14, v19;
	v28 =	vadd.f32 v45, v28  }
0x2fb: {  	v16 =	vmul.f32 v5, v5;
	v35 =	vadd.f32 v63, v59;
	v18 =	vadd.f32 v61, v18  }
0x2fc: {  	v24 =	vmax.f32 v32, v24;
	v27 =	vadd.f32 v20, v27;
	v29 =	vadd.f32 v17, v29  }
0x2fd: {  	v20 =	vmul.f32 v7, v7;
	v19 =	vadd.f32 v11, v19;
	v18 =	vadd.f32 v60, v18  }
0x2fe: {  	v25 =	vadd.f32 v42, v28;
	v28 =	vmin.f32 v37, v2;
	v23 =	vmul.f32 v26, v26  }
0x2ff: {  	s22 =	simm.s32 $0x180;
	s21 =	simm.s32 $0x0;
	v32 =	vmin.f32 v62, v26;
	v19 =	vadd.f32 v6, v19;
	v18 =	vadd.f32 v40, v18  }
.LBB2_14:
0x300: {  	v37 =	vld [tilespmem:s22+$0xFFFFFF90];
	s21 =	sadd.s32 $0x100, s21;
	v31 =	vadd.f32 v31, v35;
	v27 =	vadd.f32 v34, v27;
	v34 =	vmax.f32 v36, v26  }
0x301: {  	v26 =	vadd.f32 v26, v30;
	v30 =	vmin.f32 v32, v5;
	v35 =	vld [tilespmem:s22+$0x50];
	p0 =	slt.u32 s21, $0x7F00;
	v36 =	vmax.f32 v34, v5  }
0x302: {  	v2 =	vmax.f32 v15, v2;
	v29 =	vadd.f32 v8, v29;
	v32 =	vld [tilespmem:s22+$0x70];
	v3 =	vadd.f32 v3, v27  }
0x303: {  	v2 =	vmax.f32 v2, v9;
	v27 =	vadd.f32 v9, v33;
	v26 =	vadd.f32 v5, v26;
	v34 =	vld [tilespmem:s22+$0x40]  }
0x304: {  	v10 =	vmin.f32 v21, v10;
	v4 =	vmin.f32 v4, v17;
	v2 =	vmax.f32 v2, v13;
	v33 =	vld [tilespmem:s22+$0x30]  }
0x305: {  	v15 =	vmax.f32 v2, v7;
	v2 =	vmin.f32 v4, v8;
	v21 =	vmul.f32 v37, v37;
	v5 =	vld [tilespmem:s22+$0x60]  }
0x306: {  	v24 =	vmax.f32 v24, v17;
	v10 =	vmin.f32 v10, v14;
	v4 =	vadd.f32 v37, v29;
	v29 =	vld [tilespmem:s22+$0xFFFFFFF0]  }
0x307: {  	v38 =	vadd.f32 v21, v3;
	v39 =	vld [tilespmem:s22+$0x0];
	v3 =	vmin.f32 v28, v9;
	v21 =	vmin.f32 v10, v11  }
0x308: {  	v31 =	vadd.f32 v23, v31;
	v10 =	vmax.f32 v22, v14;
	v9 =	vld [tilespmem:s22+$0xFFFFFFC0];
	v3 =	vmin.f32 v3, v13  }
0x309: {  	v12 =	vadd.f32 v12, v25;
	v22 =	vmax.f32 v10, v11;
	v10 =	vmax.f32 v24, v8;
	v8 =	vmovc v35;
	v17 =	vld [tilespmem:s22+$0x10]  }
0x30a: {  	v23 =	vmin.f32 v2, v37;
	v2 =	vadd.f32 v13, v27;
	v24 =	vmax.f32 v10, v37;
	v11 =	vmovc v33;
	v25 =	vld [tilespmem:s22+$0xFFFFFFD0]  }
0x30b: {  	v28 =	vadd.f32 v20, v12;
	v37 =	vadd.f32 v16, v31;
	v22 =	vmax.f32 v22, v6;
	v10 =	vld [tilespmem:s22+$0xFFFFFFB0];
	v14 =	vmovc v29  }
0x30c: {  	v21 =	vmin.f32 v21, v6;
	v41 =	vmin.f32 v3, v7;
	v6 =	vmovc v32;
	v40 =	vld [tilespmem:s22+$0xFFFFFFA0];
	v12 =	vmul.f32 v39, v39  }
0x30d: {  	v44 =	vadd.f32 v7, v2;
	v3 =	vmul.f32 v35, v8;
	v7 =	vmovc v34;
	v43 =	vmul.f32 v32, v6;
	v42 =	vld [tilespmem:s22+$0xFFFFFFE0]  }
0x30e: {  	v33 =	vmul.f32 v33, v11;
	v16 =	vmul.f32 v5, v5;
	v13 =	vmov v39;
	v2 =	vld [tilespmem:s22+$0xFFFFFF80]  }
0x30f: {  	v35 =	vmul.f32 v29, v14;
	v32 =	vadd.f32 v25, v4;
	v20 =	vmul.f32 v25, v25  }
0x310: {  	v39 =	vmul.f32 v9, v9;
	v4 =	vmin.f32 v23, v25;
	v29 =	vmul.f32 v10, v10  }
0x311: {  	v23 =	vadd.f32 v40, v26;
	v27 =	vadd.f32 v20, v38;
	v26 =	vld [tilespmem:s22+$0x20];
	v20 =	vmul.f32 v34, v7  }
0x312: {  	v19 =	vadd.f32 v10, v19;
	v34 =	vmin.f32 v30, v40;
	v31 =	vmul.f32 v42, v42  }
0x313: {  	v22 =	vmax.f32 v22, v10;
	v18 =	vadd.f32 v29, v18;
	v38 =	vmul.f32 v2, v2  }
0x314: {  	v34 =	vmin.f32 v34, v42;
	v29 =	vadd.f32 v17, v32;
	v30 =	vadd.f32 v42, v23  }
0x315: {  	v24 =	vmax.f32 v24, v25;
	v45 =	vmul.f32 v40, v40;
	v18 =	vadd.f32 v35, v18  }
.Ltmp6:
0x316: {  	v19 =	vadd.f32 v14, v19;
	v23 =	vmul.f32 v26, v26;
	v32 =	vmin.f32 v34, v26;
	(pc) =	sbr.rel @p0 .LBB2_14-.Ltmp6, $4  }
0x317: {  	v25 =	vadd.f32 v38, v28;
	v34 =	vmul.f32 v17, v17;
	v18 =	vadd.f32 v33, v18  }
0x318: {  	v35 =	vadd.f32 v45, v37;
	v19 =	vadd.f32 v11, v19;
	v28 =	vmax.f32 v36, v40  }
0x319: {  	v33 =	vadd.f32 v2, v44;
	v36 =	vmax.f32 v28, v42;
	v25 =	vadd.f32 v39, v25  }
0x31a: {  	s22 =	sadd.s32 $0x100, s22;
	v28 =	vmin.f32 v41, v2;
	v19 =	vadd.f32 v6, v19;
	v18 =	vadd.f32 v43, v18  }
0x31b: {  	_ =	swait.ge [sflag:s18], $0x8000  }
0x31c: {  	v31 =	vadd.f32 v31, v35;
	[sflag:s18] =	ssyncset.done $0x0  }
0x31d: {  	v27 =	vadd.f32 v34, v27;
	s21 =	simm.s32 $0x8080;
	v53 =	vmax.f32 v36, v26;
	v26 =	vadd.f32 v26, v30;
	[sflag:s18] =	ssyncadd.s32 $0xFFFF8000  }
0x31e: {  	v30 =	vmin.f32 v32, v5;
	v15 =	vmax.f32 v15, v2;
	v33 =	vadd.f32 v9, v33;
	v54 =	vld [tilespmem:s21+$0xFFFFFF90]  }
0x31f: {  	v21 =	vmin.f32 v21, v10;
	v55 =	vmax.f32 v53, v5;
	v15 =	vmax.f32 v15, v9;
	v2 =	vld [tilespmem:s21+$0x50]  }
0x320: {  	v27 =	vadd.f32 v3, v27;
	v26 =	vadd.f32 v5, v26;
	v5 =	vmax.f32 v15, v13;
	v3 =	vld [tilespmem:s21+$0x70]  }
0x321: {  	v21 =	vmin.f32 v21, v14;
	v14 =	vmax.f32 v22, v14;
	v10 =	vmax.f32 v5, v7;
	v5 =	vld [tilespmem:s21+$0x30]  }
0x322: {  	v15 =	vmin.f32 v4, v17;
	v17 =	vmax.f32 v24, v17;
	v24 =	vmin.f32 v28, v9;
	v9 =	vld [tilespmem:s21+$0x60]  }
0x323: {  	v29 =	vadd.f32 v8, v29;
	v21 =	vmin.f32 v21, v11;
	v14 =	vmax.f32 v14, v11;
	v11 =	vld [tilespmem:s21+$0xFFFFFFF0]  }
0x324: {  	v22 =	vadd.f32 v12, v25;
	v15 =	vmin.f32 v15, v8;
	v17 =	vmax.f32 v17, v8;
	v8 =	vld [tilespmem:s21+$0xFFFFFFC0]  }
0x325: {  	v23 =	vadd.f32 v23, v31;
	v25 =	vadd.f32 v13, v33;
	v37 =	vld [tilespmem:s21+$0xFFFFFFD0]  }
0x326: {  	v24 =	vmin.f32 v24, v13;
	v56 =	vadd.f32 v20, v22;
	v13 =	vmin.f32 v21, v6;
	v38 =	vld [tilespmem:s21+$0xFFFFFFE0]  }
0x327: {  	v57 =	vadd.f32 v16, v23;
	v24 =	vmin.f32 v24, v7;
	v25 =	vadd.f32 v7, v25;
	v7 =	vld [tilespmem:s21+$0xFFFFFFB0]  }
0x328: {  	v16 =	vmax.f32 v14, v6;
	v6 =	vld [tilespmem:s21+$0x10];
	v14 =	vmul.f32 v54, v54;
	v22 =	vmul.f32 v2, v2  }
0x329: {  	v12 =	vld [tilespmem:s21+$0x0];
	v39 =	vmul.f32 v3, v3;
	v58 =	vmul.f32 v5, v5  }
0x32a: {  	v23 =	vmin.f32 v15, v54;
	v15 =	vmul.f32 v9, v9;
	v28 =	vmul.f32 v37, v37  }
0x32b: {  	v4 =	vld [tilespmem:s21+$0x40];
	v20 =	vadd.f32 v54, v29;
	v41 =	vmul.f32 v11, v11;
	v42 =	vmul.f32 v8, v8  }
0x32c: {  	v29 =	vld [tilespmem:s21+$0xFFFFFFA0];
	v31 =	vmul.f32 v38, v38;
	v59 =	vmul.f32 v7, v7;
	v19 =	vadd.f32 v7, v19  }
0x32d: {  	v16 =	vmax.f32 v16, v7;
	v34 =	vmul.f32 v6, v6;
	v21 =	vadd.f32 v14, v27  }
0x32e: {  	v14 =	vmul.f32 v12, v12;
	v27 =	vmax.f32 v17, v54;
	v17 =	vld [tilespmem:s21+$0xFFFFFF80];
	v40 =	vadd.f32 v37, v20  }
0x32f: {  	v20 =	vmin.f32 v23, v37;
	v44 =	vadd.f32 v59, v18;
	v18 =	vmax.f32 v27, v37  }
0x330: {  	v23 =	vld [tilespmem:s21+$0x20];
	v19 =	vadd.f32 v11, v19;
	v28 =	vadd.f32 v28, v21;
	v21 =	vmul.f32 v4, v4  }
0x331: {  	v26 =	vadd.f32 v29, v26;
	v30 =	vmin.f32 v30, v29;
	v60 =	vmul.f32 v29, v29  }
0x332: {  	v61 =	vadd.f32 v41, v44;
	v63 =	vmax.f32 v55, v29;
	v19 =	vadd.f32 v5, v19  }
0x333: {  	v32 =	vmax.f32 v63, v38;
	v43 =	vmul.f32 v17, v17;
	v33 =	vadd.f32 v38, v26  }
0x334: {  	v26 =	vmin.f32 v30, v38;
	v30 =	vadd.f32 v6, v40;
	v37 =	vadd.f32 v58, v61  }
0x335: {  	v27 =	vmul.f32 v23, v23;
	v36 =	vadd.f32 v60, v57;
	v62 =	vadd.f32 v43, v56  }
0x336: {  	v35 =	vadd.f32 v17, v25;
	v25 =	vmin.f32 v24, v17;
	v24 =	vadd.f32 v3, v19  }
0x337: {  	s22 =	simm.s32 $0x8180;
	s21 =	simm.s32 $0x0;
	v26 =	vmin.f32 v26, v23;
	v19 =	vadd.f32 v39, v37;
	v29 =	vadd.f32 v42, v62  }
.LBB2_16:
0x338: {  	v37 =	vld [tilespmem:s22+$0xFFFFFF90];
	s21 =	sadd.s32 $0x100, s21;
	v31 =	vadd.f32 v31, v36;
	v28 =	vadd.f32 v34, v28;
	v32 =	vmax.f32 v32, v23  }
0x339: {  	v23 =	vadd.f32 v23, v33;
	v26 =	vmin.f32 v26, v9;
	v34 =	vld [tilespmem:s22+$0x50];
	p0 =	slt.u32 s21, $0x7F00;
	v32 =	vmax.f32 v32, v9  }
0x33a: {  	v10 =	vmax.f32 v10, v17;
	v17 =	vadd.f32 v2, v30;
	v33 =	vld [tilespmem:s22+$0x70];
	v22 =	vadd.f32 v22, v28  }
0x33b: {  	v10 =	vmax.f32 v10, v8;
	v28 =	vadd.f32 v8, v35;
	v23 =	vadd.f32 v9, v23;
	v30 =	vld [tilespmem:s22+$0x40]  }
0x33c: {  	v7 =	vmin.f32 v13, v7;
	v13 =	vmin.f32 v20, v6;
	v10 =	vmax.f32 v10, v12;
	v35 =	vld [tilespmem:s22+$0x30]  }
0x33d: {  	v13 =	vmin.f32 v13, v2;
	v10 =	vmax.f32 v10, v4;
	v20 =	vmul.f32 v37, v37;
	v9 =	vld [tilespmem:s22+$0x60]  }
0x33e: {  	v7 =	vmin.f32 v7, v11;
	v36 =	vadd.f32 v37, v17;
	v17 =	vmax.f32 v18, v6;
	v38 =	vld [tilespmem:s22+$0xFFFFFFF0]  }
0x33f: {  	v6 =	vmin.f32 v25, v8;
	v18 =	vadd.f32 v20, v22;
	v20 =	vld [tilespmem:s22+$0x0];
	v22 =	vmin.f32 v7, v5  }
0x340: {  	v31 =	vadd.f32 v27, v31;
	v7 =	vmax.f32 v16, v11;
	v16 =	vmin.f32 v6, v12;
	v8 =	vld [tilespmem:s22+$0xFFFFFFC0]  }
0x341: {  	v14 =	vadd.f32 v14, v29;
	v25 =	vmax.f32 v7, v5;
	v7 =	vmax.f32 v17, v2;
	v2 =	vmovc v34;
	v6 =	vld [tilespmem:s22+$0x10]  }
0x342: {  	v27 =	vmin.f32 v13, v37;
	v12 =	vadd.f32 v12, v28;
	v29 =	vmax.f32 v7, v37;
	v5 =	vmovc v35;
	v37 =	vld [tilespmem:s22+$0xFFFFFFD0]  }
0x343: {  	v39 =	vadd.f32 v21, v14;
	v40 =	vadd.f32 v15, v31;
	v25 =	vmax.f32 v25, v3;
	v7 =	vld [tilespmem:s22+$0xFFFFFFB0];
	v11 =	vmovc v38  }
0x344: {  	v42 =	vmin.f32 v16, v4;
	v13 =	vmin.f32 v22, v3;
	v3 =	vmovc v33;
	v41 =	vld [tilespmem:s22+$0xFFFFFFA0];
	v14 =	vmul.f32 v20, v20  }
0x345: {  	v22 =	vmul.f32 v34, v2;
	v45 =	vadd.f32 v4, v12;
	v4 =	vmovc v30;
	v44 =	vmul.f32 v33, v3;
	v43 =	vld [tilespmem:s22+$0xFFFFFFE0]  }
0x346: {  	v35 =	vmul.f32 v35, v5;
	v15 =	vmul.f32 v9, v9;
	v12 =	vmov v20;
	v17 =	vld [tilespmem:s22+$0xFFFFFF80]  }
0x347: {  	v34 =	vadd.f32 v37, v36;
	v16 =	vmul.f32 v37, v37;
	v36 =	vmul.f32 v38, v11  }
0x348: {  	v38 =	vmul.f32 v8, v8;
	v20 =	vmin.f32 v27, v37;
	v33 =	vmul.f32 v7, v7  }
0x349: {  	v21 =	vmul.f32 v30, v4;
	v27 =	vadd.f32 v41, v23;
	v28 =	vadd.f32 v16, v18;
	v23 =	vld [tilespmem:s22+$0x20]  }
0x34a: {  	v24 =	vadd.f32 v7, v24;
	v18 =	vmin.f32 v26, v41;
	v31 =	vmul.f32 v43, v43  }
0x34b: {  	v16 =	vmax.f32 v25, v7;
	v19 =	vadd.f32 v33, v19;
	v46 =	vmul.f32 v17, v17  }
0x34c: {  	v30 =	vadd.f32 v6, v34;
	v25 =	vmin.f32 v18, v43;
	v33 =	vadd.f32 v43, v27  }
0x34d: {  	v47 =	vmul.f32 v41, v41;
	v18 =	vmax.f32 v29, v37;
	v19 =	vadd.f32 v36, v19  }
.Ltmp7:
0x34e: {  	v24 =	vadd.f32 v11, v24;
	v27 =	vmul.f32 v23, v23;
	v26 =	vmin.f32 v25, v23;
	(pc) =	sbr.rel @p0 .LBB2_16-.Ltmp7, $4  }
0x34f: {  	v34 =	vmul.f32 v6, v6;
	v25 =	vadd.f32 v46, v39;
	v19 =	vadd.f32 v35, v19  }
0x350: {  	v32 =	vmax.f32 v32, v41;
	v36 =	vadd.f32 v47, v40;
	v24 =	vadd.f32 v5, v24  }
0x351: {  	v32 =	vmax.f32 v32, v43;
	v35 =	vadd.f32 v17, v45;
	v29 =	vadd.f32 v38, v25  }
0x352: {  	s22 =	sadd.s32 $0x100, s22;
	v24 =	vadd.f32 v3, v24;
	v25 =	vmin.f32 v42, v17;
	v19 =	vadd.f32 v44, v19  }
0x353: {  	v35 =	vadd.f32 v8, v35  }
0x354: {  	v31 =	vadd.f32 v31, v36  }
0x355: {  	v33 =	vadd.f32 v23, v33;
	v35 =	vadd.f32 v12, v35  }
0x356: {  	v28 =	vadd.f32 v34, v28;
	v30 =	vadd.f32 v2, v30  }
0x357: {  	v33 =	vadd.f32 v9, v33;
	v45 =	vadd.f32 v4, v35  }
0x358: {  	v14 =	vadd.f32 v14, v29;
	v27 =	vadd.f32 v27, v31  }
0x359: {  	v24 =	vadd.f32 v24, v33;
	v46 =	vadd.f32 v30, v45  }
0x35a: {  	v22 =	vadd.f32 v22, v28;
	v14 =	vadd.f32 v21, v14  }
0x35b: {  	v15 =	vadd.f32 v15, v27;
	v47 =	vadd.f32 v24, v46;
	_ =	sdelay $0x1  }
0x35c: {  	v14 =	vadd.f32 v22, v14;
	v15 =	vadd.f32 v19, v15;
	(xrf2) =	vadd.scan.msk.f32 $0xffff, v47;
	_ =	sdelay $0x1  }
0x35d: {  	v14 =	vadd.f32 v15, v14;
	_ =	sdelay $0x1  }
0x35e: {  	(xrf2) =	vadd.scan.msk.f32 $0xffff, v14;
	_ =	sdelay $0x5  }
0x35f: {  	v48, _, _ =	vpop (xrf2)  }
0x360: {  	v49 =	vmul.f32 v48, v48;
	_ =	sdelay $0x1  }
0x361: {  	v15 =	vmul.f32 $7.629394530e-06, v49  }
0x362: {  	v50, _, _ =	vpop (xrf2)  }
0x363: {  	v15 =	vsub.f32 v50, v15;
	_ =	sdelay $0x1  }
0x364: {  	v15 =	vmul.f32 $7.629452740e-06, v15;
	_ =	sdelay $0x1  }
0x365: {  	v15 =	vmax.f32 v15, $9.999999350e-39  }
0x366: {  	v15 =	vbroadcast v15, $0xF;
	_ =	sdelay $0x1  }
0x367: {  	v51 =	vshra.s32 v15, $0x1;
	v52 =	vmul.f32 $5.000000000e-01, v15  }
0x368: {  	v19 =	vsub.s32 $0x5F3759DF, v51  }
0x369: {  	v53 =	vmul.f32 v19, v52;
	_ =	sdelay $0x1  }
0x36a: {  	v22 =	vmul.f32 v19, v53;
	_ =	sdelay $0x1  }
0x36b: {  	v22 =	vsub.f32 $1.500000000e+00, v22;
	_ =	sdelay $0x1  }
0x36c: {  	v19 =	vmul.f32 v19, v22;
	_ =	sdelay $0x1  }
0x36d: {  	v22 =	vmul.f32 v19, v52;
	_ =	sdelay $0x1  }
0x36e: {  	v22 =	vmul.f32 v22, v19;
	_ =	sdelay $0x1  }
0x36f: {  	v22 =	vsub.f32 $1.500000000e+00, v22;
	_ =	sdelay $0x1  }
0x370: {  	v19 =	vmul.f32 v22, v19;
	_ =	sdelay $0x1  }
0x371: {  	v22 =	vmul.f32 v19, v52;
	_ =	sdelay $0x1  }
0x372: {  	v22 =	vmul.f32 v22, v19;
	_ =	sdelay $0x1  }
0x373: {  	v22 =	vsub.f32 $1.500000000e+00, v22;
	_ =	sdelay $0x1  }
0x374: {  	v19 =	vmul.f32 v22, v19;
	_ =	sdelay $0x1  }
0x375: {  	v54 =	vmax.f32 v32, v23;
	v22 =	vmul.f32 v19, v52  }
0x376: {  	v55 =	vmin.f32 v26, v9;
	v10 =	vmax.f32 v10, v17;
	v57 =	vmin.f32 v20, v6  }
0x377: {  	v7 =	vmin.f32 v13, v7;
	v60 =	vmin.f32 v25, v8;
	v22 =	vmul.f32 v22, v19  }
0x378: {  	v62 =	vmax.f32 v18, v6;
	v16 =	vmax.f32 v16, v11;
	v56 =	vmax.f32 v54, v9  }
0x379: {  	v10 =	vmax.f32 v10, v8;
	v59 =	vmin.f32 v57, v2;
	v58 =	vsub.f32 $1.500000000e+00, v22  }
0x37a: {  	v7 =	vmin.f32 v7, v11;
	v8 =	vmin.f32 v60, v12;
	v18 =	vmax.f32 v16, v5  }
0x37b: {  	v2 =	vmax.f32 v62, v2;
	v7 =	vmin.f32 v7, v5;
	v61 =	vmul.f32 v58, v19  }
0x37c: {  	v10 =	vmax.f32 v10, v12;
	v8 =	vmin.f32 v8, v4;
	v7 =	vmin.f32 v7, v3  }
0x37d: {  	v8 =	vmin.f32 v8, v59;
	v7 =	vmin.f32 v55, v7;
	v63 =	vmul.f32 v61, v52  }
0x37e: {  	v20 =	vmax.f32 v10, v4;
	v3 =	vmax.f32 v18, v3;
	v7 =	vmin.f32 v8, v7  }
0x37f: {  	v2 =	vmax.f32 v20, v2;
	v3 =	vmax.f32 v56, v3;
	(xrf0) =	vmin.scan.msk.f32 $0xffff, v7;
	v19 =	vmul.f32 v63, v61  }
0x380: {  	v2 =	vmax.f32 v2, v3;
	v3 =	vmul.f32 $7.629394530e-06, v48  }
0x381: {  	(xrf0) =	vmax.scan.msk.f32 $0xffff, v2;
	v21 =	vsub.f32 $1.500000000e+00, v19  }
0x382: {  	v2 =	vbroadcast v3, $0xF  }
0x383: {  	v4 =	vmul.f32 v21, v61  }
0x384: {  	v23 =	vshrl.u32 v2, $0x10  }
0x385: {  	v24 =	vld [tilespmem:$0x10000];
	v5 =	vand.u32 $0x1, v23;
	v22, _, _ =	vpop (xrf0);
	v3 =	vmul.f32 v4, v15  }
0x386: {  	v26 =	vld [tilespmem:$0x10100];
	v2 =	vadd.s32 v5, v2;
	v4 =	vbroadcast v22, $0xF  }
0x387: {  	v27 =	vld [tilespmem:$0x10040];
	v2 =	vadd.s32 $0x7FFF, v2;
	v29, _, _ =	vpop (xrf0);
	v25 =	vshrl.u32 v3, $0x10  }
0x388: {  	v30 =	vbroadcast v29, $0xF;
	v28 =	vshrl.u32 v4, $0x10;
	v7 =	vand.u32 $0x1, v25  }
0x389: {  	v31 =	vld [tilespmem:$0x10080];
	v7 =	vadd.s32 v7, v3;
	v3 =	vand.u32 $0xFFFF0000, v2;
	v2 =	vand.u32 $0x1, v28  }
0x38a: {  	v7 =	vadd.s32 $0x7FFF, v7;
	v4 =	vadd.s32 v2, v4;
	v6 =	vmul.f32 v3, v24  }
0x38b: {  	v33 =	vld [tilespmem:$0x100C0];
	v32 =	vshrl.u32 v30, $0x10;
	v2 =	vand.u32 $0xFFFF0000, v7;
	v4 =	vadd.s32 $0x7FFF, v4  }
0x38c: {  	v7 =	vand.u32 $0x1, v32;
	v6 =	vadd.f32 v6, v26;
	v34 =	vmul.f32 v2, v27  }
0x38d: {  	v5 =	vand.u32 $0xFFFF0000, v4;
	v35 =	vadd.s32 v7, v30  }
0x38e: {  	v4 =	vadd.s32 $0x7FFF, v35;
	v36 =	vmul.f32 v5, v31;
	v6 =	vadd.f32 v34, v6  }
0x38f: {  	v4 =	vand.u32 $0xFFFF0000, v4  }
0x390: {  	v37 =	vmul.f32 v4, v33;
	v6 =	vadd.f32 v36, v6;
	_ =	sdelay $0x1  }
0x391: {  	v6 =	vadd.f32 v37, v6;
	_ =	sdelay $0x1  }
0x392: {  	v6 =	vmax.f32 v6, $0.0e+00  }
0x393: {  	v38 =	vshrl.u32 v6, $0x10  }
0x394: {  	v7 =	vand.u32 $0x1, v38  }
0x395: {  	v39 =	vld [tilespmem:$0x10140];
	v6 =	vadd.s32 v7, v6  }
0x396: {  	v40 =	vld [tilespmem:$0x10540];
	v6 =	vadd.s32 $0x7FFF, v6  }
0x397: {  	v41 =	vld [tilespmem:$0x10150];
	v6 =	vand.u32 $0xFFFF0000, v6  }
0x398: {  	v42 =	vbroadcast v6, $0x0  }
0x399: {  	v43 =	vld [tilespmem:$0x10160]  }
0x39a: {  	v44 =	vbroadcast v6, $0x1;
	v7 =	vmul.f32 v39, v42  }
0x39b: {  	v45 =	vld [tilespmem:$0x10170]  }
0x39c: {  	v48 =	vbroadcast v6, $0x2;
	v47 =	vmul.f32 v41, v44;
	v7 =	vadd.f32 v7, v40  }
0x39d: {  	v49 =	vld [tilespmem:$0x10180]  }
0x39e: {  	v52 =	vbroadcast v6, $0x3;
	v51 =	vmul.f32 v43, v48;
	v7 =	vadd.f32 v47, v7  }
0x39f: {  	v53 =	vld [tilespmem:$0x10190]  }
0x3a0: {  	v54 =	vld [tilespmem:$0x10050];
	v56 =	vbroadcast v6, $0x4;
	v55 =	vmul.f32 v45, v52;
	v7 =	vadd.f32 v51, v7  }
0x3a1: {  	v57 =	vld [tilespmem:$0x101A0]  }
0x3a2: {  	v50 =	vld [tilespmem:$0x10010];
	v60 =	vbroadcast v6, $0x5;
	v59 =	vmul.f32 v49, v56;
	v7 =	vadd.f32 v55, v7  }
0x3a3: {  	v62 =	vld [tilespmem:$0x101B0]  }
0x3a4: {  	v46 =	vld [tilespmem:$0x10110];
	v21 =	vbroadcast v6, $0x6;
	v20 =	vmul.f32 v53, v60;
	v7 =	vadd.f32 v59, v7  }
0x3a5: {  	v23 =	vld [tilespmem:$0x101C0]  }
0x3a6: {  	v58 =	vld [tilespmem:$0x10090];
	v25 =	vbroadcast v6, $0x7;
	v24 =	vmul.f32 v57, v21;
	v7 =	vadd.f32 v20, v7  }
0x3a7: {  	v61 =	vmul.f32 v3, v50;
	v27 =	vld [tilespmem:$0x101D0]  }
0x3a8: {  	v63 =	vld [tilespmem:$0x100D0];
	v29 =	vbroadcast v6, $0x8;
	v28 =	vmul.f32 v62, v25;
	v7 =	vadd.f32 v24, v7  }
0x3a9: {  	v10 =	vadd.f32 v61, v46;
	v22 =	vmul.f32 v2, v54;
	v31 =	vld [tilespmem:$0x101E0]  }
0x3aa: {  	v33 =	vbroadcast v6, $0x9;
	v32 =	vmul.f32 v23, v29;
	v7 =	vadd.f32 v28, v7  }
0x3ab: {  	v26 =	vmul.f32 v5, v58;
	v10 =	vadd.f32 v22, v10;
	v34 =	vld [tilespmem:$0x101F0]  }
0x3ac: {  	v36 =	vbroadcast v6, $0xA;
	v35 =	vmul.f32 v27, v33;
	v7 =	vadd.f32 v32, v7  }
0x3ad: {  	v30 =	vmul.f32 v4, v63;
	v10 =	vadd.f32 v26, v10;
	v37 =	vld [tilespmem:$0x10200]  }
0x3ae: {  	v38 =	vmul.f32 v31, v36;
	v39 =	vbroadcast v6, $0xB;
	v7 =	vadd.f32 v35, v7  }
0x3af: {  	v10 =	vadd.f32 v30, v10;
	v41 =	vld [tilespmem:$0x10210]  }
0x3b0: {  	v43 =	vbroadcast v6, $0xC;
	v42 =	vmul.f32 v34, v39;
	v7 =	vadd.f32 v38, v7  }
0x3b1: {  	v10 =	vmax.f32 v10, $0.0e+00;
	v45 =	vld [tilespmem:$0x10220]  }
0x3b2: {  	v46 =	vmul.f32 v37, v43;
	v47 =	vbroadcast v6, $0xD;
	v7 =	vadd.f32 v42, v7  }
0x3b3: {  	v50 =	vbroadcast v6, $0xE;
	v48 =	vld [tilespmem:$0x10230];
	v40 =	vshrl.u32 v10, $0x10  }
0x3b4: {  	v44 =	vand.u32 $0x1, v40;
	v49 =	vmul.f32 v41, v47;
	v7 =	vadd.f32 v46, v7  }
0x3b5: {  	v10 =	vadd.s32 v44, v10;
	v6 =	vbroadcast v6, $0xF;
	v51 =	vld [tilespmem:$0x10240]  }
0x3b6: {  	v10 =	vadd.s32 $0x7FFF, v10;
	v52 =	vmul.f32 v45, v50;
	v7 =	vadd.f32 v49, v7  }
0x3b7: {  	v53 =	vld [tilespmem:$0x10250];
	v9 =	vand.u32 $0xFFFF0000, v10  }
0x3b8: {  	v6 =	vmul.f32 v48, v6;
	v54 =	vbroadcast v9, $0x0;
	v7 =	vadd.f32 v52, v7  }
0x3b9: {  	v55 =	vld [tilespmem:$0x10260]  }
0x3ba: {  	v57 =	vbroadcast v9, $0x1;
	v56 =	vmul.f32 v51, v54;
	v6 =	vadd.f32 v6, v7  }
0x3bb: {  	v58 =	vld [tilespmem:$0x10270]  }
0x3bc: {  	v61 =	vbroadcast v9, $0x2;
	v60 =	vmul.f32 v53, v57;
	v6 =	vadd.f32 v56, v6  }
0x3bd: {  	v62 =	vld [tilespmem:$0x10280]  }
0x3be: {  	v20 =	vbroadcast v9, $0x3;
	v19 =	vmul.f32 v55, v61;
	v6 =	vadd.f32 v60, v6  }
0x3bf: {  	v21 =	vld [tilespmem:$0x10290]  }
0x3c0: {  	v22 =	vld [tilespmem:$0x10060];
	v23 =	vmul.f32 v58, v20;
	v24 =	vbroadcast v9, $0x4;
	v6 =	vadd.f32 v19, v6  }
0x3c1: {  	v25 =	vld [tilespmem:$0x102A0]  }
0x3c2: {  	v63 =	vld [tilespmem:$0x10020];
	v27 =	vmul.f32 v62, v24;
	v28 =	vbroadcast v9, $0x5;
	v6 =	vadd.f32 v23, v6  }
0x3c3: {  	v30 =	vld [tilespmem:$0x102B0]  }
0x3c4: {  	v33 =	vbroadcast v9, $0x6;
	v59 =	vld [tilespmem:$0x10120];
	v32 =	vmul.f32 v21, v28;
	v6 =	vadd.f32 v27, v6  }
0x3c5: {  	v35 =	vld [tilespmem:$0x102C0]  }
0x3c6: {  	v39 =	vld [tilespmem:$0x102D0];
	v37 =	vbroadcast v9, $0x7;
	v36 =	vmul.f32 v25, v33;
	v6 =	vadd.f32 v32, v6  }
0x3c7: {  	v26 =	vld [tilespmem:$0x100A0];
	v29 =	vmul.f32 v3, v63  }
0x3c8: {  	v43 =	vld [tilespmem:$0x102E0];
	v41 =	vbroadcast v9, $0x8;
	v40 =	vmul.f32 v30, v37;
	v6 =	vadd.f32 v36, v6  }
0x3c9: {  	v31 =	vld [tilespmem:$0x100E0];
	v34 =	vmul.f32 v2, v22;
	v45 =	vbroadcast v9, $0x9  }
0x3ca: {  	v10 =	vadd.f32 v29, v59;
	v44 =	vmul.f32 v35, v41;
	v6 =	vadd.f32 v40, v6  }
0x3cb: {  	v48 =	vbroadcast v9, $0xA;
	v47 =	vmul.f32 v39, v45;
	v46 =	vld [tilespmem:$0x102F0]  }
0x3cc: {  	v10 =	vadd.f32 v34, v10;
	v38 =	vmul.f32 v5, v26;
	v6 =	vadd.f32 v44, v6  }
0x3cd: {  	v50 =	vmul.f32 v43, v48;
	v51 =	vbroadcast v9, $0xB;
	v49 =	vld [tilespmem:$0x10300]  }
0x3ce: {  	v10 =	vadd.f32 v38, v10;
	v42 =	vmul.f32 v4, v31;
	v6 =	vadd.f32 v47, v6  }
0x3cf: {  	v53 =	vld [tilespmem:$0x10310];
	v55 =	vbroadcast v9, $0xC  }
0x3d0: {  	v10 =	vadd.f32 v42, v10;
	v54 =	vmul.f32 v46, v51;
	v6 =	vadd.f32 v50, v6  }
0x3d1: {  	v57 =	vld [tilespmem:$0x10320];
	v59 =	vbroadcast v9, $0xD  }
0x3d2: {  	v10 =	vmax.f32 v10, $0.0e+00;
	v58 =	vmul.f32 v49, v55;
	v6 =	vadd.f32 v54, v6  }
0x3d3: {  	v62 =	vbroadcast v9, $0xE;
	v52 =	vshrl.u32 v10, $0x10;
	v60 =	vld [tilespmem:$0x10330]  }
0x3d4: {  	v61 =	vmul.f32 v53, v59;
	v56 =	vand.u32 $0x1, v52;
	v6 =	vadd.f32 v58, v6  }
0x3d5: {  	v63 =	vld [tilespmem:$0x10340];
	v15 =	vbroadcast v9, $0xF;
	v10 =	vadd.s32 v56, v10  }
0x3d6: {  	v14 =	vmul.f32 v57, v62;
	v10 =	vadd.s32 $0x7FFF, v10;
	v6 =	vadd.f32 v61, v6  }
0x3d7: {  	v16 =	vld [tilespmem:$0x10350];
	v9 =	vand.u32 $0xFFFF0000, v10  }
0x3d8: {  	v18 =	vbroadcast v9, $0x0;
	v17 =	vmul.f32 v60, v15;
	v6 =	vadd.f32 v14, v6  }
0x3d9: {  	v19 =	vld [tilespmem:$0x10360]  }
0x3da: {  	v21 =	vbroadcast v9, $0x1;
	v20 =	vmul.f32 v63, v18;
	v6 =	vadd.f32 v17, v6  }
0x3db: {  	v22 =	vld [tilespmem:$0x10370]  }
0x3dc: {  	v30 =	vld [tilespmem:$0x10390];
	v25 =	vbroadcast v9, $0x2;
	v24 =	vmul.f32 v16, v21;
	v6 =	vadd.f32 v20, v6  }
0x3dd: {  	v26 =	vld [tilespmem:$0x10380]  }
0x3de: {  	v29 =	vbroadcast v9, $0x3;
	v27 =	vld [tilespmem:$0x10030];
	v28 =	vmul.f32 v19, v25;
	v6 =	vadd.f32 v24, v6  }
0x3df: {  	v31 =	vld [tilespmem:$0x10070]  }
0x3e0: {  	v33 =	vbroadcast v9, $0x4;
	v23 =	vld [tilespmem:$0x10130];
	v32 =	vmul.f32 v22, v29;
	v6 =	vadd.f32 v28, v6  }
0x3e1: {  	v34 =	vld [tilespmem:$0x103A0]  }
0x3e2: {  	v35 =	vld [tilespmem:$0x100B0];
	v37 =	vbroadcast v9, $0x5;
	v36 =	vmul.f32 v26, v33;
	v6 =	vadd.f32 v32, v6  }
0x3e3: {  	v38 =	vld [tilespmem:$0x103B0];
	v3 =	vmul.f32 v3, v27  }
0x3e4: {  	v39 =	vld [tilespmem:$0x100F0];
	v41 =	vbroadcast v9, $0x6;
	v40 =	vmul.f32 v30, v37;
	v6 =	vadd.f32 v36, v6  }
0x3e5: {  	v42 =	vld [tilespmem:$0x103C0];
	v2 =	vmul.f32 v2, v31;
	v3 =	vadd.f32 v3, v23  }
0x3e6: {  	v43 =	vmul.f32 v34, v41;
	v44 =	vbroadcast v9, $0x7;
	v6 =	vadd.f32 v40, v6  }
0x3e7: {  	v45 =	vld [tilespmem:$0x103D0];
	v2 =	vadd.f32 v2, v3;
	v3 =	vmul.f32 v5, v35  }
0x3e8: {  	v46 =	vmul.f32 v38, v44;
	v47 =	vbroadcast v9, $0x8;
	v6 =	vadd.f32 v43, v6  }
0x3e9: {  	v48 =	vld [tilespmem:$0x103E0];
	v2 =	vadd.f32 v3, v2;
	v3 =	vmul.f32 v4, v39  }
0x3ea: {  	v49 =	vmul.f32 v42, v47;
	v50 =	vbroadcast v9, $0x9;
	v6 =	vadd.f32 v46, v6  }
0x3eb: {  	v2 =	vadd.f32 v3, v2;
	v3 =	vld [tilespmem:$0x103F0]  }
0x3ec: {  	v52 =	vld [tilespmem:$0x10400];
	v51 =	vbroadcast v9, $0xA;
	v5 =	vmul.f32 v45, v50;
	v6 =	vadd.f32 v49, v6;
	_ =	sdelay $0x1  }
0x3ed: {  	v53 =	vbroadcast v9, $0xB;
	v4 =	vmul.f32 v48, v51;
	v5 =	vadd.f32 v5, v6  }
0x3ee: {  	v55 =	vld [tilespmem:$0x10410];
	v56 =	vbroadcast v9, $0xC  }
0x3ef: {  	v3 =	vmul.f32 v3, v53;
	v4 =	vadd.f32 v4, v5  }
0x3f0: {  	v59 =	vmul.f32 v52, v56;
	v2 =	vmax.f32 v2, $0.0e+00;
	v58 =	vld [tilespmem:$0x10420]  }
0x3f1: {  	v60 =	vbroadcast v9, $0xD;
	v54 =	vshrl.u32 v2, $0x10;
	v3 =	vadd.f32 v3, v4  }
0x3f2: {  	v63 =	vbroadcast v9, $0xE;
	v57 =	vand.u32 $0x1, v54;
	v61 =	vld [tilespmem:$0x10430]  }
0x3f3: {  	v62 =	vmul.f32 v55, v60;
	v2 =	vadd.s32 v57, v2;
	v3 =	vadd.f32 v59, v3  }
0x3f4: {  	v12 =	vld [tilespmem:$0x10440];
	v2 =	vadd.s32 $0x7FFF, v2  }
0x3f5: {  	v14 =	vbroadcast v9, $0xF;
	v13 =	vmul.f32 v58, v63;
	v3 =	vadd.f32 v62, v3  }
0x3f6: {  	v15 =	vld [tilespmem:$0x10450];
	v2 =	vand.u32 $0xFFFF0000, v2  }
0x3f7: {  	v17 =	vbroadcast v2, $0x0;
	v16 =	vmul.f32 v61, v14;
	v3 =	vadd.f32 v13, v3  }
0x3f8: {  	v18 =	vld [tilespmem:$0x10460]  }
0x3f9: {  	v19 =	vmul.f32 v12, v17;
	v20 =	vbroadcast v2, $0x1;
	v3 =	vadd.f32 v16, v3  }
0x3fa: {  	v21 =	vld [tilespmem:$0x10470]  }
0x3fb: {  	v23 =	vbroadcast v2, $0x2;
	v22 =	vmul.f32 v15, v20;
	v3 =	vadd.f32 v19, v3  }
0x3fc: {  	v24 =	vld [tilespmem:$0x10480]  }
0x3fd: {  	v26 =	vbroadcast v2, $0x3;
	v25 =	vmul.f32 v18, v23;
	v3 =	vadd.f32 v22, v3  }
0x3fe: {  	v27 =	vld [tilespmem:$0x10490]  }
0x3ff: {  	v29 =	vbroadcast v2, $0x4;
	v28 =	vmul.f32 v21, v26;
	v3 =	vadd.f32 v25, v3  }
0x400: {  	v30 =	vld [tilespmem:$0x104A0]  }
0x401: {  	v32 =	vbroadcast v2, $0x5;
	v31 =	vmul.f32 v24, v29;
	v3 =	vadd.f32 v28, v3  }
0x402: {  	v33 =	vld [tilespmem:$0x104B0]  }
0x403: {  	v35 =	vbroadcast v2, $0x6;
	v34 =	vmul.f32 v27, v32;
	v3 =	vadd.f32 v31, v3  }
0x404: {  	v36 =	vld [tilespmem:$0x104C0]  }
0x405: {  	v38 =	vbroadcast v2, $0x7;
	v37 =	vmul.f32 v30, v35;
	v3 =	vadd.f32 v34, v3  }
0x406: {  	v39 =	vld [tilespmem:$0x104D0]  }
0x407: {  	v41 =	vbroadcast v2, $0x8;
	v40 =	vmul.f32 v33, v38;
	v3 =	vadd.f32 v37, v3  }
0x408: {  	v42 =	vld [tilespmem:$0x104E0]  }
0x409: {  	v44 =	vbroadcast v2, $0x9;
	v43 =	vmul.f32 v36, v41;
	v3 =	vadd.f32 v40, v3  }
0x40a: {  	v45 =	vld [tilespmem:$0x104F0]  }
0x40b: {  	v47 =	vbroadcast v2, $0xA;
	v46 =	vmul.f32 v39, v44;
	v3 =	vadd.f32 v43, v3  }
0x40c: {  	v48 =	vld [tilespmem:$0x10500]  }
0x40d: {  	v50 =	vbroadcast v2, $0xB;
	v49 =	vmul.f32 v42, v47;
	v3 =	vadd.f32 v46, v3  }
0x40e: {  	v51 =	vld [tilespmem:$0x10510]  }
0x40f: {  	v53 =	vbroadcast v2, $0xC;
	v52 =	vmul.f32 v45, v50;
	v3 =	vadd.f32 v49, v3  }
0x410: {  	v54 =	vld [tilespmem:$0x10520]  }
0x411: {  	v56 =	vbroadcast v2, $0xD;
	v55 =	vmul.f32 v48, v53;
	v3 =	vadd.f32 v52, v3  }
0x412: {  	v57 =	vld [tilespmem:$0x10530]  }
0x413: {  	v58 =	vmul.f32 v51, v56;
	v59 =	vbroadcast v2, $0xE;
	v3 =	vadd.f32 v55, v3;
	_ =	sdelay $0x1  }
0x414: {  	v2 =	vbroadcast v2, $0xF;
	v60 =	vmul.f32 v54, v59;
	v3 =	vadd.f32 v58, v3;
	_ =	sdelay $0x1  }
0x415: {  	v2 =	vmul.f32 v57, v2;
	v3 =	vadd.f32 v60, v3;
	_ =	sdelay $0x1  }
0x416: {  	v2 =	vadd.f32 v2, v3;
	_ =	sdelay $0x1  }
0x417: {  	(xrf0) =	vmax.scan.msk.f32 $0xffff, v2;
	_ =	sdelay $0x5  }
0x418: {  	v3, _, _ =	vpop (xrf0)  }
0x419: {  	v3 =	vbroadcast v3, $0xF;
	_ =	sdelay $0x1  }
0x41a: {  	vm0 =	veq.f32 v2, v3  }
0x41b: {  	v61 =	vnsel vm0, $0x80000010, v1  }
0x41c: {  	(xrf0) =	vmin.scan.msk.u32 $0xffff, v61;
	_ =	sdelay $0x5  }
0x41d: {  	v4, _, _ =	vpop (xrf0)  }
0x41e: {  	(v2sf) =	vpush v4, $0xF;
	_ =	sdelay $0xe  }
0x41f: {  	s21 =	spop (v2sf)  }
0x420: {  	s21 =	sxor.u32 $0x80000000, s21  }
0x421: {  	v62 =	vmov s21  }
0x422: {  	vm14 =	veq.s32 v62, v0  }
0x423: {  	v2 =	vsel vm14, $0xFF61B1E6, v2  }
0x424: {  	(xrf0) =	vmax.scan.msk.f32 $0xffff, v2;
	_ =	sdelay $0x5  }
0x425: {  	v63, _, _ =	vpop (xrf0)  }
0x426: {  	v4 =	vbroadcast v63, $0xF;
	_ =	sdelay $0x1  }
0x427: {  	vm1 =	veq.f32 v2, v4;
	v2 =	vsub.f32 v4, v3  }
0x428: {  	v1 =	vnsel vm1, $0x80000010, v1  }
0x429: {  	(xrf0) =	vmin.scan.msk.u32 $0xffff, v1;
	v1 =	vmul.f32 $1.442695020e+00, v2;
	_ =	sdelay $0x1  }
0x42a: {  	(erf) = vpow2.f32 v1;
	_ =	sdelay $0x3  }
0x42b: {  	v1, _, _ =	vpop (xrf0)  }
0x42c: {  	(v2sf) =	vpush v1, $0xF;
	_ =	sdelay $0x3  }
0x42d: {  	v1 =	vpop (erf)  }
0x42e: {  	v2 =	vadd.f32 $1.000000000e+00, v1;
	_ =	sdelay $0x1  }
0x42f: {  	(erf) = vrcp.f32 v2;
	_ =	sdelay $0x7  }
0x430: {  	s31 =	spop (v2sf)  }
0x431: {  	s21 =	sxor.u32 $0x80000000, s31;
	v2 =	vpop (erf)  }
0x432: {  	v1 =	vmul.f32 v2, v1;
	v3 =	vmov s21  }
0x433: {  	vm15 =	veq.s32 v3, v0  }
0x434: {  	s20 =	sadd.s32 $0x1, s20;
	v1 =	vnsel vm15, $0x0, v1  }
0x435: {  	p0 =	sne.s32 s20, s13;
	v1 =	vsel vm14, v2, v1  }
.Ltmp8:
0x436: {  	[tilespmem:$0x10590] =	vst v1;
	(pc) =	sbr.rel @p0 .LBB2_1-.Ltmp8, $4  }
0x437: {  	[hbm4b:s12+s3] =	stream.linear.scatter [tilespmem:s19], [sflag:$0x3], $0x20, $0x38;
	[tilespmem:$0x10600] =	vst v63  }
0x438: {  	_ =	swait.ge [sflag:s15], $0x20  }
0x439: {  	[sflag:s15] =	ssyncset.done $0x0  }
0x43a: {  	[sflag:s15] =	ssyncadd.s32 $0xFFFFFFE0  }
0x43b: {  	_ =	sfence.sel $0x180000  }
0x43c: {  	[bflag:$0x0] =	sbarrier.arrive $0xFFFF  }
0x43d: {  	p0 =	sne.s32 s1, $0x0;
	_ =	strace $0x90000047  }
0x43e: {  	s0 =	sadd.s32 @!p0 $0x100000, s0;
	[bflag:$0x2] =	sbarrier.arrive $0xFFFF  }
0x43f: {  	[sflag:s0] =	ssyncadd.tile.s32 @!p0 $0x1;
	_ =	shalt  }
.Lfunc_end2:
_tile_overlayer_lowered:
.L_overlay_start_2:
0x440: {  	(tag) =	ssettag $0x2  }
0x441: {  	s0 =	rddreg [dreg:$0x0];
	s2 =	stileid.u32  }
0x442: {  	s1 =	rddreg [dreg:$0x1];
	p0 =	sne.s32 s2, $0x0  }
0x443: {  	s3 =	rddreg [dreg:$0x2];
	[bflag:$0x3] =	sbarrier.arrive $0xFFFF;
	s2 =	simm.s32 @!p0 $0x1C03  }
0x444: {  	[timem:s3], [sflag:s2] =	dma.local @!p0 [hbm:s0], s1  }
0x445: {  	s0 =	simm.s32 @!p0 $0x3  }
0x446: {  	_ =	swait.ge @!p0 [sflag:s0], s1  }
0x447: {  	s1 =	ssub.s32 @!p0 $0x0, s1;
	[sflag:s0] =	ssyncset.done @!p0 $0x0  }
0x448: {  	[sflag:s0] =	ssyncadd.s32 @!p0 s1  }
0x449: {  	[bflag:$0x3] =	sbarrier.arrive $0xFFFF  }
0x44a: {  	_ =	shalt  }

</sc_bundles>
